<compile_context>
chip_gen: v7x
topology: tpu7x:2x2x1
jax: 0.10.2.dev20260603
libtpu: 0.0.44.dev20260713+nightly
codegen_flags: <defaults>
</compile_context>

<pallas_src>
import functools

import jax
import jax.numpy as jnp
from jax import lax
from jax.experimental import pallas as pl
from jax.experimental.pallas import tpu as pltpu
from jax.experimental.pallas import tpu_sc as plsc

N_EXPERTS = 7
K_PROJ = 6
QUANT_TEMP = 0.3
BLK = 512

_NC = 2
_NS = 16
_LANES = 16
_NW = _NC * _NS


def _proj_kernel(x_ref, w_ref, a_ref, rt_ref, logit_ref, q_ref):
    x = x_ref[...]
    w = w_ref[...]
    anchors = a_ref[...]
    inv_2temp = 1.0 / (2.0 * jnp.maximum(rt_ref[0], 0.1))

    zt = jax.lax.dot_general(
        w, x, (((1,), (1,)), ((), ())),
        preferred_element_type=jnp.float32)

    mean = jnp.mean(zt, axis=0, keepdims=True)
    var = jnp.mean((zt - mean) * (zt - mean), axis=0, keepdims=True)
    scale = jnp.sqrt(var) + 1e-6
    qt = jnp.tanh(zt / (QUANT_TEMP * scale))
    q_ref[...] = qt

    dott = jax.lax.dot_general(
        anchors, qt, (((1,), (0,)), ((), ())),
        preferred_element_type=jnp.float32)

    logit_ref[...] = (dott - 6.0) * inv_2temp


def _route_body(chunk, logit_hbm, ew_hbm, loc, out):
    wid = lax.axis_index("s") * _NC + lax.axis_index("c")
    base = wid * chunk
    pltpu.sync_copy(logit_hbm.at[:, pl.ds(base, chunk)], loc)

    for j in range(chunk // _LANES):
        sl = pl.ds(j * _LANES, _LANES)
        l = [loc[e, sl] for e in range(N_EXPERTS)]

        m1 = l[0]
        i1 = jnp.zeros((_LANES,), jnp.int32)
        for e in range(1, N_EXPERTS):
            upd = l[e] > m1
            m1 = jnp.where(upd, l[e], m1)
            i1 = jnp.where(upd, e, i1)
        m2 = jnp.full((_LANES,), -1e30, jnp.float32)
        i2 = jnp.full((_LANES,), N_EXPERTS, jnp.int32)
        for e in range(N_EXPERTS):
            upd = jnp.logical_and(i1 != e, l[e] > m2)
            m2 = jnp.where(upd, l[e], m2)
            i2 = jnp.where(upd, e, i2)

        e2 = jnp.exp(m2 - m1)
        denom = 1.0 + e2
        w1 = 1.0 / denom
        w2 = e2 / denom
        for e in range(N_EXPERTS):
            out[e, sl] = (jnp.where(i1 == e, w1, 0.0)
                          + jnp.where(i2 == e, w2, 0.0))

    pltpu.sync_copy(out, ew_hbm.at[:, pl.ds(base, chunk)])


@jax.jit
def kernel(x, W_proj, routing_temp, expert_anchors):
    B, T, D = x.shape
    n_tok = B * T
    x2 = x.reshape(n_tok, D)
    rt = routing_temp.astype(jnp.float32).reshape(1)

    grid = (n_tok // BLK,)
    logit_t, qt = pl.pallas_call(
        _proj_kernel,
        grid=grid,
        in_specs=[
            pl.BlockSpec((BLK, D), lambda i: (i, 0)),
            pl.BlockSpec((K_PROJ, D), lambda i: (0, 0)),
            pl.BlockSpec((N_EXPERTS, K_PROJ), lambda i: (0, 0)),
            pl.BlockSpec(memory_space=pltpu.SMEM),
        ],
        out_specs=[
            pl.BlockSpec((N_EXPERTS, BLK), lambda i: (0, i)),
            pl.BlockSpec((K_PROJ, BLK), lambda i: (0, i)),
        ],
        out_shape=[
            jax.ShapeDtypeStruct((N_EXPERTS, n_tok), jnp.float32),
            jax.ShapeDtypeStruct((K_PROJ, n_tok), jnp.float32),
        ],
        compiler_params=pltpu.CompilerParams(
            dimension_semantics=("arbitrary",)),
    )(x2, W_proj, expert_anchors, rt)

    chunk = n_tok // _NW
    mesh = plsc.VectorSubcoreMesh(core_axis_name="c", subcore_axis_name="s")
    ewt = pl.kernel(
        functools.partial(_route_body, chunk),
        out_type=jax.ShapeDtypeStruct((N_EXPERTS, n_tok), x.dtype),
        mesh=mesh,
        scratch_types=[
            pltpu.VMEM((N_EXPERTS, chunk), jnp.float32),
            pltpu.VMEM((N_EXPERTS, chunk), jnp.float32),
        ],
    )(logit_t)

    return ewt.T.reshape(B, T, N_EXPERTS), qt.T.reshape(B, T, K_PROJ)

# --- scband reference (transcript-rebuilt; emitter-appended) ---
"""Pipeline reference for scband-q6-geometric-router-45500883534066 (READ-ONLY COPY).

The authoritative reference and input builder live on the scoring server;
editing this copy changes nothing except your own understanding.
"""

import jax, jax.numpy as jnp
import numpy as np

EXPERT_HEXAGRAM_ANCHORS = {'MATH': 63, 'CODE': 6, 'HUMAN': 0, 'SYSTEM': 18, 'RECON': 45, 'INFO': 27, 'SYNTH': 36}
EXPERT_NAMES = ['MATH', 'CODE', 'HUMAN', 'SYSTEM', 'RECON', 'INFO', 'SYNTH']
QUANT_TEMP = 0.3
TOP_K = 2
N_EXPERTS = 7
D_MODEL = 4096
B, T = 4, 2048

def _q6_idx_to_vertex(idx):
    bits = [(idx >> (5 - b)) & 1 for b in range(6)]
    return np.array([2.0 * b - 1.0 for b in bits], dtype=np.float32)

def setup_inputs(seed: int = 0):
    key = jax.random.key(seed)
    k1, k2 = jax.random.split(key)
    x = jax.random.normal(k1, (B, T, D_MODEL), dtype=jnp.float32)
    W_proj = jax.random.normal(k2, (6, D_MODEL), dtype=jnp.float32) * 0.02
    routing_temp = jnp.array(1.0, dtype=jnp.float32)
    anchors = jnp.asarray(np.stack([_q6_idx_to_vertex(EXPERT_HEXAGRAM_ANCHORS[n]) for n in EXPERT_NAMES]))
    return {"x": x, "W_proj": W_proj, "routing_temp": routing_temp, "expert_anchors": anchors}

def _quantize(z, temp=QUANT_TEMP):
    # FactoredYiJingQuantizer (not provided in source): soft sign quantization z -> (-1,+1)^6
    # with adaptive temperature scaled by per-token std.
    scale = jnp.std(z, axis=-1, keepdims=True) + 1e-6
    return jnp.tanh(z / (temp * scale))

def reference(x, W_proj, routing_temp, expert_anchors):
    z = jnp.einsum('btd,kd->btk', x, W_proj)
    q = _quantize(z)
    dot = jnp.einsum('btd,ed->bte', q, expert_anchors)
    hamming = (6.0 - dot) / 2.0
    logits = -hamming / jnp.clip(routing_temp, 0.1, None)
    top_k_logits, top_k_idx = jax.lax.top_k(logits, TOP_K)
    top_k_weights = jax.nn.softmax(top_k_logits, axis=-1)
    expert_weights = jnp.sum(jax.nn.one_hot(top_k_idx, N_EXPERTS, dtype=x.dtype) * top_k_weights[..., None], axis=-2)
    return (expert_weights, q)

if __name__ == "__main__":
    import jax
    _d = setup_inputs()
    print(jax.jit(kernel)(*tuple(_d.values())))

</pallas_src>

<mosaic_0001>
#map = affine_map<(d0, d1) -> (0, 0)>
module attributes {stable_mosaic.version = 14 : i64} {
  func.func @_route_body(%arg0: i32, %arg1: i32, %arg2: memref<7x8192xf32, #tpu.memory_space<hbm>>, %arg3: memref<7x8192xf32, #tpu.memory_space<hbm>>, %arg4: memref<7x256xf32, #tpu.memory_space<vmem>>, %arg5: memref<7x256xf32, #tpu.memory_space<vmem>>) attributes {dimension_semantics = [#tpu.dimension_semantics<core_parallel>, #tpu.dimension_semantics<subcore_parallel>], iteration_bounds = array<i64: 2, 16>, scalar_prefetch = 0 : i64, scratch_operands = 2 : i64, tpu.core_type = #tpu.core_type<sc_vector_subcore>, window_params = [{transform_indices = #map}, {transform_indices = #map}]} {
    %mul3A = arith.constant 2 : i32
    %mul3A_0 = arith.muli %arg1, %mul3A : i32
    %add3A = arith.addi %mul3A_0, %arg0 : i32
    %mul3A_1 = arith.constant 256 : i32
    %mul3A_2 = arith.muli %add3A, %mul3A_1 : i32
    "tpu.region"() ({
      %run_scoped3A = tpu.sem_alloc : memref<!tpu.dma_semaphore, #tpu.memory_space<semaphore_mem>>
      %dma_start3A = arith.constant 0 : i32
      %dma_start3A_4407 = tpu.memref_slice %arg2[%dma_start3A, %mul3A_2] : memref<7x8192xf32, #tpu.memory_space<hbm>> -> memref<7x256xf32, #tpu.memory_space<hbm>>
      %dma_start3A_4408 = arith.constant 0 : i32
      %dma_start3A_4409 = tpu.memref_slice %arg2[%dma_start3A_4408, %mul3A_2] : memref<7x8192xf32, #tpu.memory_space<hbm>> -> memref<7x256xf32, #tpu.memory_space<hbm>>
      tpu.enqueue_dma source(%dma_start3A_4409 : memref<7x256xf32, #tpu.memory_space<hbm>>) target(%arg4 : memref<7x256xf32, #tpu.memory_space<vmem>>) target_semaphore(%run_scoped3A : memref<!tpu.dma_semaphore, #tpu.memory_space<semaphore_mem>>)
      %dma_wait3A = arith.constant 0 : i32
      %dma_wait3A_4410 = tpu.memref_slice %arg2[%dma_wait3A, %mul3A_2] : memref<7x8192xf32, #tpu.memory_space<hbm>> -> memref<7x256xf32, #tpu.memory_space<hbm>>
      %dma_wait3A_4411 = arith.constant 0 : i32
      %dma_wait3A_4412 = tpu.memref_slice %arg2[%dma_wait3A_4411, %mul3A_2] : memref<7x8192xf32, #tpu.memory_space<hbm>> -> memref<7x256xf32, #tpu.memory_space<hbm>>
      tpu.wait_dma2 semaphore(%run_scoped3A : memref<!tpu.dma_semaphore, #tpu.memory_space<semaphore_mem>>) src(%dma_wait3A_4412 : memref<7x256xf32, #tpu.memory_space<hbm>>) dst(%arg4 : memref<7x256xf32, #tpu.memory_space<vmem>>)
      tpu.yield
    }) : () -> ()
    %get3A = arith.constant 0 : i32
    %get3A_3 = arith.index_cast %get3A : i32 to index
    %get3A_4 = arith.constant 0 : index
    %get3A_5 = tpu.vector_load %arg4[%get3A_3, %get3A_4] {strides = array<i32>} : memref<7x256xf32, #tpu.memory_space<vmem>>, vector<1x16xf32>,
    %get3A_6 = vector.shape_cast %get3A_5 : vector<1x16xf32> to vector<16xf32>
    %get3A_7 = arith.constant 1 : i32
    %get3A_8 = arith.index_cast %get3A_7 : i32 to index
    %get3A_9 = arith.constant 0 : index
    %get3A_10 = tpu.vector_load %arg4[%get3A_8, %get3A_9] {strides = array<i32>} : memref<7x256xf32, #tpu.memory_space<vmem>>, vector<1x16xf32>,
    %get3A_11 = vector.shape_cast %get3A_10 : vector<1x16xf32> to vector<16xf32>
    %get3A_12 = arith.constant 2 : i32
    %get3A_13 = arith.index_cast %get3A_12 : i32 to index
    %get3A_14 = arith.constant 0 : index
    %get3A_15 = tpu.vector_load %arg4[%get3A_13, %get3A_14] {strides = array<i32>} : memref<7x256xf32, #tpu.memory_space<vmem>>, vector<1x16xf32>,
    %get3A_16 = vector.shape_cast %get3A_15 : vector<1x16xf32> to vector<16xf32>
    %get3A_17 = arith.constant 3 : i32
    %get3A_18 = arith.index_cast %get3A_17 : i32 to index
    %get3A_19 = arith.constant 0 : index
    %get3A_20 = tpu.vector_load %arg4[%get3A_18, %get3A_19] {strides = array<i32>} : memref<7x256xf32, #tpu.memory_space<vmem>>, vector<1x16xf32>,
    %get3A_21 = vector.shape_cast %get3A_20 : vector<1x16xf32> to vector<16xf32>
    %get3A_22 = arith.constant 4 : i32
    %get3A_23 = arith.index_cast %get3A_22 : i32 to index
    %get3A_24 = arith.constant 0 : index
    %get3A_25 = tpu.vector_load %arg4[%get3A_23, %get3A_24] {strides = array<i32>} : memref<7x256xf32, #tpu.memory_space<vmem>>, vector<1x16xf32>,
    %get3A_26 = vector.shape_cast %get3A_25 : vector<1x16xf32> to vector<16xf32>
    %get3A_27 = arith.constant 5 : i32
    %get3A_28 = arith.index_cast %get3A_27 : i32 to index
    %get3A_29 = arith.constant 0 : index
    %get3A_30 = tpu.vector_load %arg4[%get3A_28, %get3A_29] {strides = array<i32>} : memref<7x256xf32, #tpu.memory_space<vmem>>, vector<1x16xf32>,
    %get3A_31 = vector.shape_cast %get3A_30 : vector<1x16xf32> to vector<16xf32>
    %get3A_32 = arith.constant 6 : i32
    %get3A_33 = arith.index_cast %get3A_32 : i32 to index
    %get3A_34 = arith.constant 0 : index
    %get3A_35 = tpu.vector_load %arg4[%get3A_33, %get3A_34] {strides = array<i32>} : memref<7x256xf32, #tpu.memory_space<vmem>>, vector<1x16xf32>,
    %get3A_36 = vector.shape_cast %get3A_35 : vector<1x16xf32> to vector<16xf32>
    %broadcast_in_dim3A = arith.constant 0 : i32
    %broadcast_in_dim3A_37 = vector.broadcast %broadcast_in_dim3A : i32 to vector<16xi32>
    %gt3A = arith.cmpf ogt, %get3A_11, %get3A_6 : vector<16xf32>
    %select_n3A = arith.select %gt3A, %get3A_11, %get3A_6 : vector<16xi1>, vector<16xf32>
    %jit3A = arith.constant 1 : i32
    %broadcast_in_dim3A_38 = vector.broadcast %jit3A : i32 to vector<16xi32>
    %select_n3A_39 = arith.select %gt3A, %broadcast_in_dim3A_38, %broadcast_in_dim3A_37 : vector<16xi1>, vector<16xi32>
    %gt3A_40 = arith.cmpf ogt, %get3A_16, %select_n3A : vector<16xf32>
    %select_n3A_41 = arith.select %gt3A_40, %get3A_16, %select_n3A : vector<16xi1>, vector<16xf32>
    %jit3A_42 = arith.constant 2 : i32
    %broadcast_in_dim3A_43 = vector.broadcast %jit3A_42 : i32 to vector<16xi32>
    %select_n3A_44 = arith.select %gt3A_40, %broadcast_in_dim3A_43, %select_n3A_39 : vector<16xi1>, vector<16xi32>
    %gt3A_45 = arith.cmpf ogt, %get3A_21, %select_n3A_41 : vector<16xf32>
    %select_n3A_46 = arith.select %gt3A_45, %get3A_21, %select_n3A_41 : vector<16xi1>, vector<16xf32>
    %jit3A_47 = arith.constant 3 : i32
    %broadcast_in_dim3A_48 = vector.broadcast %jit3A_47 : i32 to vector<16xi32>
    %select_n3A_49 = arith.select %gt3A_45, %broadcast_in_dim3A_48, %select_n3A_44 : vector<16xi1>, vector<16xi32>
    %gt3A_50 = arith.cmpf ogt, %get3A_26, %select_n3A_46 : vector<16xf32>
    %select_n3A_51 = arith.select %gt3A_50, %get3A_26, %select_n3A_46 : vector<16xi1>, vector<16xf32>
    %jit3A_52 = arith.constant 4 : i32
    %broadcast_in_dim3A_53 = vector.broadcast %jit3A_52 : i32 to vector<16xi32>
    %select_n3A_54 = arith.select %gt3A_50, %broadcast_in_dim3A_53, %select_n3A_49 : vector<16xi1>, vector<16xi32>
    %gt3A_55 = arith.cmpf ogt, %get3A_31, %select_n3A_51 : vector<16xf32>
    %select_n3A_56 = arith.select %gt3A_55, %get3A_31, %select_n3A_51 : vector<16xi1>, vector<16xf32>
    %jit3A_57 = arith.constant 5 : i32
    %broadcast_in_dim3A_58 = vector.broadcast %jit3A_57 : i32 to vector<16xi32>
    %select_n3A_59 = arith.select %gt3A_55, %broadcast_in_dim3A_58, %select_n3A_54 : vector<16xi1>, vector<16xi32>
    %gt3A_60 = arith.cmpf ogt, %get3A_36, %select_n3A_56 : vector<16xf32>
    %select_n3A_61 = arith.select %gt3A_60, %get3A_36, %select_n3A_56 : vector<16xi1>, vector<16xf32>
    %jit3A_62 = arith.constant 6 : i32
    %broadcast_in_dim3A_63 = vector.broadcast %jit3A_62 : i32 to vector<16xi32>
    %select_n3A_64 = arith.select %gt3A_60, %broadcast_in_dim3A_63, %select_n3A_59 : vector<16xi1>, vector<16xi32>
    %broadcast_in_dim3A_65 = arith.constant -1.000000e+30 : f32
    %broadcast_in_dim3A_66 = vector.broadcast %broadcast_in_dim3A_65 : f32 to vector<16xf32>
    %broadcast_in_dim3A_67 = arith.constant 7 : i32
    %broadcast_in_dim3A_68 = vector.broadcast %broadcast_in_dim3A_67 : i32 to vector<16xi32>
    %ne3A = arith.constant 0 : i32
    %ne3A_69 = vector.broadcast %ne3A : i32 to vector<16xi32>
    %ne3A_70 = arith.cmpi ne, %select_n3A_64, %ne3A_69 : vector<16xi32>
    %gt3A_71 = arith.cmpf ogt, %get3A_6, %broadcast_in_dim3A_66 : vector<16xf32>
    %and3A = arith.andi %ne3A_70, %gt3A_71 : vector<16xi1>
    %select_n3A_72 = arith.select %and3A, %get3A_6, %broadcast_in_dim3A_66 : vector<16xi1>, vector<16xf32>
    %jit3A_73 = arith.constant 0 : i32
    %broadcast_in_dim3A_74 = vector.broadcast %jit3A_73 : i32 to vector<16xi32>
    %select_n3A_75 = arith.select %and3A, %broadcast_in_dim3A_74, %broadcast_in_dim3A_68 : vector<16xi1>, vector<16xi32>
    %ne3A_76 = arith.constant 1 : i32
    %ne3A_77 = vector.broadcast %ne3A_76 : i32 to vector<16xi32>
    %ne3A_78 = arith.cmpi ne, %select_n3A_64, %ne3A_77 : vector<16xi32>
    %gt3A_79 = arith.cmpf ogt, %get3A_11, %select_n3A_72 : vector<16xf32>
    %and3A_80 = arith.andi %ne3A_78, %gt3A_79 : vector<16xi1>
    %select_n3A_81 = arith.select %and3A_80, %get3A_11, %select_n3A_72 : vector<16xi1>, vector<16xf32>
    %jit3A_82 = arith.constant 1 : i32
    %broadcast_in_dim3A_83 = vector.broadcast %jit3A_82 : i32 to vector<16xi32>
    %select_n3A_84 = arith.select %and3A_80, %broadcast_in_dim3A_83, %select_n3A_75 : vector<16xi1>, vector<16xi32>
    %ne3A_85 = arith.constant 2 : i32
    %ne3A_86 = vector.broadcast %ne3A_85 : i32 to vector<16xi32>
    %ne3A_87 = arith.cmpi ne, %select_n3A_64, %ne3A_86 : vector<16xi32>
    %gt3A_88 = arith.cmpf ogt, %get3A_16, %select_n3A_81 : vector<16xf32>
    %and3A_89 = arith.andi %ne3A_87, %gt3A_88 : vector<16xi1>
    %select_n3A_90 = arith.select %and3A_89, %get3A_16, %select_n3A_81 : vector<16xi1>, vector<16xf32>
    %jit3A_91 = arith.constant 2 : i32
    %broadcast_in_dim3A_92 = vector.broadcast %jit3A_91 : i32 to vector<16xi32>
    %select_n3A_93 = arith.select %and3A_89, %broadcast_in_dim3A_92, %select_n3A_84 : vector<16xi1>, vector<16xi32>
    %ne3A_94 = arith.constant 3 : i32
    %ne3A_95 = vector.broadcast %ne3A_94 : i32 to vector<16xi32>
    %ne3A_96 = arith.cmpi ne, %select_n3A_64, %ne3A_95 : vector<16xi32>
    %gt3A_97 = arith.cmpf ogt, %get3A_21, %select_n3A_90 : vector<16xf32>
    %and3A_98 = arith.andi %ne3A_96, %gt3A_97 : vector<16xi1>
    %select_n3A_99 = arith.select %and3A_98, %get3A_21, %select_n3A_90 : vector<16xi1>, vector<16xf32>
    %jit3A_100 = arith.constant 3 : i32
    %broadcast_in_dim3A_101 = vector.broadcast %jit3A_100 : i32 to vector<16xi32>
    %select_n3A_102 = arith.select %and3A_98, %broadcast_in_dim3A_101, %select_n3A_93 : vector<16xi1>, vector<16xi32>
    %ne3A_103 = arith.constant 4 : i32
    %ne3A_104 = vector.broadcast %ne3A_103 : i32 to vector<16xi32>
    %ne3A_105 = arith.cmpi ne, %select_n3A_64, %ne3A_104 : vector<16xi32>
    %gt3A_106 = arith.cmpf ogt, %get3A_26, %select_n3A_99 : vector<16xf32>
    %and3A_107 = arith.andi %ne3A_105, %gt3A_106 : vector<16xi1>
    %select_n3A_108 = arith.select %and3A_107, %get3A_26, %select_n3A_99 : vector<16xi1>, vector<16xf32>
    %jit3A_109 = arith.constant 4 : i32
    %broadcast_in_dim3A_110 = vector.broadcast %jit3A_109 : i32 to vector<16xi32>
    %select_n3A_111 = arith.select %and3A_107, %broadcast_in_dim3A_110, %select_n3A_102 : vector<16xi1>, vector<16xi32>
    %ne3A_112 = arith.constant 5 : i32
    %ne3A_113 = vector.broadcast %ne3A_112 : i32 to vector<16xi32>
    %ne3A_114 = arith.cmpi ne, %select_n3A_64, %ne3A_113 : vector<16xi32>
    %gt3A_115 = arith.cmpf ogt, %get3A_31, %select_n3A_108 : vector<16xf32>
    %and3A_116 = arith.andi %ne3A_114, %gt3A_115 : vector<16xi1>
    %select_n3A_117 = arith.select %and3A_116, %get3A_31, %select_n3A_108 : vector<16xi1>, vector<16xf32>
    %jit3A_118 = arith.constant 5 : i32
    %broadcast_in_dim3A_119 = vector.broadcast %jit3A_118 : i32 to vector<16xi32>
    %select_n3A_120 = arith.select %and3A_116, %broadcast_in_dim3A_119, %select_n3A_111 : vector<16xi1>, vector<16xi32>
    %ne3A_121 = arith.constant 6 : i32
    %ne3A_122 = vector.broadcast %ne3A_121 : i32 to vector<16xi32>
    %ne3A_123 = arith.cmpi ne, %select_n3A_64, %ne3A_122 : vector<16xi32>
    %gt3A_124 = arith.cmpf ogt, %get3A_36, %select_n3A_117 : vector<16xf32>
    %and3A_125 = arith.andi %ne3A_123, %gt3A_124 : vector<16xi1>
    %select_n3A_126 = arith.select %and3A_125, %get3A_36, %select_n3A_117 : vector<16xi1>, vector<16xf32>
    %jit3A_127 = arith.constant 6 : i32
    %broadcast_in_dim3A_128 = vector.broadcast %jit3A_127 : i32 to vector<16xi32>
    %select_n3A_129 = arith.select %and3A_125, %broadcast_in_dim3A_128, %select_n3A_120 : vector<16xi1>, vector<16xi32>
    %sub3A = arith.subf %select_n3A_126, %select_n3A_61 : vector<16xf32>
    %exp3A = math.exp %sub3A : vector<16xf32>
    %add3A_130 = arith.constant 1.000000e+00 : f32
    %add3A_131 = vector.broadcast %add3A_130 : f32 to vector<16xf32>
    %add3A_132 = arith.addf %add3A_131, %exp3A : vector<16xf32>
    %div3A = arith.constant 1.000000e+00 : f32
    %div3A_133 = vector.broadcast %div3A : f32 to vector<16xf32>
    %div3A_134 = arith.divf %div3A_133, %add3A_132 : vector<16xf32>
    %div3A_135 = arith.divf %exp3A, %add3A_132 : vector<16xf32>
    %eq3A = arith.constant 0 : i32
    %eq3A_136 = vector.broadcast %eq3A : i32 to vector<16xi32>
    %eq3A_137 = arith.cmpi eq, %select_n3A_64, %eq3A_136 : vector<16xi32>
    %jit3A_138 = arith.constant 0.000000e+00 : f32
    %broadcast_in_dim3A_139 = vector.broadcast %jit3A_138 : f32 to vector<16xf32>
    %select_n3A_140 = arith.select %eq3A_137, %div3A_134, %broadcast_in_dim3A_139 : vector<16xi1>, vector<16xf32>
    %eq3A_141 = arith.constant 0 : i32
    %eq3A_142 = vector.broadcast %eq3A_141 : i32 to vector<16xi32>
    %eq3A_143 = arith.cmpi eq, %select_n3A_129, %eq3A_142 : vector<16xi32>
    %jit3A_144 = arith.constant 0.000000e+00 : f32
    %broadcast_in_dim3A_145 = vector.broadcast %jit3A_144 : f32 to vector<16xf32>
    %select_n3A_146 = arith.select %eq3A_143, %div3A_135, %broadcast_in_dim3A_145 : vector<16xi1>, vector<16xf32>
    %add3A_147 = arith.addf %select_n3A_140, %select_n3A_146 : vector<16xf32>
    %swap3A = arith.constant 0 : i32
    %swap3A_148 = arith.index_cast %swap3A : i32 to index
    %swap3A_149 = arith.constant 0 : index
    %swap3A_150 = tpu.vector_load %arg5[%swap3A_148, %swap3A_149] {strides = array<i32>} : memref<7x256xf32, #tpu.memory_space<vmem>>, vector<1x16xf32>,
    %swap3A_151 = vector.shape_cast %swap3A_150 : vector<1x16xf32> to vector<16xf32>
    %swap3A_152 = vector.shape_cast %add3A_147 : vector<16xf32> to vector<1x16xf32>
    tpu.vector_store %arg5[%swap3A_148, %swap3A_149], %swap3A_152 {strides = array<i32>} : memref<7x256xf32, #tpu.memory_space<vmem>>, vector<1x16xf32>,
    %eq3A_153 = arith.constant 1 : i32
    %eq3A_154 = vector.broadcast %eq3A_153 : i32 to vector<16xi32>
    %eq3A_155 = arith.cmpi eq, %select_n3A_64, %eq3A_154 : vector<16xi32>
    %jit3A_156 = arith.constant 0.000000e+00 : f32
    %broadcast_in_dim3A_157 = vector.broadcast %jit3A_156 : f32 to vector<16xf32>
    %select_n3A_158 = arith.select %eq3A_155, %div3A_134, %broadcast_in_dim3A_157 : vector<16xi1>, vector<16xf32>
    %eq3A_159 = arith.constant 1 : i32
    %eq3A_160 = vector.broadcast %eq3A_159 : i32 to vector<16xi32>
    %eq3A_161 = arith.cmpi eq, %select_n3A_129, %eq3A_160 : vector<16xi32>
    %jit3A_162 = arith.constant 0.000000e+00 : f32
    %broadcast_in_dim3A_163 = vector.broadcast %jit3A_162 : f32 to vector<16xf32>
    %select_n3A_164 = arith.select %eq3A_161, %div3A_135, %broadcast_in_dim3A_163 : vector<16xi1>, vector<16xf32>
    %add3A_165 = arith.addf %select_n3A_158, %select_n3A_164 : vector<16xf32>
    %swap3A_166 = arith.constant 1 : i32
    %swap3A_167 = arith.index_cast %swap3A_166 : i32 to index
    %swap3A_168 = arith.constant 0 : index
    %swap3A_169 = tpu.vector_load %arg5[%swap3A_167, %swap3A_168] {strides = array<i32>} : memref<7x256xf32, #tpu.memory_space<vmem>>, vector<1x16xf32>,
    %swap3A_170 = vector.shape_cast %swap3A_169 : vector<1x16xf32> to vector<16xf32>
    %swap3A_171 = vector.shape_cast %add3A_165 : vector<16xf32> to vector<1x16xf32>
    tpu.vector_store %arg5[%swap3A_167, %swap3A_168], %swap3A_171 {strides = array<i32>} : memref<7x256xf32, #tpu.memory_space<vmem>>, vector<1x16xf32>,
    %eq3A_172 = arith.constant 2 : i32
    %eq3A_173 = vector.broadcast %eq3A_172 : i32 to vector<16xi32>
    %eq3A_174 = arith.cmpi eq, %select_n3A_64, %eq3A_173 : vector<16xi32>
    %jit3A_175 = arith.constant 0.000000e+00 : f32
    %broadcast_in_dim3A_176 = vector.broadcast %jit3A_175 : f32 to vector<16xf32>
    %select_n3A_177 = arith.select %eq3A_174, %div3A_134, %broadcast_in_dim3A_176 : vector<16xi1>, vector<16xf32>
    %eq3A_178 = arith.constant 2 : i32
    %eq3A_179 = vector.broadcast %eq3A_178 : i32 to vector<16xi32>
    %eq3A_180 = arith.cmpi eq, %select_n3A_129, %eq3A_179 : vector<16xi32>
    %jit3A_181 = arith.constant 0.000000e+00 : f32
    %broadcast_in_dim3A_182 = vector.broadcast %jit3A_181 : f32 to vector<16xf32>
    %select_n3A_183 = arith.select %eq3A_180, %div3A_135, %broadcast_in_dim3A_182 : vector<16xi1>, vector<16xf32>
    %add3A_184 = arith.addf %select_n3A_177, %select_n3A_183 : vector<16xf32>
    %swap3A_185 = arith.constant 2 : i32
    %swap3A_186 = arith.index_cast %swap3A_185 : i32 to index
    %swap3A_187 = arith.constant 0 : index
    %swap3A_188 = tpu.vector_load %arg5[%swap3A_186, %swap3A_187] {strides = array<i32>} : memref<7x256xf32, #tpu.memory_space<vmem>>, vector<1x16xf32>,
    %swap3A_189 = vector.shape_cast %swap3A_188 : vector<1x16xf32> to vector<16xf32>
    %swap3A_190 = vector.shape_cast %add3A_184 : vector<16xf32> to vector<1x16xf32>
    tpu.vector_store %arg5[%swap3A_186, %swap3A_187], %swap3A_190 {strides = array<i32>} : memref<7x256xf32, #tpu.memory_space<vmem>>, vector<1x16xf32>,
    %eq3A_191 = arith.constant 3 : i32
    %eq3A_192 = vector.broadcast %eq3A_191 : i32 to vector<16xi32>
    %eq3A_193 = arith.cmpi eq, %select_n3A_64, %eq3A_192 : vector<16xi32>
    %jit3A_194 = arith.constant 0.000000e+00 : f32
    %broadcast_in_dim3A_195 = vector.broadcast %jit3A_194 : f32 to vector<16xf32>
    %select_n3A_196 = arith.select %eq3A_193, %div3A_134, %broadcast_in_dim3A_195 : vector<16xi1>, vector<16xf32>
    %eq3A_197 = arith.constant 3 : i32
    %eq3A_198 = vector.broadcast %eq3A_197 : i32 to vector<16xi32>
    %eq3A_199 = arith.cmpi eq, %select_n3A_129, %eq3A_198 : vector<16xi32>
    %jit3A_200 = arith.constant 0.000000e+00 : f32
    %broadcast_in_dim3A_201 = vector.broadcast %jit3A_200 : f32 to vector<16xf32>
    %select_n3A_202 = arith.select %eq3A_199, %div3A_135, %broadcast_in_dim3A_201 : vector<16xi1>, vector<16xf32>
    %add3A_203 = arith.addf %select_n3A_196, %select_n3A_202 : vector<16xf32>
    %swap3A_204 = arith.constant 3 : i32
    %swap3A_205 = arith.index_cast %swap3A_204 : i32 to index
    %swap3A_206 = arith.constant 0 : index
    %swap3A_207 = tpu.vector_load %arg5[%swap3A_205, %swap3A_206] {strides = array<i32>} : memref<7x256xf32, #tpu.memory_space<vmem>>, vector<1x16xf32>,
    %swap3A_208 = vector.shape_cast %swap3A_207 : vector<1x16xf32> to vector<16xf32>
    %swap3A_209 = vector.shape_cast %add3A_203 : vector<16xf32> to vector<1x16xf32>
    tpu.vector_store %arg5[%swap3A_205, %swap3A_206], %swap3A_209 {strides = array<i32>} : memref<7x256xf32, #tpu.memory_space<vmem>>, vector<1x16xf32>,
    %eq3A_210 = arith.constant 4 : i32
    %eq3A_211 = vector.broadcast %eq3A_210 : i32 to vector<16xi32>
    %eq3A_212 = arith.cmpi eq, %select_n3A_64, %eq3A_211 : vector<16xi32>
    %jit3A_213 = arith.constant 0.000000e+00 : f32
    %broadcast_in_dim3A_214 = vector.broadcast %jit3A_213 : f32 to vector<16xf32>
    %select_n3A_215 = arith.select %eq3A_212, %div3A_134, %broadcast_in_dim3A_214 : vector<16xi1>, vector<16xf32>
    %eq3A_216 = arith.constant 4 : i32
    %eq3A_217 = vector.broadcast %eq3A_216 : i32 to vector<16xi32>
    %eq3A_218 = arith.cmpi eq, %select_n3A_129, %eq3A_217 : vector<16xi32>
    %jit3A_219 = arith.constant 0.000000e+00 : f32
    %broadcast_in_dim3A_220 = vector.broadcast %jit3A_219 : f32 to vector<16xf32>
    %select_n3A_221 = arith.select %eq3A_218, %div3A_135, %broadcast_in_dim3A_220 : vector<16xi1>, vector<16xf32>
    %add3A_222 = arith.addf %select_n3A_215, %select_n3A_221 : vector<16xf32>
    %swap3A_223 = arith.constant 4 : i32
    %swap3A_224 = arith.index_cast %swap3A_223 : i32 to index
    %swap3A_225 = arith.constant 0 : index
    %swap3A_226 = tpu.vector_load %arg5[%swap3A_224, %swap3A_225] {strides = array<i32>} : memref<7x256xf32, #tpu.memory_space<vmem>>, vector<1x16xf32>,
    %swap3A_227 = vector.shape_cast %swap3A_226 : vector<1x16xf32> to vector<16xf32>
    %swap3A_228 = vector.shape_cast %add3A_222 : vector<16xf32> to vector<1x16xf32>
    tpu.vector_store %arg5[%swap3A_224, %swap3A_225], %swap3A_228 {strides = array<i32>} : memref<7x256xf32, #tpu.memory_space<vmem>>, vector<1x16xf32>,
    %eq3A_229 = arith.constant 5 : i32
    %eq3A_230 = vector.broadcast %eq3A_229 : i32 to vector<16xi32>
    %eq3A_231 = arith.cmpi eq, %select_n3A_64, %eq3A_230 : vector<16xi32>
    %jit3A_232 = arith.constant 0.000000e+00 : f32
    %broadcast_in_dim3A_233 = vector.broadcast %jit3A_232 : f32 to vector<16xf32>
    %select_n3A_234 = arith.select %eq3A_231, %div3A_134, %broadcast_in_dim3A_233 : vector<16xi1>, vector<16xf32>
    %eq3A_235 = arith.constant 5 : i32
    %eq3A_236 = vector.broadcast %eq3A_235 : i32 to vector<16xi32>
    %eq3A_237 = arith.cmpi eq, %select_n3A_129, %eq3A_236 : vector<16xi32>
    %jit3A_238 = arith.constant 0.000000e+00 : f32
    %broadcast_in_dim3A_239 = vector.broadcast %jit3A_238 : f32 to vector<16xf32>
    %select_n3A_240 = arith.select %eq3A_237, %div3A_135, %broadcast_in_dim3A_239 : vector<16xi1>, vector<16xf32>
    %add3A_241 = arith.addf %select_n3A_234, %select_n3A_240 : vector<16xf32>
    %swap3A_242 = arith.constant 5 : i32
    %swap3A_243 = arith.index_cast %swap3A_242 : i32 to index
    %swap3A_244 = arith.constant 0 : index
    %swap3A_245 = tpu.vector_load %arg5[%swap3A_243, %swap3A_244] {strides = array<i32>} : memref<7x256xf32, #tpu.memory_space<vmem>>, vector<1x16xf32>,
    %swap3A_246 = vector.shape_cast %swap3A_245 : vector<1x16xf32> to vector<16xf32>
    %swap3A_247 = vector.shape_cast %add3A_241 : vector<16xf32> to vector<1x16xf32>
    tpu.vector_store %arg5[%swap3A_243, %swap3A_244], %swap3A_247 {strides = array<i32>} : memref<7x256xf32, #tpu.memory_space<vmem>>, vector<1x16xf32>,
    %eq3A_248 = arith.constant 6 : i32
    %eq3A_249 = vector.broadcast %eq3A_248 : i32 to vector<16xi32>
    %eq3A_250 = arith.cmpi eq, %select_n3A_64, %eq3A_249 : vector<16xi32>
    %jit3A_251 = arith.constant 0.000000e+00 : f32
    %broadcast_in_dim3A_252 = vector.broadcast %jit3A_251 : f32 to vector<16xf32>
    %select_n3A_253 = arith.select %eq3A_250, %div3A_134, %broadcast_in_dim3A_252 : vector<16xi1>, vector<16xf32>
    %eq3A_254 = arith.constant 6 : i32
    %eq3A_255 = vector.broadcast %eq3A_254 : i32 to vector<16xi32>
    %eq3A_256 = arith.cmpi eq, %select_n3A_129, %eq3A_255 : vector<16xi32>
    %jit3A_257 = arith.constant 0.000000e+00 : f32
    %broadcast_in_dim3A_258 = vector.broadcast %jit3A_257 : f32 to vector<16xf32>
    %select_n3A_259 = arith.select %eq3A_256, %div3A_135, %broadcast_in_dim3A_258 : vector<16xi1>, vector<16xf32>
    %add3A_260 = arith.addf %select_n3A_253, %select_n3A_259 : vector<16xf32>
    %swap3A_261 = arith.constant 6 : i32
    %swap3A_262 = arith.index_cast %swap3A_261 : i32 to index
    %swap3A_263 = arith.constant 0 : index
    %swap3A_264 = tpu.vector_load %arg5[%swap3A_262, %swap3A_263] {strides = array<i32>} : memref<7x256xf32, #tpu.memory_space<vmem>>, vector<1x16xf32>,
    %swap3A_265 = vector.shape_cast %swap3A_264 : vector<1x16xf32> to vector<16xf32>
    %swap3A_266 = vector.shape_cast %add3A_260 : vector<16xf32> to vector<1x16xf32>
    tpu.vector_store %arg5[%swap3A_262, %swap3A_263], %swap3A_266 {strides = array<i32>} : memref<7x256xf32, #tpu.memory_space<vmem>>, vector<1x16xf32>,
    %get3A_267 = arith.constant 0 : i32
    %get3A_268 = arith.index_cast %get3A_267 : i32 to index
    %get3A_269 = arith.constant 16 : index
    %get3A_270 = tpu.vector_load %arg4[%get3A_268, %get3A_269] {strides = array<i32>} : memref<7x256xf32, #tpu.memory_space<vmem>>, vector<1x16xf32>,
    %get3A_271 = vector.shape_cast %get3A_270 : vector<1x16xf32> to vector<16xf32>
    %get3A_272 = arith.constant 1 : i32
    %get3A_273 = arith.index_cast %get3A_272 : i32 to index
    %get3A_274 = arith.constant 16 : index
    %get3A_275 = tpu.vector_load %arg4[%get3A_273, %get3A_274] {strides = array<i32>} : memref<7x256xf32, #tpu.memory_space<vmem>>, vector<1x16xf32>,
    %get3A_276 = vector.shape_cast %get3A_275 : vector<1x16xf32> to vector<16xf32>
    %get3A_277 = arith.constant 2 : i32
    %get3A_278 = arith.index_cast %get3A_277 : i32 to index
    %get3A_279 = arith.constant 16 : index
    %get3A_280 = tpu.vector_load %arg4[%get3A_278, %get3A_279] {strides = array<i32>} : memref<7x256xf32, #tpu.memory_space<vmem>>, vector<1x16xf32>,
    %get3A_281 = vector.shape_cast %get3A_280 : vector<1x16xf32> to vector<16xf32>
    %get3A_282 = arith.constant 3 : i32
    %get3A_283 = arith.index_cast %get3A_282 : i32 to index
    %get3A_284 = arith.constant 16 : index
    %get3A_285 = tpu.vector_load %arg4[%get3A_283, %get3A_284] {strides = array<i32>} : memref<7x256xf32, #tpu.memory_space<vmem>>, vector<1x16xf32>,
    %get3A_286 = vector.shape_cast %get3A_285 : vector<1x16xf32> to vector<16xf32>
    %get3A_287 = arith.constant 4 : i32
    %get3A_288 = arith.index_cast %get3A_287 : i32 to index
    %get3A_289 = arith.constant 16 : index
    %get3A_290 = tpu.vector_load %arg4[%get3A_288, %get3A_289] {strides = array<i32>} : memref<7x256xf32, #tpu.memory_space<vmem>>, vector<1x16xf32>,
    %get3A_291 = vector.shape_cast %get3A_290 : vector<1x16xf32> to vector<16xf32>
    %get3A_292 = arith.constant 5 : i32
    %get3A_293 = arith.index_cast %get3A_292 : i32 to index
    %get3A_294 = arith.constant 16 : index
    %get3A_295 = tpu.vector_load %arg4[%get3A_293, %get3A_294] {strides = array<i32>} : memref<7x256xf32, #tpu.memory_space<vmem>>, vector<1x16xf32>,
    %get3A_296 = vector.shape_cast %get3A_295 : vector<1x16xf32> to vector<16xf32>
    %get3A_297 = arith.constant 6 : i32
    %get3A_298 = arith.index_cast %get3A_297 : i32 to index
    %get3A_299 = arith.constant 16 : index
    %get3A_300 = tpu.vector_load %arg4[%get3A_298, %get3A_299] {strides = array<i32>} : memref<7x256xf32, #tpu.memory_space<vmem>>, vector<1x16xf32>,
    %get3A_301 = vector.shape_cast %get3A_300 : vector<1x16xf32> to vector<16xf32>
    %broadcast_in_dim3A_302 = arith.constant 0 : i32
    %broadcast_in_dim3A_303 = vector.broadcast %broadcast_in_dim3A_302 : i32 to vector<16xi32>
    %gt3A_304 = arith.cmpf ogt, %get3A_276, %get3A_271 : vector<16xf32>
    %select_n3A_305 = arith.select %gt3A_304, %get3A_276, %get3A_271 : vector<16xi1>, vector<16xf32>
    %jit3A_306 = arith.constant 1 : i32
    %broadcast_in_dim3A_307 = vector.broadcast %jit3A_306 : i32 to vector<16xi32>
    %select_n3A_308 = arith.select %gt3A_304, %broadcast_in_dim3A_307, %broadcast_in_dim3A_303 : vector<16xi1>, vector<16xi32>
    %gt3A_309 = arith.cmpf ogt, %get3A_281, %select_n3A_305 : vector<16xf32>
    %select_n3A_310 = arith.select %gt3A_309, %get3A_281, %select_n3A_305 : vector<16xi1>, vector<16xf32>
    %jit3A_311 = arith.constant 2 : i32
    %broadcast_in_dim3A_312 = vector.broadcast %jit3A_311 : i32 to vector<16xi32>
    %select_n3A_313 = arith.select %gt3A_309, %broadcast_in_dim3A_312, %select_n3A_308 : vector<16xi1>, vector<16xi32>
    %gt3A_314 = arith.cmpf ogt, %get3A_286, %select_n3A_310 : vector<16xf32>
    %select_n3A_315 = arith.select %gt3A_314, %get3A_286, %select_n3A_310 : vector<16xi1>, vector<16xf32>
    %jit3A_316 = arith.constant 3 : i32
    %broadcast_in_dim3A_317 = vector.broadcast %jit3A_316 : i32 to vector<16xi32>
    %select_n3A_318 = arith.select %gt3A_314, %broadcast_in_dim3A_317, %select_n3A_313 : vector<16xi1>, vector<16xi32>
    %gt3A_319 = arith.cmpf ogt, %get3A_291, %select_n3A_315 : vector<16xf32>
    %select_n3A_320 = arith.select %gt3A_319, %get3A_291, %select_n3A_315 : vector<16xi1>, vector<16xf32>
    %jit3A_321 = arith.constant 4 : i32
    %broadcast_in_dim3A_322 = vector.broadcast %jit3A_321 : i32 to vector<16xi32>
    %select_n3A_323 = arith.select %gt3A_319, %broadcast_in_dim3A_322, %select_n3A_318 : vector<16xi1>, vector<16xi32>
    %gt3A_324 = arith.cmpf ogt, %get3A_296, %select_n3A_320 : vector<16xf32>
    %select_n3A_325 = arith.select %gt3A_324, %get3A_296, %select_n3A_320 : vector<16xi1>, vector<16xf32>
    %jit3A_326 = arith.constant 5 : i32
    %broadcast_in_dim3A_327 = vector.broadcast %jit3A_326 : i32 to vector<16xi32>
    %select_n3A_328 = arith.select %gt3A_324, %broadcast_in_dim3A_327, %select_n3A_323 : vector<16xi1>, vector<16xi32>
    %gt3A_329 = arith.cmpf ogt, %get3A_301, %select_n3A_325 : vector<16xf32>
    %select_n3A_330 = arith.select %gt3A_329, %get3A_301, %select_n3A_325 : vector<16xi1>, vector<16xf32>
    %jit3A_331 = arith.constant 6 : i32
    %broadcast_in_dim3A_332 = vector.broadcast %jit3A_331 : i32 to vector<16xi32>
    %select_n3A_333 = arith.select %gt3A_329, %broadcast_in_dim3A_332, %select_n3A_328 : vector<16xi1>, vector<16xi32>
    %broadcast_in_dim3A_334 = arith.constant -1.000000e+30 : f32
    %broadcast_in_dim3A_335 = vector.broadcast %broadcast_in_dim3A_334 : f32 to vector<16xf32>
    %broadcast_in_dim3A_336 = arith.constant 7 : i32
    %broadcast_in_dim3A_337 = vector.broadcast %broadcast_in_dim3A_336 : i32 to vector<16xi32>
    %ne3A_338 = arith.constant 0 : i32
    %ne3A_339 = vector.broadcast %ne3A_338 : i32 to vector<16xi32>
    %ne3A_340 = arith.cmpi ne, %select_n3A_333, %ne3A_339 : vector<16xi32>
    %gt3A_341 = arith.cmpf ogt, %get3A_271, %broadcast_in_dim3A_335 : vector<16xf32>
    %and3A_342 = arith.andi %ne3A_340, %gt3A_341 : vector<16xi1>
    %select_n3A_343 = arith.select %and3A_342, %get3A_271, %broadcast_in_dim3A_335 : vector<16xi1>, vector<16xf32>
    %jit3A_344 = arith.constant 0 : i32
    %broadcast_in_dim3A_345 = vector.broadcast %jit3A_344 : i32 to vector<16xi32>
    %select_n3A_346 = arith.select %and3A_342, %broadcast_in_dim3A_345, %broadcast_in_dim3A_337 : vector<16xi1>, vector<16xi32>
    %ne3A_347 = arith.constant 1 : i32
    %ne3A_348 = vector.broadcast %ne3A_347 : i32 to vector<16xi32>
    %ne3A_349 = arith.cmpi ne, %select_n3A_333, %ne3A_348 : vector<16xi32>
    %gt3A_350 = arith.cmpf ogt, %get3A_276, %select_n3A_343 : vector<16xf32>
    %and3A_351 = arith.andi %ne3A_349, %gt3A_350 : vector<16xi1>
    %select_n3A_352 = arith.select %and3A_351, %get3A_276, %select_n3A_343 : vector<16xi1>, vector<16xf32>
    %jit3A_353 = arith.constant 1 : i32
    %broadcast_in_dim3A_354 = vector.broadcast %jit3A_353 : i32 to vector<16xi32>
    %select_n3A_355 = arith.select %and3A_351, %broadcast_in_dim3A_354, %select_n3A_346 : vector<16xi1>, vector<16xi32>
    %ne3A_356 = arith.constant 2 : i32
    %ne3A_357 = vector.broadcast %ne3A_356 : i32 to vector<16xi32>
    %ne3A_358 = arith.cmpi ne, %select_n3A_333, %ne3A_357 : vector<16xi32>
    %gt3A_359 = arith.cmpf ogt, %get3A_281, %select_n3A_352 : vector<16xf32>
    %and3A_360 = arith.andi %ne3A_358, %gt3A_359 : vector<16xi1>
    %select_n3A_361 = arith.select %and3A_360, %get3A_281, %select_n3A_352 : vector<16xi1>, vector<16xf32>
    %jit3A_362 = arith.constant 2 : i32
    %broadcast_in_dim3A_363 = vector.broadcast %jit3A_362 : i32 to vector<16xi32>
    %select_n3A_364 = arith.select %and3A_360, %broadcast_in_dim3A_363, %select_n3A_355 : vector<16xi1>, vector<16xi32>
    %ne3A_365 = arith.constant 3 : i32
    %ne3A_366 = vector.broadcast %ne3A_365 : i32 to vector<16xi32>
    %ne3A_367 = arith.cmpi ne, %select_n3A_333, %ne3A_366 : vector<16xi32>
    %gt3A_368 = arith.cmpf ogt, %get3A_286, %select_n3A_361 : vector<16xf32>
    %and3A_369 = arith.andi %ne3A_367, %gt3A_368 : vector<16xi1>
    %select_n3A_370 = arith.select %and3A_369, %get3A_286, %select_n3A_361 : vector<16xi1>, vector<16xf32>
    %jit3A_371 = arith.constant 3 : i32
    %broadcast_in_dim3A_372 = vector.broadcast %jit3A_371 : i32 to vector<16xi32>
    %select_n3A_373 = arith.select %and3A_369, %broadcast_in_dim3A_372, %select_n3A_364 : vector<16xi1>, vector<16xi32>
    %ne3A_374 = arith.constant 4 : i32
    %ne3A_375 = vector.broadcast %ne3A_374 : i32 to vector<16xi32>
    %ne3A_376 = arith.cmpi ne, %select_n3A_333, %ne3A_375 : vector<16xi32>
    %gt3A_377 = arith.cmpf ogt, %get3A_291, %select_n3A_370 : vector<16xf32>
    %and3A_378 = arith.andi %ne3A_376, %gt3A_377 : vector<16xi1>
    %select_n3A_379 = arith.select %and3A_378, %get3A_291, %select_n3A_370 : vector<16xi1>, vector<16xf32>
    %jit3A_380 = arith.constant 4 : i32
    %broadcast_in_dim3A_381 = vector.broadcast %jit3A_380 : i32 to vector<16xi32>
    %select_n3A_382 = arith.select %and3A_378, %broadcast_in_dim3A_381, %select_n3A_373 : vector<16xi1>, vector<16xi32>
    %ne3A_383 = arith.constant 5 : i32
    %ne3A_384 = vector.broadcast %ne3A_383 : i32 to vector<16xi32>
    %ne3A_385 = arith.cmpi ne, %select_n3A_333, %ne3A_384 : vector<16xi32>
    %gt3A_386 = arith.cmpf ogt, %get3A_296, %select_n3A_379 : vector<16xf32>
    %and3A_387 = arith.andi %ne3A_385, %gt3A_386 : vector<16xi1>
    %select_n3A_388 = arith.select %and3A_387, %get3A_296, %select_n3A_379 : vector<16xi1>, vector<16xf32>
    %jit3A_389 = arith.constant 5 : i32
    %broadcast_in_dim3A_390 = vector.broadcast %jit3A_389 : i32 to vector<16xi32>
    %select_n3A_391 = arith.select %and3A_387, %broadcast_in_dim3A_390, %select_n3A_382 : vector<16xi1>, vector<16xi32>
    %ne3A_392 = arith.constant 6 : i32
    %ne3A_393 = vector.broadcast %ne3A_392 : i32 to vector<16xi32>
    %ne3A_394 = arith.cmpi ne, %select_n3A_333, %ne3A_393 : vector<16xi32>
    %gt3A_395 = arith.cmpf ogt, %get3A_301, %select_n3A_388 : vector<16xf32>
    %and3A_396 = arith.andi %ne3A_394, %gt3A_395 : vector<16xi1>
    %select_n3A_397 = arith.select %and3A_396, %get3A_301, %select_n3A_388 : vector<16xi1>, vector<16xf32>
    %jit3A_398 = arith.constant 6 : i32
    %broadcast_in_dim3A_399 = vector.broadcast %jit3A_398 : i32 to vector<16xi32>
    %select_n3A_400 = arith.select %and3A_396, %broadcast_in_dim3A_399, %select_n3A_391 : vector<16xi1>, vector<16xi32>
    %sub3A_401 = arith.subf %select_n3A_397, %select_n3A_330 : vector<16xf32>
    %exp3A_402 = math.exp %sub3A_401 : vector<16xf32>
    %add3A_403 = arith.constant 1.000000e+00 : f32
    %add3A_404 = vector.broadcast %add3A_403 : f32 to vector<16xf32>
    %add3A_405 = arith.addf %add3A_404, %exp3A_402 : vector<16xf32>
    %div3A_406 = arith.constant 1.000000e+00 : f32
    %div3A_407 = vector.broadcast %div3A_406 : f32 to vector<16xf32>
    %div3A_408 = arith.divf %div3A_407, %add3A_405 : vector<16xf32>
    %div3A_409 = arith.divf %exp3A_402, %add3A_405 : vector<16xf32>
    %eq3A_410 = arith.constant 0 : i32
    %eq3A_411 = vector.broadcast %eq3A_410 : i32 to vector<16xi32>
    %eq3A_412 = arith.cmpi eq, %select_n3A_333, %eq3A_411 : vector<16xi32>
    %jit3A_413 = arith.constant 0.000000e+00 : f32
    %broadcast_in_dim3A_414 = vector.broadcast %jit3A_413 : f32 to vector<16xf32>
    %select_n3A_415 = arith.select %eq3A_412, %div3A_408, %broadcast_in_dim3A_414 : vector<16xi1>, vector<16xf32>
    %eq3A_416 = arith.constant 0 : i32
    %eq3A_417 = vector.broadcast %eq3A_416 : i32 to vector<16xi32>
    %eq3A_418 = arith.cmpi eq, %select_n3A_400, %eq3A_417 : vector<16xi32>
    %jit3A_419 = arith.constant 0.000000e+00 : f32
    %broadcast_in_dim3A_420 = vector.broadcast %jit3A_419 : f32 to vector<16xf32>
    %select_n3A_421 = arith.select %eq3A_418, %div3A_409, %broadcast_in_dim3A_420 : vector<16xi1>, vector<16xf32>
    %add3A_422 = arith.addf %select_n3A_415, %select_n3A_421 : vector<16xf32>
    %swap3A_423 = arith.constant 0 : i32
    %swap3A_424 = arith.index_cast %swap3A_423 : i32 to index
    %swap3A_425 = arith.constant 16 : index
    %swap3A_426 = tpu.vector_load %arg5[%swap3A_424, %swap3A_425] {strides = array<i32>} : memref<7x256xf32, #tpu.memory_space<vmem>>, vector<1x16xf32>,
    %swap3A_427 = vector.shape_cast %swap3A_426 : vector<1x16xf32> to vector<16xf32>
    %swap3A_428 = vector.shape_cast %add3A_422 : vector<16xf32> to vector<1x16xf32>
    tpu.vector_store %arg5[%swap3A_424, %swap3A_425], %swap3A_428 {strides = array<i32>} : memref<7x256xf32, #tpu.memory_space<vmem>>, vector<1x16xf32>,
    %eq3A_429 = arith.constant 1 : i32
    %eq3A_430 = vector.broadcast %eq3A_429 : i32 to vector<16xi32>
    %eq3A_431 = arith.cmpi eq, %select_n3A_333, %eq3A_430 : vector<16xi32>
    %jit3A_432 = arith.constant 0.000000e+00 : f32
    %broadcast_in_dim3A_433 = vector.broadcast %jit3A_432 : f32 to vector<16xf32>
    %select_n3A_434 = arith.select %eq3A_431, %div3A_408, %broadcast_in_dim3A_433 : vector<16xi1>, vector<16xf32>
    %eq3A_435 = arith.constant 1 : i32
    %eq3A_436 = vector.broadcast %eq3A_435 : i32 to vector<16xi32>
    %eq3A_437 = arith.cmpi eq, %select_n3A_400, %eq3A_436 : vector<16xi32>
    %jit3A_438 = arith.constant 0.000000e+00 : f32
    %broadcast_in_dim3A_439 = vector.broadcast %jit3A_438 : f32 to vector<16xf32>
    %select_n3A_440 = arith.select %eq3A_437, %div3A_409, %broadcast_in_dim3A_439 : vector<16xi1>, vector<16xf32>
    %add3A_441 = arith.addf %select_n3A_434, %select_n3A_440 : vector<16xf32>
    %swap3A_442 = arith.constant 1 : i32
    %swap3A_443 = arith.index_cast %swap3A_442 : i32 to index
    %swap3A_444 = arith.constant 16 : index
    %swap3A_445 = tpu.vector_load %arg5[%swap3A_443, %swap3A_444] {strides = array<i32>} : memref<7x256xf32, #tpu.memory_space<vmem>>, vector<1x16xf32>,
    %swap3A_446 = vector.shape_cast %swap3A_445 : vector<1x16xf32> to vector<16xf32>
    %swap3A_447 = vector.shape_cast %add3A_441 : vector<16xf32> to vector<1x16xf32>
    tpu.vector_store %arg5[%swap3A_443, %swap3A_444], %swap3A_447 {strides = array<i32>} : memref<7x256xf32, #tpu.memory_space<vmem>>, vector<1x16xf32>,
    %eq3A_448 = arith.constant 2 : i32
    %eq3A_449 = vector.broadcast %eq3A_448 : i32 to vector<16xi32>
    %eq3A_450 = arith.cmpi eq, %select_n3A_333, %eq3A_449 : vector<16xi32>
    %jit3A_451 = arith.constant 0.000000e+00 : f32
    %broadcast_in_dim3A_452 = vector.broadcast %jit3A_451 : f32 to vector<16xf32>
    %select_n3A_453 = arith.select %eq3A_450, %div3A_408, %broadcast_in_dim3A_452 : vector<16xi1>, vector<16xf32>
    %eq3A_454 = arith.constant 2 : i32
    %eq3A_455 = vector.broadcast %eq3A_454 : i32 to vector<16xi32>
    %eq3A_456 = arith.cmpi eq, %select_n3A_400, %eq3A_455 : vector<16xi32>
    %jit3A_457 = arith.constant 0.000000e+00 : f32
    %broadcast_in_dim3A_458 = vector.broadcast %jit3A_457 : f32 to vector<16xf32>
    %select_n3A_459 = arith.select %eq3A_456, %div3A_409, %broadcast_in_dim3A_458 : vector<16xi1>, vector<16xf32>
    %add3A_460 = arith.addf %select_n3A_453, %select_n3A_459 : vector<16xf32>
    %swap3A_461 = arith.constant 2 : i32
    %swap3A_462 = arith.index_cast %swap3A_461 : i32 to index
    %swap3A_463 = arith.constant 16 : index
    %swap3A_464 = tpu.vector_load %arg5[%swap3A_462, %swap3A_463] {strides = array<i32>} : memref<7x256xf32, #tpu.memory_space<vmem>>, vector<1x16xf32>,
    %swap3A_465 = vector.shape_cast %swap3A_464 : vector<1x16xf32> to vector<16xf32>
    %swap3A_466 = vector.shape_cast %add3A_460 : vector<16xf32> to vector<1x16xf32>
    tpu.vector_store %arg5[%swap3A_462, %swap3A_463], %swap3A_466 {strides = array<i32>} : memref<7x256xf32, #tpu.memory_space<vmem>>, vector<1x16xf32>,
    %eq3A_467 = arith.constant 3 : i32
    %eq3A_468 = vector.broadcast %eq3A_467 : i32 to vector<16xi32>
    %eq3A_469 = arith.cmpi eq, %select_n3A_333, %eq3A_468 : vector<16xi32>
    %jit3A_470 = arith.constant 0.000000e+00 : f32
    %broadcast_in_dim3A_471 = vector.broadcast %jit3A_470 : f32 to vector<16xf32>
    %select_n3A_472 = arith.select %eq3A_469, %div3A_408, %broadcast_in_dim3A_471 : vector<16xi1>, vector<16xf32>
    %eq3A_473 = arith.constant 3 : i32
    %eq3A_474 = vector.broadcast %eq3A_473 : i32 to vector<16xi32>
    %eq3A_475 = arith.cmpi eq, %select_n3A_400, %eq3A_474 : vector<16xi32>
    %jit3A_476 = arith.constant 0.000000e+00 : f32
    %broadcast_in_dim3A_477 = vector.broadcast %jit3A_476 : f32 to vector<16xf32>
    %select_n3A_478 = arith.select %eq3A_475, %div3A_409, %broadcast_in_dim3A_477 : vector<16xi1>, vector<16xf32>
    %add3A_479 = arith.addf %select_n3A_472, %select_n3A_478 : vector<16xf32>
    %swap3A_480 = arith.constant 3 : i32
    %swap3A_481 = arith.index_cast %swap3A_480 : i32 to index
    %swap3A_482 = arith.constant 16 : index
    %swap3A_483 = tpu.vector_load %arg5[%swap3A_481, %swap3A_482] {strides = array<i32>} : memref<7x256xf32, #tpu.memory_space<vmem>>, vector<1x16xf32>,
    %swap3A_484 = vector.shape_cast %swap3A_483 : vector<1x16xf32> to vector<16xf32>
    %swap3A_485 = vector.shape_cast %add3A_479 : vector<16xf32> to vector<1x16xf32>
    tpu.vector_store %arg5[%swap3A_481, %swap3A_482], %swap3A_485 {strides = array<i32>} : memref<7x256xf32, #tpu.memory_space<vmem>>, vector<1x16xf32>,
    %eq3A_486 = arith.constant 4 : i32
    %eq3A_487 = vector.broadcast %eq3A_486 : i32 to vector<16xi32>
    %eq3A_488 = arith.cmpi eq, %select_n3A_333, %eq3A_487 : vector<16xi32>
    %jit3A_489 = arith.constant 0.000000e+00 : f32
    %broadcast_in_dim3A_490 = vector.broadcast %jit3A_489 : f32 to vector<16xf32>
    %select_n3A_491 = arith.select %eq3A_488, %div3A_408, %broadcast_in_dim3A_490 : vector<16xi1>, vector<16xf32>
    %eq3A_492 = arith.constant 4 : i32
    %eq3A_493 = vector.broadcast %eq3A_492 : i32 to vector<16xi32>
    %eq3A_494 = arith.cmpi eq, %select_n3A_400, %eq3A_493 : vector<16xi32>
    %jit3A_495 = arith.constant 0.000000e+00 : f32
    %broadcast_in_dim3A_496 = vector.broadcast %jit3A_495 : f32 to vector<16xf32>
    %select_n3A_497 = arith.select %eq3A_494, %div3A_409, %broadcast_in_dim3A_496 : vector<16xi1>, vector<16xf32>
    %add3A_498 = arith.addf %select_n3A_491, %select_n3A_497 : vector<16xf32>
    %swap3A_499 = arith.constant 4 : i32
    %swap3A_500 = arith.index_cast %swap3A_499 : i32 to index
    %swap3A_501 = arith.constant 16 : index
    %swap3A_502 = tpu.vector_load %arg5[%swap3A_500, %swap3A_501] {strides = array<i32>} : memref<7x256xf32, #tpu.memory_space<vmem>>, vector<1x16xf32>,
    %swap3A_503 = vector.shape_cast %swap3A_502 : vector<1x16xf32> to vector<16xf32>
    %swap3A_504 = vector.shape_cast %add3A_498 : vector<16xf32> to vector<1x16xf32>
    tpu.vector_store %arg5[%swap3A_500, %swap3A_501], %swap3A_504 {strides = array<i32>} : memref<7x256xf32, #tpu.memory_space<vmem>>, vector<1x16xf32>,
    %eq3A_505 = arith.constant 5 : i32
    %eq3A_506 = vector.broadcast %eq3A_505 : i32 to vector<16xi32>
    %eq3A_507 = arith.cmpi eq, %select_n3A_333, %eq3A_506 : vector<16xi32>
    %jit3A_508 = arith.constant 0.000000e+00 : f32
    %broadcast_in_dim3A_509 = vector.broadcast %jit3A_508 : f32 to vector<16xf32>
    %select_n3A_510 = arith.select %eq3A_507, %div3A_408, %broadcast_in_dim3A_509 : vector<16xi1>, vector<16xf32>
    %eq3A_511 = arith.constant 5 : i32
    %eq3A_512 = vector.broadcast %eq3A_511 : i32 to vector<16xi32>
    %eq3A_513 = arith.cmpi eq, %select_n3A_400, %eq3A_512 : vector<16xi32>
    %jit3A_514 = arith.constant 0.000000e+00 : f32
    %broadcast_in_dim3A_515 = vector.broadcast %jit3A_514 : f32 to vector<16xf32>
    %select_n3A_516 = arith.select %eq3A_513, %div3A_409, %broadcast_in_dim3A_515 : vector<16xi1>, vector<16xf32>
    %add3A_517 = arith.addf %select_n3A_510, %select_n3A_516 : vector<16xf32>
    %swap3A_518 = arith.constant 5 : i32
    %swap3A_519 = arith.index_cast %swap3A_518 : i32 to index
    %swap3A_520 = arith.constant 16 : index
    %swap3A_521 = tpu.vector_load %arg5[%swap3A_519, %swap3A_520] {strides = array<i32>} : memref<7x256xf32, #tpu.memory_space<vmem>>, vector<1x16xf32>,
    %swap3A_522 = vector.shape_cast %swap3A_521 : vector<1x16xf32> to vector<16xf32>
    %swap3A_523 = vector.shape_cast %add3A_517 : vector<16xf32> to vector<1x16xf32>
    tpu.vector_store %arg5[%swap3A_519, %swap3A_520], %swap3A_523 {strides = array<i32>} : memref<7x256xf32, #tpu.memory_space<vmem>>, vector<1x16xf32>,
    %eq3A_524 = arith.constant 6 : i32
    %eq3A_525 = vector.broadcast %eq3A_524 : i32 to vector<16xi32>
    %eq3A_526 = arith.cmpi eq, %select_n3A_333, %eq3A_525 : vector<16xi32>
    %jit3A_527 = arith.constant 0.000000e+00 : f32
    %broadcast_in_dim3A_528 = vector.broadcast %jit3A_527 : f32 to vector<16xf32>
    %select_n3A_529 = arith.select %eq3A_526, %div3A_408, %broadcast_in_dim3A_528 : vector<16xi1>, vector<16xf32>
    %eq3A_530 = arith.constant 6 : i32
    %eq3A_531 = vector.broadcast %eq3A_530 : i32 to vector<16xi32>
    %eq3A_532 = arith.cmpi eq, %select_n3A_400, %eq3A_531 : vector<16xi32>
    %jit3A_533 = arith.constant 0.000000e+00 : f32
    %broadcast_in_dim3A_534 = vector.broadcast %jit3A_533 : f32 to vector<16xf32>
    %select_n3A_535 = arith.select %eq3A_532, %div3A_409, %broadcast_in_dim3A_534 : vector<16xi1>, vector<16xf32>
    %add3A_536 = arith.addf %select_n3A_529, %select_n3A_535 : vector<16xf32>
    %swap3A_537 = arith.constant 6 : i32
    %swap3A_538 = arith.index_cast %swap3A_537 : i32 to index
    %swap3A_539 = arith.constant 16 : index
    %swap3A_540 = tpu.vector_load %arg5[%swap3A_538, %swap3A_539] {strides = array<i32>} : memref<7x256xf32, #tpu.memory_space<vmem>>, vector<1x16xf32>,
    %swap3A_541 = vector.shape_cast %swap3A_540 : vector<1x16xf32> to vector<16xf32>
    %swap3A_542 = vector.shape_cast %add3A_536 : vector<16xf32> to vector<1x16xf32>
    tpu.vector_store %arg5[%swap3A_538, %swap3A_539], %swap3A_542 {strides = array<i32>} : memref<7x256xf32, #tpu.memory_space<vmem>>, vector<1x16xf32>,
    %get3A_543 = arith.constant 0 : i32
    %get3A_544 = arith.index_cast %get3A_543 : i32 to index
    %get3A_545 = arith.constant 32 : index
    %get3A_546 = tpu.vector_load %arg4[%get3A_544, %get3A_545] {strides = array<i32>} : memref<7x256xf32, #tpu.memory_space<vmem>>, vector<1x16xf32>,
    %get3A_547 = vector.shape_cast %get3A_546 : vector<1x16xf32> to vector<16xf32>
    %get3A_548 = arith.constant 1 : i32
    %get3A_549 = arith.index_cast %get3A_548 : i32 to index
    %get3A_550 = arith.constant 32 : index
    %get3A_551 = tpu.vector_load %arg4[%get3A_549, %get3A_550] {strides = array<i32>} : memref<7x256xf32, #tpu.memory_space<vmem>>, vector<1x16xf32>,
    %get3A_552 = vector.shape_cast %get3A_551 : vector<1x16xf32> to vector<16xf32>
    %get3A_553 = arith.constant 2 : i32
    %get3A_554 = arith.index_cast %get3A_553 : i32 to index
    %get3A_555 = arith.constant 32 : index
    %get3A_556 = tpu.vector_load %arg4[%get3A_554, %get3A_555] {strides = array<i32>} : memref<7x256xf32, #tpu.memory_space<vmem>>, vector<1x16xf32>,
    %get3A_557 = vector.shape_cast %get3A_556 : vector<1x16xf32> to vector<16xf32>
    %get3A_558 = arith.constant 3 : i32
    %get3A_559 = arith.index_cast %get3A_558 : i32 to index
    %get3A_560 = arith.constant 32 : index
    %get3A_561 = tpu.vector_load %arg4[%get3A_559, %get3A_560] {strides = array<i32>} : memref<7x256xf32, #tpu.memory_space<vmem>>, vector<1x16xf32>,
    %get3A_562 = vector.shape_cast %get3A_561 : vector<1x16xf32> to vector<16xf32>
    %get3A_563 = arith.constant 4 : i32
    %get3A_564 = arith.index_cast %get3A_563 : i32 to index
    %get3A_565 = arith.constant 32 : index
    %get3A_566 = tpu.vector_load %arg4[%get3A_564, %get3A_565] {strides = array<i32>} : memref<7x256xf32, #tpu.memory_space<vmem>>, vector<1x16xf32>,
    %get3A_567 = vector.shape_cast %get3A_566 : vector<1x16xf32> to vector<16xf32>
    %get3A_568 = arith.constant 5 : i32
    %get3A_569 = arith.index_cast %get3A_568 : i32 to index
    %get3A_570 = arith.constant 32 : index
    %get3A_571 = tpu.vector_load %arg4[%get3A_569, %get3A_570] {strides = array<i32>} : memref<7x256xf32, #tpu.memory_space<vmem>>, vector<1x16xf32>,
    %get3A_572 = vector.shape_cast %get3A_571 : vector<1x16xf32> to vector<16xf32>
    %get3A_573 = arith.constant 6 : i32
    %get3A_574 = arith.index_cast %get3A_573 : i32 to index
    %get3A_575 = arith.constant 32 : index
    %get3A_576 = tpu.vector_load %arg4[%get3A_574, %get3A_575] {strides = array<i32>} : memref<7x256xf32, #tpu.memory_space<vmem>>, vector<1x16xf32>,
    %get3A_577 = vector.shape_cast %get3A_576 : vector<1x16xf32> to vector<16xf32>
    %broadcast_in_dim3A_578 = arith.constant 0 : i32
    %broadcast_in_dim3A_579 = vector.broadcast %broadcast_in_dim3A_578 : i32 to vector<16xi32>
    %gt3A_580 = arith.cmpf ogt, %get3A_552, %get3A_547 : vector<16xf32>
    %select_n3A_581 = arith.select %gt3A_580, %get3A_552, %get3A_547 : vector<16xi1>, vector<16xf32>
    %jit3A_582 = arith.constant 1 : i32
    %broadcast_in_dim3A_583 = vector.broadcast %jit3A_582 : i32 to vector<16xi32>
    %select_n3A_584 = arith.select %gt3A_580, %broadcast_in_dim3A_583, %broadcast_in_dim3A_579 : vector<16xi1>, vector<16xi32>
    %gt3A_585 = arith.cmpf ogt, %get3A_557, %select_n3A_581 : vector<16xf32>
    %select_n3A_586 = arith.select %gt3A_585, %get3A_557, %select_n3A_581 : vector<16xi1>, vector<16xf32>
    %jit3A_587 = arith.constant 2 : i32
    %broadcast_in_dim3A_588 = vector.broadcast %jit3A_587 : i32 to vector<16xi32>
    %select_n3A_589 = arith.select %gt3A_585, %broadcast_in_dim3A_588, %select_n3A_584 : vector<16xi1>, vector<16xi32>
    %gt3A_590 = arith.cmpf ogt, %get3A_562, %select_n3A_586 : vector<16xf32>
    %select_n3A_591 = arith.select %gt3A_590, %get3A_562, %select_n3A_586 : vector<16xi1>, vector<16xf32>
    %jit3A_592 = arith.constant 3 : i32
    %broadcast_in_dim3A_593 = vector.broadcast %jit3A_592 : i32 to vector<16xi32>
    %select_n3A_594 = arith.select %gt3A_590, %broadcast_in_dim3A_593, %select_n3A_589 : vector<16xi1>, vector<16xi32>
    %gt3A_595 = arith.cmpf ogt, %get3A_567, %select_n3A_591 : vector<16xf32>
    %select_n3A_596 = arith.select %gt3A_595, %get3A_567, %select_n3A_591 : vector<16xi1>, vector<16xf32>
    %jit3A_597 = arith.constant 4 : i32
    %broadcast_in_dim3A_598 = vector.broadcast %jit3A_597 : i32 to vector<16xi32>
    %select_n3A_599 = arith.select %gt3A_595, %broadcast_in_dim3A_598, %select_n3A_594 : vector<16xi1>, vector<16xi32>
    %gt3A_600 = arith.cmpf ogt, %get3A_572, %select_n3A_596 : vector<16xf32>
    %select_n3A_601 = arith.select %gt3A_600, %get3A_572, %select_n3A_596 : vector<16xi1>, vector<16xf32>
    %jit3A_602 = arith.constant 5 : i32
    %broadcast_in_dim3A_603 = vector.broadcast %jit3A_602 : i32 to vector<16xi32>
    %select_n3A_604 = arith.select %gt3A_600, %broadcast_in_dim3A_603, %select_n3A_599 : vector<16xi1>, vector<16xi32>
    %gt3A_605 = arith.cmpf ogt, %get3A_577, %select_n3A_601 : vector<16xf32>
    %select_n3A_606 = arith.select %gt3A_605, %get3A_577, %select_n3A_601 : vector<16xi1>, vector<16xf32>
    %jit3A_607 = arith.constant 6 : i32
    %broadcast_in_dim3A_608 = vector.broadcast %jit3A_607 : i32 to vector<16xi32>
    %select_n3A_609 = arith.select %gt3A_605, %broadcast_in_dim3A_608, %select_n3A_604 : vector<16xi1>, vector<16xi32>
    %broadcast_in_dim3A_610 = arith.constant -1.000000e+30 : f32
    %broadcast_in_dim3A_611 = vector.broadcast %broadcast_in_dim3A_610 : f32 to vector<16xf32>
    %broadcast_in_dim3A_612 = arith.constant 7 : i32
    %broadcast_in_dim3A_613 = vector.broadcast %broadcast_in_dim3A_612 : i32 to vector<16xi32>
    %ne3A_614 = arith.constant 0 : i32
    %ne3A_615 = vector.broadcast %ne3A_614 : i32 to vector<16xi32>
    %ne3A_616 = arith.cmpi ne, %select_n3A_609, %ne3A_615 : vector<16xi32>
    %gt3A_617 = arith.cmpf ogt, %get3A_547, %broadcast_in_dim3A_611 : vector<16xf32>
    %and3A_618 = arith.andi %ne3A_616, %gt3A_617 : vector<16xi1>
    %select_n3A_619 = arith.select %and3A_618, %get3A_547, %broadcast_in_dim3A_611 : vector<16xi1>, vector<16xf32>
    %jit3A_620 = arith.constant 0 : i32
    %broadcast_in_dim3A_621 = vector.broadcast %jit3A_620 : i32 to vector<16xi32>
    %select_n3A_622 = arith.select %and3A_618, %broadcast_in_dim3A_621, %broadcast_in_dim3A_613 : vector<16xi1>, vector<16xi32>
    %ne3A_623 = arith.constant 1 : i32
    %ne3A_624 = vector.broadcast %ne3A_623 : i32 to vector<16xi32>
    %ne3A_625 = arith.cmpi ne, %select_n3A_609, %ne3A_624 : vector<16xi32>
    %gt3A_626 = arith.cmpf ogt, %get3A_552, %select_n3A_619 : vector<16xf32>
    %and3A_627 = arith.andi %ne3A_625, %gt3A_626 : vector<16xi1>
    %select_n3A_628 = arith.select %and3A_627, %get3A_552, %select_n3A_619 : vector<16xi1>, vector<16xf32>
    %jit3A_629 = arith.constant 1 : i32
    %broadcast_in_dim3A_630 = vector.broadcast %jit3A_629 : i32 to vector<16xi32>
    %select_n3A_631 = arith.select %and3A_627, %broadcast_in_dim3A_630, %select_n3A_622 : vector<16xi1>, vector<16xi32>
    %ne3A_632 = arith.constant 2 : i32
    %ne3A_633 = vector.broadcast %ne3A_632 : i32 to vector<16xi32>
    %ne3A_634 = arith.cmpi ne, %select_n3A_609, %ne3A_633 : vector<16xi32>
    %gt3A_635 = arith.cmpf ogt, %get3A_557, %select_n3A_628 : vector<16xf32>
    %and3A_636 = arith.andi %ne3A_634, %gt3A_635 : vector<16xi1>
    %select_n3A_637 = arith.select %and3A_636, %get3A_557, %select_n3A_628 : vector<16xi1>, vector<16xf32>
    %jit3A_638 = arith.constant 2 : i32
    %broadcast_in_dim3A_639 = vector.broadcast %jit3A_638 : i32 to vector<16xi32>
    %select_n3A_640 = arith.select %and3A_636, %broadcast_in_dim3A_639, %select_n3A_631 : vector<16xi1>, vector<16xi32>
    %ne3A_641 = arith.constant 3 : i32
    %ne3A_642 = vector.broadcast %ne3A_641 : i32 to vector<16xi32>
    %ne3A_643 = arith.cmpi ne, %select_n3A_609, %ne3A_642 : vector<16xi32>
    %gt3A_644 = arith.cmpf ogt, %get3A_562, %select_n3A_637 : vector<16xf32>
    %and3A_645 = arith.andi %ne3A_643, %gt3A_644 : vector<16xi1>
    %select_n3A_646 = arith.select %and3A_645, %get3A_562, %select_n3A_637 : vector<16xi1>, vector<16xf32>
    %jit3A_647 = arith.constant 3 : i32
    %broadcast_in_dim3A_648 = vector.broadcast %jit3A_647 : i32 to vector<16xi32>
    %select_n3A_649 = arith.select %and3A_645, %broadcast_in_dim3A_648, %select_n3A_640 : vector<16xi1>, vector<16xi32>
    %ne3A_650 = arith.constant 4 : i32
    %ne3A_651 = vector.broadcast %ne3A_650 : i32 to vector<16xi32>
    %ne3A_652 = arith.cmpi ne, %select_n3A_609, %ne3A_651 : vector<16xi32>
    %gt3A_653 = arith.cmpf ogt, %get3A_567, %select_n3A_646 : vector<16xf32>
    %and3A_654 = arith.andi %ne3A_652, %gt3A_653 : vector<16xi1>
    %select_n3A_655 = arith.select %and3A_654, %get3A_567, %select_n3A_646 : vector<16xi1>, vector<16xf32>
    %jit3A_656 = arith.constant 4 : i32
    %broadcast_in_dim3A_657 = vector.broadcast %jit3A_656 : i32 to vector<16xi32>
    %select_n3A_658 = arith.select %and3A_654, %broadcast_in_dim3A_657, %select_n3A_649 : vector<16xi1>, vector<16xi32>
    %ne3A_659 = arith.constant 5 : i32
    %ne3A_660 = vector.broadcast %ne3A_659 : i32 to vector<16xi32>
    %ne3A_661 = arith.cmpi ne, %select_n3A_609, %ne3A_660 : vector<16xi32>
    %gt3A_662 = arith.cmpf ogt, %get3A_572, %select_n3A_655 : vector<16xf32>
    %and3A_663 = arith.andi %ne3A_661, %gt3A_662 : vector<16xi1>
    %select_n3A_664 = arith.select %and3A_663, %get3A_572, %select_n3A_655 : vector<16xi1>, vector<16xf32>
    %jit3A_665 = arith.constant 5 : i32
    %broadcast_in_dim3A_666 = vector.broadcast %jit3A_665 : i32 to vector<16xi32>
    %select_n3A_667 = arith.select %and3A_663, %broadcast_in_dim3A_666, %select_n3A_658 : vector<16xi1>, vector<16xi32>
    %ne3A_668 = arith.constant 6 : i32
    %ne3A_669 = vector.broadcast %ne3A_668 : i32 to vector<16xi32>
    %ne3A_670 = arith.cmpi ne, %select_n3A_609, %ne3A_669 : vector<16xi32>
    %gt3A_671 = arith.cmpf ogt, %get3A_577, %select_n3A_664 : vector<16xf32>
    %and3A_672 = arith.andi %ne3A_670, %gt3A_671 : vector<16xi1>
    %select_n3A_673 = arith.select %and3A_672, %get3A_577, %select_n3A_664 : vector<16xi1>, vector<16xf32>
    %jit3A_674 = arith.constant 6 : i32
    %broadcast_in_dim3A_675 = vector.broadcast %jit3A_674 : i32 to vector<16xi32>
    %select_n3A_676 = arith.select %and3A_672, %broadcast_in_dim3A_675, %select_n3A_667 : vector<16xi1>, vector<16xi32>
    %sub3A_677 = arith.subf %select_n3A_673, %select_n3A_606 : vector<16xf32>
    %exp3A_678 = math.exp %sub3A_677 : vector<16xf32>
    %add3A_679 = arith.constant 1.000000e+00 : f32
    %add3A_680 = vector.broadcast %add3A_679 : f32 to vector<16xf32>
    %add3A_681 = arith.addf %add3A_680, %exp3A_678 : vector<16xf32>
    %div3A_682 = arith.constant 1.000000e+00 : f32
    %div3A_683 = vector.broadcast %div3A_682 : f32 to vector<16xf32>
    %div3A_684 = arith.divf %div3A_683, %add3A_681 : vector<16xf32>
    %div3A_685 = arith.divf %exp3A_678, %add3A_681 : vector<16xf32>
    %eq3A_686 = arith.constant 0 : i32
    %eq3A_687 = vector.broadcast %eq3A_686 : i32 to vector<16xi32>
    %eq3A_688 = arith.cmpi eq, %select_n3A_609, %eq3A_687 : vector<16xi32>
    %jit3A_689 = arith.constant 0.000000e+00 : f32
    %broadcast_in_dim3A_690 = vector.broadcast %jit3A_689 : f32 to vector<16xf32>
    %select_n3A_691 = arith.select %eq3A_688, %div3A_684, %broadcast_in_dim3A_690 : vector<16xi1>, vector<16xf32>
    %eq3A_692 = arith.constant 0 : i32
    %eq3A_693 = vector.broadcast %eq3A_692 : i32 to vector<16xi32>
    %eq3A_694 = arith.cmpi eq, %select_n3A_676, %eq3A_693 : vector<16xi32>
    %jit3A_695 = arith.constant 0.000000e+00 : f32
    %broadcast_in_dim3A_696 = vector.broadcast %jit3A_695 : f32 to vector<16xf32>
    %select_n3A_697 = arith.select %eq3A_694, %div3A_685, %broadcast_in_dim3A_696 : vector<16xi1>, vector<16xf32>
    %add3A_698 = arith.addf %select_n3A_691, %select_n3A_697 : vector<16xf32>
    %swap3A_699 = arith.constant 0 : i32
    %swap3A_700 = arith.index_cast %swap3A_699 : i32 to index
    %swap3A_701 = arith.constant 32 : index
    %swap3A_702 = tpu.vector_load %arg5[%swap3A_700, %swap3A_701] {strides = array<i32>} : memref<7x256xf32, #tpu.memory_space<vmem>>, vector<1x16xf32>,
    %swap3A_703 = vector.shape_cast %swap3A_702 : vector<1x16xf32> to vector<16xf32>
    %swap3A_704 = vector.shape_cast %add3A_698 : vector<16xf32> to vector<1x16xf32>
    tpu.vector_store %arg5[%swap3A_700, %swap3A_701], %swap3A_704 {strides = array<i32>} : memref<7x256xf32, #tpu.memory_space<vmem>>, vector<1x16xf32>,
    %eq3A_705 = arith.constant 1 : i32
    %eq3A_706 = vector.broadcast %eq3A_705 : i32 to vector<16xi32>
    %eq3A_707 = arith.cmpi eq, %select_n3A_609, %eq3A_706 : vector<16xi32>
    %jit3A_708 = arith.constant 0.000000e+00 : f32
    %broadcast_in_dim3A_709 = vector.broadcast %jit3A_708 : f32 to vector<16xf32>
    %select_n3A_710 = arith.select %eq3A_707, %div3A_684, %broadcast_in_dim3A_709 : vector<16xi1>, vector<16xf32>
    %eq3A_711 = arith.constant 1 : i32
    %eq3A_712 = vector.broadcast %eq3A_711 : i32 to vector<16xi32>
    %eq3A_713 = arith.cmpi eq, %select_n3A_676, %eq3A_712 : vector<16xi32>
    %jit3A_714 = arith.constant 0.000000e+00 : f32
    %broadcast_in_dim3A_715 = vector.broadcast %jit3A_714 : f32 to vector<16xf32>
    %select_n3A_716 = arith.select %eq3A_713, %div3A_685, %broadcast_in_dim3A_715 : vector<16xi1>, vector<16xf32>
    %add3A_717 = arith.addf %select_n3A_710, %select_n3A_716 : vector<16xf32>
    %swap3A_718 = arith.constant 1 : i32
    %swap3A_719 = arith.index_cast %swap3A_718 : i32 to index
    %swap3A_720 = arith.constant 32 : index
    %swap3A_721 = tpu.vector_load %arg5[%swap3A_719, %swap3A_720] {strides = array<i32>} : memref<7x256xf32, #tpu.memory_space<vmem>>, vector<1x16xf32>,
    %swap3A_722 = vector.shape_cast %swap3A_721 : vector<1x16xf32> to vector<16xf32>
    %swap3A_723 = vector.shape_cast %add3A_717 : vector<16xf32> to vector<1x16xf32>
    tpu.vector_store %arg5[%swap3A_719, %swap3A_720], %swap3A_723 {strides = array<i32>} : memref<7x256xf32, #tpu.memory_space<vmem>>, vector<1x16xf32>,
    %eq3A_724 = arith.constant 2 : i32
    %eq3A_725 = vector.broadcast %eq3A_724 : i32 to vector<16xi32>
    %eq3A_726 = arith.cmpi eq, %select_n3A_609, %eq3A_725 : vector<16xi32>
    %jit3A_727 = arith.constant 0.000000e+00 : f32
    %broadcast_in_dim3A_728 = vector.broadcast %jit3A_727 : f32 to vector<16xf32>
    %select_n3A_729 = arith.select %eq3A_726, %div3A_684, %broadcast_in_dim3A_728 : vector<16xi1>, vector<16xf32>
    %eq3A_730 = arith.constant 2 : i32
    %eq3A_731 = vector.broadcast %eq3A_730 : i32 to vector<16xi32>
    %eq3A_732 = arith.cmpi eq, %select_n3A_676, %eq3A_731 : vector<16xi32>
    %jit3A_733 = arith.constant 0.000000e+00 : f32
    %broadcast_in_dim3A_734 = vector.broadcast %jit3A_733 : f32 to vector<16xf32>
    %select_n3A_735 = arith.select %eq3A_732, %div3A_685, %broadcast_in_dim3A_734 : vector<16xi1>, vector<16xf32>
    %add3A_736 = arith.addf %select_n3A_729, %select_n3A_735 : vector<16xf32>
    %swap3A_737 = arith.constant 2 : i32
    %swap3A_738 = arith.index_cast %swap3A_737 : i32 to index
    %swap3A_739 = arith.constant 32 : index
    %swap3A_740 = tpu.vector_load %arg5[%swap3A_738, %swap3A_739] {strides = array<i32>} : memref<7x256xf32, #tpu.memory_space<vmem>>, vector<1x16xf32>,
    %swap3A_741 = vector.shape_cast %swap3A_740 : vector<1x16xf32> to vector<16xf32>
    %swap3A_742 = vector.shape_cast %add3A_736 : vector<16xf32> to vector<1x16xf32>
    tpu.vector_store %arg5[%swap3A_738, %swap3A_739], %swap3A_742 {strides = array<i32>} : memref<7x256xf32, #tpu.memory_space<vmem>>, vector<1x16xf32>,
    %eq3A_743 = arith.constant 3 : i32
    %eq3A_744 = vector.broadcast %eq3A_743 : i32 to vector<16xi32>
    %eq3A_745 = arith.cmpi eq, %select_n3A_609, %eq3A_744 : vector<16xi32>
    %jit3A_746 = arith.constant 0.000000e+00 : f32
    %broadcast_in_dim3A_747 = vector.broadcast %jit3A_746 : f32 to vector<16xf32>
    %select_n3A_748 = arith.select %eq3A_745, %div3A_684, %broadcast_in_dim3A_747 : vector<16xi1>, vector<16xf32>
    %eq3A_749 = arith.constant 3 : i32
    %eq3A_750 = vector.broadcast %eq3A_749 : i32 to vector<16xi32>
    %eq3A_751 = arith.cmpi eq, %select_n3A_676, %eq3A_750 : vector<16xi32>
    %jit3A_752 = arith.constant 0.000000e+00 : f32
    %broadcast_in_dim3A_753 = vector.broadcast %jit3A_752 : f32 to vector<16xf32>
    %select_n3A_754 = arith.select %eq3A_751, %div3A_685, %broadcast_in_dim3A_753 : vector<16xi1>, vector<16xf32>
    %add3A_755 = arith.addf %select_n3A_748, %select_n3A_754 : vector<16xf32>
    %swap3A_756 = arith.constant 3 : i32
    %swap3A_757 = arith.index_cast %swap3A_756 : i32 to index
    %swap3A_758 = arith.constant 32 : index
    %swap3A_759 = tpu.vector_load %arg5[%swap3A_757, %swap3A_758] {strides = array<i32>} : memref<7x256xf32, #tpu.memory_space<vmem>>, vector<1x16xf32>,
    %swap3A_760 = vector.shape_cast %swap3A_759 : vector<1x16xf32> to vector<16xf32>
    %swap3A_761 = vector.shape_cast %add3A_755 : vector<16xf32> to vector<1x16xf32>
    tpu.vector_store %arg5[%swap3A_757, %swap3A_758], %swap3A_761 {strides = array<i32>} : memref<7x256xf32, #tpu.memory_space<vmem>>, vector<1x16xf32>,
    %eq3A_762 = arith.constant 4 : i32
    %eq3A_763 = vector.broadcast %eq3A_762 : i32 to vector<16xi32>
    %eq3A_764 = arith.cmpi eq, %select_n3A_609, %eq3A_763 : vector<16xi32>
    %jit3A_765 = arith.constant 0.000000e+00 : f32
    %broadcast_in_dim3A_766 = vector.broadcast %jit3A_765 : f32 to vector<16xf32>
    %select_n3A_767 = arith.select %eq3A_764, %div3A_684, %broadcast_in_dim3A_766 : vector<16xi1>, vector<16xf32>
    %eq3A_768 = arith.constant 4 : i32
    %eq3A_769 = vector.broadcast %eq3A_768 : i32 to vector<16xi32>
    %eq3A_770 = arith.cmpi eq, %select_n3A_676, %eq3A_769 : vector<16xi32>
    %jit3A_771 = arith.constant 0.000000e+00 : f32
    %broadcast_in_dim3A_772 = vector.broadcast %jit3A_771 : f32 to vector<16xf32>
    %select_n3A_773 = arith.select %eq3A_770, %div3A_685, %broadcast_in_dim3A_772 : vector<16xi1>, vector<16xf32>
    %add3A_774 = arith.addf %select_n3A_767, %select_n3A_773 : vector<16xf32>
    %swap3A_775 = arith.constant 4 : i32
    %swap3A_776 = arith.index_cast %swap3A_775 : i32 to index
    %swap3A_777 = arith.constant 32 : index
    %swap3A_778 = tpu.vector_load %arg5[%swap3A_776, %swap3A_777] {strides = array<i32>} : memref<7x256xf32, #tpu.memory_space<vmem>>, vector<1x16xf32>,
    %swap3A_779 = vector.shape_cast %swap3A_778 : vector<1x16xf32> to vector<16xf32>
    %swap3A_780 = vector.shape_cast %add3A_774 : vector<16xf32> to vector<1x16xf32>
    tpu.vector_store %arg5[%swap3A_776, %swap3A_777], %swap3A_780 {strides = array<i32>} : memref<7x256xf32, #tpu.memory_space<vmem>>, vector<1x16xf32>,
    %eq3A_781 = arith.constant 5 : i32
    %eq3A_782 = vector.broadcast %eq3A_781 : i32 to vector<16xi32>
    %eq3A_783 = arith.cmpi eq, %select_n3A_609, %eq3A_782 : vector<16xi32>
    %jit3A_784 = arith.constant 0.000000e+00 : f32
    %broadcast_in_dim3A_785 = vector.broadcast %jit3A_784 : f32 to vector<16xf32>
    %select_n3A_786 = arith.select %eq3A_783, %div3A_684, %broadcast_in_dim3A_785 : vector<16xi1>, vector<16xf32>
    %eq3A_787 = arith.constant 5 : i32
    %eq3A_788 = vector.broadcast %eq3A_787 : i32 to vector<16xi32>
    %eq3A_789 = arith.cmpi eq, %select_n3A_676, %eq3A_788 : vector<16xi32>
    %jit3A_790 = arith.constant 0.000000e+00 : f32
    %broadcast_in_dim3A_791 = vector.broadcast %jit3A_790 : f32 to vector<16xf32>
    %select_n3A_792 = arith.select %eq3A_789, %div3A_685, %broadcast_in_dim3A_791 : vector<16xi1>, vector<16xf32>
    %add3A_793 = arith.addf %select_n3A_786, %select_n3A_792 : vector<16xf32>
    %swap3A_794 = arith.constant 5 : i32
    %swap3A_795 = arith.index_cast %swap3A_794 : i32 to index
    %swap3A_796 = arith.constant 32 : index
    %swap3A_797 = tpu.vector_load %arg5[%swap3A_795, %swap3A_796] {strides = array<i32>} : memref<7x256xf32, #tpu.memory_space<vmem>>, vector<1x16xf32>,
    %swap3A_798 = vector.shape_cast %swap3A_797 : vector<1x16xf32> to vector<16xf32>
    %swap3A_799 = vector.shape_cast %add3A_793 : vector<16xf32> to vector<1x16xf32>
    tpu.vector_store %arg5[%swap3A_795, %swap3A_796], %swap3A_799 {strides = array<i32>} : memref<7x256xf32, #tpu.memory_space<vmem>>, vector<1x16xf32>,
    %eq3A_800 = arith.constant 6 : i32
    %eq3A_801 = vector.broadcast %eq3A_800 : i32 to vector<16xi32>
    %eq3A_802 = arith.cmpi eq, %select_n3A_609, %eq3A_801 : vector<16xi32>
    %jit3A_803 = arith.constant 0.000000e+00 : f32
    %broadcast_in_dim3A_804 = vector.broadcast %jit3A_803 : f32 to vector<16xf32>
    %select_n3A_805 = arith.select %eq3A_802, %div3A_684, %broadcast_in_dim3A_804 : vector<16xi1>, vector<16xf32>
    %eq3A_806 = arith.constant 6 : i32
    %eq3A_807 = vector.broadcast %eq3A_806 : i32 to vector<16xi32>
    %eq3A_808 = arith.cmpi eq, %select_n3A_676, %eq3A_807 : vector<16xi32>
    %jit3A_809 = arith.constant 0.000000e+00 : f32
    %broadcast_in_dim3A_810 = vector.broadcast %jit3A_809 : f32 to vector<16xf32>
    %select_n3A_811 = arith.select %eq3A_808, %div3A_685, %broadcast_in_dim3A_810 : vector<16xi1>, vector<16xf32>
    %add3A_812 = arith.addf %select_n3A_805, %select_n3A_811 : vector<16xf32>
    %swap3A_813 = arith.constant 6 : i32
    %swap3A_814 = arith.index_cast %swap3A_813 : i32 to index
    %swap3A_815 = arith.constant 32 : index
    %swap3A_816 = tpu.vector_load %arg5[%swap3A_814, %swap3A_815] {strides = array<i32>} : memref<7x256xf32, #tpu.memory_space<vmem>>, vector<1x16xf32>,
    %swap3A_817 = vector.shape_cast %swap3A_816 : vector<1x16xf32> to vector<16xf32>
    %swap3A_818 = vector.shape_cast %add3A_812 : vector<16xf32> to vector<1x16xf32>
    tpu.vector_store %arg5[%swap3A_814, %swap3A_815], %swap3A_818 {strides = array<i32>} : memref<7x256xf32, #tpu.memory_space<vmem>>, vector<1x16xf32>,
    %get3A_819 = arith.constant 0 : i32
    %get3A_820 = arith.index_cast %get3A_819 : i32 to index
    %get3A_821 = arith.constant 48 : index
    %get3A_822 = tpu.vector_load %arg4[%get3A_820, %get3A_821] {strides = array<i32>} : memref<7x256xf32, #tpu.memory_space<vmem>>, vector<1x16xf32>,
    %get3A_823 = vector.shape_cast %get3A_822 : vector<1x16xf32> to vector<16xf32>
    %get3A_824 = arith.constant 1 : i32
    %get3A_825 = arith.index_cast %get3A_824 : i32 to index
    %get3A_826 = arith.constant 48 : index
    %get3A_827 = tpu.vector_load %arg4[%get3A_825, %get3A_826] {strides = array<i32>} : memref<7x256xf32, #tpu.memory_space<vmem>>, vector<1x16xf32>,
    %get3A_828 = vector.shape_cast %get3A_827 : vector<1x16xf32> to vector<16xf32>
    %get3A_829 = arith.constant 2 : i32
    %get3A_830 = arith.index_cast %get3A_829 : i32 to index
    %get3A_831 = arith.constant 48 : index
    %get3A_832 = tpu.vector_load %arg4[%get3A_830, %get3A_831] {strides = array<i32>} : memref<7x256xf32, #tpu.memory_space<vmem>>, vector<1x16xf32>,
    %get3A_833 = vector.shape_cast %get3A_832 : vector<1x16xf32> to vector<16xf32>
    %get3A_834 = arith.constant 3 : i32
    %get3A_835 = arith.index_cast %get3A_834 : i32 to index
    %get3A_836 = arith.constant 48 : index
    %get3A_837 = tpu.vector_load %arg4[%get3A_835, %get3A_836] {strides = array<i32>} : memref<7x256xf32, #tpu.memory_space<vmem>>, vector<1x16xf32>,
    %get3A_838 = vector.shape_cast %get3A_837 : vector<1x16xf32> to vector<16xf32>
    %get3A_839 = arith.constant 4 : i32
    %get3A_840 = arith.index_cast %get3A_839 : i32 to index
    %get3A_841 = arith.constant 48 : index
    %get3A_842 = tpu.vector_load %arg4[%get3A_840, %get3A_841] {strides = array<i32>} : memref<7x256xf32, #tpu.memory_space<vmem>>, vector<1x16xf32>,
    %get3A_843 = vector.shape_cast %get3A_842 : vector<1x16xf32> to vector<16xf32>
    %get3A_844 = arith.constant 5 : i32
    %get3A_845 = arith.index_cast %get3A_844 : i32 to index
    %get3A_846 = arith.constant 48 : index
    %get3A_847 = tpu.vector_load %arg4[%get3A_845, %get3A_846] {strides = array<i32>} : memref<7x256xf32, #tpu.memory_space<vmem>>, vector<1x16xf32>,
    %get3A_848 = vector.shape_cast %get3A_847 : vector<1x16xf32> to vector<16xf32>
    %get3A_849 = arith.constant 6 : i32
    %get3A_850 = arith.index_cast %get3A_849 : i32 to index
    %get3A_851 = arith.constant 48 : index
    %get3A_852 = tpu.vector_load %arg4[%get3A_850, %get3A_851] {strides = array<i32>} : memref<7x256xf32, #tpu.memory_space<vmem>>, vector<1x16xf32>,
    %get3A_853 = vector.shape_cast %get3A_852 : vector<1x16xf32> to vector<16xf32>
    %broadcast_in_dim3A_854 = arith.constant 0 : i32
    %broadcast_in_dim3A_855 = vector.broadcast %broadcast_in_dim3A_854 : i32 to vector<16xi32>
    %gt3A_856 = arith.cmpf ogt, %get3A_828, %get3A_823 : vector<16xf32>
    %select_n3A_857 = arith.select %gt3A_856, %get3A_828, %get3A_823 : vector<16xi1>, vector<16xf32>
    %jit3A_858 = arith.constant 1 : i32
    %broadcast_in_dim3A_859 = vector.broadcast %jit3A_858 : i32 to vector<16xi32>
    %select_n3A_860 = arith.select %gt3A_856, %broadcast_in_dim3A_859, %broadcast_in_dim3A_855 : vector<16xi1>, vector<16xi32>
    %gt3A_861 = arith.cmpf ogt, %get3A_833, %select_n3A_857 : vector<16xf32>
    %select_n3A_862 = arith.select %gt3A_861, %get3A_833, %select_n3A_857 : vector<16xi1>, vector<16xf32>
    %jit3A_863 = arith.constant 2 : i32
    %broadcast_in_dim3A_864 = vector.broadcast %jit3A_863 : i32 to vector<16xi32>
    %select_n3A_865 = arith.select %gt3A_861, %broadcast_in_dim3A_864, %select_n3A_860 : vector<16xi1>, vector<16xi32>
    %gt3A_866 = arith.cmpf ogt, %get3A_838, %select_n3A_862 : vector<16xf32>
    %select_n3A_867 = arith.select %gt3A_866, %get3A_838, %select_n3A_862 : vector<16xi1>, vector<16xf32>
    %jit3A_868 = arith.constant 3 : i32
    %broadcast_in_dim3A_869 = vector.broadcast %jit3A_868 : i32 to vector<16xi32>
    %select_n3A_870 = arith.select %gt3A_866, %broadcast_in_dim3A_869, %select_n3A_865 : vector<16xi1>, vector<16xi32>
    %gt3A_871 = arith.cmpf ogt, %get3A_843, %select_n3A_867 : vector<16xf32>
    %select_n3A_872 = arith.select %gt3A_871, %get3A_843, %select_n3A_867 : vector<16xi1>, vector<16xf32>
    %jit3A_873 = arith.constant 4 : i32
    %broadcast_in_dim3A_874 = vector.broadcast %jit3A_873 : i32 to vector<16xi32>
    %select_n3A_875 = arith.select %gt3A_871, %broadcast_in_dim3A_874, %select_n3A_870 : vector<16xi1>, vector<16xi32>
    %gt3A_876 = arith.cmpf ogt, %get3A_848, %select_n3A_872 : vector<16xf32>
    %select_n3A_877 = arith.select %gt3A_876, %get3A_848, %select_n3A_872 : vector<16xi1>, vector<16xf32>
    %jit3A_878 = arith.constant 5 : i32
    %broadcast_in_dim3A_879 = vector.broadcast %jit3A_878 : i32 to vector<16xi32>
    %select_n3A_880 = arith.select %gt3A_876, %broadcast_in_dim3A_879, %select_n3A_875 : vector<16xi1>, vector<16xi32>
    %gt3A_881 = arith.cmpf ogt, %get3A_853, %select_n3A_877 : vector<16xf32>
    %select_n3A_882 = arith.select %gt3A_881, %get3A_853, %select_n3A_877 : vector<16xi1>, vector<16xf32>
    %jit3A_883 = arith.constant 6 : i32
    %broadcast_in_dim3A_884 = vector.broadcast %jit3A_883 : i32 to vector<16xi32>
    %select_n3A_885 = arith.select %gt3A_881, %broadcast_in_dim3A_884, %select_n3A_880 : vector<16xi1>, vector<16xi32>
    %broadcast_in_dim3A_886 = arith.constant -1.000000e+30 : f32
    %broadcast_in_dim3A_887 = vector.broadcast %broadcast_in_dim3A_886 : f32 to vector<16xf32>
    %broadcast_in_dim3A_888 = arith.constant 7 : i32
    %broadcast_in_dim3A_889 = vector.broadcast %broadcast_in_dim3A_888 : i32 to vector<16xi32>
    %ne3A_890 = arith.constant 0 : i32
    %ne3A_891 = vector.broadcast %ne3A_890 : i32 to vector<16xi32>
    %ne3A_892 = arith.cmpi ne, %select_n3A_885, %ne3A_891 : vector<16xi32>
    %gt3A_893 = arith.cmpf ogt, %get3A_823, %broadcast_in_dim3A_887 : vector<16xf32>
    %and3A_894 = arith.andi %ne3A_892, %gt3A_893 : vector<16xi1>
    %select_n3A_895 = arith.select %and3A_894, %get3A_823, %broadcast_in_dim3A_887 : vector<16xi1>, vector<16xf32>
    %jit3A_896 = arith.constant 0 : i32
    %broadcast_in_dim3A_897 = vector.broadcast %jit3A_896 : i32 to vector<16xi32>
    %select_n3A_898 = arith.select %and3A_894, %broadcast_in_dim3A_897, %broadcast_in_dim3A_889 : vector<16xi1>, vector<16xi32>
    %ne3A_899 = arith.constant 1 : i32
    %ne3A_900 = vector.broadcast %ne3A_899 : i32 to vector<16xi32>
    %ne3A_901 = arith.cmpi ne, %select_n3A_885, %ne3A_900 : vector<16xi32>
    %gt3A_902 = arith.cmpf ogt, %get3A_828, %select_n3A_895 : vector<16xf32>
    %and3A_903 = arith.andi %ne3A_901, %gt3A_902 : vector<16xi1>
    %select_n3A_904 = arith.select %and3A_903, %get3A_828, %select_n3A_895 : vector<16xi1>, vector<16xf32>
    %jit3A_905 = arith.constant 1 : i32
    %broadcast_in_dim3A_906 = vector.broadcast %jit3A_905 : i32 to vector<16xi32>
    %select_n3A_907 = arith.select %and3A_903, %broadcast_in_dim3A_906, %select_n3A_898 : vector<16xi1>, vector<16xi32>
    %ne3A_908 = arith.constant 2 : i32
    %ne3A_909 = vector.broadcast %ne3A_908 : i32 to vector<16xi32>
    %ne3A_910 = arith.cmpi ne, %select_n3A_885, %ne3A_909 : vector<16xi32>
    %gt3A_911 = arith.cmpf ogt, %get3A_833, %select_n3A_904 : vector<16xf32>
    %and3A_912 = arith.andi %ne3A_910, %gt3A_911 : vector<16xi1>
    %select_n3A_913 = arith.select %and3A_912, %get3A_833, %select_n3A_904 : vector<16xi1>, vector<16xf32>
    %jit3A_914 = arith.constant 2 : i32
    %broadcast_in_dim3A_915 = vector.broadcast %jit3A_914 : i32 to vector<16xi32>
    %select_n3A_916 = arith.select %and3A_912, %broadcast_in_dim3A_915, %select_n3A_907 : vector<16xi1>, vector<16xi32>
    %ne3A_917 = arith.constant 3 : i32
    %ne3A_918 = vector.broadcast %ne3A_917 : i32 to vector<16xi32>
    %ne3A_919 = arith.cmpi ne, %select_n3A_885, %ne3A_918 : vector<16xi32>
    %gt3A_920 = arith.cmpf ogt, %get3A_838, %select_n3A_913 : vector<16xf32>
    %and3A_921 = arith.andi %ne3A_919, %gt3A_920 : vector<16xi1>
    %select_n3A_922 = arith.select %and3A_921, %get3A_838, %select_n3A_913 : vector<16xi1>, vector<16xf32>
    %jit3A_923 = arith.constant 3 : i32
    %broadcast_in_dim3A_924 = vector.broadcast %jit3A_923 : i32 to vector<16xi32>
    %select_n3A_925 = arith.select %and3A_921, %broadcast_in_dim3A_924, %select_n3A_916 : vector<16xi1>, vector<16xi32>
    %ne3A_926 = arith.constant 4 : i32
    %ne3A_927 = vector.broadcast %ne3A_926 : i32 to vector<16xi32>
    %ne3A_928 = arith.cmpi ne, %select_n3A_885, %ne3A_927 : vector<16xi32>
    %gt3A_929 = arith.cmpf ogt, %get3A_843, %select_n3A_922 : vector<16xf32>
    %and3A_930 = arith.andi %ne3A_928, %gt3A_929 : vector<16xi1>
    %select_n3A_931 = arith.select %and3A_930, %get3A_843, %select_n3A_922 : vector<16xi1>, vector<16xf32>
    %jit3A_932 = arith.constant 4 : i32
    %broadcast_in_dim3A_933 = vector.broadcast %jit3A_932 : i32 to vector<16xi32>
    %select_n3A_934 = arith.select %and3A_930, %broadcast_in_dim3A_933, %select_n3A_925 : vector<16xi1>, vector<16xi32>
    %ne3A_935 = arith.constant 5 : i32
    %ne3A_936 = vector.broadcast %ne3A_935 : i32 to vector<16xi32>
    %ne3A_937 = arith.cmpi ne, %select_n3A_885, %ne3A_936 : vector<16xi32>
    %gt3A_938 = arith.cmpf ogt, %get3A_848, %select_n3A_931 : vector<16xf32>
    %and3A_939 = arith.andi %ne3A_937, %gt3A_938 : vector<16xi1>
    %select_n3A_940 = arith.select %and3A_939, %get3A_848, %select_n3A_931 : vector<16xi1>, vector<16xf32>
    %jit3A_941 = arith.constant 5 : i32
    %broadcast_in_dim3A_942 = vector.broadcast %jit3A_941 : i32 to vector<16xi32>
    %select_n3A_943 = arith.select %and3A_939, %broadcast_in_dim3A_942, %select_n3A_934 : vector<16xi1>, vector<16xi32>
    %ne3A_944 = arith.constant 6 : i32
    %ne3A_945 = vector.broadcast %ne3A_944 : i32 to vector<16xi32>
    %ne3A_946 = arith.cmpi ne, %select_n3A_885, %ne3A_945 : vector<16xi32>
    %gt3A_947 = arith.cmpf ogt, %get3A_853, %select_n3A_940 : vector<16xf32>
    %and3A_948 = arith.andi %ne3A_946, %gt3A_947 : vector<16xi1>
    %select_n3A_949 = arith.select %and3A_948, %get3A_853, %select_n3A_940 : vector<16xi1>, vector<16xf32>
    %jit3A_950 = arith.constant 6 : i32
    %broadcast_in_dim3A_951 = vector.broadcast %jit3A_950 : i32 to vector<16xi32>
    %select_n3A_952 = arith.select %and3A_948, %broadcast_in_dim3A_951, %select_n3A_943 : vector<16xi1>, vector<16xi32>
    %sub3A_953 = arith.subf %select_n3A_949, %select_n3A_882 : vector<16xf32>
    %exp3A_954 = math.exp %sub3A_953 : vector<16xf32>
    %add3A_955 = arith.constant 1.000000e+00 : f32
    %add3A_956 = vector.broadcast %add3A_955 : f32 to vector<16xf32>
    %add3A_957 = arith.addf %add3A_956, %exp3A_954 : vector<16xf32>
    %div3A_958 = arith.constant 1.000000e+00 : f32
    %div3A_959 = vector.broadcast %div3A_958 : f32 to vector<16xf32>
    %div3A_960 = arith.divf %div3A_959, %add3A_957 : vector<16xf32>
    %div3A_961 = arith.divf %exp3A_954, %add3A_957 : vector<16xf32>
    %eq3A_962 = arith.constant 0 : i32
    %eq3A_963 = vector.broadcast %eq3A_962 : i32 to vector<16xi32>
    %eq3A_964 = arith.cmpi eq, %select_n3A_885, %eq3A_963 : vector<16xi32>
    %jit3A_965 = arith.constant 0.000000e+00 : f32
    %broadcast_in_dim3A_966 = vector.broadcast %jit3A_965 : f32 to vector<16xf32>
    %select_n3A_967 = arith.select %eq3A_964, %div3A_960, %broadcast_in_dim3A_966 : vector<16xi1>, vector<16xf32>
    %eq3A_968 = arith.constant 0 : i32
    %eq3A_969 = vector.broadcast %eq3A_968 : i32 to vector<16xi32>
    %eq3A_970 = arith.cmpi eq, %select_n3A_952, %eq3A_969 : vector<16xi32>
    %jit3A_971 = arith.constant 0.000000e+00 : f32
    %broadcast_in_dim3A_972 = vector.broadcast %jit3A_971 : f32 to vector<16xf32>
    %select_n3A_973 = arith.select %eq3A_970, %div3A_961, %broadcast_in_dim3A_972 : vector<16xi1>, vector<16xf32>
    %add3A_974 = arith.addf %select_n3A_967, %select_n3A_973 : vector<16xf32>
    %swap3A_975 = arith.constant 0 : i32
    %swap3A_976 = arith.index_cast %swap3A_975 : i32 to index
    %swap3A_977 = arith.constant 48 : index
    %swap3A_978 = tpu.vector_load %arg5[%swap3A_976, %swap3A_977] {strides = array<i32>} : memref<7x256xf32, #tpu.memory_space<vmem>>, vector<1x16xf32>,
    %swap3A_979 = vector.shape_cast %swap3A_978 : vector<1x16xf32> to vector<16xf32>
    %swap3A_980 = vector.shape_cast %add3A_974 : vector<16xf32> to vector<1x16xf32>
    tpu.vector_store %arg5[%swap3A_976, %swap3A_977], %swap3A_980 {strides = array<i32>} : memref<7x256xf32, #tpu.memory_space<vmem>>, vector<1x16xf32>,
    %eq3A_981 = arith.constant 1 : i32
    %eq3A_982 = vector.broadcast %eq3A_981 : i32 to vector<16xi32>
    %eq3A_983 = arith.cmpi eq, %select_n3A_885, %eq3A_982 : vector<16xi32>
    %jit3A_984 = arith.constant 0.000000e+00 : f32
    %broadcast_in_dim3A_985 = vector.broadcast %jit3A_984 : f32 to vector<16xf32>
    %select_n3A_986 = arith.select %eq3A_983, %div3A_960, %broadcast_in_dim3A_985 : vector<16xi1>, vector<16xf32>
    %eq3A_987 = arith.constant 1 : i32
    %eq3A_988 = vector.broadcast %eq3A_987 : i32 to vector<16xi32>
    %eq3A_989 = arith.cmpi eq, %select_n3A_952, %eq3A_988 : vector<16xi32>
    %jit3A_990 = arith.constant 0.000000e+00 : f32
    %broadcast_in_dim3A_991 = vector.broadcast %jit3A_990 : f32 to vector<16xf32>
    %select_n3A_992 = arith.select %eq3A_989, %div3A_961, %broadcast_in_dim3A_991 : vector<16xi1>, vector<16xf32>
    %add3A_993 = arith.addf %select_n3A_986, %select_n3A_992 : vector<16xf32>
    %swap3A_994 = arith.constant 1 : i32
    %swap3A_995 = arith.index_cast %swap3A_994 : i32 to index
    %swap3A_996 = arith.constant 48 : index
    %swap3A_997 = tpu.vector_load %arg5[%swap3A_995, %swap3A_996] {strides = array<i32>} : memref<7x256xf32, #tpu.memory_space<vmem>>, vector<1x16xf32>,
    %swap3A_998 = vector.shape_cast %swap3A_997 : vector<1x16xf32> to vector<16xf32>
    %swap3A_999 = vector.shape_cast %add3A_993 : vector<16xf32> to vector<1x16xf32>
    tpu.vector_store %arg5[%swap3A_995, %swap3A_996], %swap3A_999 {strides = array<i32>} : memref<7x256xf32, #tpu.memory_space<vmem>>, vector<1x16xf32>,
    %eq3A_1000 = arith.constant 2 : i32
    %eq3A_1001 = vector.broadcast %eq3A_1000 : i32 to vector<16xi32>
    %eq3A_1002 = arith.cmpi eq, %select_n3A_885, %eq3A_1001 : vector<16xi32>
    %jit3A_1003 = arith.constant 0.000000e+00 : f32
    %broadcast_in_dim3A_1004 = vector.broadcast %jit3A_1003 : f32 to vector<16xf32>
    %select_n3A_1005 = arith.select %eq3A_1002, %div3A_960, %broadcast_in_dim3A_1004 : vector<16xi1>, vector<16xf32>
    %eq3A_1006 = arith.constant 2 : i32
    %eq3A_1007 = vector.broadcast %eq3A_1006 : i32 to vector<16xi32>
    %eq3A_1008 = arith.cmpi eq, %select_n3A_952, %eq3A_1007 : vector<16xi32>
    %jit3A_1009 = arith.constant 0.000000e+00 : f32
    %broadcast_in_dim3A_1010 = vector.broadcast %jit3A_1009 : f32 to vector<16xf32>
    %select_n3A_1011 = arith.select %eq3A_1008, %div3A_961, %broadcast_in_dim3A_1010 : vector<16xi1>, vector<16xf32>
    %add3A_1012 = arith.addf %select_n3A_1005, %select_n3A_1011 : vector<16xf32>
    %swap3A_1013 = arith.constant 2 : i32
    %swap3A_1014 = arith.index_cast %swap3A_1013 : i32 to index
    %swap3A_1015 = arith.constant 48 : index
    %swap3A_1016 = tpu.vector_load %arg5[%swap3A_1014, %swap3A_1015] {strides = array<i32>} : memref<7x256xf32, #tpu.memory_space<vmem>>, vector<1x16xf32>,
    %swap3A_1017 = vector.shape_cast %swap3A_1016 : vector<1x16xf32> to vector<16xf32>
    %swap3A_1018 = vector.shape_cast %add3A_1012 : vector<16xf32> to vector<1x16xf32>
    tpu.vector_store %arg5[%swap3A_1014, %swap3A_1015], %swap3A_1018 {strides = array<i32>} : memref<7x256xf32, #tpu.memory_space<vmem>>, vector<1x16xf32>,
    %eq3A_1019 = arith.constant 3 : i32
    %eq3A_1020 = vector.broadcast %eq3A_1019 : i32 to vector<16xi32>
    %eq3A_1021 = arith.cmpi eq, %select_n3A_885, %eq3A_1020 : vector<16xi32>
    %jit3A_1022 = arith.constant 0.000000e+00 : f32
    %broadcast_in_dim3A_1023 = vector.broadcast %jit3A_1022 : f32 to vector<16xf32>
    %select_n3A_1024 = arith.select %eq3A_1021, %div3A_960, %broadcast_in_dim3A_1023 : vector<16xi1>, vector<16xf32>
    %eq3A_1025 = arith.constant 3 : i32
    %eq3A_1026 = vector.broadcast %eq3A_1025 : i32 to vector<16xi32>
    %eq3A_1027 = arith.cmpi eq, %select_n3A_952, %eq3A_1026 : vector<16xi32>
    %jit3A_1028 = arith.constant 0.000000e+00 : f32
    %broadcast_in_dim3A_1029 = vector.broadcast %jit3A_1028 : f32 to vector<16xf32>
    %select_n3A_1030 = arith.select %eq3A_1027, %div3A_961, %broadcast_in_dim3A_1029 : vector<16xi1>, vector<16xf32>
    %add3A_1031 = arith.addf %select_n3A_1024, %select_n3A_1030 : vector<16xf32>
    %swap3A_1032 = arith.constant 3 : i32
    %swap3A_1033 = arith.index_cast %swap3A_1032 : i32 to index
    %swap3A_1034 = arith.constant 48 : index
    %swap3A_1035 = tpu.vector_load %arg5[%swap3A_1033, %swap3A_1034] {strides = array<i32>} : memref<7x256xf32, #tpu.memory_space<vmem>>, vector<1x16xf32>,
    %swap3A_1036 = vector.shape_cast %swap3A_1035 : vector<1x16xf32> to vector<16xf32>
    %swap3A_1037 = vector.shape_cast %add3A_1031 : vector<16xf32> to vector<1x16xf32>
    tpu.vector_store %arg5[%swap3A_1033, %swap3A_1034], %swap3A_1037 {strides = array<i32>} : memref<7x256xf32, #tpu.memory_space<vmem>>, vector<1x16xf32>,
    %eq3A_1038 = arith.constant 4 : i32
    %eq3A_1039 = vector.broadcast %eq3A_1038 : i32 to vector<16xi32>
    %eq3A_1040 = arith.cmpi eq, %select_n3A_885, %eq3A_1039 : vector<16xi32>
    %jit3A_1041 = arith.constant 0.000000e+00 : f32
    %broadcast_in_dim3A_1042 = vector.broadcast %jit3A_1041 : f32 to vector<16xf32>
    %select_n3A_1043 = arith.select %eq3A_1040, %div3A_960, %broadcast_in_dim3A_1042 : vector<16xi1>, vector<16xf32>
    %eq3A_1044 = arith.constant 4 : i32
    %eq3A_1045 = vector.broadcast %eq3A_1044 : i32 to vector<16xi32>
    %eq3A_1046 = arith.cmpi eq, %select_n3A_952, %eq3A_1045 : vector<16xi32>
    %jit3A_1047 = arith.constant 0.000000e+00 : f32
    %broadcast_in_dim3A_1048 = vector.broadcast %jit3A_1047 : f32 to vector<16xf32>
    %select_n3A_1049 = arith.select %eq3A_1046, %div3A_961, %broadcast_in_dim3A_1048 : vector<16xi1>, vector<16xf32>
    %add3A_1050 = arith.addf %select_n3A_1043, %select_n3A_1049 : vector<16xf32>
    %swap3A_1051 = arith.constant 4 : i32
    %swap3A_1052 = arith.index_cast %swap3A_1051 : i32 to index
    %swap3A_1053 = arith.constant 48 : index
    %swap3A_1054 = tpu.vector_load %arg5[%swap3A_1052, %swap3A_1053] {strides = array<i32>} : memref<7x256xf32, #tpu.memory_space<vmem>>, vector<1x16xf32>,
    %swap3A_1055 = vector.shape_cast %swap3A_1054 : vector<1x16xf32> to vector<16xf32>
    %swap3A_1056 = vector.shape_cast %add3A_1050 : vector<16xf32> to vector<1x16xf32>
    tpu.vector_store %arg5[%swap3A_1052, %swap3A_1053], %swap3A_1056 {strides = array<i32>} : memref<7x256xf32, #tpu.memory_space<vmem>>, vector<1x16xf32>,
    %eq3A_1057 = arith.constant 5 : i32
    %eq3A_1058 = vector.broadcast %eq3A_1057 : i32 to vector<16xi32>
    %eq3A_1059 = arith.cmpi eq, %select_n3A_885, %eq3A_1058 : vector<16xi32>
    %jit3A_1060 = arith.constant 0.000000e+00 : f32
    %broadcast_in_dim3A_1061 = vector.broadcast %jit3A_1060 : f32 to vector<16xf32>
    %select_n3A_1062 = arith.select %eq3A_1059, %div3A_960, %broadcast_in_dim3A_1061 : vector<16xi1>, vector<16xf32>
    %eq3A_1063 = arith.constant 5 : i32
    %eq3A_1064 = vector.broadcast %eq3A_1063 : i32 to vector<16xi32>
    %eq3A_1065 = arith.cmpi eq, %select_n3A_952, %eq3A_1064 : vector<16xi32>
    %jit3A_1066 = arith.constant 0.000000e+00 : f32
    %broadcast_in_dim3A_1067 = vector.broadcast %jit3A_1066 : f32 to vector<16xf32>
    %select_n3A_1068 = arith.select %eq3A_1065, %div3A_961, %broadcast_in_dim3A_1067 : vector<16xi1>, vector<16xf32>
    %add3A_1069 = arith.addf %select_n3A_1062, %select_n3A_1068 : vector<16xf32>
    %swap3A_1070 = arith.constant 5 : i32
    %swap3A_1071 = arith.index_cast %swap3A_1070 : i32 to index
    %swap3A_1072 = arith.constant 48 : index
    %swap3A_1073 = tpu.vector_load %arg5[%swap3A_1071, %swap3A_1072] {strides = array<i32>} : memref<7x256xf32, #tpu.memory_space<vmem>>, vector<1x16xf32>,
    %swap3A_1074 = vector.shape_cast %swap3A_1073 : vector<1x16xf32> to vector<16xf32>
    %swap3A_1075 = vector.shape_cast %add3A_1069 : vector<16xf32> to vector<1x16xf32>
    tpu.vector_store %arg5[%swap3A_1071, %swap3A_1072], %swap3A_1075 {strides = array<i32>} : memref<7x256xf32, #tpu.memory_space<vmem>>, vector<1x16xf32>,
    %eq3A_1076 = arith.constant 6 : i32
    %eq3A_1077 = vector.broadcast %eq3A_1076 : i32 to vector<16xi32>
    %eq3A_1078 = arith.cmpi eq, %select_n3A_885, %eq3A_1077 : vector<16xi32>
    %jit3A_1079 = arith.constant 0.000000e+00 : f32
    %broadcast_in_dim3A_1080 = vector.broadcast %jit3A_1079 : f32 to vector<16xf32>
    %select_n3A_1081 = arith.select %eq3A_1078, %div3A_960, %broadcast_in_dim3A_1080 : vector<16xi1>, vector<16xf32>
    %eq3A_1082 = arith.constant 6 : i32
    %eq3A_1083 = vector.broadcast %eq3A_1082 : i32 to vector<16xi32>
    %eq3A_1084 = arith.cmpi eq, %select_n3A_952, %eq3A_1083 : vector<16xi32>
    %jit3A_1085 = arith.constant 0.000000e+00 : f32
    %broadcast_in_dim3A_1086 = vector.broadcast %jit3A_1085 : f32 to vector<16xf32>
    %select_n3A_1087 = arith.select %eq3A_1084, %div3A_961, %broadcast_in_dim3A_1086 : vector<16xi1>, vector<16xf32>
    %add3A_1088 = arith.addf %select_n3A_1081, %select_n3A_1087 : vector<16xf32>
    %swap3A_1089 = arith.constant 6 : i32
    %swap3A_1090 = arith.index_cast %swap3A_1089 : i32 to index
    %swap3A_1091 = arith.constant 48 : index
    %swap3A_1092 = tpu.vector_load %arg5[%swap3A_1090, %swap3A_1091] {strides = array<i32>} : memref<7x256xf32, #tpu.memory_space<vmem>>, vector<1x16xf32>,
    %swap3A_1093 = vector.shape_cast %swap3A_1092 : vector<1x16xf32> to vector<16xf32>
    %swap3A_1094 = vector.shape_cast %add3A_1088 : vector<16xf32> to vector<1x16xf32>
    tpu.vector_store %arg5[%swap3A_1090, %swap3A_1091], %swap3A_1094 {strides = array<i32>} : memref<7x256xf32, #tpu.memory_space<vmem>>, vector<1x16xf32>,
    %get3A_1095 = arith.constant 0 : i32
    %get3A_1096 = arith.index_cast %get3A_1095 : i32 to index
    %get3A_1097 = arith.constant 64 : index
    %get3A_1098 = tpu.vector_load %arg4[%get3A_1096, %get3A_1097] {strides = array<i32>} : memref<7x256xf32, #tpu.memory_space<vmem>>, vector<1x16xf32>,
    %get3A_1099 = vector.shape_cast %get3A_1098 : vector<1x16xf32> to vector<16xf32>
    %get3A_1100 = arith.constant 1 : i32
    %get3A_1101 = arith.index_cast %get3A_1100 : i32 to index
    %get3A_1102 = arith.constant 64 : index
    %get3A_1103 = tpu.vector_load %arg4[%get3A_1101, %get3A_1102] {strides = array<i32>} : memref<7x256xf32, #tpu.memory_space<vmem>>, vector<1x16xf32>,
    %get3A_1104 = vector.shape_cast %get3A_1103 : vector<1x16xf32> to vector<16xf32>
    %get3A_1105 = arith.constant 2 : i32
    %get3A_1106 = arith.index_cast %get3A_1105 : i32 to index
    %get3A_1107 = arith.constant 64 : index
    %get3A_1108 = tpu.vector_load %arg4[%get3A_1106, %get3A_1107] {strides = array<i32>} : memref<7x256xf32, #tpu.memory_space<vmem>>, vector<1x16xf32>,
    %get3A_1109 = vector.shape_cast %get3A_1108 : vector<1x16xf32> to vector<16xf32>
    %get3A_1110 = arith.constant 3 : i32
    %get3A_1111 = arith.index_cast %get3A_1110 : i32 to index
    %get3A_1112 = arith.constant 64 : index
    %get3A_1113 = tpu.vector_load %arg4[%get3A_1111, %get3A_1112] {strides = array<i32>} : memref<7x256xf32, #tpu.memory_space<vmem>>, vector<1x16xf32>,
    %get3A_1114 = vector.shape_cast %get3A_1113 : vector<1x16xf32> to vector<16xf32>
    %get3A_1115 = arith.constant 4 : i32
    %get3A_1116 = arith.index_cast %get3A_1115 : i32 to index
    %get3A_1117 = arith.constant 64 : index
    %get3A_1118 = tpu.vector_load %arg4[%get3A_1116, %get3A_1117] {strides = array<i32>} : memref<7x256xf32, #tpu.memory_space<vmem>>, vector<1x16xf32>,
    %get3A_1119 = vector.shape_cast %get3A_1118 : vector<1x16xf32> to vector<16xf32>
    %get3A_1120 = arith.constant 5 : i32
    %get3A_1121 = arith.index_cast %get3A_1120 : i32 to index
    %get3A_1122 = arith.constant 64 : index
    %get3A_1123 = tpu.vector_load %arg4[%get3A_1121, %get3A_1122] {strides = array<i32>} : memref<7x256xf32, #tpu.memory_space<vmem>>, vector<1x16xf32>,
    %get3A_1124 = vector.shape_cast %get3A_1123 : vector<1x16xf32> to vector<16xf32>
    %get3A_1125 = arith.constant 6 : i32
    %get3A_1126 = arith.index_cast %get3A_1125 : i32 to index
    %get3A_1127 = arith.constant 64 : index
    %get3A_1128 = tpu.vector_load %arg4[%get3A_1126, %get3A_1127] {strides = array<i32>} : memref<7x256xf32, #tpu.memory_space<vmem>>, vector<1x16xf32>,
    %get3A_1129 = vector.shape_cast %get3A_1128 : vector<1x16xf32> to vector<16xf32>
    %broadcast_in_dim3A_1130 = arith.constant 0 : i32
    %broadcast_in_dim3A_1131 = vector.broadcast %broadcast_in_dim3A_1130 : i32 to vector<16xi32>
    %gt3A_1132 = arith.cmpf ogt, %get3A_1104, %get3A_1099 : vector<16xf32>
    %select_n3A_1133 = arith.select %gt3A_1132, %get3A_1104, %get3A_1099 : vector<16xi1>, vector<16xf32>
    %jit3A_1134 = arith.constant 1 : i32
    %broadcast_in_dim3A_1135 = vector.broadcast %jit3A_1134 : i32 to vector<16xi32>
    %select_n3A_1136 = arith.select %gt3A_1132, %broadcast_in_dim3A_1135, %broadcast_in_dim3A_1131 : vector<16xi1>, vector<16xi32>
    %gt3A_1137 = arith.cmpf ogt, %get3A_1109, %select_n3A_1133 : vector<16xf32>
    %select_n3A_1138 = arith.select %gt3A_1137, %get3A_1109, %select_n3A_1133 : vector<16xi1>, vector<16xf32>
    %jit3A_1139 = arith.constant 2 : i32
    %broadcast_in_dim3A_1140 = vector.broadcast %jit3A_1139 : i32 to vector<16xi32>
    %select_n3A_1141 = arith.select %gt3A_1137, %broadcast_in_dim3A_1140, %select_n3A_1136 : vector<16xi1>, vector<16xi32>
    %gt3A_1142 = arith.cmpf ogt, %get3A_1114, %select_n3A_1138 : vector<16xf32>
    %select_n3A_1143 = arith.select %gt3A_1142, %get3A_1114, %select_n3A_1138 : vector<16xi1>, vector<16xf32>
    %jit3A_1144 = arith.constant 3 : i32
    %broadcast_in_dim3A_1145 = vector.broadcast %jit3A_1144 : i32 to vector<16xi32>
    %select_n3A_1146 = arith.select %gt3A_1142, %broadcast_in_dim3A_1145, %select_n3A_1141 : vector<16xi1>, vector<16xi32>
    %gt3A_1147 = arith.cmpf ogt, %get3A_1119, %select_n3A_1143 : vector<16xf32>
    %select_n3A_1148 = arith.select %gt3A_1147, %get3A_1119, %select_n3A_1143 : vector<16xi1>, vector<16xf32>
    %jit3A_1149 = arith.constant 4 : i32
    %broadcast_in_dim3A_1150 = vector.broadcast %jit3A_1149 : i32 to vector<16xi32>
    %select_n3A_1151 = arith.select %gt3A_1147, %broadcast_in_dim3A_1150, %select_n3A_1146 : vector<16xi1>, vector<16xi32>
    %gt3A_1152 = arith.cmpf ogt, %get3A_1124, %select_n3A_1148 : vector<16xf32>
    %select_n3A_1153 = arith.select %gt3A_1152, %get3A_1124, %select_n3A_1148 : vector<16xi1>, vector<16xf32>
    %jit3A_1154 = arith.constant 5 : i32
    %broadcast_in_dim3A_1155 = vector.broadcast %jit3A_1154 : i32 to vector<16xi32>
    %select_n3A_1156 = arith.select %gt3A_1152, %broadcast_in_dim3A_1155, %select_n3A_1151 : vector<16xi1>, vector<16xi32>
    %gt3A_1157 = arith.cmpf ogt, %get3A_1129, %select_n3A_1153 : vector<16xf32>
    %select_n3A_1158 = arith.select %gt3A_1157, %get3A_1129, %select_n3A_1153 : vector<16xi1>, vector<16xf32>
    %jit3A_1159 = arith.constant 6 : i32
    %broadcast_in_dim3A_1160 = vector.broadcast %jit3A_1159 : i32 to vector<16xi32>
    %select_n3A_1161 = arith.select %gt3A_1157, %broadcast_in_dim3A_1160, %select_n3A_1156 : vector<16xi1>, vector<16xi32>
    %broadcast_in_dim3A_1162 = arith.constant -1.000000e+30 : f32
    %broadcast_in_dim3A_1163 = vector.broadcast %broadcast_in_dim3A_1162 : f32 to vector<16xf32>
    %broadcast_in_dim3A_1164 = arith.constant 7 : i32
    %broadcast_in_dim3A_1165 = vector.broadcast %broadcast_in_dim3A_1164 : i32 to vector<16xi32>
    %ne3A_1166 = arith.constant 0 : i32
    %ne3A_1167 = vector.broadcast %ne3A_1166 : i32 to vector<16xi32>
    %ne3A_1168 = arith.cmpi ne, %select_n3A_1161, %ne3A_1167 : vector<16xi32>
    %gt3A_1169 = arith.cmpf ogt, %get3A_1099, %broadcast_in_dim3A_1163 : vector<16xf32>
    %and3A_1170 = arith.andi %ne3A_1168, %gt3A_1169 : vector<16xi1>
    %select_n3A_1171 = arith.select %and3A_1170, %get3A_1099, %broadcast_in_dim3A_1163 : vector<16xi1>, vector<16xf32>
    %jit3A_1172 = arith.constant 0 : i32
    %broadcast_in_dim3A_1173 = vector.broadcast %jit3A_1172 : i32 to vector<16xi32>
    %select_n3A_1174 = arith.select %and3A_1170, %broadcast_in_dim3A_1173, %broadcast_in_dim3A_1165 : vector<16xi1>, vector<16xi32>
    %ne3A_1175 = arith.constant 1 : i32
    %ne3A_1176 = vector.broadcast %ne3A_1175 : i32 to vector<16xi32>
    %ne3A_1177 = arith.cmpi ne, %select_n3A_1161, %ne3A_1176 : vector<16xi32>
    %gt3A_1178 = arith.cmpf ogt, %get3A_1104, %select_n3A_1171 : vector<16xf32>
    %and3A_1179 = arith.andi %ne3A_1177, %gt3A_1178 : vector<16xi1>
    %select_n3A_1180 = arith.select %and3A_1179, %get3A_1104, %select_n3A_1171 : vector<16xi1>, vector<16xf32>
    %jit3A_1181 = arith.constant 1 : i32
    %broadcast_in_dim3A_1182 = vector.broadcast %jit3A_1181 : i32 to vector<16xi32>
    %select_n3A_1183 = arith.select %and3A_1179, %broadcast_in_dim3A_1182, %select_n3A_1174 : vector<16xi1>, vector<16xi32>
    %ne3A_1184 = arith.constant 2 : i32
    %ne3A_1185 = vector.broadcast %ne3A_1184 : i32 to vector<16xi32>
    %ne3A_1186 = arith.cmpi ne, %select_n3A_1161, %ne3A_1185 : vector<16xi32>
    %gt3A_1187 = arith.cmpf ogt, %get3A_1109, %select_n3A_1180 : vector<16xf32>
    %and3A_1188 = arith.andi %ne3A_1186, %gt3A_1187 : vector<16xi1>
    %select_n3A_1189 = arith.select %and3A_1188, %get3A_1109, %select_n3A_1180 : vector<16xi1>, vector<16xf32>
    %jit3A_1190 = arith.constant 2 : i32
    %broadcast_in_dim3A_1191 = vector.broadcast %jit3A_1190 : i32 to vector<16xi32>
    %select_n3A_1192 = arith.select %and3A_1188, %broadcast_in_dim3A_1191, %select_n3A_1183 : vector<16xi1>, vector<16xi32>
    %ne3A_1193 = arith.constant 3 : i32
    %ne3A_1194 = vector.broadcast %ne3A_1193 : i32 to vector<16xi32>
    %ne3A_1195 = arith.cmpi ne, %select_n3A_1161, %ne3A_1194 : vector<16xi32>
    %gt3A_1196 = arith.cmpf ogt, %get3A_1114, %select_n3A_1189 : vector<16xf32>
    %and3A_1197 = arith.andi %ne3A_1195, %gt3A_1196 : vector<16xi1>
    %select_n3A_1198 = arith.select %and3A_1197, %get3A_1114, %select_n3A_1189 : vector<16xi1>, vector<16xf32>
    %jit3A_1199 = arith.constant 3 : i32
    %broadcast_in_dim3A_1200 = vector.broadcast %jit3A_1199 : i32 to vector<16xi32>
    %select_n3A_1201 = arith.select %and3A_1197, %broadcast_in_dim3A_1200, %select_n3A_1192 : vector<16xi1>, vector<16xi32>
    %ne3A_1202 = arith.constant 4 : i32
    %ne3A_1203 = vector.broadcast %ne3A_1202 : i32 to vector<16xi32>
    %ne3A_1204 = arith.cmpi ne, %select_n3A_1161, %ne3A_1203 : vector<16xi32>
    %gt3A_1205 = arith.cmpf ogt, %get3A_1119, %select_n3A_1198 : vector<16xf32>
    %and3A_1206 = arith.andi %ne3A_1204, %gt3A_1205 : vector<16xi1>
    %select_n3A_1207 = arith.select %and3A_1206, %get3A_1119, %select_n3A_1198 : vector<16xi1>, vector<16xf32>
    %jit3A_1208 = arith.constant 4 : i32
    %broadcast_in_dim3A_1209 = vector.broadcast %jit3A_1208 : i32 to vector<16xi32>
    %select_n3A_1210 = arith.select %and3A_1206, %broadcast_in_dim3A_1209, %select_n3A_1201 : vector<16xi1>, vector<16xi32>
    %ne3A_1211 = arith.constant 5 : i32
    %ne3A_1212 = vector.broadcast %ne3A_1211 : i32 to vector<16xi32>
    %ne3A_1213 = arith.cmpi ne, %select_n3A_1161, %ne3A_1212 : vector<16xi32>
    %gt3A_1214 = arith.cmpf ogt, %get3A_1124, %select_n3A_1207 : vector<16xf32>
    %and3A_1215 = arith.andi %ne3A_1213, %gt3A_1214 : vector<16xi1>
    %select_n3A_1216 = arith.select %and3A_1215, %get3A_1124, %select_n3A_1207 : vector<16xi1>, vector<16xf32>
    %jit3A_1217 = arith.constant 5 : i32
    %broadcast_in_dim3A_1218 = vector.broadcast %jit3A_1217 : i32 to vector<16xi32>
    %select_n3A_1219 = arith.select %and3A_1215, %broadcast_in_dim3A_1218, %select_n3A_1210 : vector<16xi1>, vector<16xi32>
    %ne3A_1220 = arith.constant 6 : i32
    %ne3A_1221 = vector.broadcast %ne3A_1220 : i32 to vector<16xi32>
    %ne3A_1222 = arith.cmpi ne, %select_n3A_1161, %ne3A_1221 : vector<16xi32>
    %gt3A_1223 = arith.cmpf ogt, %get3A_1129, %select_n3A_1216 : vector<16xf32>
    %and3A_1224 = arith.andi %ne3A_1222, %gt3A_1223 : vector<16xi1>
    %select_n3A_1225 = arith.select %and3A_1224, %get3A_1129, %select_n3A_1216 : vector<16xi1>, vector<16xf32>
    %jit3A_1226 = arith.constant 6 : i32
    %broadcast_in_dim3A_1227 = vector.broadcast %jit3A_1226 : i32 to vector<16xi32>
    %select_n3A_1228 = arith.select %and3A_1224, %broadcast_in_dim3A_1227, %select_n3A_1219 : vector<16xi1>, vector<16xi32>
    %sub3A_1229 = arith.subf %select_n3A_1225, %select_n3A_1158 : vector<16xf32>
    %exp3A_1230 = math.exp %sub3A_1229 : vector<16xf32>
    %add3A_1231 = arith.constant 1.000000e+00 : f32
    %add3A_1232 = vector.broadcast %add3A_1231 : f32 to vector<16xf32>
    %add3A_1233 = arith.addf %add3A_1232, %exp3A_1230 : vector<16xf32>
    %div3A_1234 = arith.constant 1.000000e+00 : f32
    %div3A_1235 = vector.broadcast %div3A_1234 : f32 to vector<16xf32>
    %div3A_1236 = arith.divf %div3A_1235, %add3A_1233 : vector<16xf32>
    %div3A_1237 = arith.divf %exp3A_1230, %add3A_1233 : vector<16xf32>
    %eq3A_1238 = arith.constant 0 : i32
    %eq3A_1239 = vector.broadcast %eq3A_1238 : i32 to vector<16xi32>
    %eq3A_1240 = arith.cmpi eq, %select_n3A_1161, %eq3A_1239 : vector<16xi32>
    %jit3A_1241 = arith.constant 0.000000e+00 : f32
    %broadcast_in_dim3A_1242 = vector.broadcast %jit3A_1241 : f32 to vector<16xf32>
    %select_n3A_1243 = arith.select %eq3A_1240, %div3A_1236, %broadcast_in_dim3A_1242 : vector<16xi1>, vector<16xf32>
    %eq3A_1244 = arith.constant 0 : i32
    %eq3A_1245 = vector.broadcast %eq3A_1244 : i32 to vector<16xi32>
    %eq3A_1246 = arith.cmpi eq, %select_n3A_1228, %eq3A_1245 : vector<16xi32>
    %jit3A_1247 = arith.constant 0.000000e+00 : f32
    %broadcast_in_dim3A_1248 = vector.broadcast %jit3A_1247 : f32 to vector<16xf32>
    %select_n3A_1249 = arith.select %eq3A_1246, %div3A_1237, %broadcast_in_dim3A_1248 : vector<16xi1>, vector<16xf32>
    %add3A_1250 = arith.addf %select_n3A_1243, %select_n3A_1249 : vector<16xf32>
    %swap3A_1251 = arith.constant 0 : i32
    %swap3A_1252 = arith.index_cast %swap3A_1251 : i32 to index
    %swap3A_1253 = arith.constant 64 : index
    %swap3A_1254 = tpu.vector_load %arg5[%swap3A_1252, %swap3A_1253] {strides = array<i32>} : memref<7x256xf32, #tpu.memory_space<vmem>>, vector<1x16xf32>,
    %swap3A_1255 = vector.shape_cast %swap3A_1254 : vector<1x16xf32> to vector<16xf32>
    %swap3A_1256 = vector.shape_cast %add3A_1250 : vector<16xf32> to vector<1x16xf32>
    tpu.vector_store %arg5[%swap3A_1252, %swap3A_1253], %swap3A_1256 {strides = array<i32>} : memref<7x256xf32, #tpu.memory_space<vmem>>, vector<1x16xf32>,
    %eq3A_1257 = arith.constant 1 : i32
    %eq3A_1258 = vector.broadcast %eq3A_1257 : i32 to vector<16xi32>
    %eq3A_1259 = arith.cmpi eq, %select_n3A_1161, %eq3A_1258 : vector<16xi32>
    %jit3A_1260 = arith.constant 0.000000e+00 : f32
    %broadcast_in_dim3A_1261 = vector.broadcast %jit3A_1260 : f32 to vector<16xf32>
    %select_n3A_1262 = arith.select %eq3A_1259, %div3A_1236, %broadcast_in_dim3A_1261 : vector<16xi1>, vector<16xf32>
    %eq3A_1263 = arith.constant 1 : i32
    %eq3A_1264 = vector.broadcast %eq3A_1263 : i32 to vector<16xi32>
    %eq3A_1265 = arith.cmpi eq, %select_n3A_1228, %eq3A_1264 : vector<16xi32>
    %jit3A_1266 = arith.constant 0.000000e+00 : f32
    %broadcast_in_dim3A_1267 = vector.broadcast %jit3A_1266 : f32 to vector<16xf32>
    %select_n3A_1268 = arith.select %eq3A_1265, %div3A_1237, %broadcast_in_dim3A_1267 : vector<16xi1>, vector<16xf32>
    %add3A_1269 = arith.addf %select_n3A_1262, %select_n3A_1268 : vector<16xf32>
    %swap3A_1270 = arith.constant 1 : i32
    %swap3A_1271 = arith.index_cast %swap3A_1270 : i32 to index
    %swap3A_1272 = arith.constant 64 : index
    %swap3A_1273 = tpu.vector_load %arg5[%swap3A_1271, %swap3A_1272] {strides = array<i32>} : memref<7x256xf32, #tpu.memory_space<vmem>>, vector<1x16xf32>,
    %swap3A_1274 = vector.shape_cast %swap3A_1273 : vector<1x16xf32> to vector<16xf32>
    %swap3A_1275 = vector.shape_cast %add3A_1269 : vector<16xf32> to vector<1x16xf32>
    tpu.vector_store %arg5[%swap3A_1271, %swap3A_1272], %swap3A_1275 {strides = array<i32>} : memref<7x256xf32, #tpu.memory_space<vmem>>, vector<1x16xf32>,
    %eq3A_1276 = arith.constant 2 : i32
    %eq3A_1277 = vector.broadcast %eq3A_1276 : i32 to vector<16xi32>
    %eq3A_1278 = arith.cmpi eq, %select_n3A_1161, %eq3A_1277 : vector<16xi32>
    %jit3A_1279 = arith.constant 0.000000e+00 : f32
    %broadcast_in_dim3A_1280 = vector.broadcast %jit3A_1279 : f32 to vector<16xf32>
    %select_n3A_1281 = arith.select %eq3A_1278, %div3A_1236, %broadcast_in_dim3A_1280 : vector<16xi1>, vector<16xf32>
    %eq3A_1282 = arith.constant 2 : i32
    %eq3A_1283 = vector.broadcast %eq3A_1282 : i32 to vector<16xi32>
    %eq3A_1284 = arith.cmpi eq, %select_n3A_1228, %eq3A_1283 : vector<16xi32>
    %jit3A_1285 = arith.constant 0.000000e+00 : f32
    %broadcast_in_dim3A_1286 = vector.broadcast %jit3A_1285 : f32 to vector<16xf32>
    %select_n3A_1287 = arith.select %eq3A_1284, %div3A_1237, %broadcast_in_dim3A_1286 : vector<16xi1>, vector<16xf32>
    %add3A_1288 = arith.addf %select_n3A_1281, %select_n3A_1287 : vector<16xf32>
    %swap3A_1289 = arith.constant 2 : i32
    %swap3A_1290 = arith.index_cast %swap3A_1289 : i32 to index
    %swap3A_1291 = arith.constant 64 : index
    %swap3A_1292 = tpu.vector_load %arg5[%swap3A_1290, %swap3A_1291] {strides = array<i32>} : memref<7x256xf32, #tpu.memory_space<vmem>>, vector<1x16xf32>,
    %swap3A_1293 = vector.shape_cast %swap3A_1292 : vector<1x16xf32> to vector<16xf32>
    %swap3A_1294 = vector.shape_cast %add3A_1288 : vector<16xf32> to vector<1x16xf32>
    tpu.vector_store %arg5[%swap3A_1290, %swap3A_1291], %swap3A_1294 {strides = array<i32>} : memref<7x256xf32, #tpu.memory_space<vmem>>, vector<1x16xf32>,
    %eq3A_1295 = arith.constant 3 : i32
    %eq3A_1296 = vector.broadcast %eq3A_1295 : i32 to vector<16xi32>
    %eq3A_1297 = arith.cmpi eq, %select_n3A_1161, %eq3A_1296 : vector<16xi32>
    %jit3A_1298 = arith.constant 0.000000e+00 : f32
    %broadcast_in_dim3A_1299 = vector.broadcast %jit3A_1298 : f32 to vector<16xf32>
    %select_n3A_1300 = arith.select %eq3A_1297, %div3A_1236, %broadcast_in_dim3A_1299 : vector<16xi1>, vector<16xf32>
    %eq3A_1301 = arith.constant 3 : i32
    %eq3A_1302 = vector.broadcast %eq3A_1301 : i32 to vector<16xi32>
    %eq3A_1303 = arith.cmpi eq, %select_n3A_1228, %eq3A_1302 : vector<16xi32>
    %jit3A_1304 = arith.constant 0.000000e+00 : f32
    %broadcast_in_dim3A_1305 = vector.broadcast %jit3A_1304 : f32 to vector<16xf32>
    %select_n3A_1306 = arith.select %eq3A_1303, %div3A_1237, %broadcast_in_dim3A_1305 : vector<16xi1>, vector<16xf32>
    %add3A_1307 = arith.addf %select_n3A_1300, %select_n3A_1306 : vector<16xf32>
    %swap3A_1308 = arith.constant 3 : i32
    %swap3A_1309 = arith.index_cast %swap3A_1308 : i32 to index
    %swap3A_1310 = arith.constant 64 : index
    %swap3A_1311 = tpu.vector_load %arg5[%swap3A_1309, %swap3A_1310] {strides = array<i32>} : memref<7x256xf32, #tpu.memory_space<vmem>>, vector<1x16xf32>,
    %swap3A_1312 = vector.shape_cast %swap3A_1311 : vector<1x16xf32> to vector<16xf32>
    %swap3A_1313 = vector.shape_cast %add3A_1307 : vector<16xf32> to vector<1x16xf32>
    tpu.vector_store %arg5[%swap3A_1309, %swap3A_1310], %swap3A_1313 {strides = array<i32>} : memref<7x256xf32, #tpu.memory_space<vmem>>, vector<1x16xf32>,
    %eq3A_1314 = arith.constant 4 : i32
    %eq3A_1315 = vector.broadcast %eq3A_1314 : i32 to vector<16xi32>
    %eq3A_1316 = arith.cmpi eq, %select_n3A_1161, %eq3A_1315 : vector<16xi32>
    %jit3A_1317 = arith.constant 0.000000e+00 : f32
    %broadcast_in_dim3A_1318 = vector.broadcast %jit3A_1317 : f32 to vector<16xf32>
    %select_n3A_1319 = arith.select %eq3A_1316, %div3A_1236, %broadcast_in_dim3A_1318 : vector<16xi1>, vector<16xf32>
    %eq3A_1320 = arith.constant 4 : i32
    %eq3A_1321 = vector.broadcast %eq3A_1320 : i32 to vector<16xi32>
    %eq3A_1322 = arith.cmpi eq, %select_n3A_1228, %eq3A_1321 : vector<16xi32>
    %jit3A_1323 = arith.constant 0.000000e+00 : f32
    %broadcast_in_dim3A_1324 = vector.broadcast %jit3A_1323 : f32 to vector<16xf32>
    %select_n3A_1325 = arith.select %eq3A_1322, %div3A_1237, %broadcast_in_dim3A_1324 : vector<16xi1>, vector<16xf32>
    %add3A_1326 = arith.addf %select_n3A_1319, %select_n3A_1325 : vector<16xf32>
    %swap3A_1327 = arith.constant 4 : i32
    %swap3A_1328 = arith.index_cast %swap3A_1327 : i32 to index
    %swap3A_1329 = arith.constant 64 : index
    %swap3A_1330 = tpu.vector_load %arg5[%swap3A_1328, %swap3A_1329] {strides = array<i32>} : memref<7x256xf32, #tpu.memory_space<vmem>>, vector<1x16xf32>,
    %swap3A_1331 = vector.shape_cast %swap3A_1330 : vector<1x16xf32> to vector<16xf32>
    %swap3A_1332 = vector.shape_cast %add3A_1326 : vector<16xf32> to vector<1x16xf32>
    tpu.vector_store %arg5[%swap3A_1328, %swap3A_1329], %swap3A_1332 {strides = array<i32>} : memref<7x256xf32, #tpu.memory_space<vmem>>, vector<1x16xf32>,
    %eq3A_1333 = arith.constant 5 : i32
    %eq3A_1334 = vector.broadcast %eq3A_1333 : i32 to vector<16xi32>
    %eq3A_1335 = arith.cmpi eq, %select_n3A_1161, %eq3A_1334 : vector<16xi32>
    %jit3A_1336 = arith.constant 0.000000e+00 : f32
    %broadcast_in_dim3A_1337 = vector.broadcast %jit3A_1336 : f32 to vector<16xf32>
    %select_n3A_1338 = arith.select %eq3A_1335, %div3A_1236, %broadcast_in_dim3A_1337 : vector<16xi1>, vector<16xf32>
    %eq3A_1339 = arith.constant 5 : i32
    %eq3A_1340 = vector.broadcast %eq3A_1339 : i32 to vector<16xi32>
    %eq3A_1341 = arith.cmpi eq, %select_n3A_1228, %eq3A_1340 : vector<16xi32>
    %jit3A_1342 = arith.constant 0.000000e+00 : f32
    %broadcast_in_dim3A_1343 = vector.broadcast %jit3A_1342 : f32 to vector<16xf32>
    %select_n3A_1344 = arith.select %eq3A_1341, %div3A_1237, %broadcast_in_dim3A_1343 : vector<16xi1>, vector<16xf32>
    %add3A_1345 = arith.addf %select_n3A_1338, %select_n3A_1344 : vector<16xf32>
    %swap3A_1346 = arith.constant 5 : i32
    %swap3A_1347 = arith.index_cast %swap3A_1346 : i32 to index
    %swap3A_1348 = arith.constant 64 : index
    %swap3A_1349 = tpu.vector_load %arg5[%swap3A_1347, %swap3A_1348] {strides = array<i32>} : memref<7x256xf32, #tpu.memory_space<vmem>>, vector<1x16xf32>,
    %swap3A_1350 = vector.shape_cast %swap3A_1349 : vector<1x16xf32> to vector<16xf32>
    %swap3A_1351 = vector.shape_cast %add3A_1345 : vector<16xf32> to vector<1x16xf32>
    tpu.vector_store %arg5[%swap3A_1347, %swap3A_1348], %swap3A_1351 {strides = array<i32>} : memref<7x256xf32, #tpu.memory_space<vmem>>, vector<1x16xf32>,
    %eq3A_1352 = arith.constant 6 : i32
    %eq3A_1353 = vector.broadcast %eq3A_1352 : i32 to vector<16xi32>
    %eq3A_1354 = arith.cmpi eq, %select_n3A_1161, %eq3A_1353 : vector<16xi32>
    %jit3A_1355 = arith.constant 0.000000e+00 : f32
    %broadcast_in_dim3A_1356 = vector.broadcast %jit3A_1355 : f32 to vector<16xf32>
    %select_n3A_1357 = arith.select %eq3A_1354, %div3A_1236, %broadcast_in_dim3A_1356 : vector<16xi1>, vector<16xf32>
    %eq3A_1358 = arith.constant 6 : i32
    %eq3A_1359 = vector.broadcast %eq3A_1358 : i32 to vector<16xi32>
    %eq3A_1360 = arith.cmpi eq, %select_n3A_1228, %eq3A_1359 : vector<16xi32>
    %jit3A_1361 = arith.constant 0.000000e+00 : f32
    %broadcast_in_dim3A_1362 = vector.broadcast %jit3A_1361 : f32 to vector<16xf32>
    %select_n3A_1363 = arith.select %eq3A_1360, %div3A_1237, %broadcast_in_dim3A_1362 : vector<16xi1>, vector<16xf32>
    %add3A_1364 = arith.addf %select_n3A_1357, %select_n3A_1363 : vector<16xf32>
    %swap3A_1365 = arith.constant 6 : i32
    %swap3A_1366 = arith.index_cast %swap3A_1365 : i32 to index
    %swap3A_1367 = arith.constant 64 : index
    %swap3A_1368 = tpu.vector_load %arg5[%swap3A_1366, %swap3A_1367] {strides = array<i32>} : memref<7x256xf32, #tpu.memory_space<vmem>>, vector<1x16xf32>,
    %swap3A_1369 = vector.shape_cast %swap3A_1368 : vector<1x16xf32> to vector<16xf32>
    %swap3A_1370 = vector.shape_cast %add3A_1364 : vector<16xf32> to vector<1x16xf32>
    tpu.vector_store %arg5[%swap3A_1366, %swap3A_1367], %swap3A_1370 {strides = array<i32>} : memref<7x256xf32, #tpu.memory_space<vmem>>, vector<1x16xf32>,
    %get3A_1371 = arith.constant 0 : i32
    %get3A_1372 = arith.index_cast %get3A_1371 : i32 to index
    %get3A_1373 = arith.constant 80 : index
    %get3A_1374 = tpu.vector_load %arg4[%get3A_1372, %get3A_1373] {strides = array<i32>} : memref<7x256xf32, #tpu.memory_space<vmem>>, vector<1x16xf32>,
    %get3A_1375 = vector.shape_cast %get3A_1374 : vector<1x16xf32> to vector<16xf32>
    %get3A_1376 = arith.constant 1 : i32
    %get3A_1377 = arith.index_cast %get3A_1376 : i32 to index
    %get3A_1378 = arith.constant 80 : index
    %get3A_1379 = tpu.vector_load %arg4[%get3A_1377, %get3A_1378] {strides = array<i32>} : memref<7x256xf32, #tpu.memory_space<vmem>>, vector<1x16xf32>,
    %get3A_1380 = vector.shape_cast %get3A_1379 : vector<1x16xf32> to vector<16xf32>
    %get3A_1381 = arith.constant 2 : i32
    %get3A_1382 = arith.index_cast %get3A_1381 : i32 to index
    %get3A_1383 = arith.constant 80 : index
    %get3A_1384 = tpu.vector_load %arg4[%get3A_1382, %get3A_1383] {strides = array<i32>} : memref<7x256xf32, #tpu.memory_space<vmem>>, vector<1x16xf32>,
    %get3A_1385 = vector.shape_cast %get3A_1384 : vector<1x16xf32> to vector<16xf32>
    %get3A_1386 = arith.constant 3 : i32
    %get3A_1387 = arith.index_cast %get3A_1386 : i32 to index
    %get3A_1388 = arith.constant 80 : index
    %get3A_1389 = tpu.vector_load %arg4[%get3A_1387, %get3A_1388] {strides = array<i32>} : memref<7x256xf32, #tpu.memory_space<vmem>>, vector<1x16xf32>,
    %get3A_1390 = vector.shape_cast %get3A_1389 : vector<1x16xf32> to vector<16xf32>
    %get3A_1391 = arith.constant 4 : i32
    %get3A_1392 = arith.index_cast %get3A_1391 : i32 to index
    %get3A_1393 = arith.constant 80 : index
    %get3A_1394 = tpu.vector_load %arg4[%get3A_1392, %get3A_1393] {strides = array<i32>} : memref<7x256xf32, #tpu.memory_space<vmem>>, vector<1x16xf32>,
    %get3A_1395 = vector.shape_cast %get3A_1394 : vector<1x16xf32> to vector<16xf32>
    %get3A_1396 = arith.constant 5 : i32
    %get3A_1397 = arith.index_cast %get3A_1396 : i32 to index
    %get3A_1398 = arith.constant 80 : index
    %get3A_1399 = tpu.vector_load %arg4[%get3A_1397, %get3A_1398] {strides = array<i32>} : memref<7x256xf32, #tpu.memory_space<vmem>>, vector<1x16xf32>,
    %get3A_1400 = vector.shape_cast %get3A_1399 : vector<1x16xf32> to vector<16xf32>
    %get3A_1401 = arith.constant 6 : i32
    %get3A_1402 = arith.index_cast %get3A_1401 : i32 to index
    %get3A_1403 = arith.constant 80 : index
    %get3A_1404 = tpu.vector_load %arg4[%get3A_1402, %get3A_1403] {strides = array<i32>} : memref<7x256xf32, #tpu.memory_space<vmem>>, vector<1x16xf32>,
    %get3A_1405 = vector.shape_cast %get3A_1404 : vector<1x16xf32> to vector<16xf32>
    %broadcast_in_dim3A_1406 = arith.constant 0 : i32
    %broadcast_in_dim3A_1407 = vector.broadcast %broadcast_in_dim3A_1406 : i32 to vector<16xi32>
    %gt3A_1408 = arith.cmpf ogt, %get3A_1380, %get3A_1375 : vector<16xf32>
    %select_n3A_1409 = arith.select %gt3A_1408, %get3A_1380, %get3A_1375 : vector<16xi1>, vector<16xf32>
    %jit3A_1410 = arith.constant 1 : i32
    %broadcast_in_dim3A_1411 = vector.broadcast %jit3A_1410 : i32 to vector<16xi32>
    %select_n3A_1412 = arith.select %gt3A_1408, %broadcast_in_dim3A_1411, %broadcast_in_dim3A_1407 : vector<16xi1>, vector<16xi32>
    %gt3A_1413 = arith.cmpf ogt, %get3A_1385, %select_n3A_1409 : vector<16xf32>
    %select_n3A_1414 = arith.select %gt3A_1413, %get3A_1385, %select_n3A_1409 : vector<16xi1>, vector<16xf32>
    %jit3A_1415 = arith.constant 2 : i32
    %broadcast_in_dim3A_1416 = vector.broadcast %jit3A_1415 : i32 to vector<16xi32>
    %select_n3A_1417 = arith.select %gt3A_1413, %broadcast_in_dim3A_1416, %select_n3A_1412 : vector<16xi1>, vector<16xi32>
    %gt3A_1418 = arith.cmpf ogt, %get3A_1390, %select_n3A_1414 : vector<16xf32>
    %select_n3A_1419 = arith.select %gt3A_1418, %get3A_1390, %select_n3A_1414 : vector<16xi1>, vector<16xf32>
    %jit3A_1420 = arith.constant 3 : i32
    %broadcast_in_dim3A_1421 = vector.broadcast %jit3A_1420 : i32 to vector<16xi32>
    %select_n3A_1422 = arith.select %gt3A_1418, %broadcast_in_dim3A_1421, %select_n3A_1417 : vector<16xi1>, vector<16xi32>
    %gt3A_1423 = arith.cmpf ogt, %get3A_1395, %select_n3A_1419 : vector<16xf32>
    %select_n3A_1424 = arith.select %gt3A_1423, %get3A_1395, %select_n3A_1419 : vector<16xi1>, vector<16xf32>
    %jit3A_1425 = arith.constant 4 : i32
    %broadcast_in_dim3A_1426 = vector.broadcast %jit3A_1425 : i32 to vector<16xi32>
    %select_n3A_1427 = arith.select %gt3A_1423, %broadcast_in_dim3A_1426, %select_n3A_1422 : vector<16xi1>, vector<16xi32>
    %gt3A_1428 = arith.cmpf ogt, %get3A_1400, %select_n3A_1424 : vector<16xf32>
    %select_n3A_1429 = arith.select %gt3A_1428, %get3A_1400, %select_n3A_1424 : vector<16xi1>, vector<16xf32>
    %jit3A_1430 = arith.constant 5 : i32
    %broadcast_in_dim3A_1431 = vector.broadcast %jit3A_1430 : i32 to vector<16xi32>
    %select_n3A_1432 = arith.select %gt3A_1428, %broadcast_in_dim3A_1431, %select_n3A_1427 : vector<16xi1>, vector<16xi32>
    %gt3A_1433 = arith.cmpf ogt, %get3A_1405, %select_n3A_1429 : vector<16xf32>
    %select_n3A_1434 = arith.select %gt3A_1433, %get3A_1405, %select_n3A_1429 : vector<16xi1>, vector<16xf32>
    %jit3A_1435 = arith.constant 6 : i32
    %broadcast_in_dim3A_1436 = vector.broadcast %jit3A_1435 : i32 to vector<16xi32>
    %select_n3A_1437 = arith.select %gt3A_1433, %broadcast_in_dim3A_1436, %select_n3A_1432 : vector<16xi1>, vector<16xi32>
    %broadcast_in_dim3A_1438 = arith.constant -1.000000e+30 : f32
    %broadcast_in_dim3A_1439 = vector.broadcast %broadcast_in_dim3A_1438 : f32 to vector<16xf32>
    %broadcast_in_dim3A_1440 = arith.constant 7 : i32
    %broadcast_in_dim3A_1441 = vector.broadcast %broadcast_in_dim3A_1440 : i32 to vector<16xi32>
    %ne3A_1442 = arith.constant 0 : i32
    %ne3A_1443 = vector.broadcast %ne3A_1442 : i32 to vector<16xi32>
    %ne3A_1444 = arith.cmpi ne, %select_n3A_1437, %ne3A_1443 : vector<16xi32>
    %gt3A_1445 = arith.cmpf ogt, %get3A_1375, %broadcast_in_dim3A_1439 : vector<16xf32>
    %and3A_1446 = arith.andi %ne3A_1444, %gt3A_1445 : vector<16xi1>
    %select_n3A_1447 = arith.select %and3A_1446, %get3A_1375, %broadcast_in_dim3A_1439 : vector<16xi1>, vector<16xf32>
    %jit3A_1448 = arith.constant 0 : i32
    %broadcast_in_dim3A_1449 = vector.broadcast %jit3A_1448 : i32 to vector<16xi32>
    %select_n3A_1450 = arith.select %and3A_1446, %broadcast_in_dim3A_1449, %broadcast_in_dim3A_1441 : vector<16xi1>, vector<16xi32>
    %ne3A_1451 = arith.constant 1 : i32
    %ne3A_1452 = vector.broadcast %ne3A_1451 : i32 to vector<16xi32>
    %ne3A_1453 = arith.cmpi ne, %select_n3A_1437, %ne3A_1452 : vector<16xi32>
    %gt3A_1454 = arith.cmpf ogt, %get3A_1380, %select_n3A_1447 : vector<16xf32>
    %and3A_1455 = arith.andi %ne3A_1453, %gt3A_1454 : vector<16xi1>
    %select_n3A_1456 = arith.select %and3A_1455, %get3A_1380, %select_n3A_1447 : vector<16xi1>, vector<16xf32>
    %jit3A_1457 = arith.constant 1 : i32
    %broadcast_in_dim3A_1458 = vector.broadcast %jit3A_1457 : i32 to vector<16xi32>
    %select_n3A_1459 = arith.select %and3A_1455, %broadcast_in_dim3A_1458, %select_n3A_1450 : vector<16xi1>, vector<16xi32>
    %ne3A_1460 = arith.constant 2 : i32
    %ne3A_1461 = vector.broadcast %ne3A_1460 : i32 to vector<16xi32>
    %ne3A_1462 = arith.cmpi ne, %select_n3A_1437, %ne3A_1461 : vector<16xi32>
    %gt3A_1463 = arith.cmpf ogt, %get3A_1385, %select_n3A_1456 : vector<16xf32>
    %and3A_1464 = arith.andi %ne3A_1462, %gt3A_1463 : vector<16xi1>
    %select_n3A_1465 = arith.select %and3A_1464, %get3A_1385, %select_n3A_1456 : vector<16xi1>, vector<16xf32>
    %jit3A_1466 = arith.constant 2 : i32
    %broadcast_in_dim3A_1467 = vector.broadcast %jit3A_1466 : i32 to vector<16xi32>
    %select_n3A_1468 = arith.select %and3A_1464, %broadcast_in_dim3A_1467, %select_n3A_1459 : vector<16xi1>, vector<16xi32>
    %ne3A_1469 = arith.constant 3 : i32
    %ne3A_1470 = vector.broadcast %ne3A_1469 : i32 to vector<16xi32>
    %ne3A_1471 = arith.cmpi ne, %select_n3A_1437, %ne3A_1470 : vector<16xi32>
    %gt3A_1472 = arith.cmpf ogt, %get3A_1390, %select_n3A_1465 : vector<16xf32>
    %and3A_1473 = arith.andi %ne3A_1471, %gt3A_1472 : vector<16xi1>
    %select_n3A_1474 = arith.select %and3A_1473, %get3A_1390, %select_n3A_1465 : vector<16xi1>, vector<16xf32>
    %jit3A_1475 = arith.constant 3 : i32
    %broadcast_in_dim3A_1476 = vector.broadcast %jit3A_1475 : i32 to vector<16xi32>
    %select_n3A_1477 = arith.select %and3A_1473, %broadcast_in_dim3A_1476, %select_n3A_1468 : vector<16xi1>, vector<16xi32>
    %ne3A_1478 = arith.constant 4 : i32
    %ne3A_1479 = vector.broadcast %ne3A_1478 : i32 to vector<16xi32>
    %ne3A_1480 = arith.cmpi ne, %select_n3A_1437, %ne3A_1479 : vector<16xi32>
    %gt3A_1481 = arith.cmpf ogt, %get3A_1395, %select_n3A_1474 : vector<16xf32>
    %and3A_1482 = arith.andi %ne3A_1480, %gt3A_1481 : vector<16xi1>
    %select_n3A_1483 = arith.select %and3A_1482, %get3A_1395, %select_n3A_1474 : vector<16xi1>, vector<16xf32>
    %jit3A_1484 = arith.constant 4 : i32
    %broadcast_in_dim3A_1485 = vector.broadcast %jit3A_1484 : i32 to vector<16xi32>
    %select_n3A_1486 = arith.select %and3A_1482, %broadcast_in_dim3A_1485, %select_n3A_1477 : vector<16xi1>, vector<16xi32>
    %ne3A_1487 = arith.constant 5 : i32
    %ne3A_1488 = vector.broadcast %ne3A_1487 : i32 to vector<16xi32>
    %ne3A_1489 = arith.cmpi ne, %select_n3A_1437, %ne3A_1488 : vector<16xi32>
    %gt3A_1490 = arith.cmpf ogt, %get3A_1400, %select_n3A_1483 : vector<16xf32>
    %and3A_1491 = arith.andi %ne3A_1489, %gt3A_1490 : vector<16xi1>
    %select_n3A_1492 = arith.select %and3A_1491, %get3A_1400, %select_n3A_1483 : vector<16xi1>, vector<16xf32>
    %jit3A_1493 = arith.constant 5 : i32
    %broadcast_in_dim3A_1494 = vector.broadcast %jit3A_1493 : i32 to vector<16xi32>
    %select_n3A_1495 = arith.select %and3A_1491, %broadcast_in_dim3A_1494, %select_n3A_1486 : vector<16xi1>, vector<16xi32>
    %ne3A_1496 = arith.constant 6 : i32
    %ne3A_1497 = vector.broadcast %ne3A_1496 : i32 to vector<16xi32>
    %ne3A_1498 = arith.cmpi ne, %select_n3A_1437, %ne3A_1497 : vector<16xi32>
    %gt3A_1499 = arith.cmpf ogt, %get3A_1405, %select_n3A_1492 : vector<16xf32>
    %and3A_1500 = arith.andi %ne3A_1498, %gt3A_1499 : vector<16xi1>
    %select_n3A_1501 = arith.select %and3A_1500, %get3A_1405, %select_n3A_1492 : vector<16xi1>, vector<16xf32>
    %jit3A_1502 = arith.constant 6 : i32
    %broadcast_in_dim3A_1503 = vector.broadcast %jit3A_1502 : i32 to vector<16xi32>
    %select_n3A_1504 = arith.select %and3A_1500, %broadcast_in_dim3A_1503, %select_n3A_1495 : vector<16xi1>, vector<16xi32>
    %sub3A_1505 = arith.subf %select_n3A_1501, %select_n3A_1434 : vector<16xf32>
    %exp3A_1506 = math.exp %sub3A_1505 : vector<16xf32>
    %add3A_1507 = arith.constant 1.000000e+00 : f32
    %add3A_1508 = vector.broadcast %add3A_1507 : f32 to vector<16xf32>
    %add3A_1509 = arith.addf %add3A_1508, %exp3A_1506 : vector<16xf32>
    %div3A_1510 = arith.constant 1.000000e+00 : f32
    %div3A_1511 = vector.broadcast %div3A_1510 : f32 to vector<16xf32>
    %div3A_1512 = arith.divf %div3A_1511, %add3A_1509 : vector<16xf32>
    %div3A_1513 = arith.divf %exp3A_1506, %add3A_1509 : vector<16xf32>
    %eq3A_1514 = arith.constant 0 : i32
    %eq3A_1515 = vector.broadcast %eq3A_1514 : i32 to vector<16xi32>
    %eq3A_1516 = arith.cmpi eq, %select_n3A_1437, %eq3A_1515 : vector<16xi32>
    %jit3A_1517 = arith.constant 0.000000e+00 : f32
    %broadcast_in_dim3A_1518 = vector.broadcast %jit3A_1517 : f32 to vector<16xf32>
    %select_n3A_1519 = arith.select %eq3A_1516, %div3A_1512, %broadcast_in_dim3A_1518 : vector<16xi1>, vector<16xf32>
    %eq3A_1520 = arith.constant 0 : i32
    %eq3A_1521 = vector.broadcast %eq3A_1520 : i32 to vector<16xi32>
    %eq3A_1522 = arith.cmpi eq, %select_n3A_1504, %eq3A_1521 : vector<16xi32>
    %jit3A_1523 = arith.constant 0.000000e+00 : f32
    %broadcast_in_dim3A_1524 = vector.broadcast %jit3A_1523 : f32 to vector<16xf32>
    %select_n3A_1525 = arith.select %eq3A_1522, %div3A_1513, %broadcast_in_dim3A_1524 : vector<16xi1>, vector<16xf32>
    %add3A_1526 = arith.addf %select_n3A_1519, %select_n3A_1525 : vector<16xf32>
    %swap3A_1527 = arith.constant 0 : i32
    %swap3A_1528 = arith.index_cast %swap3A_1527 : i32 to index
    %swap3A_1529 = arith.constant 80 : index
    %swap3A_1530 = tpu.vector_load %arg5[%swap3A_1528, %swap3A_1529] {strides = array<i32>} : memref<7x256xf32, #tpu.memory_space<vmem>>, vector<1x16xf32>,
    %swap3A_1531 = vector.shape_cast %swap3A_1530 : vector<1x16xf32> to vector<16xf32>
    %swap3A_1532 = vector.shape_cast %add3A_1526 : vector<16xf32> to vector<1x16xf32>
    tpu.vector_store %arg5[%swap3A_1528, %swap3A_1529], %swap3A_1532 {strides = array<i32>} : memref<7x256xf32, #tpu.memory_space<vmem>>, vector<1x16xf32>,
    %eq3A_1533 = arith.constant 1 : i32
    %eq3A_1534 = vector.broadcast %eq3A_1533 : i32 to vector<16xi32>
    %eq3A_1535 = arith.cmpi eq, %select_n3A_1437, %eq3A_1534 : vector<16xi32>
    %jit3A_1536 = arith.constant 0.000000e+00 : f32
    %broadcast_in_dim3A_1537 = vector.broadcast %jit3A_1536 : f32 to vector<16xf32>
    %select_n3A_1538 = arith.select %eq3A_1535, %div3A_1512, %broadcast_in_dim3A_1537 : vector<16xi1>, vector<16xf32>
    %eq3A_1539 = arith.constant 1 : i32
    %eq3A_1540 = vector.broadcast %eq3A_1539 : i32 to vector<16xi32>
    %eq3A_1541 = arith.cmpi eq, %select_n3A_1504, %eq3A_1540 : vector<16xi32>
    %jit3A_1542 = arith.constant 0.000000e+00 : f32
    %broadcast_in_dim3A_1543 = vector.broadcast %jit3A_1542 : f32 to vector<16xf32>
    %select_n3A_1544 = arith.select %eq3A_1541, %div3A_1513, %broadcast_in_dim3A_1543 : vector<16xi1>, vector<16xf32>
    %add3A_1545 = arith.addf %select_n3A_1538, %select_n3A_1544 : vector<16xf32>
    %swap3A_1546 = arith.constant 1 : i32
    %swap3A_1547 = arith.index_cast %swap3A_1546 : i32 to index
    %swap3A_1548 = arith.constant 80 : index
    %swap3A_1549 = tpu.vector_load %arg5[%swap3A_1547, %swap3A_1548] {strides = array<i32>} : memref<7x256xf32, #tpu.memory_space<vmem>>, vector<1x16xf32>,
    %swap3A_1550 = vector.shape_cast %swap3A_1549 : vector<1x16xf32> to vector<16xf32>
    %swap3A_1551 = vector.shape_cast %add3A_1545 : vector<16xf32> to vector<1x16xf32>
    tpu.vector_store %arg5[%swap3A_1547, %swap3A_1548], %swap3A_1551 {strides = array<i32>} : memref<7x256xf32, #tpu.memory_space<vmem>>, vector<1x16xf32>,
    %eq3A_1552 = arith.constant 2 : i32
    %eq3A_1553 = vector.broadcast %eq3A_1552 : i32 to vector<16xi32>
    %eq3A_1554 = arith.cmpi eq, %select_n3A_1437, %eq3A_1553 : vector<16xi32>
    %jit3A_1555 = arith.constant 0.000000e+00 : f32
    %broadcast_in_dim3A_1556 = vector.broadcast %jit3A_1555 : f32 to vector<16xf32>
    %select_n3A_1557 = arith.select %eq3A_1554, %div3A_1512, %broadcast_in_dim3A_1556 : vector<16xi1>, vector<16xf32>
    %eq3A_1558 = arith.constant 2 : i32
    %eq3A_1559 = vector.broadcast %eq3A_1558 : i32 to vector<16xi32>
    %eq3A_1560 = arith.cmpi eq, %select_n3A_1504, %eq3A_1559 : vector<16xi32>
    %jit3A_1561 = arith.constant 0.000000e+00 : f32
    %broadcast_in_dim3A_1562 = vector.broadcast %jit3A_1561 : f32 to vector<16xf32>
    %select_n3A_1563 = arith.select %eq3A_1560, %div3A_1513, %broadcast_in_dim3A_1562 : vector<16xi1>, vector<16xf32>
    %add3A_1564 = arith.addf %select_n3A_1557, %select_n3A_1563 : vector<16xf32>
    %swap3A_1565 = arith.constant 2 : i32
    %swap3A_1566 = arith.index_cast %swap3A_1565 : i32 to index
    %swap3A_1567 = arith.constant 80 : index
    %swap3A_1568 = tpu.vector_load %arg5[%swap3A_1566, %swap3A_1567] {strides = array<i32>} : memref<7x256xf32, #tpu.memory_space<vmem>>, vector<1x16xf32>,
    %swap3A_1569 = vector.shape_cast %swap3A_1568 : vector<1x16xf32> to vector<16xf32>
    %swap3A_1570 = vector.shape_cast %add3A_1564 : vector<16xf32> to vector<1x16xf32>
    tpu.vector_store %arg5[%swap3A_1566, %swap3A_1567], %swap3A_1570 {strides = array<i32>} : memref<7x256xf32, #tpu.memory_space<vmem>>, vector<1x16xf32>,
    %eq3A_1571 = arith.constant 3 : i32
    %eq3A_1572 = vector.broadcast %eq3A_1571 : i32 to vector<16xi32>
    %eq3A_1573 = arith.cmpi eq, %select_n3A_1437, %eq3A_1572 : vector<16xi32>
    %jit3A_1574 = arith.constant 0.000000e+00 : f32
    %broadcast_in_dim3A_1575 = vector.broadcast %jit3A_1574 : f32 to vector<16xf32>
    %select_n3A_1576 = arith.select %eq3A_1573, %div3A_1512, %broadcast_in_dim3A_1575 : vector<16xi1>, vector<16xf32>
    %eq3A_1577 = arith.constant 3 : i32
    %eq3A_1578 = vector.broadcast %eq3A_1577 : i32 to vector<16xi32>
    %eq3A_1579 = arith.cmpi eq, %select_n3A_1504, %eq3A_1578 : vector<16xi32>
    %jit3A_1580 = arith.constant 0.000000e+00 : f32
    %broadcast_in_dim3A_1581 = vector.broadcast %jit3A_1580 : f32 to vector<16xf32>
    %select_n3A_1582 = arith.select %eq3A_1579, %div3A_1513, %broadcast_in_dim3A_1581 : vector<16xi1>, vector<16xf32>
    %add3A_1583 = arith.addf %select_n3A_1576, %select_n3A_1582 : vector<16xf32>
    %swap3A_1584 = arith.constant 3 : i32
    %swap3A_1585 = arith.index_cast %swap3A_1584 : i32 to index
    %swap3A_1586 = arith.constant 80 : index
    %swap3A_1587 = tpu.vector_load %arg5[%swap3A_1585, %swap3A_1586] {strides = array<i32>} : memref<7x256xf32, #tpu.memory_space<vmem>>, vector<1x16xf32>,
    %swap3A_1588 = vector.shape_cast %swap3A_1587 : vector<1x16xf32> to vector<16xf32>
    %swap3A_1589 = vector.shape_cast %add3A_1583 : vector<16xf32> to vector<1x16xf32>
    tpu.vector_store %arg5[%swap3A_1585, %swap3A_1586], %swap3A_1589 {strides = array<i32>} : memref<7x256xf32, #tpu.memory_space<vmem>>, vector<1x16xf32>,
    %eq3A_1590 = arith.constant 4 : i32
    %eq3A_1591 = vector.broadcast %eq3A_1590 : i32 to vector<16xi32>
    %eq3A_1592 = arith.cmpi eq, %select_n3A_1437, %eq3A_1591 : vector<16xi32>
    %jit3A_1593 = arith.constant 0.000000e+00 : f32
    %broadcast_in_dim3A_1594 = vector.broadcast %jit3A_1593 : f32 to vector<16xf32>
    %select_n3A_1595 = arith.select %eq3A_1592, %div3A_1512, %broadcast_in_dim3A_1594 : vector<16xi1>, vector<16xf32>
    %eq3A_1596 = arith.constant 4 : i32
    %eq3A_1597 = vector.broadcast %eq3A_1596 : i32 to vector<16xi32>
    %eq3A_1598 = arith.cmpi eq, %select_n3A_1504, %eq3A_1597 : vector<16xi32>
    %jit3A_1599 = arith.constant 0.000000e+00 : f32
    %broadcast_in_dim3A_1600 = vector.broadcast %jit3A_1599 : f32 to vector<16xf32>
    %select_n3A_1601 = arith.select %eq3A_1598, %div3A_1513, %broadcast_in_dim3A_1600 : vector<16xi1>, vector<16xf32>
    %add3A_1602 = arith.addf %select_n3A_1595, %select_n3A_1601 : vector<16xf32>
    %swap3A_1603 = arith.constant 4 : i32
    %swap3A_1604 = arith.index_cast %swap3A_1603 : i32 to index
    %swap3A_1605 = arith.constant 80 : index
    %swap3A_1606 = tpu.vector_load %arg5[%swap3A_1604, %swap3A_1605] {strides = array<i32>} : memref<7x256xf32, #tpu.memory_space<vmem>>, vector<1x16xf32>,
    %swap3A_1607 = vector.shape_cast %swap3A_1606 : vector<1x16xf32> to vector<16xf32>
    %swap3A_1608 = vector.shape_cast %add3A_1602 : vector<16xf32> to vector<1x16xf32>
    tpu.vector_store %arg5[%swap3A_1604, %swap3A_1605], %swap3A_1608 {strides = array<i32>} : memref<7x256xf32, #tpu.memory_space<vmem>>, vector<1x16xf32>,
    %eq3A_1609 = arith.constant 5 : i32
    %eq3A_1610 = vector.broadcast %eq3A_1609 : i32 to vector<16xi32>
    %eq3A_1611 = arith.cmpi eq, %select_n3A_1437, %eq3A_1610 : vector<16xi32>
    %jit3A_1612 = arith.constant 0.000000e+00 : f32
    %broadcast_in_dim3A_1613 = vector.broadcast %jit3A_1612 : f32 to vector<16xf32>
    %select_n3A_1614 = arith.select %eq3A_1611, %div3A_1512, %broadcast_in_dim3A_1613 : vector<16xi1>, vector<16xf32>
    %eq3A_1615 = arith.constant 5 : i32
    %eq3A_1616 = vector.broadcast %eq3A_1615 : i32 to vector<16xi32>
    %eq3A_1617 = arith.cmpi eq, %select_n3A_1504, %eq3A_1616 : vector<16xi32>
    %jit3A_1618 = arith.constant 0.000000e+00 : f32
    %broadcast_in_dim3A_1619 = vector.broadcast %jit3A_1618 : f32 to vector<16xf32>
    %select_n3A_1620 = arith.select %eq3A_1617, %div3A_1513, %broadcast_in_dim3A_1619 : vector<16xi1>, vector<16xf32>
    %add3A_1621 = arith.addf %select_n3A_1614, %select_n3A_1620 : vector<16xf32>
    %swap3A_1622 = arith.constant 5 : i32
    %swap3A_1623 = arith.index_cast %swap3A_1622 : i32 to index
    %swap3A_1624 = arith.constant 80 : index
    %swap3A_1625 = tpu.vector_load %arg5[%swap3A_1623, %swap3A_1624] {strides = array<i32>} : memref<7x256xf32, #tpu.memory_space<vmem>>, vector<1x16xf32>,
    %swap3A_1626 = vector.shape_cast %swap3A_1625 : vector<1x16xf32> to vector<16xf32>
    %swap3A_1627 = vector.shape_cast %add3A_1621 : vector<16xf32> to vector<1x16xf32>
    tpu.vector_store %arg5[%swap3A_1623, %swap3A_1624], %swap3A_1627 {strides = array<i32>} : memref<7x256xf32, #tpu.memory_space<vmem>>, vector<1x16xf32>,
    %eq3A_1628 = arith.constant 6 : i32
    %eq3A_1629 = vector.broadcast %eq3A_1628 : i32 to vector<16xi32>
    %eq3A_1630 = arith.cmpi eq, %select_n3A_1437, %eq3A_1629 : vector<16xi32>
    %jit3A_1631 = arith.constant 0.000000e+00 : f32
    %broadcast_in_dim3A_1632 = vector.broadcast %jit3A_1631 : f32 to vector<16xf32>
    %select_n3A_1633 = arith.select %eq3A_1630, %div3A_1512, %broadcast_in_dim3A_1632 : vector<16xi1>, vector<16xf32>
    %eq3A_1634 = arith.constant 6 : i32
    %eq3A_1635 = vector.broadcast %eq3A_1634 : i32 to vector<16xi32>
    %eq3A_1636 = arith.cmpi eq, %select_n3A_1504, %eq3A_1635 : vector<16xi32>
    %jit3A_1637 = arith.constant 0.000000e+00 : f32
    %broadcast_in_dim3A_1638 = vector.broadcast %jit3A_1637 : f32 to vector<16xf32>
    %select_n3A_1639 = arith.select %eq3A_1636, %div3A_1513, %broadcast_in_dim3A_1638 : vector<16xi1>, vector<16xf32>
    %add3A_1640 = arith.addf %select_n3A_1633, %select_n3A_1639 : vector<16xf32>
    %swap3A_1641 = arith.constant 6 : i32
    %swap3A_1642 = arith.index_cast %swap3A_1641 : i32 to index
    %swap3A_1643 = arith.constant 80 : index
    %swap3A_1644 = tpu.vector_load %arg5[%swap3A_1642, %swap3A_1643] {strides = array<i32>} : memref<7x256xf32, #tpu.memory_space<vmem>>, vector<1x16xf32>,
    %swap3A_1645 = vector.shape_cast %swap3A_1644 : vector<1x16xf32> to vector<16xf32>
    %swap3A_1646 = vector.shape_cast %add3A_1640 : vector<16xf32> to vector<1x16xf32>
    tpu.vector_store %arg5[%swap3A_1642, %swap3A_1643], %swap3A_1646 {strides = array<i32>} : memref<7x256xf32, #tpu.memory_space<vmem>>, vector<1x16xf32>,
    %get3A_1647 = arith.constant 0 : i32
    %get3A_1648 = arith.index_cast %get3A_1647 : i32 to index
    %get3A_1649 = arith.constant 96 : index
    %get3A_1650 = tpu.vector_load %arg4[%get3A_1648, %get3A_1649] {strides = array<i32>} : memref<7x256xf32, #tpu.memory_space<vmem>>, vector<1x16xf32>,
    %get3A_1651 = vector.shape_cast %get3A_1650 : vector<1x16xf32> to vector<16xf32>
    %get3A_1652 = arith.constant 1 : i32
    %get3A_1653 = arith.index_cast %get3A_1652 : i32 to index
    %get3A_1654 = arith.constant 96 : index
    %get3A_1655 = tpu.vector_load %arg4[%get3A_1653, %get3A_1654] {strides = array<i32>} : memref<7x256xf32, #tpu.memory_space<vmem>>, vector<1x16xf32>,
    %get3A_1656 = vector.shape_cast %get3A_1655 : vector<1x16xf32> to vector<16xf32>
    %get3A_1657 = arith.constant 2 : i32
    %get3A_1658 = arith.index_cast %get3A_1657 : i32 to index
    %get3A_1659 = arith.constant 96 : index
    %get3A_1660 = tpu.vector_load %arg4[%get3A_1658, %get3A_1659] {strides = array<i32>} : memref<7x256xf32, #tpu.memory_space<vmem>>, vector<1x16xf32>,
    %get3A_1661 = vector.shape_cast %get3A_1660 : vector<1x16xf32> to vector<16xf32>
    %get3A_1662 = arith.constant 3 : i32
    %get3A_1663 = arith.index_cast %get3A_1662 : i32 to index
    %get3A_1664 = arith.constant 96 : index
    %get3A_1665 = tpu.vector_load %arg4[%get3A_1663, %get3A_1664] {strides = array<i32>} : memref<7x256xf32, #tpu.memory_space<vmem>>, vector<1x16xf32>,
    %get3A_1666 = vector.shape_cast %get3A_1665 : vector<1x16xf32> to vector<16xf32>
    %get3A_1667 = arith.constant 4 : i32
    %get3A_1668 = arith.index_cast %get3A_1667 : i32 to index
    %get3A_1669 = arith.constant 96 : index
    %get3A_1670 = tpu.vector_load %arg4[%get3A_1668, %get3A_1669] {strides = array<i32>} : memref<7x256xf32, #tpu.memory_space<vmem>>, vector<1x16xf32>,
    %get3A_1671 = vector.shape_cast %get3A_1670 : vector<1x16xf32> to vector<16xf32>
    %get3A_1672 = arith.constant 5 : i32
    %get3A_1673 = arith.index_cast %get3A_1672 : i32 to index
    %get3A_1674 = arith.constant 96 : index
    %get3A_1675 = tpu.vector_load %arg4[%get3A_1673, %get3A_1674] {strides = array<i32>} : memref<7x256xf32, #tpu.memory_space<vmem>>, vector<1x16xf32>,
    %get3A_1676 = vector.shape_cast %get3A_1675 : vector<1x16xf32> to vector<16xf32>
    %get3A_1677 = arith.constant 6 : i32
    %get3A_1678 = arith.index_cast %get3A_1677 : i32 to index
    %get3A_1679 = arith.constant 96 : index
    %get3A_1680 = tpu.vector_load %arg4[%get3A_1678, %get3A_1679] {strides = array<i32>} : memref<7x256xf32, #tpu.memory_space<vmem>>, vector<1x16xf32>,
    %get3A_1681 = vector.shape_cast %get3A_1680 : vector<1x16xf32> to vector<16xf32>
    %broadcast_in_dim3A_1682 = arith.constant 0 : i32
    %broadcast_in_dim3A_1683 = vector.broadcast %broadcast_in_dim3A_1682 : i32 to vector<16xi32>
    %gt3A_1684 = arith.cmpf ogt, %get3A_1656, %get3A_1651 : vector<16xf32>
    %select_n3A_1685 = arith.select %gt3A_1684, %get3A_1656, %get3A_1651 : vector<16xi1>, vector<16xf32>
    %jit3A_1686 = arith.constant 1 : i32
    %broadcast_in_dim3A_1687 = vector.broadcast %jit3A_1686 : i32 to vector<16xi32>
    %select_n3A_1688 = arith.select %gt3A_1684, %broadcast_in_dim3A_1687, %broadcast_in_dim3A_1683 : vector<16xi1>, vector<16xi32>
    %gt3A_1689 = arith.cmpf ogt, %get3A_1661, %select_n3A_1685 : vector<16xf32>
    %select_n3A_1690 = arith.select %gt3A_1689, %get3A_1661, %select_n3A_1685 : vector<16xi1>, vector<16xf32>
    %jit3A_1691 = arith.constant 2 : i32
    %broadcast_in_dim3A_1692 = vector.broadcast %jit3A_1691 : i32 to vector<16xi32>
    %select_n3A_1693 = arith.select %gt3A_1689, %broadcast_in_dim3A_1692, %select_n3A_1688 : vector<16xi1>, vector<16xi32>
    %gt3A_1694 = arith.cmpf ogt, %get3A_1666, %select_n3A_1690 : vector<16xf32>
    %select_n3A_1695 = arith.select %gt3A_1694, %get3A_1666, %select_n3A_1690 : vector<16xi1>, vector<16xf32>
    %jit3A_1696 = arith.constant 3 : i32
    %broadcast_in_dim3A_1697 = vector.broadcast %jit3A_1696 : i32 to vector<16xi32>
    %select_n3A_1698 = arith.select %gt3A_1694, %broadcast_in_dim3A_1697, %select_n3A_1693 : vector<16xi1>, vector<16xi32>
    %gt3A_1699 = arith.cmpf ogt, %get3A_1671, %select_n3A_1695 : vector<16xf32>
    %select_n3A_1700 = arith.select %gt3A_1699, %get3A_1671, %select_n3A_1695 : vector<16xi1>, vector<16xf32>
    %jit3A_1701 = arith.constant 4 : i32
    %broadcast_in_dim3A_1702 = vector.broadcast %jit3A_1701 : i32 to vector<16xi32>
    %select_n3A_1703 = arith.select %gt3A_1699, %broadcast_in_dim3A_1702, %select_n3A_1698 : vector<16xi1>, vector<16xi32>
    %gt3A_1704 = arith.cmpf ogt, %get3A_1676, %select_n3A_1700 : vector<16xf32>
    %select_n3A_1705 = arith.select %gt3A_1704, %get3A_1676, %select_n3A_1700 : vector<16xi1>, vector<16xf32>
    %jit3A_1706 = arith.constant 5 : i32
    %broadcast_in_dim3A_1707 = vector.broadcast %jit3A_1706 : i32 to vector<16xi32>
    %select_n3A_1708 = arith.select %gt3A_1704, %broadcast_in_dim3A_1707, %select_n3A_1703 : vector<16xi1>, vector<16xi32>
    %gt3A_1709 = arith.cmpf ogt, %get3A_1681, %select_n3A_1705 : vector<16xf32>
    %select_n3A_1710 = arith.select %gt3A_1709, %get3A_1681, %select_n3A_1705 : vector<16xi1>, vector<16xf32>
    %jit3A_1711 = arith.constant 6 : i32
    %broadcast_in_dim3A_1712 = vector.broadcast %jit3A_1711 : i32 to vector<16xi32>
    %select_n3A_1713 = arith.select %gt3A_1709, %broadcast_in_dim3A_1712, %select_n3A_1708 : vector<16xi1>, vector<16xi32>
    %broadcast_in_dim3A_1714 = arith.constant -1.000000e+30 : f32
    %broadcast_in_dim3A_1715 = vector.broadcast %broadcast_in_dim3A_1714 : f32 to vector<16xf32>
    %broadcast_in_dim3A_1716 = arith.constant 7 : i32
    %broadcast_in_dim3A_1717 = vector.broadcast %broadcast_in_dim3A_1716 : i32 to vector<16xi32>
    %ne3A_1718 = arith.constant 0 : i32
    %ne3A_1719 = vector.broadcast %ne3A_1718 : i32 to vector<16xi32>
    %ne3A_1720 = arith.cmpi ne, %select_n3A_1713, %ne3A_1719 : vector<16xi32>
    %gt3A_1721 = arith.cmpf ogt, %get3A_1651, %broadcast_in_dim3A_1715 : vector<16xf32>
    %and3A_1722 = arith.andi %ne3A_1720, %gt3A_1721 : vector<16xi1>
    %select_n3A_1723 = arith.select %and3A_1722, %get3A_1651, %broadcast_in_dim3A_1715 : vector<16xi1>, vector<16xf32>
    %jit3A_1724 = arith.constant 0 : i32
    %broadcast_in_dim3A_1725 = vector.broadcast %jit3A_1724 : i32 to vector<16xi32>
    %select_n3A_1726 = arith.select %and3A_1722, %broadcast_in_dim3A_1725, %broadcast_in_dim3A_1717 : vector<16xi1>, vector<16xi32>
    %ne3A_1727 = arith.constant 1 : i32
    %ne3A_1728 = vector.broadcast %ne3A_1727 : i32 to vector<16xi32>
    %ne3A_1729 = arith.cmpi ne, %select_n3A_1713, %ne3A_1728 : vector<16xi32>
    %gt3A_1730 = arith.cmpf ogt, %get3A_1656, %select_n3A_1723 : vector<16xf32>
    %and3A_1731 = arith.andi %ne3A_1729, %gt3A_1730 : vector<16xi1>
    %select_n3A_1732 = arith.select %and3A_1731, %get3A_1656, %select_n3A_1723 : vector<16xi1>, vector<16xf32>
    %jit3A_1733 = arith.constant 1 : i32
    %broadcast_in_dim3A_1734 = vector.broadcast %jit3A_1733 : i32 to vector<16xi32>
    %select_n3A_1735 = arith.select %and3A_1731, %broadcast_in_dim3A_1734, %select_n3A_1726 : vector<16xi1>, vector<16xi32>
    %ne3A_1736 = arith.constant 2 : i32
    %ne3A_1737 = vector.broadcast %ne3A_1736 : i32 to vector<16xi32>
    %ne3A_1738 = arith.cmpi ne, %select_n3A_1713, %ne3A_1737 : vector<16xi32>
    %gt3A_1739 = arith.cmpf ogt, %get3A_1661, %select_n3A_1732 : vector<16xf32>
    %and3A_1740 = arith.andi %ne3A_1738, %gt3A_1739 : vector<16xi1>
    %select_n3A_1741 = arith.select %and3A_1740, %get3A_1661, %select_n3A_1732 : vector<16xi1>, vector<16xf32>
    %jit3A_1742 = arith.constant 2 : i32
    %broadcast_in_dim3A_1743 = vector.broadcast %jit3A_1742 : i32 to vector<16xi32>
    %select_n3A_1744 = arith.select %and3A_1740, %broadcast_in_dim3A_1743, %select_n3A_1735 : vector<16xi1>, vector<16xi32>
    %ne3A_1745 = arith.constant 3 : i32
    %ne3A_1746 = vector.broadcast %ne3A_1745 : i32 to vector<16xi32>
    %ne3A_1747 = arith.cmpi ne, %select_n3A_1713, %ne3A_1746 : vector<16xi32>
    %gt3A_1748 = arith.cmpf ogt, %get3A_1666, %select_n3A_1741 : vector<16xf32>
    %and3A_1749 = arith.andi %ne3A_1747, %gt3A_1748 : vector<16xi1>
    %select_n3A_1750 = arith.select %and3A_1749, %get3A_1666, %select_n3A_1741 : vector<16xi1>, vector<16xf32>
    %jit3A_1751 = arith.constant 3 : i32
    %broadcast_in_dim3A_1752 = vector.broadcast %jit3A_1751 : i32 to vector<16xi32>
    %select_n3A_1753 = arith.select %and3A_1749, %broadcast_in_dim3A_1752, %select_n3A_1744 : vector<16xi1>, vector<16xi32>
    %ne3A_1754 = arith.constant 4 : i32
    %ne3A_1755 = vector.broadcast %ne3A_1754 : i32 to vector<16xi32>
    %ne3A_1756 = arith.cmpi ne, %select_n3A_1713, %ne3A_1755 : vector<16xi32>
    %gt3A_1757 = arith.cmpf ogt, %get3A_1671, %select_n3A_1750 : vector<16xf32>
    %and3A_1758 = arith.andi %ne3A_1756, %gt3A_1757 : vector<16xi1>
    %select_n3A_1759 = arith.select %and3A_1758, %get3A_1671, %select_n3A_1750 : vector<16xi1>, vector<16xf32>
    %jit3A_1760 = arith.constant 4 : i32
    %broadcast_in_dim3A_1761 = vector.broadcast %jit3A_1760 : i32 to vector<16xi32>
    %select_n3A_1762 = arith.select %and3A_1758, %broadcast_in_dim3A_1761, %select_n3A_1753 : vector<16xi1>, vector<16xi32>
    %ne3A_1763 = arith.constant 5 : i32
    %ne3A_1764 = vector.broadcast %ne3A_1763 : i32 to vector<16xi32>
    %ne3A_1765 = arith.cmpi ne, %select_n3A_1713, %ne3A_1764 : vector<16xi32>
    %gt3A_1766 = arith.cmpf ogt, %get3A_1676, %select_n3A_1759 : vector<16xf32>
    %and3A_1767 = arith.andi %ne3A_1765, %gt3A_1766 : vector<16xi1>
    %select_n3A_1768 = arith.select %and3A_1767, %get3A_1676, %select_n3A_1759 : vector<16xi1>, vector<16xf32>
    %jit3A_1769 = arith.constant 5 : i32
    %broadcast_in_dim3A_1770 = vector.broadcast %jit3A_1769 : i32 to vector<16xi32>
    %select_n3A_1771 = arith.select %and3A_1767, %broadcast_in_dim3A_1770, %select_n3A_1762 : vector<16xi1>, vector<16xi32>
    %ne3A_1772 = arith.constant 6 : i32
    %ne3A_1773 = vector.broadcast %ne3A_1772 : i32 to vector<16xi32>
    %ne3A_1774 = arith.cmpi ne, %select_n3A_1713, %ne3A_1773 : vector<16xi32>
    %gt3A_1775 = arith.cmpf ogt, %get3A_1681, %select_n3A_1768 : vector<16xf32>
    %and3A_1776 = arith.andi %ne3A_1774, %gt3A_1775 : vector<16xi1>
    %select_n3A_1777 = arith.select %and3A_1776, %get3A_1681, %select_n3A_1768 : vector<16xi1>, vector<16xf32>
    %jit3A_1778 = arith.constant 6 : i32
    %broadcast_in_dim3A_1779 = vector.broadcast %jit3A_1778 : i32 to vector<16xi32>
    %select_n3A_1780 = arith.select %and3A_1776, %broadcast_in_dim3A_1779, %select_n3A_1771 : vector<16xi1>, vector<16xi32>
    %sub3A_1781 = arith.subf %select_n3A_1777, %select_n3A_1710 : vector<16xf32>
    %exp3A_1782 = math.exp %sub3A_1781 : vector<16xf32>
    %add3A_1783 = arith.constant 1.000000e+00 : f32
    %add3A_1784 = vector.broadcast %add3A_1783 : f32 to vector<16xf32>
    %add3A_1785 = arith.addf %add3A_1784, %exp3A_1782 : vector<16xf32>
    %div3A_1786 = arith.constant 1.000000e+00 : f32
    %div3A_1787 = vector.broadcast %div3A_1786 : f32 to vector<16xf32>
    %div3A_1788 = arith.divf %div3A_1787, %add3A_1785 : vector<16xf32>
    %div3A_1789 = arith.divf %exp3A_1782, %add3A_1785 : vector<16xf32>
    %eq3A_1790 = arith.constant 0 : i32
    %eq3A_1791 = vector.broadcast %eq3A_1790 : i32 to vector<16xi32>
    %eq3A_1792 = arith.cmpi eq, %select_n3A_1713, %eq3A_1791 : vector<16xi32>
    %jit3A_1793 = arith.constant 0.000000e+00 : f32
    %broadcast_in_dim3A_1794 = vector.broadcast %jit3A_1793 : f32 to vector<16xf32>
    %select_n3A_1795 = arith.select %eq3A_1792, %div3A_1788, %broadcast_in_dim3A_1794 : vector<16xi1>, vector<16xf32>
    %eq3A_1796 = arith.constant 0 : i32
    %eq3A_1797 = vector.broadcast %eq3A_1796 : i32 to vector<16xi32>
    %eq3A_1798 = arith.cmpi eq, %select_n3A_1780, %eq3A_1797 : vector<16xi32>
    %jit3A_1799 = arith.constant 0.000000e+00 : f32
    %broadcast_in_dim3A_1800 = vector.broadcast %jit3A_1799 : f32 to vector<16xf32>
    %select_n3A_1801 = arith.select %eq3A_1798, %div3A_1789, %broadcast_in_dim3A_1800 : vector<16xi1>, vector<16xf32>
    %add3A_1802 = arith.addf %select_n3A_1795, %select_n3A_1801 : vector<16xf32>
    %swap3A_1803 = arith.constant 0 : i32
    %swap3A_1804 = arith.index_cast %swap3A_1803 : i32 to index
    %swap3A_1805 = arith.constant 96 : index
    %swap3A_1806 = tpu.vector_load %arg5[%swap3A_1804, %swap3A_1805] {strides = array<i32>} : memref<7x256xf32, #tpu.memory_space<vmem>>, vector<1x16xf32>,
    %swap3A_1807 = vector.shape_cast %swap3A_1806 : vector<1x16xf32> to vector<16xf32>
    %swap3A_1808 = vector.shape_cast %add3A_1802 : vector<16xf32> to vector<1x16xf32>
    tpu.vector_store %arg5[%swap3A_1804, %swap3A_1805], %swap3A_1808 {strides = array<i32>} : memref<7x256xf32, #tpu.memory_space<vmem>>, vector<1x16xf32>,
    %eq3A_1809 = arith.constant 1 : i32
    %eq3A_1810 = vector.broadcast %eq3A_1809 : i32 to vector<16xi32>
    %eq3A_1811 = arith.cmpi eq, %select_n3A_1713, %eq3A_1810 : vector<16xi32>
    %jit3A_1812 = arith.constant 0.000000e+00 : f32
    %broadcast_in_dim3A_1813 = vector.broadcast %jit3A_1812 : f32 to vector<16xf32>
    %select_n3A_1814 = arith.select %eq3A_1811, %div3A_1788, %broadcast_in_dim3A_1813 : vector<16xi1>, vector<16xf32>
    %eq3A_1815 = arith.constant 1 : i32
    %eq3A_1816 = vector.broadcast %eq3A_1815 : i32 to vector<16xi32>
    %eq3A_1817 = arith.cmpi eq, %select_n3A_1780, %eq3A_1816 : vector<16xi32>
    %jit3A_1818 = arith.constant 0.000000e+00 : f32
    %broadcast_in_dim3A_1819 = vector.broadcast %jit3A_1818 : f32 to vector<16xf32>
    %select_n3A_1820 = arith.select %eq3A_1817, %div3A_1789, %broadcast_in_dim3A_1819 : vector<16xi1>, vector<16xf32>
    %add3A_1821 = arith.addf %select_n3A_1814, %select_n3A_1820 : vector<16xf32>
    %swap3A_1822 = arith.constant 1 : i32
    %swap3A_1823 = arith.index_cast %swap3A_1822 : i32 to index
    %swap3A_1824 = arith.constant 96 : index
    %swap3A_1825 = tpu.vector_load %arg5[%swap3A_1823, %swap3A_1824] {strides = array<i32>} : memref<7x256xf32, #tpu.memory_space<vmem>>, vector<1x16xf32>,
    %swap3A_1826 = vector.shape_cast %swap3A_1825 : vector<1x16xf32> to vector<16xf32>
    %swap3A_1827 = vector.shape_cast %add3A_1821 : vector<16xf32> to vector<1x16xf32>
    tpu.vector_store %arg5[%swap3A_1823, %swap3A_1824], %swap3A_1827 {strides = array<i32>} : memref<7x256xf32, #tpu.memory_space<vmem>>, vector<1x16xf32>,
    %eq3A_1828 = arith.constant 2 : i32
    %eq3A_1829 = vector.broadcast %eq3A_1828 : i32 to vector<16xi32>
    %eq3A_1830 = arith.cmpi eq, %select_n3A_1713, %eq3A_1829 : vector<16xi32>
    %jit3A_1831 = arith.constant 0.000000e+00 : f32
    %broadcast_in_dim3A_1832 = vector.broadcast %jit3A_1831 : f32 to vector<16xf32>
    %select_n3A_1833 = arith.select %eq3A_1830, %div3A_1788, %broadcast_in_dim3A_1832 : vector<16xi1>, vector<16xf32>
    %eq3A_1834 = arith.constant 2 : i32
    %eq3A_1835 = vector.broadcast %eq3A_1834 : i32 to vector<16xi32>
    %eq3A_1836 = arith.cmpi eq, %select_n3A_1780, %eq3A_1835 : vector<16xi32>
    %jit3A_1837 = arith.constant 0.000000e+00 : f32
    %broadcast_in_dim3A_1838 = vector.broadcast %jit3A_1837 : f32 to vector<16xf32>
    %select_n3A_1839 = arith.select %eq3A_1836, %div3A_1789, %broadcast_in_dim3A_1838 : vector<16xi1>, vector<16xf32>
    %add3A_1840 = arith.addf %select_n3A_1833, %select_n3A_1839 : vector<16xf32>
    %swap3A_1841 = arith.constant 2 : i32
    %swap3A_1842 = arith.index_cast %swap3A_1841 : i32 to index
    %swap3A_1843 = arith.constant 96 : index
    %swap3A_1844 = tpu.vector_load %arg5[%swap3A_1842, %swap3A_1843] {strides = array<i32>} : memref<7x256xf32, #tpu.memory_space<vmem>>, vector<1x16xf32>,
    %swap3A_1845 = vector.shape_cast %swap3A_1844 : vector<1x16xf32> to vector<16xf32>
    %swap3A_1846 = vector.shape_cast %add3A_1840 : vector<16xf32> to vector<1x16xf32>
    tpu.vector_store %arg5[%swap3A_1842, %swap3A_1843], %swap3A_1846 {strides = array<i32>} : memref<7x256xf32, #tpu.memory_space<vmem>>, vector<1x16xf32>,
    %eq3A_1847 = arith.constant 3 : i32
    %eq3A_1848 = vector.broadcast %eq3A_1847 : i32 to vector<16xi32>
    %eq3A_1849 = arith.cmpi eq, %select_n3A_1713, %eq3A_1848 : vector<16xi32>
    %jit3A_1850 = arith.constant 0.000000e+00 : f32
    %broadcast_in_dim3A_1851 = vector.broadcast %jit3A_1850 : f32 to vector<16xf32>
    %select_n3A_1852 = arith.select %eq3A_1849, %div3A_1788, %broadcast_in_dim3A_1851 : vector<16xi1>, vector<16xf32>
    %eq3A_1853 = arith.constant 3 : i32
    %eq3A_1854 = vector.broadcast %eq3A_1853 : i32 to vector<16xi32>
    %eq3A_1855 = arith.cmpi eq, %select_n3A_1780, %eq3A_1854 : vector<16xi32>
    %jit3A_1856 = arith.constant 0.000000e+00 : f32
    %broadcast_in_dim3A_1857 = vector.broadcast %jit3A_1856 : f32 to vector<16xf32>
    %select_n3A_1858 = arith.select %eq3A_1855, %div3A_1789, %broadcast_in_dim3A_1857 : vector<16xi1>, vector<16xf32>
    %add3A_1859 = arith.addf %select_n3A_1852, %select_n3A_1858 : vector<16xf32>
    %swap3A_1860 = arith.constant 3 : i32
    %swap3A_1861 = arith.index_cast %swap3A_1860 : i32 to index
    %swap3A_1862 = arith.constant 96 : index
    %swap3A_1863 = tpu.vector_load %arg5[%swap3A_1861, %swap3A_1862] {strides = array<i32>} : memref<7x256xf32, #tpu.memory_space<vmem>>, vector<1x16xf32>,
    %swap3A_1864 = vector.shape_cast %swap3A_1863 : vector<1x16xf32> to vector<16xf32>
    %swap3A_1865 = vector.shape_cast %add3A_1859 : vector<16xf32> to vector<1x16xf32>
    tpu.vector_store %arg5[%swap3A_1861, %swap3A_1862], %swap3A_1865 {strides = array<i32>} : memref<7x256xf32, #tpu.memory_space<vmem>>, vector<1x16xf32>,
    %eq3A_1866 = arith.constant 4 : i32
    %eq3A_1867 = vector.broadcast %eq3A_1866 : i32 to vector<16xi32>
    %eq3A_1868 = arith.cmpi eq, %select_n3A_1713, %eq3A_1867 : vector<16xi32>
    %jit3A_1869 = arith.constant 0.000000e+00 : f32
    %broadcast_in_dim3A_1870 = vector.broadcast %jit3A_1869 : f32 to vector<16xf32>
    %select_n3A_1871 = arith.select %eq3A_1868, %div3A_1788, %broadcast_in_dim3A_1870 : vector<16xi1>, vector<16xf32>
    %eq3A_1872 = arith.constant 4 : i32
    %eq3A_1873 = vector.broadcast %eq3A_1872 : i32 to vector<16xi32>
    %eq3A_1874 = arith.cmpi eq, %select_n3A_1780, %eq3A_1873 : vector<16xi32>
    %jit3A_1875 = arith.constant 0.000000e+00 : f32
    %broadcast_in_dim3A_1876 = vector.broadcast %jit3A_1875 : f32 to vector<16xf32>
    %select_n3A_1877 = arith.select %eq3A_1874, %div3A_1789, %broadcast_in_dim3A_1876 : vector<16xi1>, vector<16xf32>
    %add3A_1878 = arith.addf %select_n3A_1871, %select_n3A_1877 : vector<16xf32>
    %swap3A_1879 = arith.constant 4 : i32
    %swap3A_1880 = arith.index_cast %swap3A_1879 : i32 to index
    %swap3A_1881 = arith.constant 96 : index
    %swap3A_1882 = tpu.vector_load %arg5[%swap3A_1880, %swap3A_1881] {strides = array<i32>} : memref<7x256xf32, #tpu.memory_space<vmem>>, vector<1x16xf32>,
    %swap3A_1883 = vector.shape_cast %swap3A_1882 : vector<1x16xf32> to vector<16xf32>
    %swap3A_1884 = vector.shape_cast %add3A_1878 : vector<16xf32> to vector<1x16xf32>
    tpu.vector_store %arg5[%swap3A_1880, %swap3A_1881], %swap3A_1884 {strides = array<i32>} : memref<7x256xf32, #tpu.memory_space<vmem>>, vector<1x16xf32>,
    %eq3A_1885 = arith.constant 5 : i32
    %eq3A_1886 = vector.broadcast %eq3A_1885 : i32 to vector<16xi32>
    %eq3A_1887 = arith.cmpi eq, %select_n3A_1713, %eq3A_1886 : vector<16xi32>
    %jit3A_1888 = arith.constant 0.000000e+00 : f32
    %broadcast_in_dim3A_1889 = vector.broadcast %jit3A_1888 : f32 to vector<16xf32>
    %select_n3A_1890 = arith.select %eq3A_1887, %div3A_1788, %broadcast_in_dim3A_1889 : vector<16xi1>, vector<16xf32>
    %eq3A_1891 = arith.constant 5 : i32
    %eq3A_1892 = vector.broadcast %eq3A_1891 : i32 to vector<16xi32>
    %eq3A_1893 = arith.cmpi eq, %select_n3A_1780, %eq3A_1892 : vector<16xi32>
    %jit3A_1894 = arith.constant 0.000000e+00 : f32
    %broadcast_in_dim3A_1895 = vector.broadcast %jit3A_1894 : f32 to vector<16xf32>
    %select_n3A_1896 = arith.select %eq3A_1893, %div3A_1789, %broadcast_in_dim3A_1895 : vector<16xi1>, vector<16xf32>
    %add3A_1897 = arith.addf %select_n3A_1890, %select_n3A_1896 : vector<16xf32>
    %swap3A_1898 = arith.constant 5 : i32
    %swap3A_1899 = arith.index_cast %swap3A_1898 : i32 to index
    %swap3A_1900 = arith.constant 96 : index
    %swap3A_1901 = tpu.vector_load %arg5[%swap3A_1899, %swap3A_1900] {strides = array<i32>} : memref<7x256xf32, #tpu.memory_space<vmem>>, vector<1x16xf32>,
    %swap3A_1902 = vector.shape_cast %swap3A_1901 : vector<1x16xf32> to vector<16xf32>
    %swap3A_1903 = vector.shape_cast %add3A_1897 : vector<16xf32> to vector<1x16xf32>
    tpu.vector_store %arg5[%swap3A_1899, %swap3A_1900], %swap3A_1903 {strides = array<i32>} : memref<7x256xf32, #tpu.memory_space<vmem>>, vector<1x16xf32>,
    %eq3A_1904 = arith.constant 6 : i32
    %eq3A_1905 = vector.broadcast %eq3A_1904 : i32 to vector<16xi32>
    %eq3A_1906 = arith.cmpi eq, %select_n3A_1713, %eq3A_1905 : vector<16xi32>
    %jit3A_1907 = arith.constant 0.000000e+00 : f32
    %broadcast_in_dim3A_1908 = vector.broadcast %jit3A_1907 : f32 to vector<16xf32>
    %select_n3A_1909 = arith.select %eq3A_1906, %div3A_1788, %broadcast_in_dim3A_1908 : vector<16xi1>, vector<16xf32>
    %eq3A_1910 = arith.constant 6 : i32
    %eq3A_1911 = vector.broadcast %eq3A_1910 : i32 to vector<16xi32>
    %eq3A_1912 = arith.cmpi eq, %select_n3A_1780, %eq3A_1911 : vector<16xi32>
    %jit3A_1913 = arith.constant 0.000000e+00 : f32
    %broadcast_in_dim3A_1914 = vector.broadcast %jit3A_1913 : f32 to vector<16xf32>
    %select_n3A_1915 = arith.select %eq3A_1912, %div3A_1789, %broadcast_in_dim3A_1914 : vector<16xi1>, vector<16xf32>
    %add3A_1916 = arith.addf %select_n3A_1909, %select_n3A_1915 : vector<16xf32>
    %swap3A_1917 = arith.constant 6 : i32
    %swap3A_1918 = arith.index_cast %swap3A_1917 : i32 to index
    %swap3A_1919 = arith.constant 96 : index
    %swap3A_1920 = tpu.vector_load %arg5[%swap3A_1918, %swap3A_1919] {strides = array<i32>} : memref<7x256xf32, #tpu.memory_space<vmem>>, vector<1x16xf32>,
    %swap3A_1921 = vector.shape_cast %swap3A_1920 : vector<1x16xf32> to vector<16xf32>
    %swap3A_1922 = vector.shape_cast %add3A_1916 : vector<16xf32> to vector<1x16xf32>
    tpu.vector_store %arg5[%swap3A_1918, %swap3A_1919], %swap3A_1922 {strides = array<i32>} : memref<7x256xf32, #tpu.memory_space<vmem>>, vector<1x16xf32>,
    %get3A_1923 = arith.constant 0 : i32
    %get3A_1924 = arith.index_cast %get3A_1923 : i32 to index
    %get3A_1925 = arith.constant 112 : index
    %get3A_1926 = tpu.vector_load %arg4[%get3A_1924, %get3A_1925] {strides = array<i32>} : memref<7x256xf32, #tpu.memory_space<vmem>>, vector<1x16xf32>,
    %get3A_1927 = vector.shape_cast %get3A_1926 : vector<1x16xf32> to vector<16xf32>
    %get3A_1928 = arith.constant 1 : i32
    %get3A_1929 = arith.index_cast %get3A_1928 : i32 to index
    %get3A_1930 = arith.constant 112 : index
    %get3A_1931 = tpu.vector_load %arg4[%get3A_1929, %get3A_1930] {strides = array<i32>} : memref<7x256xf32, #tpu.memory_space<vmem>>, vector<1x16xf32>,
    %get3A_1932 = vector.shape_cast %get3A_1931 : vector<1x16xf32> to vector<16xf32>
    %get3A_1933 = arith.constant 2 : i32
    %get3A_1934 = arith.index_cast %get3A_1933 : i32 to index
    %get3A_1935 = arith.constant 112 : index
    %get3A_1936 = tpu.vector_load %arg4[%get3A_1934, %get3A_1935] {strides = array<i32>} : memref<7x256xf32, #tpu.memory_space<vmem>>, vector<1x16xf32>,
    %get3A_1937 = vector.shape_cast %get3A_1936 : vector<1x16xf32> to vector<16xf32>
    %get3A_1938 = arith.constant 3 : i32
    %get3A_1939 = arith.index_cast %get3A_1938 : i32 to index
    %get3A_1940 = arith.constant 112 : index
    %get3A_1941 = tpu.vector_load %arg4[%get3A_1939, %get3A_1940] {strides = array<i32>} : memref<7x256xf32, #tpu.memory_space<vmem>>, vector<1x16xf32>,
    %get3A_1942 = vector.shape_cast %get3A_1941 : vector<1x16xf32> to vector<16xf32>
    %get3A_1943 = arith.constant 4 : i32
    %get3A_1944 = arith.index_cast %get3A_1943 : i32 to index
    %get3A_1945 = arith.constant 112 : index
    %get3A_1946 = tpu.vector_load %arg4[%get3A_1944, %get3A_1945] {strides = array<i32>} : memref<7x256xf32, #tpu.memory_space<vmem>>, vector<1x16xf32>,
    %get3A_1947 = vector.shape_cast %get3A_1946 : vector<1x16xf32> to vector<16xf32>
    %get3A_1948 = arith.constant 5 : i32
    %get3A_1949 = arith.index_cast %get3A_1948 : i32 to index
    %get3A_1950 = arith.constant 112 : index
    %get3A_1951 = tpu.vector_load %arg4[%get3A_1949, %get3A_1950] {strides = array<i32>} : memref<7x256xf32, #tpu.memory_space<vmem>>, vector<1x16xf32>,
    %get3A_1952 = vector.shape_cast %get3A_1951 : vector<1x16xf32> to vector<16xf32>
    %get3A_1953 = arith.constant 6 : i32
    %get3A_1954 = arith.index_cast %get3A_1953 : i32 to index
    %get3A_1955 = arith.constant 112 : index
    %get3A_1956 = tpu.vector_load %arg4[%get3A_1954, %get3A_1955] {strides = array<i32>} : memref<7x256xf32, #tpu.memory_space<vmem>>, vector<1x16xf32>,
    %get3A_1957 = vector.shape_cast %get3A_1956 : vector<1x16xf32> to vector<16xf32>
    %broadcast_in_dim3A_1958 = arith.constant 0 : i32
    %broadcast_in_dim3A_1959 = vector.broadcast %broadcast_in_dim3A_1958 : i32 to vector<16xi32>
    %gt3A_1960 = arith.cmpf ogt, %get3A_1932, %get3A_1927 : vector<16xf32>
    %select_n3A_1961 = arith.select %gt3A_1960, %get3A_1932, %get3A_1927 : vector<16xi1>, vector<16xf32>
    %jit3A_1962 = arith.constant 1 : i32
    %broadcast_in_dim3A_1963 = vector.broadcast %jit3A_1962 : i32 to vector<16xi32>
    %select_n3A_1964 = arith.select %gt3A_1960, %broadcast_in_dim3A_1963, %broadcast_in_dim3A_1959 : vector<16xi1>, vector<16xi32>
    %gt3A_1965 = arith.cmpf ogt, %get3A_1937, %select_n3A_1961 : vector<16xf32>
    %select_n3A_1966 = arith.select %gt3A_1965, %get3A_1937, %select_n3A_1961 : vector<16xi1>, vector<16xf32>
    %jit3A_1967 = arith.constant 2 : i32
    %broadcast_in_dim3A_1968 = vector.broadcast %jit3A_1967 : i32 to vector<16xi32>
    %select_n3A_1969 = arith.select %gt3A_1965, %broadcast_in_dim3A_1968, %select_n3A_1964 : vector<16xi1>, vector<16xi32>
    %gt3A_1970 = arith.cmpf ogt, %get3A_1942, %select_n3A_1966 : vector<16xf32>
    %select_n3A_1971 = arith.select %gt3A_1970, %get3A_1942, %select_n3A_1966 : vector<16xi1>, vector<16xf32>
    %jit3A_1972 = arith.constant 3 : i32
    %broadcast_in_dim3A_1973 = vector.broadcast %jit3A_1972 : i32 to vector<16xi32>
    %select_n3A_1974 = arith.select %gt3A_1970, %broadcast_in_dim3A_1973, %select_n3A_1969 : vector<16xi1>, vector<16xi32>
    %gt3A_1975 = arith.cmpf ogt, %get3A_1947, %select_n3A_1971 : vector<16xf32>
    %select_n3A_1976 = arith.select %gt3A_1975, %get3A_1947, %select_n3A_1971 : vector<16xi1>, vector<16xf32>
    %jit3A_1977 = arith.constant 4 : i32
    %broadcast_in_dim3A_1978 = vector.broadcast %jit3A_1977 : i32 to vector<16xi32>
    %select_n3A_1979 = arith.select %gt3A_1975, %broadcast_in_dim3A_1978, %select_n3A_1974 : vector<16xi1>, vector<16xi32>
    %gt3A_1980 = arith.cmpf ogt, %get3A_1952, %select_n3A_1976 : vector<16xf32>
    %select_n3A_1981 = arith.select %gt3A_1980, %get3A_1952, %select_n3A_1976 : vector<16xi1>, vector<16xf32>
    %jit3A_1982 = arith.constant 5 : i32
    %broadcast_in_dim3A_1983 = vector.broadcast %jit3A_1982 : i32 to vector<16xi32>
    %select_n3A_1984 = arith.select %gt3A_1980, %broadcast_in_dim3A_1983, %select_n3A_1979 : vector<16xi1>, vector<16xi32>
    %gt3A_1985 = arith.cmpf ogt, %get3A_1957, %select_n3A_1981 : vector<16xf32>
    %select_n3A_1986 = arith.select %gt3A_1985, %get3A_1957, %select_n3A_1981 : vector<16xi1>, vector<16xf32>
    %jit3A_1987 = arith.constant 6 : i32
    %broadcast_in_dim3A_1988 = vector.broadcast %jit3A_1987 : i32 to vector<16xi32>
    %select_n3A_1989 = arith.select %gt3A_1985, %broadcast_in_dim3A_1988, %select_n3A_1984 : vector<16xi1>, vector<16xi32>
    %broadcast_in_dim3A_1990 = arith.constant -1.000000e+30 : f32
    %broadcast_in_dim3A_1991 = vector.broadcast %broadcast_in_dim3A_1990 : f32 to vector<16xf32>
    %broadcast_in_dim3A_1992 = arith.constant 7 : i32
    %broadcast_in_dim3A_1993 = vector.broadcast %broadcast_in_dim3A_1992 : i32 to vector<16xi32>
    %ne3A_1994 = arith.constant 0 : i32
    %ne3A_1995 = vector.broadcast %ne3A_1994 : i32 to vector<16xi32>
    %ne3A_1996 = arith.cmpi ne, %select_n3A_1989, %ne3A_1995 : vector<16xi32>
    %gt3A_1997 = arith.cmpf ogt, %get3A_1927, %broadcast_in_dim3A_1991 : vector<16xf32>
    %and3A_1998 = arith.andi %ne3A_1996, %gt3A_1997 : vector<16xi1>
    %select_n3A_1999 = arith.select %and3A_1998, %get3A_1927, %broadcast_in_dim3A_1991 : vector<16xi1>, vector<16xf32>
    %jit3A_2000 = arith.constant 0 : i32
    %broadcast_in_dim3A_2001 = vector.broadcast %jit3A_2000 : i32 to vector<16xi32>
    %select_n3A_2002 = arith.select %and3A_1998, %broadcast_in_dim3A_2001, %broadcast_in_dim3A_1993 : vector<16xi1>, vector<16xi32>
    %ne3A_2003 = arith.constant 1 : i32
    %ne3A_2004 = vector.broadcast %ne3A_2003 : i32 to vector<16xi32>
    %ne3A_2005 = arith.cmpi ne, %select_n3A_1989, %ne3A_2004 : vector<16xi32>
    %gt3A_2006 = arith.cmpf ogt, %get3A_1932, %select_n3A_1999 : vector<16xf32>
    %and3A_2007 = arith.andi %ne3A_2005, %gt3A_2006 : vector<16xi1>
    %select_n3A_2008 = arith.select %and3A_2007, %get3A_1932, %select_n3A_1999 : vector<16xi1>, vector<16xf32>
    %jit3A_2009 = arith.constant 1 : i32
    %broadcast_in_dim3A_2010 = vector.broadcast %jit3A_2009 : i32 to vector<16xi32>
    %select_n3A_2011 = arith.select %and3A_2007, %broadcast_in_dim3A_2010, %select_n3A_2002 : vector<16xi1>, vector<16xi32>
    %ne3A_2012 = arith.constant 2 : i32
    %ne3A_2013 = vector.broadcast %ne3A_2012 : i32 to vector<16xi32>
    %ne3A_2014 = arith.cmpi ne, %select_n3A_1989, %ne3A_2013 : vector<16xi32>
    %gt3A_2015 = arith.cmpf ogt, %get3A_1937, %select_n3A_2008 : vector<16xf32>
    %and3A_2016 = arith.andi %ne3A_2014, %gt3A_2015 : vector<16xi1>
    %select_n3A_2017 = arith.select %and3A_2016, %get3A_1937, %select_n3A_2008 : vector<16xi1>, vector<16xf32>
    %jit3A_2018 = arith.constant 2 : i32
    %broadcast_in_dim3A_2019 = vector.broadcast %jit3A_2018 : i32 to vector<16xi32>
    %select_n3A_2020 = arith.select %and3A_2016, %broadcast_in_dim3A_2019, %select_n3A_2011 : vector<16xi1>, vector<16xi32>
    %ne3A_2021 = arith.constant 3 : i32
    %ne3A_2022 = vector.broadcast %ne3A_2021 : i32 to vector<16xi32>
    %ne3A_2023 = arith.cmpi ne, %select_n3A_1989, %ne3A_2022 : vector<16xi32>
    %gt3A_2024 = arith.cmpf ogt, %get3A_1942, %select_n3A_2017 : vector<16xf32>
    %and3A_2025 = arith.andi %ne3A_2023, %gt3A_2024 : vector<16xi1>
    %select_n3A_2026 = arith.select %and3A_2025, %get3A_1942, %select_n3A_2017 : vector<16xi1>, vector<16xf32>
    %jit3A_2027 = arith.constant 3 : i32
    %broadcast_in_dim3A_2028 = vector.broadcast %jit3A_2027 : i32 to vector<16xi32>
    %select_n3A_2029 = arith.select %and3A_2025, %broadcast_in_dim3A_2028, %select_n3A_2020 : vector<16xi1>, vector<16xi32>
    %ne3A_2030 = arith.constant 4 : i32
    %ne3A_2031 = vector.broadcast %ne3A_2030 : i32 to vector<16xi32>
    %ne3A_2032 = arith.cmpi ne, %select_n3A_1989, %ne3A_2031 : vector<16xi32>
    %gt3A_2033 = arith.cmpf ogt, %get3A_1947, %select_n3A_2026 : vector<16xf32>
    %and3A_2034 = arith.andi %ne3A_2032, %gt3A_2033 : vector<16xi1>
    %select_n3A_2035 = arith.select %and3A_2034, %get3A_1947, %select_n3A_2026 : vector<16xi1>, vector<16xf32>
    %jit3A_2036 = arith.constant 4 : i32
    %broadcast_in_dim3A_2037 = vector.broadcast %jit3A_2036 : i32 to vector<16xi32>
    %select_n3A_2038 = arith.select %and3A_2034, %broadcast_in_dim3A_2037, %select_n3A_2029 : vector<16xi1>, vector<16xi32>
    %ne3A_2039 = arith.constant 5 : i32
    %ne3A_2040 = vector.broadcast %ne3A_2039 : i32 to vector<16xi32>
    %ne3A_2041 = arith.cmpi ne, %select_n3A_1989, %ne3A_2040 : vector<16xi32>
    %gt3A_2042 = arith.cmpf ogt, %get3A_1952, %select_n3A_2035 : vector<16xf32>
    %and3A_2043 = arith.andi %ne3A_2041, %gt3A_2042 : vector<16xi1>
    %select_n3A_2044 = arith.select %and3A_2043, %get3A_1952, %select_n3A_2035 : vector<16xi1>, vector<16xf32>
    %jit3A_2045 = arith.constant 5 : i32
    %broadcast_in_dim3A_2046 = vector.broadcast %jit3A_2045 : i32 to vector<16xi32>
    %select_n3A_2047 = arith.select %and3A_2043, %broadcast_in_dim3A_2046, %select_n3A_2038 : vector<16xi1>, vector<16xi32>
    %ne3A_2048 = arith.constant 6 : i32
    %ne3A_2049 = vector.broadcast %ne3A_2048 : i32 to vector<16xi32>
    %ne3A_2050 = arith.cmpi ne, %select_n3A_1989, %ne3A_2049 : vector<16xi32>
    %gt3A_2051 = arith.cmpf ogt, %get3A_1957, %select_n3A_2044 : vector<16xf32>
    %and3A_2052 = arith.andi %ne3A_2050, %gt3A_2051 : vector<16xi1>
    %select_n3A_2053 = arith.select %and3A_2052, %get3A_1957, %select_n3A_2044 : vector<16xi1>, vector<16xf32>
    %jit3A_2054 = arith.constant 6 : i32
    %broadcast_in_dim3A_2055 = vector.broadcast %jit3A_2054 : i32 to vector<16xi32>
    %select_n3A_2056 = arith.select %and3A_2052, %broadcast_in_dim3A_2055, %select_n3A_2047 : vector<16xi1>, vector<16xi32>
    %sub3A_2057 = arith.subf %select_n3A_2053, %select_n3A_1986 : vector<16xf32>
    %exp3A_2058 = math.exp %sub3A_2057 : vector<16xf32>
    %add3A_2059 = arith.constant 1.000000e+00 : f32
    %add3A_2060 = vector.broadcast %add3A_2059 : f32 to vector<16xf32>
    %add3A_2061 = arith.addf %add3A_2060, %exp3A_2058 : vector<16xf32>
    %div3A_2062 = arith.constant 1.000000e+00 : f32
    %div3A_2063 = vector.broadcast %div3A_2062 : f32 to vector<16xf32>
    %div3A_2064 = arith.divf %div3A_2063, %add3A_2061 : vector<16xf32>
    %div3A_2065 = arith.divf %exp3A_2058, %add3A_2061 : vector<16xf32>
    %eq3A_2066 = arith.constant 0 : i32
    %eq3A_2067 = vector.broadcast %eq3A_2066 : i32 to vector<16xi32>
    %eq3A_2068 = arith.cmpi eq, %select_n3A_1989, %eq3A_2067 : vector<16xi32>
    %jit3A_2069 = arith.constant 0.000000e+00 : f32
    %broadcast_in_dim3A_2070 = vector.broadcast %jit3A_2069 : f32 to vector<16xf32>
    %select_n3A_2071 = arith.select %eq3A_2068, %div3A_2064, %broadcast_in_dim3A_2070 : vector<16xi1>, vector<16xf32>
    %eq3A_2072 = arith.constant 0 : i32
    %eq3A_2073 = vector.broadcast %eq3A_2072 : i32 to vector<16xi32>
    %eq3A_2074 = arith.cmpi eq, %select_n3A_2056, %eq3A_2073 : vector<16xi32>
    %jit3A_2075 = arith.constant 0.000000e+00 : f32
    %broadcast_in_dim3A_2076 = vector.broadcast %jit3A_2075 : f32 to vector<16xf32>
    %select_n3A_2077 = arith.select %eq3A_2074, %div3A_2065, %broadcast_in_dim3A_2076 : vector<16xi1>, vector<16xf32>
    %add3A_2078 = arith.addf %select_n3A_2071, %select_n3A_2077 : vector<16xf32>
    %swap3A_2079 = arith.constant 0 : i32
    %swap3A_2080 = arith.index_cast %swap3A_2079 : i32 to index
    %swap3A_2081 = arith.constant 112 : index
    %swap3A_2082 = tpu.vector_load %arg5[%swap3A_2080, %swap3A_2081] {strides = array<i32>} : memref<7x256xf32, #tpu.memory_space<vmem>>, vector<1x16xf32>,
    %swap3A_2083 = vector.shape_cast %swap3A_2082 : vector<1x16xf32> to vector<16xf32>
    %swap3A_2084 = vector.shape_cast %add3A_2078 : vector<16xf32> to vector<1x16xf32>
    tpu.vector_store %arg5[%swap3A_2080, %swap3A_2081], %swap3A_2084 {strides = array<i32>} : memref<7x256xf32, #tpu.memory_space<vmem>>, vector<1x16xf32>,
    %eq3A_2085 = arith.constant 1 : i32
    %eq3A_2086 = vector.broadcast %eq3A_2085 : i32 to vector<16xi32>
    %eq3A_2087 = arith.cmpi eq, %select_n3A_1989, %eq3A_2086 : vector<16xi32>
    %jit3A_2088 = arith.constant 0.000000e+00 : f32
    %broadcast_in_dim3A_2089 = vector.broadcast %jit3A_2088 : f32 to vector<16xf32>
    %select_n3A_2090 = arith.select %eq3A_2087, %div3A_2064, %broadcast_in_dim3A_2089 : vector<16xi1>, vector<16xf32>
    %eq3A_2091 = arith.constant 1 : i32
    %eq3A_2092 = vector.broadcast %eq3A_2091 : i32 to vector<16xi32>
    %eq3A_2093 = arith.cmpi eq, %select_n3A_2056, %eq3A_2092 : vector<16xi32>
    %jit3A_2094 = arith.constant 0.000000e+00 : f32
    %broadcast_in_dim3A_2095 = vector.broadcast %jit3A_2094 : f32 to vector<16xf32>
    %select_n3A_2096 = arith.select %eq3A_2093, %div3A_2065, %broadcast_in_dim3A_2095 : vector<16xi1>, vector<16xf32>
    %add3A_2097 = arith.addf %select_n3A_2090, %select_n3A_2096 : vector<16xf32>
    %swap3A_2098 = arith.constant 1 : i32
    %swap3A_2099 = arith.index_cast %swap3A_2098 : i32 to index
    %swap3A_2100 = arith.constant 112 : index
    %swap3A_2101 = tpu.vector_load %arg5[%swap3A_2099, %swap3A_2100] {strides = array<i32>} : memref<7x256xf32, #tpu.memory_space<vmem>>, vector<1x16xf32>,
    %swap3A_2102 = vector.shape_cast %swap3A_2101 : vector<1x16xf32> to vector<16xf32>
    %swap3A_2103 = vector.shape_cast %add3A_2097 : vector<16xf32> to vector<1x16xf32>
    tpu.vector_store %arg5[%swap3A_2099, %swap3A_2100], %swap3A_2103 {strides = array<i32>} : memref<7x256xf32, #tpu.memory_space<vmem>>, vector<1x16xf32>,
    %eq3A_2104 = arith.constant 2 : i32
    %eq3A_2105 = vector.broadcast %eq3A_2104 : i32 to vector<16xi32>
    %eq3A_2106 = arith.cmpi eq, %select_n3A_1989, %eq3A_2105 : vector<16xi32>
    %jit3A_2107 = arith.constant 0.000000e+00 : f32
    %broadcast_in_dim3A_2108 = vector.broadcast %jit3A_2107 : f32 to vector<16xf32>
    %select_n3A_2109 = arith.select %eq3A_2106, %div3A_2064, %broadcast_in_dim3A_2108 : vector<16xi1>, vector<16xf32>
    %eq3A_2110 = arith.constant 2 : i32
    %eq3A_2111 = vector.broadcast %eq3A_2110 : i32 to vector<16xi32>
    %eq3A_2112 = arith.cmpi eq, %select_n3A_2056, %eq3A_2111 : vector<16xi32>
    %jit3A_2113 = arith.constant 0.000000e+00 : f32
    %broadcast_in_dim3A_2114 = vector.broadcast %jit3A_2113 : f32 to vector<16xf32>
    %select_n3A_2115 = arith.select %eq3A_2112, %div3A_2065, %broadcast_in_dim3A_2114 : vector<16xi1>, vector<16xf32>
    %add3A_2116 = arith.addf %select_n3A_2109, %select_n3A_2115 : vector<16xf32>
    %swap3A_2117 = arith.constant 2 : i32
    %swap3A_2118 = arith.index_cast %swap3A_2117 : i32 to index
    %swap3A_2119 = arith.constant 112 : index
    %swap3A_2120 = tpu.vector_load %arg5[%swap3A_2118, %swap3A_2119] {strides = array<i32>} : memref<7x256xf32, #tpu.memory_space<vmem>>, vector<1x16xf32>,
    %swap3A_2121 = vector.shape_cast %swap3A_2120 : vector<1x16xf32> to vector<16xf32>
    %swap3A_2122 = vector.shape_cast %add3A_2116 : vector<16xf32> to vector<1x16xf32>
    tpu.vector_store %arg5[%swap3A_2118, %swap3A_2119], %swap3A_2122 {strides = array<i32>} : memref<7x256xf32, #tpu.memory_space<vmem>>, vector<1x16xf32>,
    %eq3A_2123 = arith.constant 3 : i32
    %eq3A_2124 = vector.broadcast %eq3A_2123 : i32 to vector<16xi32>
    %eq3A_2125 = arith.cmpi eq, %select_n3A_1989, %eq3A_2124 : vector<16xi32>
    %jit3A_2126 = arith.constant 0.000000e+00 : f32
    %broadcast_in_dim3A_2127 = vector.broadcast %jit3A_2126 : f32 to vector<16xf32>
    %select_n3A_2128 = arith.select %eq3A_2125, %div3A_2064, %broadcast_in_dim3A_2127 : vector<16xi1>, vector<16xf32>
    %eq3A_2129 = arith.constant 3 : i32
    %eq3A_2130 = vector.broadcast %eq3A_2129 : i32 to vector<16xi32>
    %eq3A_2131 = arith.cmpi eq, %select_n3A_2056, %eq3A_2130 : vector<16xi32>
    %jit3A_2132 = arith.constant 0.000000e+00 : f32
    %broadcast_in_dim3A_2133 = vector.broadcast %jit3A_2132 : f32 to vector<16xf32>
    %select_n3A_2134 = arith.select %eq3A_2131, %div3A_2065, %broadcast_in_dim3A_2133 : vector<16xi1>, vector<16xf32>
    %add3A_2135 = arith.addf %select_n3A_2128, %select_n3A_2134 : vector<16xf32>
    %swap3A_2136 = arith.constant 3 : i32
    %swap3A_2137 = arith.index_cast %swap3A_2136 : i32 to index
    %swap3A_2138 = arith.constant 112 : index
    %swap3A_2139 = tpu.vector_load %arg5[%swap3A_2137, %swap3A_2138] {strides = array<i32>} : memref<7x256xf32, #tpu.memory_space<vmem>>, vector<1x16xf32>,
    %swap3A_2140 = vector.shape_cast %swap3A_2139 : vector<1x16xf32> to vector<16xf32>
    %swap3A_2141 = vector.shape_cast %add3A_2135 : vector<16xf32> to vector<1x16xf32>
    tpu.vector_store %arg5[%swap3A_2137, %swap3A_2138], %swap3A_2141 {strides = array<i32>} : memref<7x256xf32, #tpu.memory_space<vmem>>, vector<1x16xf32>,
    %eq3A_2142 = arith.constant 4 : i32
    %eq3A_2143 = vector.broadcast %eq3A_2142 : i32 to vector<16xi32>
    %eq3A_2144 = arith.cmpi eq, %select_n3A_1989, %eq3A_2143 : vector<16xi32>
    %jit3A_2145 = arith.constant 0.000000e+00 : f32
    %broadcast_in_dim3A_2146 = vector.broadcast %jit3A_2145 : f32 to vector<16xf32>
    %select_n3A_2147 = arith.select %eq3A_2144, %div3A_2064, %broadcast_in_dim3A_2146 : vector<16xi1>, vector<16xf32>
    %eq3A_2148 = arith.constant 4 : i32
    %eq3A_2149 = vector.broadcast %eq3A_2148 : i32 to vector<16xi32>
    %eq3A_2150 = arith.cmpi eq, %select_n3A_2056, %eq3A_2149 : vector<16xi32>
    %jit3A_2151 = arith.constant 0.000000e+00 : f32
    %broadcast_in_dim3A_2152 = vector.broadcast %jit3A_2151 : f32 to vector<16xf32>
    %select_n3A_2153 = arith.select %eq3A_2150, %div3A_2065, %broadcast_in_dim3A_2152 : vector<16xi1>, vector<16xf32>
    %add3A_2154 = arith.addf %select_n3A_2147, %select_n3A_2153 : vector<16xf32>
    %swap3A_2155 = arith.constant 4 : i32
    %swap3A_2156 = arith.index_cast %swap3A_2155 : i32 to index
    %swap3A_2157 = arith.constant 112 : index
    %swap3A_2158 = tpu.vector_load %arg5[%swap3A_2156, %swap3A_2157] {strides = array<i32>} : memref<7x256xf32, #tpu.memory_space<vmem>>, vector<1x16xf32>,
    %swap3A_2159 = vector.shape_cast %swap3A_2158 : vector<1x16xf32> to vector<16xf32>
    %swap3A_2160 = vector.shape_cast %add3A_2154 : vector<16xf32> to vector<1x16xf32>
    tpu.vector_store %arg5[%swap3A_2156, %swap3A_2157], %swap3A_2160 {strides = array<i32>} : memref<7x256xf32, #tpu.memory_space<vmem>>, vector<1x16xf32>,
    %eq3A_2161 = arith.constant 5 : i32
    %eq3A_2162 = vector.broadcast %eq3A_2161 : i32 to vector<16xi32>
    %eq3A_2163 = arith.cmpi eq, %select_n3A_1989, %eq3A_2162 : vector<16xi32>
    %jit3A_2164 = arith.constant 0.000000e+00 : f32
    %broadcast_in_dim3A_2165 = vector.broadcast %jit3A_2164 : f32 to vector<16xf32>
    %select_n3A_2166 = arith.select %eq3A_2163, %div3A_2064, %broadcast_in_dim3A_2165 : vector<16xi1>, vector<16xf32>
    %eq3A_2167 = arith.constant 5 : i32
    %eq3A_2168 = vector.broadcast %eq3A_2167 : i32 to vector<16xi32>
    %eq3A_2169 = arith.cmpi eq, %select_n3A_2056, %eq3A_2168 : vector<16xi32>
    %jit3A_2170 = arith.constant 0.000000e+00 : f32
    %broadcast_in_dim3A_2171 = vector.broadcast %jit3A_2170 : f32 to vector<16xf32>
    %select_n3A_2172 = arith.select %eq3A_2169, %div3A_2065, %broadcast_in_dim3A_2171 : vector<16xi1>, vector<16xf32>
    %add3A_2173 = arith.addf %select_n3A_2166, %select_n3A_2172 : vector<16xf32>
    %swap3A_2174 = arith.constant 5 : i32
    %swap3A_2175 = arith.index_cast %swap3A_2174 : i32 to index
    %swap3A_2176 = arith.constant 112 : index
    %swap3A_2177 = tpu.vector_load %arg5[%swap3A_2175, %swap3A_2176] {strides = array<i32>} : memref<7x256xf32, #tpu.memory_space<vmem>>, vector<1x16xf32>,
    %swap3A_2178 = vector.shape_cast %swap3A_2177 : vector<1x16xf32> to vector<16xf32>
    %swap3A_2179 = vector.shape_cast %add3A_2173 : vector<16xf32> to vector<1x16xf32>
    tpu.vector_store %arg5[%swap3A_2175, %swap3A_2176], %swap3A_2179 {strides = array<i32>} : memref<7x256xf32, #tpu.memory_space<vmem>>, vector<1x16xf32>,
    %eq3A_2180 = arith.constant 6 : i32
    %eq3A_2181 = vector.broadcast %eq3A_2180 : i32 to vector<16xi32>
    %eq3A_2182 = arith.cmpi eq, %select_n3A_1989, %eq3A_2181 : vector<16xi32>
    %jit3A_2183 = arith.constant 0.000000e+00 : f32
    %broadcast_in_dim3A_2184 = vector.broadcast %jit3A_2183 : f32 to vector<16xf32>
    %select_n3A_2185 = arith.select %eq3A_2182, %div3A_2064, %broadcast_in_dim3A_2184 : vector<16xi1>, vector<16xf32>
    %eq3A_2186 = arith.constant 6 : i32
    %eq3A_2187 = vector.broadcast %eq3A_2186 : i32 to vector<16xi32>
    %eq3A_2188 = arith.cmpi eq, %select_n3A_2056, %eq3A_2187 : vector<16xi32>
    %jit3A_2189 = arith.constant 0.000000e+00 : f32
    %broadcast_in_dim3A_2190 = vector.broadcast %jit3A_2189 : f32 to vector<16xf32>
    %select_n3A_2191 = arith.select %eq3A_2188, %div3A_2065, %broadcast_in_dim3A_2190 : vector<16xi1>, vector<16xf32>
    %add3A_2192 = arith.addf %select_n3A_2185, %select_n3A_2191 : vector<16xf32>
    %swap3A_2193 = arith.constant 6 : i32
    %swap3A_2194 = arith.index_cast %swap3A_2193 : i32 to index
    %swap3A_2195 = arith.constant 112 : index
    %swap3A_2196 = tpu.vector_load %arg5[%swap3A_2194, %swap3A_2195] {strides = array<i32>} : memref<7x256xf32, #tpu.memory_space<vmem>>, vector<1x16xf32>,
    %swap3A_2197 = vector.shape_cast %swap3A_2196 : vector<1x16xf32> to vector<16xf32>
    %swap3A_2198 = vector.shape_cast %add3A_2192 : vector<16xf32> to vector<1x16xf32>
    tpu.vector_store %arg5[%swap3A_2194, %swap3A_2195], %swap3A_2198 {strides = array<i32>} : memref<7x256xf32, #tpu.memory_space<vmem>>, vector<1x16xf32>,
    %get3A_2199 = arith.constant 0 : i32
    %get3A_2200 = arith.index_cast %get3A_2199 : i32 to index
    %get3A_2201 = arith.constant 128 : index
    %get3A_2202 = tpu.vector_load %arg4[%get3A_2200, %get3A_2201] {strides = array<i32>} : memref<7x256xf32, #tpu.memory_space<vmem>>, vector<1x16xf32>,
    %get3A_2203 = vector.shape_cast %get3A_2202 : vector<1x16xf32> to vector<16xf32>
    %get3A_2204 = arith.constant 1 : i32
    %get3A_2205 = arith.index_cast %get3A_2204 : i32 to index
    %get3A_2206 = arith.constant 128 : index
    %get3A_2207 = tpu.vector_load %arg4[%get3A_2205, %get3A_2206] {strides = array<i32>} : memref<7x256xf32, #tpu.memory_space<vmem>>, vector<1x16xf32>,
    %get3A_2208 = vector.shape_cast %get3A_2207 : vector<1x16xf32> to vector<16xf32>
    %get3A_2209 = arith.constant 2 : i32
    %get3A_2210 = arith.index_cast %get3A_2209 : i32 to index
    %get3A_2211 = arith.constant 128 : index
    %get3A_2212 = tpu.vector_load %arg4[%get3A_2210, %get3A_2211] {strides = array<i32>} : memref<7x256xf32, #tpu.memory_space<vmem>>, vector<1x16xf32>,
    %get3A_2213 = vector.shape_cast %get3A_2212 : vector<1x16xf32> to vector<16xf32>
    %get3A_2214 = arith.constant 3 : i32
    %get3A_2215 = arith.index_cast %get3A_2214 : i32 to index
    %get3A_2216 = arith.constant 128 : index
    %get3A_2217 = tpu.vector_load %arg4[%get3A_2215, %get3A_2216] {strides = array<i32>} : memref<7x256xf32, #tpu.memory_space<vmem>>, vector<1x16xf32>,
    %get3A_2218 = vector.shape_cast %get3A_2217 : vector<1x16xf32> to vector<16xf32>
    %get3A_2219 = arith.constant 4 : i32
    %get3A_2220 = arith.index_cast %get3A_2219 : i32 to index
    %get3A_2221 = arith.constant 128 : index
    %get3A_2222 = tpu.vector_load %arg4[%get3A_2220, %get3A_2221] {strides = array<i32>} : memref<7x256xf32, #tpu.memory_space<vmem>>, vector<1x16xf32>,
    %get3A_2223 = vector.shape_cast %get3A_2222 : vector<1x16xf32> to vector<16xf32>
    %get3A_2224 = arith.constant 5 : i32
    %get3A_2225 = arith.index_cast %get3A_2224 : i32 to index
    %get3A_2226 = arith.constant 128 : index
    %get3A_2227 = tpu.vector_load %arg4[%get3A_2225, %get3A_2226] {strides = array<i32>} : memref<7x256xf32, #tpu.memory_space<vmem>>, vector<1x16xf32>,
    %get3A_2228 = vector.shape_cast %get3A_2227 : vector<1x16xf32> to vector<16xf32>
    %get3A_2229 = arith.constant 6 : i32
    %get3A_2230 = arith.index_cast %get3A_2229 : i32 to index
    %get3A_2231 = arith.constant 128 : index
    %get3A_2232 = tpu.vector_load %arg4[%get3A_2230, %get3A_2231] {strides = array<i32>} : memref<7x256xf32, #tpu.memory_space<vmem>>, vector<1x16xf32>,
    %get3A_2233 = vector.shape_cast %get3A_2232 : vector<1x16xf32> to vector<16xf32>
    %broadcast_in_dim3A_2234 = arith.constant 0 : i32
    %broadcast_in_dim3A_2235 = vector.broadcast %broadcast_in_dim3A_2234 : i32 to vector<16xi32>
    %gt3A_2236 = arith.cmpf ogt, %get3A_2208, %get3A_2203 : vector<16xf32>
    %select_n3A_2237 = arith.select %gt3A_2236, %get3A_2208, %get3A_2203 : vector<16xi1>, vector<16xf32>
    %jit3A_2238 = arith.constant 1 : i32
    %broadcast_in_dim3A_2239 = vector.broadcast %jit3A_2238 : i32 to vector<16xi32>
    %select_n3A_2240 = arith.select %gt3A_2236, %broadcast_in_dim3A_2239, %broadcast_in_dim3A_2235 : vector<16xi1>, vector<16xi32>
    %gt3A_2241 = arith.cmpf ogt, %get3A_2213, %select_n3A_2237 : vector<16xf32>
    %select_n3A_2242 = arith.select %gt3A_2241, %get3A_2213, %select_n3A_2237 : vector<16xi1>, vector<16xf32>
    %jit3A_2243 = arith.constant 2 : i32
    %broadcast_in_dim3A_2244 = vector.broadcast %jit3A_2243 : i32 to vector<16xi32>
    %select_n3A_2245 = arith.select %gt3A_2241, %broadcast_in_dim3A_2244, %select_n3A_2240 : vector<16xi1>, vector<16xi32>
    %gt3A_2246 = arith.cmpf ogt, %get3A_2218, %select_n3A_2242 : vector<16xf32>
    %select_n3A_2247 = arith.select %gt3A_2246, %get3A_2218, %select_n3A_2242 : vector<16xi1>, vector<16xf32>
    %jit3A_2248 = arith.constant 3 : i32
    %broadcast_in_dim3A_2249 = vector.broadcast %jit3A_2248 : i32 to vector<16xi32>
    %select_n3A_2250 = arith.select %gt3A_2246, %broadcast_in_dim3A_2249, %select_n3A_2245 : vector<16xi1>, vector<16xi32>
    %gt3A_2251 = arith.cmpf ogt, %get3A_2223, %select_n3A_2247 : vector<16xf32>
    %select_n3A_2252 = arith.select %gt3A_2251, %get3A_2223, %select_n3A_2247 : vector<16xi1>, vector<16xf32>
    %jit3A_2253 = arith.constant 4 : i32
    %broadcast_in_dim3A_2254 = vector.broadcast %jit3A_2253 : i32 to vector<16xi32>
    %select_n3A_2255 = arith.select %gt3A_2251, %broadcast_in_dim3A_2254, %select_n3A_2250 : vector<16xi1>, vector<16xi32>
    %gt3A_2256 = arith.cmpf ogt, %get3A_2228, %select_n3A_2252 : vector<16xf32>
    %select_n3A_2257 = arith.select %gt3A_2256, %get3A_2228, %select_n3A_2252 : vector<16xi1>, vector<16xf32>
    %jit3A_2258 = arith.constant 5 : i32
    %broadcast_in_dim3A_2259 = vector.broadcast %jit3A_2258 : i32 to vector<16xi32>
    %select_n3A_2260 = arith.select %gt3A_2256, %broadcast_in_dim3A_2259, %select_n3A_2255 : vector<16xi1>, vector<16xi32>
    %gt3A_2261 = arith.cmpf ogt, %get3A_2233, %select_n3A_2257 : vector<16xf32>
    %select_n3A_2262 = arith.select %gt3A_2261, %get3A_2233, %select_n3A_2257 : vector<16xi1>, vector<16xf32>
    %jit3A_2263 = arith.constant 6 : i32
    %broadcast_in_dim3A_2264 = vector.broadcast %jit3A_2263 : i32 to vector<16xi32>
    %select_n3A_2265 = arith.select %gt3A_2261, %broadcast_in_dim3A_2264, %select_n3A_2260 : vector<16xi1>, vector<16xi32>
    %broadcast_in_dim3A_2266 = arith.constant -1.000000e+30 : f32
    %broadcast_in_dim3A_2267 = vector.broadcast %broadcast_in_dim3A_2266 : f32 to vector<16xf32>
    %broadcast_in_dim3A_2268 = arith.constant 7 : i32
    %broadcast_in_dim3A_2269 = vector.broadcast %broadcast_in_dim3A_2268 : i32 to vector<16xi32>
    %ne3A_2270 = arith.constant 0 : i32
    %ne3A_2271 = vector.broadcast %ne3A_2270 : i32 to vector<16xi32>
    %ne3A_2272 = arith.cmpi ne, %select_n3A_2265, %ne3A_2271 : vector<16xi32>
    %gt3A_2273 = arith.cmpf ogt, %get3A_2203, %broadcast_in_dim3A_2267 : vector<16xf32>
    %and3A_2274 = arith.andi %ne3A_2272, %gt3A_2273 : vector<16xi1>
    %select_n3A_2275 = arith.select %and3A_2274, %get3A_2203, %broadcast_in_dim3A_2267 : vector<16xi1>, vector<16xf32>
    %jit3A_2276 = arith.constant 0 : i32
    %broadcast_in_dim3A_2277 = vector.broadcast %jit3A_2276 : i32 to vector<16xi32>
    %select_n3A_2278 = arith.select %and3A_2274, %broadcast_in_dim3A_2277, %broadcast_in_dim3A_2269 : vector<16xi1>, vector<16xi32>
    %ne3A_2279 = arith.constant 1 : i32
    %ne3A_2280 = vector.broadcast %ne3A_2279 : i32 to vector<16xi32>
    %ne3A_2281 = arith.cmpi ne, %select_n3A_2265, %ne3A_2280 : vector<16xi32>
    %gt3A_2282 = arith.cmpf ogt, %get3A_2208, %select_n3A_2275 : vector<16xf32>
    %and3A_2283 = arith.andi %ne3A_2281, %gt3A_2282 : vector<16xi1>
    %select_n3A_2284 = arith.select %and3A_2283, %get3A_2208, %select_n3A_2275 : vector<16xi1>, vector<16xf32>
    %jit3A_2285 = arith.constant 1 : i32
    %broadcast_in_dim3A_2286 = vector.broadcast %jit3A_2285 : i32 to vector<16xi32>
    %select_n3A_2287 = arith.select %and3A_2283, %broadcast_in_dim3A_2286, %select_n3A_2278 : vector<16xi1>, vector<16xi32>
    %ne3A_2288 = arith.constant 2 : i32
    %ne3A_2289 = vector.broadcast %ne3A_2288 : i32 to vector<16xi32>
    %ne3A_2290 = arith.cmpi ne, %select_n3A_2265, %ne3A_2289 : vector<16xi32>
    %gt3A_2291 = arith.cmpf ogt, %get3A_2213, %select_n3A_2284 : vector<16xf32>
    %and3A_2292 = arith.andi %ne3A_2290, %gt3A_2291 : vector<16xi1>
    %select_n3A_2293 = arith.select %and3A_2292, %get3A_2213, %select_n3A_2284 : vector<16xi1>, vector<16xf32>
    %jit3A_2294 = arith.constant 2 : i32
    %broadcast_in_dim3A_2295 = vector.broadcast %jit3A_2294 : i32 to vector<16xi32>
    %select_n3A_2296 = arith.select %and3A_2292, %broadcast_in_dim3A_2295, %select_n3A_2287 : vector<16xi1>, vector<16xi32>
    %ne3A_2297 = arith.constant 3 : i32
    %ne3A_2298 = vector.broadcast %ne3A_2297 : i32 to vector<16xi32>
    %ne3A_2299 = arith.cmpi ne, %select_n3A_2265, %ne3A_2298 : vector<16xi32>
    %gt3A_2300 = arith.cmpf ogt, %get3A_2218, %select_n3A_2293 : vector<16xf32>
    %and3A_2301 = arith.andi %ne3A_2299, %gt3A_2300 : vector<16xi1>
    %select_n3A_2302 = arith.select %and3A_2301, %get3A_2218, %select_n3A_2293 : vector<16xi1>, vector<16xf32>
    %jit3A_2303 = arith.constant 3 : i32
    %broadcast_in_dim3A_2304 = vector.broadcast %jit3A_2303 : i32 to vector<16xi32>
    %select_n3A_2305 = arith.select %and3A_2301, %broadcast_in_dim3A_2304, %select_n3A_2296 : vector<16xi1>, vector<16xi32>
    %ne3A_2306 = arith.constant 4 : i32
    %ne3A_2307 = vector.broadcast %ne3A_2306 : i32 to vector<16xi32>
    %ne3A_2308 = arith.cmpi ne, %select_n3A_2265, %ne3A_2307 : vector<16xi32>
    %gt3A_2309 = arith.cmpf ogt, %get3A_2223, %select_n3A_2302 : vector<16xf32>
    %and3A_2310 = arith.andi %ne3A_2308, %gt3A_2309 : vector<16xi1>
    %select_n3A_2311 = arith.select %and3A_2310, %get3A_2223, %select_n3A_2302 : vector<16xi1>, vector<16xf32>
    %jit3A_2312 = arith.constant 4 : i32
    %broadcast_in_dim3A_2313 = vector.broadcast %jit3A_2312 : i32 to vector<16xi32>
    %select_n3A_2314 = arith.select %and3A_2310, %broadcast_in_dim3A_2313, %select_n3A_2305 : vector<16xi1>, vector<16xi32>
    %ne3A_2315 = arith.constant 5 : i32
    %ne3A_2316 = vector.broadcast %ne3A_2315 : i32 to vector<16xi32>
    %ne3A_2317 = arith.cmpi ne, %select_n3A_2265, %ne3A_2316 : vector<16xi32>
    %gt3A_2318 = arith.cmpf ogt, %get3A_2228, %select_n3A_2311 : vector<16xf32>
    %and3A_2319 = arith.andi %ne3A_2317, %gt3A_2318 : vector<16xi1>
    %select_n3A_2320 = arith.select %and3A_2319, %get3A_2228, %select_n3A_2311 : vector<16xi1>, vector<16xf32>
    %jit3A_2321 = arith.constant 5 : i32
    %broadcast_in_dim3A_2322 = vector.broadcast %jit3A_2321 : i32 to vector<16xi32>
    %select_n3A_2323 = arith.select %and3A_2319, %broadcast_in_dim3A_2322, %select_n3A_2314 : vector<16xi1>, vector<16xi32>
    %ne3A_2324 = arith.constant 6 : i32
    %ne3A_2325 = vector.broadcast %ne3A_2324 : i32 to vector<16xi32>
    %ne3A_2326 = arith.cmpi ne, %select_n3A_2265, %ne3A_2325 : vector<16xi32>
    %gt3A_2327 = arith.cmpf ogt, %get3A_2233, %select_n3A_2320 : vector<16xf32>
    %and3A_2328 = arith.andi %ne3A_2326, %gt3A_2327 : vector<16xi1>
    %select_n3A_2329 = arith.select %and3A_2328, %get3A_2233, %select_n3A_2320 : vector<16xi1>, vector<16xf32>
    %jit3A_2330 = arith.constant 6 : i32
    %broadcast_in_dim3A_2331 = vector.broadcast %jit3A_2330 : i32 to vector<16xi32>
    %select_n3A_2332 = arith.select %and3A_2328, %broadcast_in_dim3A_2331, %select_n3A_2323 : vector<16xi1>, vector<16xi32>
    %sub3A_2333 = arith.subf %select_n3A_2329, %select_n3A_2262 : vector<16xf32>
    %exp3A_2334 = math.exp %sub3A_2333 : vector<16xf32>
    %add3A_2335 = arith.constant 1.000000e+00 : f32
    %add3A_2336 = vector.broadcast %add3A_2335 : f32 to vector<16xf32>
    %add3A_2337 = arith.addf %add3A_2336, %exp3A_2334 : vector<16xf32>
    %div3A_2338 = arith.constant 1.000000e+00 : f32
    %div3A_2339 = vector.broadcast %div3A_2338 : f32 to vector<16xf32>
    %div3A_2340 = arith.divf %div3A_2339, %add3A_2337 : vector<16xf32>
    %div3A_2341 = arith.divf %exp3A_2334, %add3A_2337 : vector<16xf32>
    %eq3A_2342 = arith.constant 0 : i32
    %eq3A_2343 = vector.broadcast %eq3A_2342 : i32 to vector<16xi32>
    %eq3A_2344 = arith.cmpi eq, %select_n3A_2265, %eq3A_2343 : vector<16xi32>
    %jit3A_2345 = arith.constant 0.000000e+00 : f32
    %broadcast_in_dim3A_2346 = vector.broadcast %jit3A_2345 : f32 to vector<16xf32>
    %select_n3A_2347 = arith.select %eq3A_2344, %div3A_2340, %broadcast_in_dim3A_2346 : vector<16xi1>, vector<16xf32>
    %eq3A_2348 = arith.constant 0 : i32
    %eq3A_2349 = vector.broadcast %eq3A_2348 : i32 to vector<16xi32>
    %eq3A_2350 = arith.cmpi eq, %select_n3A_2332, %eq3A_2349 : vector<16xi32>
    %jit3A_2351 = arith.constant 0.000000e+00 : f32
    %broadcast_in_dim3A_2352 = vector.broadcast %jit3A_2351 : f32 to vector<16xf32>
    %select_n3A_2353 = arith.select %eq3A_2350, %div3A_2341, %broadcast_in_dim3A_2352 : vector<16xi1>, vector<16xf32>
    %add3A_2354 = arith.addf %select_n3A_2347, %select_n3A_2353 : vector<16xf32>
    %swap3A_2355 = arith.constant 0 : i32
    %swap3A_2356 = arith.index_cast %swap3A_2355 : i32 to index
    %swap3A_2357 = arith.constant 128 : index
    %swap3A_2358 = tpu.vector_load %arg5[%swap3A_2356, %swap3A_2357] {strides = array<i32>} : memref<7x256xf32, #tpu.memory_space<vmem>>, vector<1x16xf32>,
    %swap3A_2359 = vector.shape_cast %swap3A_2358 : vector<1x16xf32> to vector<16xf32>
    %swap3A_2360 = vector.shape_cast %add3A_2354 : vector<16xf32> to vector<1x16xf32>
    tpu.vector_store %arg5[%swap3A_2356, %swap3A_2357], %swap3A_2360 {strides = array<i32>} : memref<7x256xf32, #tpu.memory_space<vmem>>, vector<1x16xf32>,
    %eq3A_2361 = arith.constant 1 : i32
    %eq3A_2362 = vector.broadcast %eq3A_2361 : i32 to vector<16xi32>
    %eq3A_2363 = arith.cmpi eq, %select_n3A_2265, %eq3A_2362 : vector<16xi32>
    %jit3A_2364 = arith.constant 0.000000e+00 : f32
    %broadcast_in_dim3A_2365 = vector.broadcast %jit3A_2364 : f32 to vector<16xf32>
    %select_n3A_2366 = arith.select %eq3A_2363, %div3A_2340, %broadcast_in_dim3A_2365 : vector<16xi1>, vector<16xf32>
    %eq3A_2367 = arith.constant 1 : i32
    %eq3A_2368 = vector.broadcast %eq3A_2367 : i32 to vector<16xi32>
    %eq3A_2369 = arith.cmpi eq, %select_n3A_2332, %eq3A_2368 : vector<16xi32>
    %jit3A_2370 = arith.constant 0.000000e+00 : f32
    %broadcast_in_dim3A_2371 = vector.broadcast %jit3A_2370 : f32 to vector<16xf32>
    %select_n3A_2372 = arith.select %eq3A_2369, %div3A_2341, %broadcast_in_dim3A_2371 : vector<16xi1>, vector<16xf32>
    %add3A_2373 = arith.addf %select_n3A_2366, %select_n3A_2372 : vector<16xf32>
    %swap3A_2374 = arith.constant 1 : i32
    %swap3A_2375 = arith.index_cast %swap3A_2374 : i32 to index
    %swap3A_2376 = arith.constant 128 : index
    %swap3A_2377 = tpu.vector_load %arg5[%swap3A_2375, %swap3A_2376] {strides = array<i32>} : memref<7x256xf32, #tpu.memory_space<vmem>>, vector<1x16xf32>,
    %swap3A_2378 = vector.shape_cast %swap3A_2377 : vector<1x16xf32> to vector<16xf32>
    %swap3A_2379 = vector.shape_cast %add3A_2373 : vector<16xf32> to vector<1x16xf32>
    tpu.vector_store %arg5[%swap3A_2375, %swap3A_2376], %swap3A_2379 {strides = array<i32>} : memref<7x256xf32, #tpu.memory_space<vmem>>, vector<1x16xf32>,
    %eq3A_2380 = arith.constant 2 : i32
    %eq3A_2381 = vector.broadcast %eq3A_2380 : i32 to vector<16xi32>
    %eq3A_2382 = arith.cmpi eq, %select_n3A_2265, %eq3A_2381 : vector<16xi32>
    %jit3A_2383 = arith.constant 0.000000e+00 : f32
    %broadcast_in_dim3A_2384 = vector.broadcast %jit3A_2383 : f32 to vector<16xf32>
    %select_n3A_2385 = arith.select %eq3A_2382, %div3A_2340, %broadcast_in_dim3A_2384 : vector<16xi1>, vector<16xf32>
    %eq3A_2386 = arith.constant 2 : i32
    %eq3A_2387 = vector.broadcast %eq3A_2386 : i32 to vector<16xi32>
    %eq3A_2388 = arith.cmpi eq, %select_n3A_2332, %eq3A_2387 : vector<16xi32>
    %jit3A_2389 = arith.constant 0.000000e+00 : f32
    %broadcast_in_dim3A_2390 = vector.broadcast %jit3A_2389 : f32 to vector<16xf32>
    %select_n3A_2391 = arith.select %eq3A_2388, %div3A_2341, %broadcast_in_dim3A_2390 : vector<16xi1>, vector<16xf32>
    %add3A_2392 = arith.addf %select_n3A_2385, %select_n3A_2391 : vector<16xf32>
    %swap3A_2393 = arith.constant 2 : i32
    %swap3A_2394 = arith.index_cast %swap3A_2393 : i32 to index
    %swap3A_2395 = arith.constant 128 : index
    %swap3A_2396 = tpu.vector_load %arg5[%swap3A_2394, %swap3A_2395] {strides = array<i32>} : memref<7x256xf32, #tpu.memory_space<vmem>>, vector<1x16xf32>,
    %swap3A_2397 = vector.shape_cast %swap3A_2396 : vector<1x16xf32> to vector<16xf32>
    %swap3A_2398 = vector.shape_cast %add3A_2392 : vector<16xf32> to vector<1x16xf32>
    tpu.vector_store %arg5[%swap3A_2394, %swap3A_2395], %swap3A_2398 {strides = array<i32>} : memref<7x256xf32, #tpu.memory_space<vmem>>, vector<1x16xf32>,
    %eq3A_2399 = arith.constant 3 : i32
    %eq3A_2400 = vector.broadcast %eq3A_2399 : i32 to vector<16xi32>
    %eq3A_2401 = arith.cmpi eq, %select_n3A_2265, %eq3A_2400 : vector<16xi32>
    %jit3A_2402 = arith.constant 0.000000e+00 : f32
    %broadcast_in_dim3A_2403 = vector.broadcast %jit3A_2402 : f32 to vector<16xf32>
    %select_n3A_2404 = arith.select %eq3A_2401, %div3A_2340, %broadcast_in_dim3A_2403 : vector<16xi1>, vector<16xf32>
    %eq3A_2405 = arith.constant 3 : i32
    %eq3A_2406 = vector.broadcast %eq3A_2405 : i32 to vector<16xi32>
    %eq3A_2407 = arith.cmpi eq, %select_n3A_2332, %eq3A_2406 : vector<16xi32>
    %jit3A_2408 = arith.constant 0.000000e+00 : f32
    %broadcast_in_dim3A_2409 = vector.broadcast %jit3A_2408 : f32 to vector<16xf32>
    %select_n3A_2410 = arith.select %eq3A_2407, %div3A_2341, %broadcast_in_dim3A_2409 : vector<16xi1>, vector<16xf32>
    %add3A_2411 = arith.addf %select_n3A_2404, %select_n3A_2410 : vector<16xf32>
    %swap3A_2412 = arith.constant 3 : i32
    %swap3A_2413 = arith.index_cast %swap3A_2412 : i32 to index
    %swap3A_2414 = arith.constant 128 : index
    %swap3A_2415 = tpu.vector_load %arg5[%swap3A_2413, %swap3A_2414] {strides = array<i32>} : memref<7x256xf32, #tpu.memory_space<vmem>>, vector<1x16xf32>,
    %swap3A_2416 = vector.shape_cast %swap3A_2415 : vector<1x16xf32> to vector<16xf32>
    %swap3A_2417 = vector.shape_cast %add3A_2411 : vector<16xf32> to vector<1x16xf32>
    tpu.vector_store %arg5[%swap3A_2413, %swap3A_2414], %swap3A_2417 {strides = array<i32>} : memref<7x256xf32, #tpu.memory_space<vmem>>, vector<1x16xf32>,
    %eq3A_2418 = arith.constant 4 : i32
    %eq3A_2419 = vector.broadcast %eq3A_2418 : i32 to vector<16xi32>
    %eq3A_2420 = arith.cmpi eq, %select_n3A_2265, %eq3A_2419 : vector<16xi32>
    %jit3A_2421 = arith.constant 0.000000e+00 : f32
    %broadcast_in_dim3A_2422 = vector.broadcast %jit3A_2421 : f32 to vector<16xf32>
    %select_n3A_2423 = arith.select %eq3A_2420, %div3A_2340, %broadcast_in_dim3A_2422 : vector<16xi1>, vector<16xf32>
    %eq3A_2424 = arith.constant 4 : i32
    %eq3A_2425 = vector.broadcast %eq3A_2424 : i32 to vector<16xi32>
    %eq3A_2426 = arith.cmpi eq, %select_n3A_2332, %eq3A_2425 : vector<16xi32>
    %jit3A_2427 = arith.constant 0.000000e+00 : f32
    %broadcast_in_dim3A_2428 = vector.broadcast %jit3A_2427 : f32 to vector<16xf32>
    %select_n3A_2429 = arith.select %eq3A_2426, %div3A_2341, %broadcast_in_dim3A_2428 : vector<16xi1>, vector<16xf32>
    %add3A_2430 = arith.addf %select_n3A_2423, %select_n3A_2429 : vector<16xf32>
    %swap3A_2431 = arith.constant 4 : i32
    %swap3A_2432 = arith.index_cast %swap3A_2431 : i32 to index
    %swap3A_2433 = arith.constant 128 : index
    %swap3A_2434 = tpu.vector_load %arg5[%swap3A_2432, %swap3A_2433] {strides = array<i32>} : memref<7x256xf32, #tpu.memory_space<vmem>>, vector<1x16xf32>,
    %swap3A_2435 = vector.shape_cast %swap3A_2434 : vector<1x16xf32> to vector<16xf32>
    %swap3A_2436 = vector.shape_cast %add3A_2430 : vector<16xf32> to vector<1x16xf32>
    tpu.vector_store %arg5[%swap3A_2432, %swap3A_2433], %swap3A_2436 {strides = array<i32>} : memref<7x256xf32, #tpu.memory_space<vmem>>, vector<1x16xf32>,
    %eq3A_2437 = arith.constant 5 : i32
    %eq3A_2438 = vector.broadcast %eq3A_2437 : i32 to vector<16xi32>
    %eq3A_2439 = arith.cmpi eq, %select_n3A_2265, %eq3A_2438 : vector<16xi32>
    %jit3A_2440 = arith.constant 0.000000e+00 : f32
    %broadcast_in_dim3A_2441 = vector.broadcast %jit3A_2440 : f32 to vector<16xf32>
    %select_n3A_2442 = arith.select %eq3A_2439, %div3A_2340, %broadcast_in_dim3A_2441 : vector<16xi1>, vector<16xf32>
    %eq3A_2443 = arith.constant 5 : i32
    %eq3A_2444 = vector.broadcast %eq3A_2443 : i32 to vector<16xi32>
    %eq3A_2445 = arith.cmpi eq, %select_n3A_2332, %eq3A_2444 : vector<16xi32>
    %jit3A_2446 = arith.constant 0.000000e+00 : f32
    %broadcast_in_dim3A_2447 = vector.broadcast %jit3A_2446 : f32 to vector<16xf32>
    %select_n3A_2448 = arith.select %eq3A_2445, %div3A_2341, %broadcast_in_dim3A_2447 : vector<16xi1>, vector<16xf32>
    %add3A_2449 = arith.addf %select_n3A_2442, %select_n3A_2448 : vector<16xf32>
    %swap3A_2450 = arith.constant 5 : i32
    %swap3A_2451 = arith.index_cast %swap3A_2450 : i32 to index
    %swap3A_2452 = arith.constant 128 : index
    %swap3A_2453 = tpu.vector_load %arg5[%swap3A_2451, %swap3A_2452] {strides = array<i32>} : memref<7x256xf32, #tpu.memory_space<vmem>>, vector<1x16xf32>,
    %swap3A_2454 = vector.shape_cast %swap3A_2453 : vector<1x16xf32> to vector<16xf32>
    %swap3A_2455 = vector.shape_cast %add3A_2449 : vector<16xf32> to vector<1x16xf32>
    tpu.vector_store %arg5[%swap3A_2451, %swap3A_2452], %swap3A_2455 {strides = array<i32>} : memref<7x256xf32, #tpu.memory_space<vmem>>, vector<1x16xf32>,
    %eq3A_2456 = arith.constant 6 : i32
    %eq3A_2457 = vector.broadcast %eq3A_2456 : i32 to vector<16xi32>
    %eq3A_2458 = arith.cmpi eq, %select_n3A_2265, %eq3A_2457 : vector<16xi32>
    %jit3A_2459 = arith.constant 0.000000e+00 : f32
    %broadcast_in_dim3A_2460 = vector.broadcast %jit3A_2459 : f32 to vector<16xf32>
    %select_n3A_2461 = arith.select %eq3A_2458, %div3A_2340, %broadcast_in_dim3A_2460 : vector<16xi1>, vector<16xf32>
    %eq3A_2462 = arith.constant 6 : i32
    %eq3A_2463 = vector.broadcast %eq3A_2462 : i32 to vector<16xi32>
    %eq3A_2464 = arith.cmpi eq, %select_n3A_2332, %eq3A_2463 : vector<16xi32>
    %jit3A_2465 = arith.constant 0.000000e+00 : f32
    %broadcast_in_dim3A_2466 = vector.broadcast %jit3A_2465 : f32 to vector<16xf32>
    %select_n3A_2467 = arith.select %eq3A_2464, %div3A_2341, %broadcast_in_dim3A_2466 : vector<16xi1>, vector<16xf32>
    %add3A_2468 = arith.addf %select_n3A_2461, %select_n3A_2467 : vector<16xf32>
    %swap3A_2469 = arith.constant 6 : i32
    %swap3A_2470 = arith.index_cast %swap3A_2469 : i32 to index
    %swap3A_2471 = arith.constant 128 : index
    %swap3A_2472 = tpu.vector_load %arg5[%swap3A_2470, %swap3A_2471] {strides = array<i32>} : memref<7x256xf32, #tpu.memory_space<vmem>>, vector<1x16xf32>,
    %swap3A_2473 = vector.shape_cast %swap3A_2472 : vector<1x16xf32> to vector<16xf32>
    %swap3A_2474 = vector.shape_cast %add3A_2468 : vector<16xf32> to vector<1x16xf32>
    tpu.vector_store %arg5[%swap3A_2470, %swap3A_2471], %swap3A_2474 {strides = array<i32>} : memref<7x256xf32, #tpu.memory_space<vmem>>, vector<1x16xf32>,
    %get3A_2475 = arith.constant 0 : i32
    %get3A_2476 = arith.index_cast %get3A_2475 : i32 to index
    %get3A_2477 = arith.constant 144 : index
    %get3A_2478 = tpu.vector_load %arg4[%get3A_2476, %get3A_2477] {strides = array<i32>} : memref<7x256xf32, #tpu.memory_space<vmem>>, vector<1x16xf32>,
    %get3A_2479 = vector.shape_cast %get3A_2478 : vector<1x16xf32> to vector<16xf32>
    %get3A_2480 = arith.constant 1 : i32
    %get3A_2481 = arith.index_cast %get3A_2480 : i32 to index
    %get3A_2482 = arith.constant 144 : index
    %get3A_2483 = tpu.vector_load %arg4[%get3A_2481, %get3A_2482] {strides = array<i32>} : memref<7x256xf32, #tpu.memory_space<vmem>>, vector<1x16xf32>,
    %get3A_2484 = vector.shape_cast %get3A_2483 : vector<1x16xf32> to vector<16xf32>
    %get3A_2485 = arith.constant 2 : i32
    %get3A_2486 = arith.index_cast %get3A_2485 : i32 to index
    %get3A_2487 = arith.constant 144 : index
    %get3A_2488 = tpu.vector_load %arg4[%get3A_2486, %get3A_2487] {strides = array<i32>} : memref<7x256xf32, #tpu.memory_space<vmem>>, vector<1x16xf32>,
    %get3A_2489 = vector.shape_cast %get3A_2488 : vector<1x16xf32> to vector<16xf32>
    %get3A_2490 = arith.constant 3 : i32
    %get3A_2491 = arith.index_cast %get3A_2490 : i32 to index
    %get3A_2492 = arith.constant 144 : index
    %get3A_2493 = tpu.vector_load %arg4[%get3A_2491, %get3A_2492] {strides = array<i32>} : memref<7x256xf32, #tpu.memory_space<vmem>>, vector<1x16xf32>,
    %get3A_2494 = vector.shape_cast %get3A_2493 : vector<1x16xf32> to vector<16xf32>
    %get3A_2495 = arith.constant 4 : i32
    %get3A_2496 = arith.index_cast %get3A_2495 : i32 to index
    %get3A_2497 = arith.constant 144 : index
    %get3A_2498 = tpu.vector_load %arg4[%get3A_2496, %get3A_2497] {strides = array<i32>} : memref<7x256xf32, #tpu.memory_space<vmem>>, vector<1x16xf32>,
    %get3A_2499 = vector.shape_cast %get3A_2498 : vector<1x16xf32> to vector<16xf32>
    %get3A_2500 = arith.constant 5 : i32
    %get3A_2501 = arith.index_cast %get3A_2500 : i32 to index
    %get3A_2502 = arith.constant 144 : index
    %get3A_2503 = tpu.vector_load %arg4[%get3A_2501, %get3A_2502] {strides = array<i32>} : memref<7x256xf32, #tpu.memory_space<vmem>>, vector<1x16xf32>,
    %get3A_2504 = vector.shape_cast %get3A_2503 : vector<1x16xf32> to vector<16xf32>
    %get3A_2505 = arith.constant 6 : i32
    %get3A_2506 = arith.index_cast %get3A_2505 : i32 to index
    %get3A_2507 = arith.constant 144 : index
    %get3A_2508 = tpu.vector_load %arg4[%get3A_2506, %get3A_2507] {strides = array<i32>} : memref<7x256xf32, #tpu.memory_space<vmem>>, vector<1x16xf32>,
    %get3A_2509 = vector.shape_cast %get3A_2508 : vector<1x16xf32> to vector<16xf32>
    %broadcast_in_dim3A_2510 = arith.constant 0 : i32
    %broadcast_in_dim3A_2511 = vector.broadcast %broadcast_in_dim3A_2510 : i32 to vector<16xi32>
    %gt3A_2512 = arith.cmpf ogt, %get3A_2484, %get3A_2479 : vector<16xf32>
    %select_n3A_2513 = arith.select %gt3A_2512, %get3A_2484, %get3A_2479 : vector<16xi1>, vector<16xf32>
    %jit3A_2514 = arith.constant 1 : i32
    %broadcast_in_dim3A_2515 = vector.broadcast %jit3A_2514 : i32 to vector<16xi32>
    %select_n3A_2516 = arith.select %gt3A_2512, %broadcast_in_dim3A_2515, %broadcast_in_dim3A_2511 : vector<16xi1>, vector<16xi32>
    %gt3A_2517 = arith.cmpf ogt, %get3A_2489, %select_n3A_2513 : vector<16xf32>
    %select_n3A_2518 = arith.select %gt3A_2517, %get3A_2489, %select_n3A_2513 : vector<16xi1>, vector<16xf32>
    %jit3A_2519 = arith.constant 2 : i32
    %broadcast_in_dim3A_2520 = vector.broadcast %jit3A_2519 : i32 to vector<16xi32>
    %select_n3A_2521 = arith.select %gt3A_2517, %broadcast_in_dim3A_2520, %select_n3A_2516 : vector<16xi1>, vector<16xi32>
    %gt3A_2522 = arith.cmpf ogt, %get3A_2494, %select_n3A_2518 : vector<16xf32>
    %select_n3A_2523 = arith.select %gt3A_2522, %get3A_2494, %select_n3A_2518 : vector<16xi1>, vector<16xf32>
    %jit3A_2524 = arith.constant 3 : i32
    %broadcast_in_dim3A_2525 = vector.broadcast %jit3A_2524 : i32 to vector<16xi32>
    %select_n3A_2526 = arith.select %gt3A_2522, %broadcast_in_dim3A_2525, %select_n3A_2521 : vector<16xi1>, vector<16xi32>
    %gt3A_2527 = arith.cmpf ogt, %get3A_2499, %select_n3A_2523 : vector<16xf32>
    %select_n3A_2528 = arith.select %gt3A_2527, %get3A_2499, %select_n3A_2523 : vector<16xi1>, vector<16xf32>
    %jit3A_2529 = arith.constant 4 : i32
    %broadcast_in_dim3A_2530 = vector.broadcast %jit3A_2529 : i32 to vector<16xi32>
    %select_n3A_2531 = arith.select %gt3A_2527, %broadcast_in_dim3A_2530, %select_n3A_2526 : vector<16xi1>, vector<16xi32>
    %gt3A_2532 = arith.cmpf ogt, %get3A_2504, %select_n3A_2528 : vector<16xf32>
    %select_n3A_2533 = arith.select %gt3A_2532, %get3A_2504, %select_n3A_2528 : vector<16xi1>, vector<16xf32>
    %jit3A_2534 = arith.constant 5 : i32
    %broadcast_in_dim3A_2535 = vector.broadcast %jit3A_2534 : i32 to vector<16xi32>
    %select_n3A_2536 = arith.select %gt3A_2532, %broadcast_in_dim3A_2535, %select_n3A_2531 : vector<16xi1>, vector<16xi32>
    %gt3A_2537 = arith.cmpf ogt, %get3A_2509, %select_n3A_2533 : vector<16xf32>
    %select_n3A_2538 = arith.select %gt3A_2537, %get3A_2509, %select_n3A_2533 : vector<16xi1>, vector<16xf32>
    %jit3A_2539 = arith.constant 6 : i32
    %broadcast_in_dim3A_2540 = vector.broadcast %jit3A_2539 : i32 to vector<16xi32>
    %select_n3A_2541 = arith.select %gt3A_2537, %broadcast_in_dim3A_2540, %select_n3A_2536 : vector<16xi1>, vector<16xi32>
    %broadcast_in_dim3A_2542 = arith.constant -1.000000e+30 : f32
    %broadcast_in_dim3A_2543 = vector.broadcast %broadcast_in_dim3A_2542 : f32 to vector<16xf32>
    %broadcast_in_dim3A_2544 = arith.constant 7 : i32
    %broadcast_in_dim3A_2545 = vector.broadcast %broadcast_in_dim3A_2544 : i32 to vector<16xi32>
    %ne3A_2546 = arith.constant 0 : i32
    %ne3A_2547 = vector.broadcast %ne3A_2546 : i32 to vector<16xi32>
    %ne3A_2548 = arith.cmpi ne, %select_n3A_2541, %ne3A_2547 : vector<16xi32>
    %gt3A_2549 = arith.cmpf ogt, %get3A_2479, %broadcast_in_dim3A_2543 : vector<16xf32>
    %and3A_2550 = arith.andi %ne3A_2548, %gt3A_2549 : vector<16xi1>
    %select_n3A_2551 = arith.select %and3A_2550, %get3A_2479, %broadcast_in_dim3A_2543 : vector<16xi1>, vector<16xf32>
    %jit3A_2552 = arith.constant 0 : i32
    %broadcast_in_dim3A_2553 = vector.broadcast %jit3A_2552 : i32 to vector<16xi32>
    %select_n3A_2554 = arith.select %and3A_2550, %broadcast_in_dim3A_2553, %broadcast_in_dim3A_2545 : vector<16xi1>, vector<16xi32>
    %ne3A_2555 = arith.constant 1 : i32
    %ne3A_2556 = vector.broadcast %ne3A_2555 : i32 to vector<16xi32>
    %ne3A_2557 = arith.cmpi ne, %select_n3A_2541, %ne3A_2556 : vector<16xi32>
    %gt3A_2558 = arith.cmpf ogt, %get3A_2484, %select_n3A_2551 : vector<16xf32>
    %and3A_2559 = arith.andi %ne3A_2557, %gt3A_2558 : vector<16xi1>
    %select_n3A_2560 = arith.select %and3A_2559, %get3A_2484, %select_n3A_2551 : vector<16xi1>, vector<16xf32>
    %jit3A_2561 = arith.constant 1 : i32
    %broadcast_in_dim3A_2562 = vector.broadcast %jit3A_2561 : i32 to vector<16xi32>
    %select_n3A_2563 = arith.select %and3A_2559, %broadcast_in_dim3A_2562, %select_n3A_2554 : vector<16xi1>, vector<16xi32>
    %ne3A_2564 = arith.constant 2 : i32
    %ne3A_2565 = vector.broadcast %ne3A_2564 : i32 to vector<16xi32>
    %ne3A_2566 = arith.cmpi ne, %select_n3A_2541, %ne3A_2565 : vector<16xi32>
    %gt3A_2567 = arith.cmpf ogt, %get3A_2489, %select_n3A_2560 : vector<16xf32>
    %and3A_2568 = arith.andi %ne3A_2566, %gt3A_2567 : vector<16xi1>
    %select_n3A_2569 = arith.select %and3A_2568, %get3A_2489, %select_n3A_2560 : vector<16xi1>, vector<16xf32>
    %jit3A_2570 = arith.constant 2 : i32
    %broadcast_in_dim3A_2571 = vector.broadcast %jit3A_2570 : i32 to vector<16xi32>
    %select_n3A_2572 = arith.select %and3A_2568, %broadcast_in_dim3A_2571, %select_n3A_2563 : vector<16xi1>, vector<16xi32>
    %ne3A_2573 = arith.constant 3 : i32
    %ne3A_2574 = vector.broadcast %ne3A_2573 : i32 to vector<16xi32>
    %ne3A_2575 = arith.cmpi ne, %select_n3A_2541, %ne3A_2574 : vector<16xi32>
    %gt3A_2576 = arith.cmpf ogt, %get3A_2494, %select_n3A_2569 : vector<16xf32>
    %and3A_2577 = arith.andi %ne3A_2575, %gt3A_2576 : vector<16xi1>
    %select_n3A_2578 = arith.select %and3A_2577, %get3A_2494, %select_n3A_2569 : vector<16xi1>, vector<16xf32>
    %jit3A_2579 = arith.constant 3 : i32
    %broadcast_in_dim3A_2580 = vector.broadcast %jit3A_2579 : i32 to vector<16xi32>
    %select_n3A_2581 = arith.select %and3A_2577, %broadcast_in_dim3A_2580, %select_n3A_2572 : vector<16xi1>, vector<16xi32>
    %ne3A_2582 = arith.constant 4 : i32
    %ne3A_2583 = vector.broadcast %ne3A_2582 : i32 to vector<16xi32>
    %ne3A_2584 = arith.cmpi ne, %select_n3A_2541, %ne3A_2583 : vector<16xi32>
    %gt3A_2585 = arith.cmpf ogt, %get3A_2499, %select_n3A_2578 : vector<16xf32>
    %and3A_2586 = arith.andi %ne3A_2584, %gt3A_2585 : vector<16xi1>
    %select_n3A_2587 = arith.select %and3A_2586, %get3A_2499, %select_n3A_2578 : vector<16xi1>, vector<16xf32>
    %jit3A_2588 = arith.constant 4 : i32
    %broadcast_in_dim3A_2589 = vector.broadcast %jit3A_2588 : i32 to vector<16xi32>
    %select_n3A_2590 = arith.select %and3A_2586, %broadcast_in_dim3A_2589, %select_n3A_2581 : vector<16xi1>, vector<16xi32>
    %ne3A_2591 = arith.constant 5 : i32
    %ne3A_2592 = vector.broadcast %ne3A_2591 : i32 to vector<16xi32>
    %ne3A_2593 = arith.cmpi ne, %select_n3A_2541, %ne3A_2592 : vector<16xi32>
    %gt3A_2594 = arith.cmpf ogt, %get3A_2504, %select_n3A_2587 : vector<16xf32>
    %and3A_2595 = arith.andi %ne3A_2593, %gt3A_2594 : vector<16xi1>
    %select_n3A_2596 = arith.select %and3A_2595, %get3A_2504, %select_n3A_2587 : vector<16xi1>, vector<16xf32>
    %jit3A_2597 = arith.constant 5 : i32
    %broadcast_in_dim3A_2598 = vector.broadcast %jit3A_2597 : i32 to vector<16xi32>
    %select_n3A_2599 = arith.select %and3A_2595, %broadcast_in_dim3A_2598, %select_n3A_2590 : vector<16xi1>, vector<16xi32>
    %ne3A_2600 = arith.constant 6 : i32
    %ne3A_2601 = vector.broadcast %ne3A_2600 : i32 to vector<16xi32>
    %ne3A_2602 = arith.cmpi ne, %select_n3A_2541, %ne3A_2601 : vector<16xi32>
    %gt3A_2603 = arith.cmpf ogt, %get3A_2509, %select_n3A_2596 : vector<16xf32>
    %and3A_2604 = arith.andi %ne3A_2602, %gt3A_2603 : vector<16xi1>
    %select_n3A_2605 = arith.select %and3A_2604, %get3A_2509, %select_n3A_2596 : vector<16xi1>, vector<16xf32>
    %jit3A_2606 = arith.constant 6 : i32
    %broadcast_in_dim3A_2607 = vector.broadcast %jit3A_2606 : i32 to vector<16xi32>
    %select_n3A_2608 = arith.select %and3A_2604, %broadcast_in_dim3A_2607, %select_n3A_2599 : vector<16xi1>, vector<16xi32>
    %sub3A_2609 = arith.subf %select_n3A_2605, %select_n3A_2538 : vector<16xf32>
    %exp3A_2610 = math.exp %sub3A_2609 : vector<16xf32>
    %add3A_2611 = arith.constant 1.000000e+00 : f32
    %add3A_2612 = vector.broadcast %add3A_2611 : f32 to vector<16xf32>
    %add3A_2613 = arith.addf %add3A_2612, %exp3A_2610 : vector<16xf32>
    %div3A_2614 = arith.constant 1.000000e+00 : f32
    %div3A_2615 = vector.broadcast %div3A_2614 : f32 to vector<16xf32>
    %div3A_2616 = arith.divf %div3A_2615, %add3A_2613 : vector<16xf32>
    %div3A_2617 = arith.divf %exp3A_2610, %add3A_2613 : vector<16xf32>
    %eq3A_2618 = arith.constant 0 : i32
    %eq3A_2619 = vector.broadcast %eq3A_2618 : i32 to vector<16xi32>
    %eq3A_2620 = arith.cmpi eq, %select_n3A_2541, %eq3A_2619 : vector<16xi32>
    %jit3A_2621 = arith.constant 0.000000e+00 : f32
    %broadcast_in_dim3A_2622 = vector.broadcast %jit3A_2621 : f32 to vector<16xf32>
    %select_n3A_2623 = arith.select %eq3A_2620, %div3A_2616, %broadcast_in_dim3A_2622 : vector<16xi1>, vector<16xf32>
    %eq3A_2624 = arith.constant 0 : i32
    %eq3A_2625 = vector.broadcast %eq3A_2624 : i32 to vector<16xi32>
    %eq3A_2626 = arith.cmpi eq, %select_n3A_2608, %eq3A_2625 : vector<16xi32>
    %jit3A_2627 = arith.constant 0.000000e+00 : f32
    %broadcast_in_dim3A_2628 = vector.broadcast %jit3A_2627 : f32 to vector<16xf32>
    %select_n3A_2629 = arith.select %eq3A_2626, %div3A_2617, %broadcast_in_dim3A_2628 : vector<16xi1>, vector<16xf32>
    %add3A_2630 = arith.addf %select_n3A_2623, %select_n3A_2629 : vector<16xf32>
    %swap3A_2631 = arith.constant 0 : i32
    %swap3A_2632 = arith.index_cast %swap3A_2631 : i32 to index
    %swap3A_2633 = arith.constant 144 : index
    %swap3A_2634 = tpu.vector_load %arg5[%swap3A_2632, %swap3A_2633] {strides = array<i32>} : memref<7x256xf32, #tpu.memory_space<vmem>>, vector<1x16xf32>,
    %swap3A_2635 = vector.shape_cast %swap3A_2634 : vector<1x16xf32> to vector<16xf32>
    %swap3A_2636 = vector.shape_cast %add3A_2630 : vector<16xf32> to vector<1x16xf32>
    tpu.vector_store %arg5[%swap3A_2632, %swap3A_2633], %swap3A_2636 {strides = array<i32>} : memref<7x256xf32, #tpu.memory_space<vmem>>, vector<1x16xf32>,
    %eq3A_2637 = arith.constant 1 : i32
    %eq3A_2638 = vector.broadcast %eq3A_2637 : i32 to vector<16xi32>
    %eq3A_2639 = arith.cmpi eq, %select_n3A_2541, %eq3A_2638 : vector<16xi32>
    %jit3A_2640 = arith.constant 0.000000e+00 : f32
    %broadcast_in_dim3A_2641 = vector.broadcast %jit3A_2640 : f32 to vector<16xf32>
    %select_n3A_2642 = arith.select %eq3A_2639, %div3A_2616, %broadcast_in_dim3A_2641 : vector<16xi1>, vector<16xf32>
    %eq3A_2643 = arith.constant 1 : i32
    %eq3A_2644 = vector.broadcast %eq3A_2643 : i32 to vector<16xi32>
    %eq3A_2645 = arith.cmpi eq, %select_n3A_2608, %eq3A_2644 : vector<16xi32>
    %jit3A_2646 = arith.constant 0.000000e+00 : f32
    %broadcast_in_dim3A_2647 = vector.broadcast %jit3A_2646 : f32 to vector<16xf32>
    %select_n3A_2648 = arith.select %eq3A_2645, %div3A_2617, %broadcast_in_dim3A_2647 : vector<16xi1>, vector<16xf32>
    %add3A_2649 = arith.addf %select_n3A_2642, %select_n3A_2648 : vector<16xf32>
    %swap3A_2650 = arith.constant 1 : i32
    %swap3A_2651 = arith.index_cast %swap3A_2650 : i32 to index
    %swap3A_2652 = arith.constant 144 : index
    %swap3A_2653 = tpu.vector_load %arg5[%swap3A_2651, %swap3A_2652] {strides = array<i32>} : memref<7x256xf32, #tpu.memory_space<vmem>>, vector<1x16xf32>,
    %swap3A_2654 = vector.shape_cast %swap3A_2653 : vector<1x16xf32> to vector<16xf32>
    %swap3A_2655 = vector.shape_cast %add3A_2649 : vector<16xf32> to vector<1x16xf32>
    tpu.vector_store %arg5[%swap3A_2651, %swap3A_2652], %swap3A_2655 {strides = array<i32>} : memref<7x256xf32, #tpu.memory_space<vmem>>, vector<1x16xf32>,
    %eq3A_2656 = arith.constant 2 : i32
    %eq3A_2657 = vector.broadcast %eq3A_2656 : i32 to vector<16xi32>
    %eq3A_2658 = arith.cmpi eq, %select_n3A_2541, %eq3A_2657 : vector<16xi32>
    %jit3A_2659 = arith.constant 0.000000e+00 : f32
    %broadcast_in_dim3A_2660 = vector.broadcast %jit3A_2659 : f32 to vector<16xf32>
    %select_n3A_2661 = arith.select %eq3A_2658, %div3A_2616, %broadcast_in_dim3A_2660 : vector<16xi1>, vector<16xf32>
    %eq3A_2662 = arith.constant 2 : i32
    %eq3A_2663 = vector.broadcast %eq3A_2662 : i32 to vector<16xi32>
    %eq3A_2664 = arith.cmpi eq, %select_n3A_2608, %eq3A_2663 : vector<16xi32>
    %jit3A_2665 = arith.constant 0.000000e+00 : f32
    %broadcast_in_dim3A_2666 = vector.broadcast %jit3A_2665 : f32 to vector<16xf32>
    %select_n3A_2667 = arith.select %eq3A_2664, %div3A_2617, %broadcast_in_dim3A_2666 : vector<16xi1>, vector<16xf32>
    %add3A_2668 = arith.addf %select_n3A_2661, %select_n3A_2667 : vector<16xf32>
    %swap3A_2669 = arith.constant 2 : i32
    %swap3A_2670 = arith.index_cast %swap3A_2669 : i32 to index
    %swap3A_2671 = arith.constant 144 : index
    %swap3A_2672 = tpu.vector_load %arg5[%swap3A_2670, %swap3A_2671] {strides = array<i32>} : memref<7x256xf32, #tpu.memory_space<vmem>>, vector<1x16xf32>,
    %swap3A_2673 = vector.shape_cast %swap3A_2672 : vector<1x16xf32> to vector<16xf32>
    %swap3A_2674 = vector.shape_cast %add3A_2668 : vector<16xf32> to vector<1x16xf32>
    tpu.vector_store %arg5[%swap3A_2670, %swap3A_2671], %swap3A_2674 {strides = array<i32>} : memref<7x256xf32, #tpu.memory_space<vmem>>, vector<1x16xf32>,
    %eq3A_2675 = arith.constant 3 : i32
    %eq3A_2676 = vector.broadcast %eq3A_2675 : i32 to vector<16xi32>
    %eq3A_2677 = arith.cmpi eq, %select_n3A_2541, %eq3A_2676 : vector<16xi32>
    %jit3A_2678 = arith.constant 0.000000e+00 : f32
    %broadcast_in_dim3A_2679 = vector.broadcast %jit3A_2678 : f32 to vector<16xf32>
    %select_n3A_2680 = arith.select %eq3A_2677, %div3A_2616, %broadcast_in_dim3A_2679 : vector<16xi1>, vector<16xf32>
    %eq3A_2681 = arith.constant 3 : i32
    %eq3A_2682 = vector.broadcast %eq3A_2681 : i32 to vector<16xi32>
    %eq3A_2683 = arith.cmpi eq, %select_n3A_2608, %eq3A_2682 : vector<16xi32>
    %jit3A_2684 = arith.constant 0.000000e+00 : f32
    %broadcast_in_dim3A_2685 = vector.broadcast %jit3A_2684 : f32 to vector<16xf32>
    %select_n3A_2686 = arith.select %eq3A_2683, %div3A_2617, %broadcast_in_dim3A_2685 : vector<16xi1>, vector<16xf32>
    %add3A_2687 = arith.addf %select_n3A_2680, %select_n3A_2686 : vector<16xf32>
    %swap3A_2688 = arith.constant 3 : i32
    %swap3A_2689 = arith.index_cast %swap3A_2688 : i32 to index
    %swap3A_2690 = arith.constant 144 : index
    %swap3A_2691 = tpu.vector_load %arg5[%swap3A_2689, %swap3A_2690] {strides = array<i32>} : memref<7x256xf32, #tpu.memory_space<vmem>>, vector<1x16xf32>,
    %swap3A_2692 = vector.shape_cast %swap3A_2691 : vector<1x16xf32> to vector<16xf32>
    %swap3A_2693 = vector.shape_cast %add3A_2687 : vector<16xf32> to vector<1x16xf32>
    tpu.vector_store %arg5[%swap3A_2689, %swap3A_2690], %swap3A_2693 {strides = array<i32>} : memref<7x256xf32, #tpu.memory_space<vmem>>, vector<1x16xf32>,
    %eq3A_2694 = arith.constant 4 : i32
    %eq3A_2695 = vector.broadcast %eq3A_2694 : i32 to vector<16xi32>
    %eq3A_2696 = arith.cmpi eq, %select_n3A_2541, %eq3A_2695 : vector<16xi32>
    %jit3A_2697 = arith.constant 0.000000e+00 : f32
    %broadcast_in_dim3A_2698 = vector.broadcast %jit3A_2697 : f32 to vector<16xf32>
    %select_n3A_2699 = arith.select %eq3A_2696, %div3A_2616, %broadcast_in_dim3A_2698 : vector<16xi1>, vector<16xf32>
    %eq3A_2700 = arith.constant 4 : i32
    %eq3A_2701 = vector.broadcast %eq3A_2700 : i32 to vector<16xi32>
    %eq3A_2702 = arith.cmpi eq, %select_n3A_2608, %eq3A_2701 : vector<16xi32>
    %jit3A_2703 = arith.constant 0.000000e+00 : f32
    %broadcast_in_dim3A_2704 = vector.broadcast %jit3A_2703 : f32 to vector<16xf32>
    %select_n3A_2705 = arith.select %eq3A_2702, %div3A_2617, %broadcast_in_dim3A_2704 : vector<16xi1>, vector<16xf32>
    %add3A_2706 = arith.addf %select_n3A_2699, %select_n3A_2705 : vector<16xf32>
    %swap3A_2707 = arith.constant 4 : i32
    %swap3A_2708 = arith.index_cast %swap3A_2707 : i32 to index
    %swap3A_2709 = arith.constant 144 : index
    %swap3A_2710 = tpu.vector_load %arg5[%swap3A_2708, %swap3A_2709] {strides = array<i32>} : memref<7x256xf32, #tpu.memory_space<vmem>>, vector<1x16xf32>,
    %swap3A_2711 = vector.shape_cast %swap3A_2710 : vector<1x16xf32> to vector<16xf32>
    %swap3A_2712 = vector.shape_cast %add3A_2706 : vector<16xf32> to vector<1x16xf32>
    tpu.vector_store %arg5[%swap3A_2708, %swap3A_2709], %swap3A_2712 {strides = array<i32>} : memref<7x256xf32, #tpu.memory_space<vmem>>, vector<1x16xf32>,
    %eq3A_2713 = arith.constant 5 : i32
    %eq3A_2714 = vector.broadcast %eq3A_2713 : i32 to vector<16xi32>
    %eq3A_2715 = arith.cmpi eq, %select_n3A_2541, %eq3A_2714 : vector<16xi32>
    %jit3A_2716 = arith.constant 0.000000e+00 : f32
    %broadcast_in_dim3A_2717 = vector.broadcast %jit3A_2716 : f32 to vector<16xf32>
    %select_n3A_2718 = arith.select %eq3A_2715, %div3A_2616, %broadcast_in_dim3A_2717 : vector<16xi1>, vector<16xf32>
    %eq3A_2719 = arith.constant 5 : i32
    %eq3A_2720 = vector.broadcast %eq3A_2719 : i32 to vector<16xi32>
    %eq3A_2721 = arith.cmpi eq, %select_n3A_2608, %eq3A_2720 : vector<16xi32>
    %jit3A_2722 = arith.constant 0.000000e+00 : f32
    %broadcast_in_dim3A_2723 = vector.broadcast %jit3A_2722 : f32 to vector<16xf32>
    %select_n3A_2724 = arith.select %eq3A_2721, %div3A_2617, %broadcast_in_dim3A_2723 : vector<16xi1>, vector<16xf32>
    %add3A_2725 = arith.addf %select_n3A_2718, %select_n3A_2724 : vector<16xf32>
    %swap3A_2726 = arith.constant 5 : i32
    %swap3A_2727 = arith.index_cast %swap3A_2726 : i32 to index
    %swap3A_2728 = arith.constant 144 : index
    %swap3A_2729 = tpu.vector_load %arg5[%swap3A_2727, %swap3A_2728] {strides = array<i32>} : memref<7x256xf32, #tpu.memory_space<vmem>>, vector<1x16xf32>,
    %swap3A_2730 = vector.shape_cast %swap3A_2729 : vector<1x16xf32> to vector<16xf32>
    %swap3A_2731 = vector.shape_cast %add3A_2725 : vector<16xf32> to vector<1x16xf32>
    tpu.vector_store %arg5[%swap3A_2727, %swap3A_2728], %swap3A_2731 {strides = array<i32>} : memref<7x256xf32, #tpu.memory_space<vmem>>, vector<1x16xf32>,
    %eq3A_2732 = arith.constant 6 : i32
    %eq3A_2733 = vector.broadcast %eq3A_2732 : i32 to vector<16xi32>
    %eq3A_2734 = arith.cmpi eq, %select_n3A_2541, %eq3A_2733 : vector<16xi32>
    %jit3A_2735 = arith.constant 0.000000e+00 : f32
    %broadcast_in_dim3A_2736 = vector.broadcast %jit3A_2735 : f32 to vector<16xf32>
    %select_n3A_2737 = arith.select %eq3A_2734, %div3A_2616, %broadcast_in_dim3A_2736 : vector<16xi1>, vector<16xf32>
    %eq3A_2738 = arith.constant 6 : i32
    %eq3A_2739 = vector.broadcast %eq3A_2738 : i32 to vector<16xi32>
    %eq3A_2740 = arith.cmpi eq, %select_n3A_2608, %eq3A_2739 : vector<16xi32>
    %jit3A_2741 = arith.constant 0.000000e+00 : f32
    %broadcast_in_dim3A_2742 = vector.broadcast %jit3A_2741 : f32 to vector<16xf32>
    %select_n3A_2743 = arith.select %eq3A_2740, %div3A_2617, %broadcast_in_dim3A_2742 : vector<16xi1>, vector<16xf32>
    %add3A_2744 = arith.addf %select_n3A_2737, %select_n3A_2743 : vector<16xf32>
    %swap3A_2745 = arith.constant 6 : i32
    %swap3A_2746 = arith.index_cast %swap3A_2745 : i32 to index
    %swap3A_2747 = arith.constant 144 : index
    %swap3A_2748 = tpu.vector_load %arg5[%swap3A_2746, %swap3A_2747] {strides = array<i32>} : memref<7x256xf32, #tpu.memory_space<vmem>>, vector<1x16xf32>,
    %swap3A_2749 = vector.shape_cast %swap3A_2748 : vector<1x16xf32> to vector<16xf32>
    %swap3A_2750 = vector.shape_cast %add3A_2744 : vector<16xf32> to vector<1x16xf32>
    tpu.vector_store %arg5[%swap3A_2746, %swap3A_2747], %swap3A_2750 {strides = array<i32>} : memref<7x256xf32, #tpu.memory_space<vmem>>, vector<1x16xf32>,
    %get3A_2751 = arith.constant 0 : i32
    %get3A_2752 = arith.index_cast %get3A_2751 : i32 to index
    %get3A_2753 = arith.constant 160 : index
    %get3A_2754 = tpu.vector_load %arg4[%get3A_2752, %get3A_2753] {strides = array<i32>} : memref<7x256xf32, #tpu.memory_space<vmem>>, vector<1x16xf32>,
    %get3A_2755 = vector.shape_cast %get3A_2754 : vector<1x16xf32> to vector<16xf32>
    %get3A_2756 = arith.constant 1 : i32
    %get3A_2757 = arith.index_cast %get3A_2756 : i32 to index
    %get3A_2758 = arith.constant 160 : index
    %get3A_2759 = tpu.vector_load %arg4[%get3A_2757, %get3A_2758] {strides = array<i32>} : memref<7x256xf32, #tpu.memory_space<vmem>>, vector<1x16xf32>,
    %get3A_2760 = vector.shape_cast %get3A_2759 : vector<1x16xf32> to vector<16xf32>
    %get3A_2761 = arith.constant 2 : i32
    %get3A_2762 = arith.index_cast %get3A_2761 : i32 to index
    %get3A_2763 = arith.constant 160 : index
    %get3A_2764 = tpu.vector_load %arg4[%get3A_2762, %get3A_2763] {strides = array<i32>} : memref<7x256xf32, #tpu.memory_space<vmem>>, vector<1x16xf32>,
    %get3A_2765 = vector.shape_cast %get3A_2764 : vector<1x16xf32> to vector<16xf32>
    %get3A_2766 = arith.constant 3 : i32
    %get3A_2767 = arith.index_cast %get3A_2766 : i32 to index
    %get3A_2768 = arith.constant 160 : index
    %get3A_2769 = tpu.vector_load %arg4[%get3A_2767, %get3A_2768] {strides = array<i32>} : memref<7x256xf32, #tpu.memory_space<vmem>>, vector<1x16xf32>,
    %get3A_2770 = vector.shape_cast %get3A_2769 : vector<1x16xf32> to vector<16xf32>
    %get3A_2771 = arith.constant 4 : i32
    %get3A_2772 = arith.index_cast %get3A_2771 : i32 to index
    %get3A_2773 = arith.constant 160 : index
    %get3A_2774 = tpu.vector_load %arg4[%get3A_2772, %get3A_2773] {strides = array<i32>} : memref<7x256xf32, #tpu.memory_space<vmem>>, vector<1x16xf32>,
    %get3A_2775 = vector.shape_cast %get3A_2774 : vector<1x16xf32> to vector<16xf32>
    %get3A_2776 = arith.constant 5 : i32
    %get3A_2777 = arith.index_cast %get3A_2776 : i32 to index
    %get3A_2778 = arith.constant 160 : index
    %get3A_2779 = tpu.vector_load %arg4[%get3A_2777, %get3A_2778] {strides = array<i32>} : memref<7x256xf32, #tpu.memory_space<vmem>>, vector<1x16xf32>,
    %get3A_2780 = vector.shape_cast %get3A_2779 : vector<1x16xf32> to vector<16xf32>
    %get3A_2781 = arith.constant 6 : i32
    %get3A_2782 = arith.index_cast %get3A_2781 : i32 to index
    %get3A_2783 = arith.constant 160 : index
    %get3A_2784 = tpu.vector_load %arg4[%get3A_2782, %get3A_2783] {strides = array<i32>} : memref<7x256xf32, #tpu.memory_space<vmem>>, vector<1x16xf32>,
    %get3A_2785 = vector.shape_cast %get3A_2784 : vector<1x16xf32> to vector<16xf32>
    %broadcast_in_dim3A_2786 = arith.constant 0 : i32
    %broadcast_in_dim3A_2787 = vector.broadcast %broadcast_in_dim3A_2786 : i32 to vector<16xi32>
    %gt3A_2788 = arith.cmpf ogt, %get3A_2760, %get3A_2755 : vector<16xf32>
    %select_n3A_2789 = arith.select %gt3A_2788, %get3A_2760, %get3A_2755 : vector<16xi1>, vector<16xf32>
    %jit3A_2790 = arith.constant 1 : i32
    %broadcast_in_dim3A_2791 = vector.broadcast %jit3A_2790 : i32 to vector<16xi32>
    %select_n3A_2792 = arith.select %gt3A_2788, %broadcast_in_dim3A_2791, %broadcast_in_dim3A_2787 : vector<16xi1>, vector<16xi32>
    %gt3A_2793 = arith.cmpf ogt, %get3A_2765, %select_n3A_2789 : vector<16xf32>
    %select_n3A_2794 = arith.select %gt3A_2793, %get3A_2765, %select_n3A_2789 : vector<16xi1>, vector<16xf32>
    %jit3A_2795 = arith.constant 2 : i32
    %broadcast_in_dim3A_2796 = vector.broadcast %jit3A_2795 : i32 to vector<16xi32>
    %select_n3A_2797 = arith.select %gt3A_2793, %broadcast_in_dim3A_2796, %select_n3A_2792 : vector<16xi1>, vector<16xi32>
    %gt3A_2798 = arith.cmpf ogt, %get3A_2770, %select_n3A_2794 : vector<16xf32>
    %select_n3A_2799 = arith.select %gt3A_2798, %get3A_2770, %select_n3A_2794 : vector<16xi1>, vector<16xf32>
    %jit3A_2800 = arith.constant 3 : i32
    %broadcast_in_dim3A_2801 = vector.broadcast %jit3A_2800 : i32 to vector<16xi32>
    %select_n3A_2802 = arith.select %gt3A_2798, %broadcast_in_dim3A_2801, %select_n3A_2797 : vector<16xi1>, vector<16xi32>
    %gt3A_2803 = arith.cmpf ogt, %get3A_2775, %select_n3A_2799 : vector<16xf32>
    %select_n3A_2804 = arith.select %gt3A_2803, %get3A_2775, %select_n3A_2799 : vector<16xi1>, vector<16xf32>
    %jit3A_2805 = arith.constant 4 : i32
    %broadcast_in_dim3A_2806 = vector.broadcast %jit3A_2805 : i32 to vector<16xi32>
    %select_n3A_2807 = arith.select %gt3A_2803, %broadcast_in_dim3A_2806, %select_n3A_2802 : vector<16xi1>, vector<16xi32>
    %gt3A_2808 = arith.cmpf ogt, %get3A_2780, %select_n3A_2804 : vector<16xf32>
    %select_n3A_2809 = arith.select %gt3A_2808, %get3A_2780, %select_n3A_2804 : vector<16xi1>, vector<16xf32>
    %jit3A_2810 = arith.constant 5 : i32
    %broadcast_in_dim3A_2811 = vector.broadcast %jit3A_2810 : i32 to vector<16xi32>
    %select_n3A_2812 = arith.select %gt3A_2808, %broadcast_in_dim3A_2811, %select_n3A_2807 : vector<16xi1>, vector<16xi32>
    %gt3A_2813 = arith.cmpf ogt, %get3A_2785, %select_n3A_2809 : vector<16xf32>
    %select_n3A_2814 = arith.select %gt3A_2813, %get3A_2785, %select_n3A_2809 : vector<16xi1>, vector<16xf32>
    %jit3A_2815 = arith.constant 6 : i32
    %broadcast_in_dim3A_2816 = vector.broadcast %jit3A_2815 : i32 to vector<16xi32>
    %select_n3A_2817 = arith.select %gt3A_2813, %broadcast_in_dim3A_2816, %select_n3A_2812 : vector<16xi1>, vector<16xi32>
    %broadcast_in_dim3A_2818 = arith.constant -1.000000e+30 : f32
    %broadcast_in_dim3A_2819 = vector.broadcast %broadcast_in_dim3A_2818 : f32 to vector<16xf32>
    %broadcast_in_dim3A_2820 = arith.constant 7 : i32
    %broadcast_in_dim3A_2821 = vector.broadcast %broadcast_in_dim3A_2820 : i32 to vector<16xi32>
    %ne3A_2822 = arith.constant 0 : i32
    %ne3A_2823 = vector.broadcast %ne3A_2822 : i32 to vector<16xi32>
    %ne3A_2824 = arith.cmpi ne, %select_n3A_2817, %ne3A_2823 : vector<16xi32>
    %gt3A_2825 = arith.cmpf ogt, %get3A_2755, %broadcast_in_dim3A_2819 : vector<16xf32>
    %and3A_2826 = arith.andi %ne3A_2824, %gt3A_2825 : vector<16xi1>
    %select_n3A_2827 = arith.select %and3A_2826, %get3A_2755, %broadcast_in_dim3A_2819 : vector<16xi1>, vector<16xf32>
    %jit3A_2828 = arith.constant 0 : i32
    %broadcast_in_dim3A_2829 = vector.broadcast %jit3A_2828 : i32 to vector<16xi32>
    %select_n3A_2830 = arith.select %and3A_2826, %broadcast_in_dim3A_2829, %broadcast_in_dim3A_2821 : vector<16xi1>, vector<16xi32>
    %ne3A_2831 = arith.constant 1 : i32
    %ne3A_2832 = vector.broadcast %ne3A_2831 : i32 to vector<16xi32>
    %ne3A_2833 = arith.cmpi ne, %select_n3A_2817, %ne3A_2832 : vector<16xi32>
    %gt3A_2834 = arith.cmpf ogt, %get3A_2760, %select_n3A_2827 : vector<16xf32>
    %and3A_2835 = arith.andi %ne3A_2833, %gt3A_2834 : vector<16xi1>
    %select_n3A_2836 = arith.select %and3A_2835, %get3A_2760, %select_n3A_2827 : vector<16xi1>, vector<16xf32>
    %jit3A_2837 = arith.constant 1 : i32
    %broadcast_in_dim3A_2838 = vector.broadcast %jit3A_2837 : i32 to vector<16xi32>
    %select_n3A_2839 = arith.select %and3A_2835, %broadcast_in_dim3A_2838, %select_n3A_2830 : vector<16xi1>, vector<16xi32>
    %ne3A_2840 = arith.constant 2 : i32
    %ne3A_2841 = vector.broadcast %ne3A_2840 : i32 to vector<16xi32>
    %ne3A_2842 = arith.cmpi ne, %select_n3A_2817, %ne3A_2841 : vector<16xi32>
    %gt3A_2843 = arith.cmpf ogt, %get3A_2765, %select_n3A_2836 : vector<16xf32>
    %and3A_2844 = arith.andi %ne3A_2842, %gt3A_2843 : vector<16xi1>
    %select_n3A_2845 = arith.select %and3A_2844, %get3A_2765, %select_n3A_2836 : vector<16xi1>, vector<16xf32>
    %jit3A_2846 = arith.constant 2 : i32
    %broadcast_in_dim3A_2847 = vector.broadcast %jit3A_2846 : i32 to vector<16xi32>
    %select_n3A_2848 = arith.select %and3A_2844, %broadcast_in_dim3A_2847, %select_n3A_2839 : vector<16xi1>, vector<16xi32>
    %ne3A_2849 = arith.constant 3 : i32
    %ne3A_2850 = vector.broadcast %ne3A_2849 : i32 to vector<16xi32>
    %ne3A_2851 = arith.cmpi ne, %select_n3A_2817, %ne3A_2850 : vector<16xi32>
    %gt3A_2852 = arith.cmpf ogt, %get3A_2770, %select_n3A_2845 : vector<16xf32>
    %and3A_2853 = arith.andi %ne3A_2851, %gt3A_2852 : vector<16xi1>
    %select_n3A_2854 = arith.select %and3A_2853, %get3A_2770, %select_n3A_2845 : vector<16xi1>, vector<16xf32>
    %jit3A_2855 = arith.constant 3 : i32
    %broadcast_in_dim3A_2856 = vector.broadcast %jit3A_2855 : i32 to vector<16xi32>
    %select_n3A_2857 = arith.select %and3A_2853, %broadcast_in_dim3A_2856, %select_n3A_2848 : vector<16xi1>, vector<16xi32>
    %ne3A_2858 = arith.constant 4 : i32
    %ne3A_2859 = vector.broadcast %ne3A_2858 : i32 to vector<16xi32>
    %ne3A_2860 = arith.cmpi ne, %select_n3A_2817, %ne3A_2859 : vector<16xi32>
    %gt3A_2861 = arith.cmpf ogt, %get3A_2775, %select_n3A_2854 : vector<16xf32>
    %and3A_2862 = arith.andi %ne3A_2860, %gt3A_2861 : vector<16xi1>
    %select_n3A_2863 = arith.select %and3A_2862, %get3A_2775, %select_n3A_2854 : vector<16xi1>, vector<16xf32>
    %jit3A_2864 = arith.constant 4 : i32
    %broadcast_in_dim3A_2865 = vector.broadcast %jit3A_2864 : i32 to vector<16xi32>
    %select_n3A_2866 = arith.select %and3A_2862, %broadcast_in_dim3A_2865, %select_n3A_2857 : vector<16xi1>, vector<16xi32>
    %ne3A_2867 = arith.constant 5 : i32
    %ne3A_2868 = vector.broadcast %ne3A_2867 : i32 to vector<16xi32>
    %ne3A_2869 = arith.cmpi ne, %select_n3A_2817, %ne3A_2868 : vector<16xi32>
    %gt3A_2870 = arith.cmpf ogt, %get3A_2780, %select_n3A_2863 : vector<16xf32>
    %and3A_2871 = arith.andi %ne3A_2869, %gt3A_2870 : vector<16xi1>
    %select_n3A_2872 = arith.select %and3A_2871, %get3A_2780, %select_n3A_2863 : vector<16xi1>, vector<16xf32>
    %jit3A_2873 = arith.constant 5 : i32
    %broadcast_in_dim3A_2874 = vector.broadcast %jit3A_2873 : i32 to vector<16xi32>
    %select_n3A_2875 = arith.select %and3A_2871, %broadcast_in_dim3A_2874, %select_n3A_2866 : vector<16xi1>, vector<16xi32>
    %ne3A_2876 = arith.constant 6 : i32
    %ne3A_2877 = vector.broadcast %ne3A_2876 : i32 to vector<16xi32>
    %ne3A_2878 = arith.cmpi ne, %select_n3A_2817, %ne3A_2877 : vector<16xi32>
    %gt3A_2879 = arith.cmpf ogt, %get3A_2785, %select_n3A_2872 : vector<16xf32>
    %and3A_2880 = arith.andi %ne3A_2878, %gt3A_2879 : vector<16xi1>
    %select_n3A_2881 = arith.select %and3A_2880, %get3A_2785, %select_n3A_2872 : vector<16xi1>, vector<16xf32>
    %jit3A_2882 = arith.constant 6 : i32
    %broadcast_in_dim3A_2883 = vector.broadcast %jit3A_2882 : i32 to vector<16xi32>
    %select_n3A_2884 = arith.select %and3A_2880, %broadcast_in_dim3A_2883, %select_n3A_2875 : vector<16xi1>, vector<16xi32>
    %sub3A_2885 = arith.subf %select_n3A_2881, %select_n3A_2814 : vector<16xf32>
    %exp3A_2886 = math.exp %sub3A_2885 : vector<16xf32>
    %add3A_2887 = arith.constant 1.000000e+00 : f32
    %add3A_2888 = vector.broadcast %add3A_2887 : f32 to vector<16xf32>
    %add3A_2889 = arith.addf %add3A_2888, %exp3A_2886 : vector<16xf32>
    %div3A_2890 = arith.constant 1.000000e+00 : f32
    %div3A_2891 = vector.broadcast %div3A_2890 : f32 to vector<16xf32>
    %div3A_2892 = arith.divf %div3A_2891, %add3A_2889 : vector<16xf32>
    %div3A_2893 = arith.divf %exp3A_2886, %add3A_2889 : vector<16xf32>
    %eq3A_2894 = arith.constant 0 : i32
    %eq3A_2895 = vector.broadcast %eq3A_2894 : i32 to vector<16xi32>
    %eq3A_2896 = arith.cmpi eq, %select_n3A_2817, %eq3A_2895 : vector<16xi32>
    %jit3A_2897 = arith.constant 0.000000e+00 : f32
    %broadcast_in_dim3A_2898 = vector.broadcast %jit3A_2897 : f32 to vector<16xf32>
    %select_n3A_2899 = arith.select %eq3A_2896, %div3A_2892, %broadcast_in_dim3A_2898 : vector<16xi1>, vector<16xf32>
    %eq3A_2900 = arith.constant 0 : i32
    %eq3A_2901 = vector.broadcast %eq3A_2900 : i32 to vector<16xi32>
    %eq3A_2902 = arith.cmpi eq, %select_n3A_2884, %eq3A_2901 : vector<16xi32>
    %jit3A_2903 = arith.constant 0.000000e+00 : f32
    %broadcast_in_dim3A_2904 = vector.broadcast %jit3A_2903 : f32 to vector<16xf32>
    %select_n3A_2905 = arith.select %eq3A_2902, %div3A_2893, %broadcast_in_dim3A_2904 : vector<16xi1>, vector<16xf32>
    %add3A_2906 = arith.addf %select_n3A_2899, %select_n3A_2905 : vector<16xf32>
    %swap3A_2907 = arith.constant 0 : i32
    %swap3A_2908 = arith.index_cast %swap3A_2907 : i32 to index
    %swap3A_2909 = arith.constant 160 : index
    %swap3A_2910 = tpu.vector_load %arg5[%swap3A_2908, %swap3A_2909] {strides = array<i32>} : memref<7x256xf32, #tpu.memory_space<vmem>>, vector<1x16xf32>,
    %swap3A_2911 = vector.shape_cast %swap3A_2910 : vector<1x16xf32> to vector<16xf32>
    %swap3A_2912 = vector.shape_cast %add3A_2906 : vector<16xf32> to vector<1x16xf32>
    tpu.vector_store %arg5[%swap3A_2908, %swap3A_2909], %swap3A_2912 {strides = array<i32>} : memref<7x256xf32, #tpu.memory_space<vmem>>, vector<1x16xf32>,
    %eq3A_2913 = arith.constant 1 : i32
    %eq3A_2914 = vector.broadcast %eq3A_2913 : i32 to vector<16xi32>
    %eq3A_2915 = arith.cmpi eq, %select_n3A_2817, %eq3A_2914 : vector<16xi32>
    %jit3A_2916 = arith.constant 0.000000e+00 : f32
    %broadcast_in_dim3A_2917 = vector.broadcast %jit3A_2916 : f32 to vector<16xf32>
    %select_n3A_2918 = arith.select %eq3A_2915, %div3A_2892, %broadcast_in_dim3A_2917 : vector<16xi1>, vector<16xf32>
    %eq3A_2919 = arith.constant 1 : i32
    %eq3A_2920 = vector.broadcast %eq3A_2919 : i32 to vector<16xi32>
    %eq3A_2921 = arith.cmpi eq, %select_n3A_2884, %eq3A_2920 : vector<16xi32>
    %jit3A_2922 = arith.constant 0.000000e+00 : f32
    %broadcast_in_dim3A_2923 = vector.broadcast %jit3A_2922 : f32 to vector<16xf32>
    %select_n3A_2924 = arith.select %eq3A_2921, %div3A_2893, %broadcast_in_dim3A_2923 : vector<16xi1>, vector<16xf32>
    %add3A_2925 = arith.addf %select_n3A_2918, %select_n3A_2924 : vector<16xf32>
    %swap3A_2926 = arith.constant 1 : i32
    %swap3A_2927 = arith.index_cast %swap3A_2926 : i32 to index
    %swap3A_2928 = arith.constant 160 : index
    %swap3A_2929 = tpu.vector_load %arg5[%swap3A_2927, %swap3A_2928] {strides = array<i32>} : memref<7x256xf32, #tpu.memory_space<vmem>>, vector<1x16xf32>,
    %swap3A_2930 = vector.shape_cast %swap3A_2929 : vector<1x16xf32> to vector<16xf32>
    %swap3A_2931 = vector.shape_cast %add3A_2925 : vector<16xf32> to vector<1x16xf32>
    tpu.vector_store %arg5[%swap3A_2927, %swap3A_2928], %swap3A_2931 {strides = array<i32>} : memref<7x256xf32, #tpu.memory_space<vmem>>, vector<1x16xf32>,
    %eq3A_2932 = arith.constant 2 : i32
    %eq3A_2933 = vector.broadcast %eq3A_2932 : i32 to vector<16xi32>
    %eq3A_2934 = arith.cmpi eq, %select_n3A_2817, %eq3A_2933 : vector<16xi32>
    %jit3A_2935 = arith.constant 0.000000e+00 : f32
    %broadcast_in_dim3A_2936 = vector.broadcast %jit3A_2935 : f32 to vector<16xf32>
    %select_n3A_2937 = arith.select %eq3A_2934, %div3A_2892, %broadcast_in_dim3A_2936 : vector<16xi1>, vector<16xf32>
    %eq3A_2938 = arith.constant 2 : i32
    %eq3A_2939 = vector.broadcast %eq3A_2938 : i32 to vector<16xi32>
    %eq3A_2940 = arith.cmpi eq, %select_n3A_2884, %eq3A_2939 : vector<16xi32>
    %jit3A_2941 = arith.constant 0.000000e+00 : f32
    %broadcast_in_dim3A_2942 = vector.broadcast %jit3A_2941 : f32 to vector<16xf32>
    %select_n3A_2943 = arith.select %eq3A_2940, %div3A_2893, %broadcast_in_dim3A_2942 : vector<16xi1>, vector<16xf32>
    %add3A_2944 = arith.addf %select_n3A_2937, %select_n3A_2943 : vector<16xf32>
    %swap3A_2945 = arith.constant 2 : i32
    %swap3A_2946 = arith.index_cast %swap3A_2945 : i32 to index
    %swap3A_2947 = arith.constant 160 : index
    %swap3A_2948 = tpu.vector_load %arg5[%swap3A_2946, %swap3A_2947] {strides = array<i32>} : memref<7x256xf32, #tpu.memory_space<vmem>>, vector<1x16xf32>,
    %swap3A_2949 = vector.shape_cast %swap3A_2948 : vector<1x16xf32> to vector<16xf32>
    %swap3A_2950 = vector.shape_cast %add3A_2944 : vector<16xf32> to vector<1x16xf32>
    tpu.vector_store %arg5[%swap3A_2946, %swap3A_2947], %swap3A_2950 {strides = array<i32>} : memref<7x256xf32, #tpu.memory_space<vmem>>, vector<1x16xf32>,
    %eq3A_2951 = arith.constant 3 : i32
    %eq3A_2952 = vector.broadcast %eq3A_2951 : i32 to vector<16xi32>
    %eq3A_2953 = arith.cmpi eq, %select_n3A_2817, %eq3A_2952 : vector<16xi32>
    %jit3A_2954 = arith.constant 0.000000e+00 : f32
    %broadcast_in_dim3A_2955 = vector.broadcast %jit3A_2954 : f32 to vector<16xf32>
    %select_n3A_2956 = arith.select %eq3A_2953, %div3A_2892, %broadcast_in_dim3A_2955 : vector<16xi1>, vector<16xf32>
    %eq3A_2957 = arith.constant 3 : i32
    %eq3A_2958 = vector.broadcast %eq3A_2957 : i32 to vector<16xi32>
    %eq3A_2959 = arith.cmpi eq, %select_n3A_2884, %eq3A_2958 : vector<16xi32>
    %jit3A_2960 = arith.constant 0.000000e+00 : f32
    %broadcast_in_dim3A_2961 = vector.broadcast %jit3A_2960 : f32 to vector<16xf32>
    %select_n3A_2962 = arith.select %eq3A_2959, %div3A_2893, %broadcast_in_dim3A_2961 : vector<16xi1>, vector<16xf32>
    %add3A_2963 = arith.addf %select_n3A_2956, %select_n3A_2962 : vector<16xf32>
    %swap3A_2964 = arith.constant 3 : i32
    %swap3A_2965 = arith.index_cast %swap3A_2964 : i32 to index
    %swap3A_2966 = arith.constant 160 : index
    %swap3A_2967 = tpu.vector_load %arg5[%swap3A_2965, %swap3A_2966] {strides = array<i32>} : memref<7x256xf32, #tpu.memory_space<vmem>>, vector<1x16xf32>,
    %swap3A_2968 = vector.shape_cast %swap3A_2967 : vector<1x16xf32> to vector<16xf32>
    %swap3A_2969 = vector.shape_cast %add3A_2963 : vector<16xf32> to vector<1x16xf32>
    tpu.vector_store %arg5[%swap3A_2965, %swap3A_2966], %swap3A_2969 {strides = array<i32>} : memref<7x256xf32, #tpu.memory_space<vmem>>, vector<1x16xf32>,
    %eq3A_2970 = arith.constant 4 : i32
    %eq3A_2971 = vector.broadcast %eq3A_2970 : i32 to vector<16xi32>
    %eq3A_2972 = arith.cmpi eq, %select_n3A_2817, %eq3A_2971 : vector<16xi32>
    %jit3A_2973 = arith.constant 0.000000e+00 : f32
    %broadcast_in_dim3A_2974 = vector.broadcast %jit3A_2973 : f32 to vector<16xf32>
    %select_n3A_2975 = arith.select %eq3A_2972, %div3A_2892, %broadcast_in_dim3A_2974 : vector<16xi1>, vector<16xf32>
    %eq3A_2976 = arith.constant 4 : i32
    %eq3A_2977 = vector.broadcast %eq3A_2976 : i32 to vector<16xi32>
    %eq3A_2978 = arith.cmpi eq, %select_n3A_2884, %eq3A_2977 : vector<16xi32>
    %jit3A_2979 = arith.constant 0.000000e+00 : f32
    %broadcast_in_dim3A_2980 = vector.broadcast %jit3A_2979 : f32 to vector<16xf32>
    %select_n3A_2981 = arith.select %eq3A_2978, %div3A_2893, %broadcast_in_dim3A_2980 : vector<16xi1>, vector<16xf32>
    %add3A_2982 = arith.addf %select_n3A_2975, %select_n3A_2981 : vector<16xf32>
    %swap3A_2983 = arith.constant 4 : i32
    %swap3A_2984 = arith.index_cast %swap3A_2983 : i32 to index
    %swap3A_2985 = arith.constant 160 : index
    %swap3A_2986 = tpu.vector_load %arg5[%swap3A_2984, %swap3A_2985] {strides = array<i32>} : memref<7x256xf32, #tpu.memory_space<vmem>>, vector<1x16xf32>,
    %swap3A_2987 = vector.shape_cast %swap3A_2986 : vector<1x16xf32> to vector<16xf32>
    %swap3A_2988 = vector.shape_cast %add3A_2982 : vector<16xf32> to vector<1x16xf32>
    tpu.vector_store %arg5[%swap3A_2984, %swap3A_2985], %swap3A_2988 {strides = array<i32>} : memref<7x256xf32, #tpu.memory_space<vmem>>, vector<1x16xf32>,
    %eq3A_2989 = arith.constant 5 : i32
    %eq3A_2990 = vector.broadcast %eq3A_2989 : i32 to vector<16xi32>
    %eq3A_2991 = arith.cmpi eq, %select_n3A_2817, %eq3A_2990 : vector<16xi32>
    %jit3A_2992 = arith.constant 0.000000e+00 : f32
    %broadcast_in_dim3A_2993 = vector.broadcast %jit3A_2992 : f32 to vector<16xf32>
    %select_n3A_2994 = arith.select %eq3A_2991, %div3A_2892, %broadcast_in_dim3A_2993 : vector<16xi1>, vector<16xf32>
    %eq3A_2995 = arith.constant 5 : i32
    %eq3A_2996 = vector.broadcast %eq3A_2995 : i32 to vector<16xi32>
    %eq3A_2997 = arith.cmpi eq, %select_n3A_2884, %eq3A_2996 : vector<16xi32>
    %jit3A_2998 = arith.constant 0.000000e+00 : f32
    %broadcast_in_dim3A_2999 = vector.broadcast %jit3A_2998 : f32 to vector<16xf32>
    %select_n3A_3000 = arith.select %eq3A_2997, %div3A_2893, %broadcast_in_dim3A_2999 : vector<16xi1>, vector<16xf32>
    %add3A_3001 = arith.addf %select_n3A_2994, %select_n3A_3000 : vector<16xf32>
    %swap3A_3002 = arith.constant 5 : i32
    %swap3A_3003 = arith.index_cast %swap3A_3002 : i32 to index
    %swap3A_3004 = arith.constant 160 : index
    %swap3A_3005 = tpu.vector_load %arg5[%swap3A_3003, %swap3A_3004] {strides = array<i32>} : memref<7x256xf32, #tpu.memory_space<vmem>>, vector<1x16xf32>,
    %swap3A_3006 = vector.shape_cast %swap3A_3005 : vector<1x16xf32> to vector<16xf32>
    %swap3A_3007 = vector.shape_cast %add3A_3001 : vector<16xf32> to vector<1x16xf32>
    tpu.vector_store %arg5[%swap3A_3003, %swap3A_3004], %swap3A_3007 {strides = array<i32>} : memref<7x256xf32, #tpu.memory_space<vmem>>, vector<1x16xf32>,
    %eq3A_3008 = arith.constant 6 : i32
    %eq3A_3009 = vector.broadcast %eq3A_3008 : i32 to vector<16xi32>
    %eq3A_3010 = arith.cmpi eq, %select_n3A_2817, %eq3A_3009 : vector<16xi32>
    %jit3A_3011 = arith.constant 0.000000e+00 : f32
    %broadcast_in_dim3A_3012 = vector.broadcast %jit3A_3011 : f32 to vector<16xf32>
    %select_n3A_3013 = arith.select %eq3A_3010, %div3A_2892, %broadcast_in_dim3A_3012 : vector<16xi1>, vector<16xf32>
    %eq3A_3014 = arith.constant 6 : i32
    %eq3A_3015 = vector.broadcast %eq3A_3014 : i32 to vector<16xi32>
    %eq3A_3016 = arith.cmpi eq, %select_n3A_2884, %eq3A_3015 : vector<16xi32>
    %jit3A_3017 = arith.constant 0.000000e+00 : f32
    %broadcast_in_dim3A_3018 = vector.broadcast %jit3A_3017 : f32 to vector<16xf32>
    %select_n3A_3019 = arith.select %eq3A_3016, %div3A_2893, %broadcast_in_dim3A_3018 : vector<16xi1>, vector<16xf32>
    %add3A_3020 = arith.addf %select_n3A_3013, %select_n3A_3019 : vector<16xf32>
    %swap3A_3021 = arith.constant 6 : i32
    %swap3A_3022 = arith.index_cast %swap3A_3021 : i32 to index
    %swap3A_3023 = arith.constant 160 : index
    %swap3A_3024 = tpu.vector_load %arg5[%swap3A_3022, %swap3A_3023] {strides = array<i32>} : memref<7x256xf32, #tpu.memory_space<vmem>>, vector<1x16xf32>,
    %swap3A_3025 = vector.shape_cast %swap3A_3024 : vector<1x16xf32> to vector<16xf32>
    %swap3A_3026 = vector.shape_cast %add3A_3020 : vector<16xf32> to vector<1x16xf32>
    tpu.vector_store %arg5[%swap3A_3022, %swap3A_3023], %swap3A_3026 {strides = array<i32>} : memref<7x256xf32, #tpu.memory_space<vmem>>, vector<1x16xf32>,
    %get3A_3027 = arith.constant 0 : i32
    %get3A_3028 = arith.index_cast %get3A_3027 : i32 to index
    %get3A_3029 = arith.constant 176 : index
    %get3A_3030 = tpu.vector_load %arg4[%get3A_3028, %get3A_3029] {strides = array<i32>} : memref<7x256xf32, #tpu.memory_space<vmem>>, vector<1x16xf32>,
    %get3A_3031 = vector.shape_cast %get3A_3030 : vector<1x16xf32> to vector<16xf32>
    %get3A_3032 = arith.constant 1 : i32
    %get3A_3033 = arith.index_cast %get3A_3032 : i32 to index
    %get3A_3034 = arith.constant 176 : index
    %get3A_3035 = tpu.vector_load %arg4[%get3A_3033, %get3A_3034] {strides = array<i32>} : memref<7x256xf32, #tpu.memory_space<vmem>>, vector<1x16xf32>,
    %get3A_3036 = vector.shape_cast %get3A_3035 : vector<1x16xf32> to vector<16xf32>
    %get3A_3037 = arith.constant 2 : i32
    %get3A_3038 = arith.index_cast %get3A_3037 : i32 to index
    %get3A_3039 = arith.constant 176 : index
    %get3A_3040 = tpu.vector_load %arg4[%get3A_3038, %get3A_3039] {strides = array<i32>} : memref<7x256xf32, #tpu.memory_space<vmem>>, vector<1x16xf32>,
    %get3A_3041 = vector.shape_cast %get3A_3040 : vector<1x16xf32> to vector<16xf32>
    %get3A_3042 = arith.constant 3 : i32
    %get3A_3043 = arith.index_cast %get3A_3042 : i32 to index
    %get3A_3044 = arith.constant 176 : index
    %get3A_3045 = tpu.vector_load %arg4[%get3A_3043, %get3A_3044] {strides = array<i32>} : memref<7x256xf32, #tpu.memory_space<vmem>>, vector<1x16xf32>,
    %get3A_3046 = vector.shape_cast %get3A_3045 : vector<1x16xf32> to vector<16xf32>
    %get3A_3047 = arith.constant 4 : i32
    %get3A_3048 = arith.index_cast %get3A_3047 : i32 to index
    %get3A_3049 = arith.constant 176 : index
    %get3A_3050 = tpu.vector_load %arg4[%get3A_3048, %get3A_3049] {strides = array<i32>} : memref<7x256xf32, #tpu.memory_space<vmem>>, vector<1x16xf32>,
    %get3A_3051 = vector.shape_cast %get3A_3050 : vector<1x16xf32> to vector<16xf32>
    %get3A_3052 = arith.constant 5 : i32
    %get3A_3053 = arith.index_cast %get3A_3052 : i32 to index
    %get3A_3054 = arith.constant 176 : index
    %get3A_3055 = tpu.vector_load %arg4[%get3A_3053, %get3A_3054] {strides = array<i32>} : memref<7x256xf32, #tpu.memory_space<vmem>>, vector<1x16xf32>,
    %get3A_3056 = vector.shape_cast %get3A_3055 : vector<1x16xf32> to vector<16xf32>
    %get3A_3057 = arith.constant 6 : i32
    %get3A_3058 = arith.index_cast %get3A_3057 : i32 to index
    %get3A_3059 = arith.constant 176 : index
    %get3A_3060 = tpu.vector_load %arg4[%get3A_3058, %get3A_3059] {strides = array<i32>} : memref<7x256xf32, #tpu.memory_space<vmem>>, vector<1x16xf32>,
    %get3A_3061 = vector.shape_cast %get3A_3060 : vector<1x16xf32> to vector<16xf32>
    %broadcast_in_dim3A_3062 = arith.constant 0 : i32
    %broadcast_in_dim3A_3063 = vector.broadcast %broadcast_in_dim3A_3062 : i32 to vector<16xi32>
    %gt3A_3064 = arith.cmpf ogt, %get3A_3036, %get3A_3031 : vector<16xf32>
    %select_n3A_3065 = arith.select %gt3A_3064, %get3A_3036, %get3A_3031 : vector<16xi1>, vector<16xf32>
    %jit3A_3066 = arith.constant 1 : i32
    %broadcast_in_dim3A_3067 = vector.broadcast %jit3A_3066 : i32 to vector<16xi32>
    %select_n3A_3068 = arith.select %gt3A_3064, %broadcast_in_dim3A_3067, %broadcast_in_dim3A_3063 : vector<16xi1>, vector<16xi32>
    %gt3A_3069 = arith.cmpf ogt, %get3A_3041, %select_n3A_3065 : vector<16xf32>
    %select_n3A_3070 = arith.select %gt3A_3069, %get3A_3041, %select_n3A_3065 : vector<16xi1>, vector<16xf32>
    %jit3A_3071 = arith.constant 2 : i32
    %broadcast_in_dim3A_3072 = vector.broadcast %jit3A_3071 : i32 to vector<16xi32>
    %select_n3A_3073 = arith.select %gt3A_3069, %broadcast_in_dim3A_3072, %select_n3A_3068 : vector<16xi1>, vector<16xi32>
    %gt3A_3074 = arith.cmpf ogt, %get3A_3046, %select_n3A_3070 : vector<16xf32>
    %select_n3A_3075 = arith.select %gt3A_3074, %get3A_3046, %select_n3A_3070 : vector<16xi1>, vector<16xf32>
    %jit3A_3076 = arith.constant 3 : i32
    %broadcast_in_dim3A_3077 = vector.broadcast %jit3A_3076 : i32 to vector<16xi32>
    %select_n3A_3078 = arith.select %gt3A_3074, %broadcast_in_dim3A_3077, %select_n3A_3073 : vector<16xi1>, vector<16xi32>
    %gt3A_3079 = arith.cmpf ogt, %get3A_3051, %select_n3A_3075 : vector<16xf32>
    %select_n3A_3080 = arith.select %gt3A_3079, %get3A_3051, %select_n3A_3075 : vector<16xi1>, vector<16xf32>
    %jit3A_3081 = arith.constant 4 : i32
    %broadcast_in_dim3A_3082 = vector.broadcast %jit3A_3081 : i32 to vector<16xi32>
    %select_n3A_3083 = arith.select %gt3A_3079, %broadcast_in_dim3A_3082, %select_n3A_3078 : vector<16xi1>, vector<16xi32>
    %gt3A_3084 = arith.cmpf ogt, %get3A_3056, %select_n3A_3080 : vector<16xf32>
    %select_n3A_3085 = arith.select %gt3A_3084, %get3A_3056, %select_n3A_3080 : vector<16xi1>, vector<16xf32>
    %jit3A_3086 = arith.constant 5 : i32
    %broadcast_in_dim3A_3087 = vector.broadcast %jit3A_3086 : i32 to vector<16xi32>
    %select_n3A_3088 = arith.select %gt3A_3084, %broadcast_in_dim3A_3087, %select_n3A_3083 : vector<16xi1>, vector<16xi32>
    %gt3A_3089 = arith.cmpf ogt, %get3A_3061, %select_n3A_3085 : vector<16xf32>
    %select_n3A_3090 = arith.select %gt3A_3089, %get3A_3061, %select_n3A_3085 : vector<16xi1>, vector<16xf32>
    %jit3A_3091 = arith.constant 6 : i32
    %broadcast_in_dim3A_3092 = vector.broadcast %jit3A_3091 : i32 to vector<16xi32>
    %select_n3A_3093 = arith.select %gt3A_3089, %broadcast_in_dim3A_3092, %select_n3A_3088 : vector<16xi1>, vector<16xi32>
    %broadcast_in_dim3A_3094 = arith.constant -1.000000e+30 : f32
    %broadcast_in_dim3A_3095 = vector.broadcast %broadcast_in_dim3A_3094 : f32 to vector<16xf32>
    %broadcast_in_dim3A_3096 = arith.constant 7 : i32
    %broadcast_in_dim3A_3097 = vector.broadcast %broadcast_in_dim3A_3096 : i32 to vector<16xi32>
    %ne3A_3098 = arith.constant 0 : i32
    %ne3A_3099 = vector.broadcast %ne3A_3098 : i32 to vector<16xi32>
    %ne3A_3100 = arith.cmpi ne, %select_n3A_3093, %ne3A_3099 : vector<16xi32>
    %gt3A_3101 = arith.cmpf ogt, %get3A_3031, %broadcast_in_dim3A_3095 : vector<16xf32>
    %and3A_3102 = arith.andi %ne3A_3100, %gt3A_3101 : vector<16xi1>
    %select_n3A_3103 = arith.select %and3A_3102, %get3A_3031, %broadcast_in_dim3A_3095 : vector<16xi1>, vector<16xf32>
    %jit3A_3104 = arith.constant 0 : i32
    %broadcast_in_dim3A_3105 = vector.broadcast %jit3A_3104 : i32 to vector<16xi32>
    %select_n3A_3106 = arith.select %and3A_3102, %broadcast_in_dim3A_3105, %broadcast_in_dim3A_3097 : vector<16xi1>, vector<16xi32>
    %ne3A_3107 = arith.constant 1 : i32
    %ne3A_3108 = vector.broadcast %ne3A_3107 : i32 to vector<16xi32>
    %ne3A_3109 = arith.cmpi ne, %select_n3A_3093, %ne3A_3108 : vector<16xi32>
    %gt3A_3110 = arith.cmpf ogt, %get3A_3036, %select_n3A_3103 : vector<16xf32>
    %and3A_3111 = arith.andi %ne3A_3109, %gt3A_3110 : vector<16xi1>
    %select_n3A_3112 = arith.select %and3A_3111, %get3A_3036, %select_n3A_3103 : vector<16xi1>, vector<16xf32>
    %jit3A_3113 = arith.constant 1 : i32
    %broadcast_in_dim3A_3114 = vector.broadcast %jit3A_3113 : i32 to vector<16xi32>
    %select_n3A_3115 = arith.select %and3A_3111, %broadcast_in_dim3A_3114, %select_n3A_3106 : vector<16xi1>, vector<16xi32>
    %ne3A_3116 = arith.constant 2 : i32
    %ne3A_3117 = vector.broadcast %ne3A_3116 : i32 to vector<16xi32>
    %ne3A_3118 = arith.cmpi ne, %select_n3A_3093, %ne3A_3117 : vector<16xi32>
    %gt3A_3119 = arith.cmpf ogt, %get3A_3041, %select_n3A_3112 : vector<16xf32>
    %and3A_3120 = arith.andi %ne3A_3118, %gt3A_3119 : vector<16xi1>
    %select_n3A_3121 = arith.select %and3A_3120, %get3A_3041, %select_n3A_3112 : vector<16xi1>, vector<16xf32>
    %jit3A_3122 = arith.constant 2 : i32
    %broadcast_in_dim3A_3123 = vector.broadcast %jit3A_3122 : i32 to vector<16xi32>
    %select_n3A_3124 = arith.select %and3A_3120, %broadcast_in_dim3A_3123, %select_n3A_3115 : vector<16xi1>, vector<16xi32>
    %ne3A_3125 = arith.constant 3 : i32
    %ne3A_3126 = vector.broadcast %ne3A_3125 : i32 to vector<16xi32>
    %ne3A_3127 = arith.cmpi ne, %select_n3A_3093, %ne3A_3126 : vector<16xi32>
    %gt3A_3128 = arith.cmpf ogt, %get3A_3046, %select_n3A_3121 : vector<16xf32>
    %and3A_3129 = arith.andi %ne3A_3127, %gt3A_3128 : vector<16xi1>
    %select_n3A_3130 = arith.select %and3A_3129, %get3A_3046, %select_n3A_3121 : vector<16xi1>, vector<16xf32>
    %jit3A_3131 = arith.constant 3 : i32
    %broadcast_in_dim3A_3132 = vector.broadcast %jit3A_3131 : i32 to vector<16xi32>
    %select_n3A_3133 = arith.select %and3A_3129, %broadcast_in_dim3A_3132, %select_n3A_3124 : vector<16xi1>, vector<16xi32>
    %ne3A_3134 = arith.constant 4 : i32
    %ne3A_3135 = vector.broadcast %ne3A_3134 : i32 to vector<16xi32>
    %ne3A_3136 = arith.cmpi ne, %select_n3A_3093, %ne3A_3135 : vector<16xi32>
    %gt3A_3137 = arith.cmpf ogt, %get3A_3051, %select_n3A_3130 : vector<16xf32>
    %and3A_3138 = arith.andi %ne3A_3136, %gt3A_3137 : vector<16xi1>
    %select_n3A_3139 = arith.select %and3A_3138, %get3A_3051, %select_n3A_3130 : vector<16xi1>, vector<16xf32>
    %jit3A_3140 = arith.constant 4 : i32
    %broadcast_in_dim3A_3141 = vector.broadcast %jit3A_3140 : i32 to vector<16xi32>
    %select_n3A_3142 = arith.select %and3A_3138, %broadcast_in_dim3A_3141, %select_n3A_3133 : vector<16xi1>, vector<16xi32>
    %ne3A_3143 = arith.constant 5 : i32
    %ne3A_3144 = vector.broadcast %ne3A_3143 : i32 to vector<16xi32>
    %ne3A_3145 = arith.cmpi ne, %select_n3A_3093, %ne3A_3144 : vector<16xi32>
    %gt3A_3146 = arith.cmpf ogt, %get3A_3056, %select_n3A_3139 : vector<16xf32>
    %and3A_3147 = arith.andi %ne3A_3145, %gt3A_3146 : vector<16xi1>
    %select_n3A_3148 = arith.select %and3A_3147, %get3A_3056, %select_n3A_3139 : vector<16xi1>, vector<16xf32>
    %jit3A_3149 = arith.constant 5 : i32
    %broadcast_in_dim3A_3150 = vector.broadcast %jit3A_3149 : i32 to vector<16xi32>
    %select_n3A_3151 = arith.select %and3A_3147, %broadcast_in_dim3A_3150, %select_n3A_3142 : vector<16xi1>, vector<16xi32>
    %ne3A_3152 = arith.constant 6 : i32
    %ne3A_3153 = vector.broadcast %ne3A_3152 : i32 to vector<16xi32>
    %ne3A_3154 = arith.cmpi ne, %select_n3A_3093, %ne3A_3153 : vector<16xi32>
    %gt3A_3155 = arith.cmpf ogt, %get3A_3061, %select_n3A_3148 : vector<16xf32>
    %and3A_3156 = arith.andi %ne3A_3154, %gt3A_3155 : vector<16xi1>
    %select_n3A_3157 = arith.select %and3A_3156, %get3A_3061, %select_n3A_3148 : vector<16xi1>, vector<16xf32>
    %jit3A_3158 = arith.constant 6 : i32
    %broadcast_in_dim3A_3159 = vector.broadcast %jit3A_3158 : i32 to vector<16xi32>
    %select_n3A_3160 = arith.select %and3A_3156, %broadcast_in_dim3A_3159, %select_n3A_3151 : vector<16xi1>, vector<16xi32>
    %sub3A_3161 = arith.subf %select_n3A_3157, %select_n3A_3090 : vector<16xf32>
    %exp3A_3162 = math.exp %sub3A_3161 : vector<16xf32>
    %add3A_3163 = arith.constant 1.000000e+00 : f32
    %add3A_3164 = vector.broadcast %add3A_3163 : f32 to vector<16xf32>
    %add3A_3165 = arith.addf %add3A_3164, %exp3A_3162 : vector<16xf32>
    %div3A_3166 = arith.constant 1.000000e+00 : f32
    %div3A_3167 = vector.broadcast %div3A_3166 : f32 to vector<16xf32>
    %div3A_3168 = arith.divf %div3A_3167, %add3A_3165 : vector<16xf32>
    %div3A_3169 = arith.divf %exp3A_3162, %add3A_3165 : vector<16xf32>
    %eq3A_3170 = arith.constant 0 : i32
    %eq3A_3171 = vector.broadcast %eq3A_3170 : i32 to vector<16xi32>
    %eq3A_3172 = arith.cmpi eq, %select_n3A_3093, %eq3A_3171 : vector<16xi32>
    %jit3A_3173 = arith.constant 0.000000e+00 : f32
    %broadcast_in_dim3A_3174 = vector.broadcast %jit3A_3173 : f32 to vector<16xf32>
    %select_n3A_3175 = arith.select %eq3A_3172, %div3A_3168, %broadcast_in_dim3A_3174 : vector<16xi1>, vector<16xf32>
    %eq3A_3176 = arith.constant 0 : i32
    %eq3A_3177 = vector.broadcast %eq3A_3176 : i32 to vector<16xi32>
    %eq3A_3178 = arith.cmpi eq, %select_n3A_3160, %eq3A_3177 : vector<16xi32>
    %jit3A_3179 = arith.constant 0.000000e+00 : f32
    %broadcast_in_dim3A_3180 = vector.broadcast %jit3A_3179 : f32 to vector<16xf32>
    %select_n3A_3181 = arith.select %eq3A_3178, %div3A_3169, %broadcast_in_dim3A_3180 : vector<16xi1>, vector<16xf32>
    %add3A_3182 = arith.addf %select_n3A_3175, %select_n3A_3181 : vector<16xf32>
    %swap3A_3183 = arith.constant 0 : i32
    %swap3A_3184 = arith.index_cast %swap3A_3183 : i32 to index
    %swap3A_3185 = arith.constant 176 : index
    %swap3A_3186 = tpu.vector_load %arg5[%swap3A_3184, %swap3A_3185] {strides = array<i32>} : memref<7x256xf32, #tpu.memory_space<vmem>>, vector<1x16xf32>,
    %swap3A_3187 = vector.shape_cast %swap3A_3186 : vector<1x16xf32> to vector<16xf32>
    %swap3A_3188 = vector.shape_cast %add3A_3182 : vector<16xf32> to vector<1x16xf32>
    tpu.vector_store %arg5[%swap3A_3184, %swap3A_3185], %swap3A_3188 {strides = array<i32>} : memref<7x256xf32, #tpu.memory_space<vmem>>, vector<1x16xf32>,
    %eq3A_3189 = arith.constant 1 : i32
    %eq3A_3190 = vector.broadcast %eq3A_3189 : i32 to vector<16xi32>
    %eq3A_3191 = arith.cmpi eq, %select_n3A_3093, %eq3A_3190 : vector<16xi32>
    %jit3A_3192 = arith.constant 0.000000e+00 : f32
    %broadcast_in_dim3A_3193 = vector.broadcast %jit3A_3192 : f32 to vector<16xf32>
    %select_n3A_3194 = arith.select %eq3A_3191, %div3A_3168, %broadcast_in_dim3A_3193 : vector<16xi1>, vector<16xf32>
    %eq3A_3195 = arith.constant 1 : i32
    %eq3A_3196 = vector.broadcast %eq3A_3195 : i32 to vector<16xi32>
    %eq3A_3197 = arith.cmpi eq, %select_n3A_3160, %eq3A_3196 : vector<16xi32>
    %jit3A_3198 = arith.constant 0.000000e+00 : f32
    %broadcast_in_dim3A_3199 = vector.broadcast %jit3A_3198 : f32 to vector<16xf32>
    %select_n3A_3200 = arith.select %eq3A_3197, %div3A_3169, %broadcast_in_dim3A_3199 : vector<16xi1>, vector<16xf32>
    %add3A_3201 = arith.addf %select_n3A_3194, %select_n3A_3200 : vector<16xf32>
    %swap3A_3202 = arith.constant 1 : i32
    %swap3A_3203 = arith.index_cast %swap3A_3202 : i32 to index
    %swap3A_3204 = arith.constant 176 : index
    %swap3A_3205 = tpu.vector_load %arg5[%swap3A_3203, %swap3A_3204] {strides = array<i32>} : memref<7x256xf32, #tpu.memory_space<vmem>>, vector<1x16xf32>,
    %swap3A_3206 = vector.shape_cast %swap3A_3205 : vector<1x16xf32> to vector<16xf32>
    %swap3A_3207 = vector.shape_cast %add3A_3201 : vector<16xf32> to vector<1x16xf32>
    tpu.vector_store %arg5[%swap3A_3203, %swap3A_3204], %swap3A_3207 {strides = array<i32>} : memref<7x256xf32, #tpu.memory_space<vmem>>, vector<1x16xf32>,
    %eq3A_3208 = arith.constant 2 : i32
    %eq3A_3209 = vector.broadcast %eq3A_3208 : i32 to vector<16xi32>
    %eq3A_3210 = arith.cmpi eq, %select_n3A_3093, %eq3A_3209 : vector<16xi32>
    %jit3A_3211 = arith.constant 0.000000e+00 : f32
    %broadcast_in_dim3A_3212 = vector.broadcast %jit3A_3211 : f32 to vector<16xf32>
    %select_n3A_3213 = arith.select %eq3A_3210, %div3A_3168, %broadcast_in_dim3A_3212 : vector<16xi1>, vector<16xf32>
    %eq3A_3214 = arith.constant 2 : i32
    %eq3A_3215 = vector.broadcast %eq3A_3214 : i32 to vector<16xi32>
    %eq3A_3216 = arith.cmpi eq, %select_n3A_3160, %eq3A_3215 : vector<16xi32>
    %jit3A_3217 = arith.constant 0.000000e+00 : f32
    %broadcast_in_dim3A_3218 = vector.broadcast %jit3A_3217 : f32 to vector<16xf32>
    %select_n3A_3219 = arith.select %eq3A_3216, %div3A_3169, %broadcast_in_dim3A_3218 : vector<16xi1>, vector<16xf32>
    %add3A_3220 = arith.addf %select_n3A_3213, %select_n3A_3219 : vector<16xf32>
    %swap3A_3221 = arith.constant 2 : i32
    %swap3A_3222 = arith.index_cast %swap3A_3221 : i32 to index
    %swap3A_3223 = arith.constant 176 : index
    %swap3A_3224 = tpu.vector_load %arg5[%swap3A_3222, %swap3A_3223] {strides = array<i32>} : memref<7x256xf32, #tpu.memory_space<vmem>>, vector<1x16xf32>,
    %swap3A_3225 = vector.shape_cast %swap3A_3224 : vector<1x16xf32> to vector<16xf32>
    %swap3A_3226 = vector.shape_cast %add3A_3220 : vector<16xf32> to vector<1x16xf32>
    tpu.vector_store %arg5[%swap3A_3222, %swap3A_3223], %swap3A_3226 {strides = array<i32>} : memref<7x256xf32, #tpu.memory_space<vmem>>, vector<1x16xf32>,
    %eq3A_3227 = arith.constant 3 : i32
    %eq3A_3228 = vector.broadcast %eq3A_3227 : i32 to vector<16xi32>
    %eq3A_3229 = arith.cmpi eq, %select_n3A_3093, %eq3A_3228 : vector<16xi32>
    %jit3A_3230 = arith.constant 0.000000e+00 : f32
    %broadcast_in_dim3A_3231 = vector.broadcast %jit3A_3230 : f32 to vector<16xf32>
    %select_n3A_3232 = arith.select %eq3A_3229, %div3A_3168, %broadcast_in_dim3A_3231 : vector<16xi1>, vector<16xf32>
    %eq3A_3233 = arith.constant 3 : i32
    %eq3A_3234 = vector.broadcast %eq3A_3233 : i32 to vector<16xi32>
    %eq3A_3235 = arith.cmpi eq, %select_n3A_3160, %eq3A_3234 : vector<16xi32>
    %jit3A_3236 = arith.constant 0.000000e+00 : f32
    %broadcast_in_dim3A_3237 = vector.broadcast %jit3A_3236 : f32 to vector<16xf32>
    %select_n3A_3238 = arith.select %eq3A_3235, %div3A_3169, %broadcast_in_dim3A_3237 : vector<16xi1>, vector<16xf32>
    %add3A_3239 = arith.addf %select_n3A_3232, %select_n3A_3238 : vector<16xf32>
    %swap3A_3240 = arith.constant 3 : i32
    %swap3A_3241 = arith.index_cast %swap3A_3240 : i32 to index
    %swap3A_3242 = arith.constant 176 : index
    %swap3A_3243 = tpu.vector_load %arg5[%swap3A_3241, %swap3A_3242] {strides = array<i32>} : memref<7x256xf32, #tpu.memory_space<vmem>>, vector<1x16xf32>,
    %swap3A_3244 = vector.shape_cast %swap3A_3243 : vector<1x16xf32> to vector<16xf32>
    %swap3A_3245 = vector.shape_cast %add3A_3239 : vector<16xf32> to vector<1x16xf32>
    tpu.vector_store %arg5[%swap3A_3241, %swap3A_3242], %swap3A_3245 {strides = array<i32>} : memref<7x256xf32, #tpu.memory_space<vmem>>, vector<1x16xf32>,
    %eq3A_3246 = arith.constant 4 : i32
    %eq3A_3247 = vector.broadcast %eq3A_3246 : i32 to vector<16xi32>
    %eq3A_3248 = arith.cmpi eq, %select_n3A_3093, %eq3A_3247 : vector<16xi32>
    %jit3A_3249 = arith.constant 0.000000e+00 : f32
    %broadcast_in_dim3A_3250 = vector.broadcast %jit3A_3249 : f32 to vector<16xf32>
    %select_n3A_3251 = arith.select %eq3A_3248, %div3A_3168, %broadcast_in_dim3A_3250 : vector<16xi1>, vector<16xf32>
    %eq3A_3252 = arith.constant 4 : i32
    %eq3A_3253 = vector.broadcast %eq3A_3252 : i32 to vector<16xi32>
    %eq3A_3254 = arith.cmpi eq, %select_n3A_3160, %eq3A_3253 : vector<16xi32>
    %jit3A_3255 = arith.constant 0.000000e+00 : f32
    %broadcast_in_dim3A_3256 = vector.broadcast %jit3A_3255 : f32 to vector<16xf32>
    %select_n3A_3257 = arith.select %eq3A_3254, %div3A_3169, %broadcast_in_dim3A_3256 : vector<16xi1>, vector<16xf32>
    %add3A_3258 = arith.addf %select_n3A_3251, %select_n3A_3257 : vector<16xf32>
    %swap3A_3259 = arith.constant 4 : i32
    %swap3A_3260 = arith.index_cast %swap3A_3259 : i32 to index
    %swap3A_3261 = arith.constant 176 : index
    %swap3A_3262 = tpu.vector_load %arg5[%swap3A_3260, %swap3A_3261] {strides = array<i32>} : memref<7x256xf32, #tpu.memory_space<vmem>>, vector<1x16xf32>,
    %swap3A_3263 = vector.shape_cast %swap3A_3262 : vector<1x16xf32> to vector<16xf32>
    %swap3A_3264 = vector.shape_cast %add3A_3258 : vector<16xf32> to vector<1x16xf32>
    tpu.vector_store %arg5[%swap3A_3260, %swap3A_3261], %swap3A_3264 {strides = array<i32>} : memref<7x256xf32, #tpu.memory_space<vmem>>, vector<1x16xf32>,
    %eq3A_3265 = arith.constant 5 : i32
    %eq3A_3266 = vector.broadcast %eq3A_3265 : i32 to vector<16xi32>
    %eq3A_3267 = arith.cmpi eq, %select_n3A_3093, %eq3A_3266 : vector<16xi32>
    %jit3A_3268 = arith.constant 0.000000e+00 : f32
    %broadcast_in_dim3A_3269 = vector.broadcast %jit3A_3268 : f32 to vector<16xf32>
    %select_n3A_3270 = arith.select %eq3A_3267, %div3A_3168, %broadcast_in_dim3A_3269 : vector<16xi1>, vector<16xf32>
    %eq3A_3271 = arith.constant 5 : i32
    %eq3A_3272 = vector.broadcast %eq3A_3271 : i32 to vector<16xi32>
    %eq3A_3273 = arith.cmpi eq, %select_n3A_3160, %eq3A_3272 : vector<16xi32>
    %jit3A_3274 = arith.constant 0.000000e+00 : f32
    %broadcast_in_dim3A_3275 = vector.broadcast %jit3A_3274 : f32 to vector<16xf32>
    %select_n3A_3276 = arith.select %eq3A_3273, %div3A_3169, %broadcast_in_dim3A_3275 : vector<16xi1>, vector<16xf32>
    %add3A_3277 = arith.addf %select_n3A_3270, %select_n3A_3276 : vector<16xf32>
    %swap3A_3278 = arith.constant 5 : i32
    %swap3A_3279 = arith.index_cast %swap3A_3278 : i32 to index
    %swap3A_3280 = arith.constant 176 : index
    %swap3A_3281 = tpu.vector_load %arg5[%swap3A_3279, %swap3A_3280] {strides = array<i32>} : memref<7x256xf32, #tpu.memory_space<vmem>>, vector<1x16xf32>,
    %swap3A_3282 = vector.shape_cast %swap3A_3281 : vector<1x16xf32> to vector<16xf32>
    %swap3A_3283 = vector.shape_cast %add3A_3277 : vector<16xf32> to vector<1x16xf32>
    tpu.vector_store %arg5[%swap3A_3279, %swap3A_3280], %swap3A_3283 {strides = array<i32>} : memref<7x256xf32, #tpu.memory_space<vmem>>, vector<1x16xf32>,
    %eq3A_3284 = arith.constant 6 : i32
    %eq3A_3285 = vector.broadcast %eq3A_3284 : i32 to vector<16xi32>
    %eq3A_3286 = arith.cmpi eq, %select_n3A_3093, %eq3A_3285 : vector<16xi32>
    %jit3A_3287 = arith.constant 0.000000e+00 : f32
    %broadcast_in_dim3A_3288 = vector.broadcast %jit3A_3287 : f32 to vector<16xf32>
    %select_n3A_3289 = arith.select %eq3A_3286, %div3A_3168, %broadcast_in_dim3A_3288 : vector<16xi1>, vector<16xf32>
    %eq3A_3290 = arith.constant 6 : i32
    %eq3A_3291 = vector.broadcast %eq3A_3290 : i32 to vector<16xi32>
    %eq3A_3292 = arith.cmpi eq, %select_n3A_3160, %eq3A_3291 : vector<16xi32>
    %jit3A_3293 = arith.constant 0.000000e+00 : f32
    %broadcast_in_dim3A_3294 = vector.broadcast %jit3A_3293 : f32 to vector<16xf32>
    %select_n3A_3295 = arith.select %eq3A_3292, %div3A_3169, %broadcast_in_dim3A_3294 : vector<16xi1>, vector<16xf32>
    %add3A_3296 = arith.addf %select_n3A_3289, %select_n3A_3295 : vector<16xf32>
    %swap3A_3297 = arith.constant 6 : i32
    %swap3A_3298 = arith.index_cast %swap3A_3297 : i32 to index
    %swap3A_3299 = arith.constant 176 : index
    %swap3A_3300 = tpu.vector_load %arg5[%swap3A_3298, %swap3A_3299] {strides = array<i32>} : memref<7x256xf32, #tpu.memory_space<vmem>>, vector<1x16xf32>,
    %swap3A_3301 = vector.shape_cast %swap3A_3300 : vector<1x16xf32> to vector<16xf32>
    %swap3A_3302 = vector.shape_cast %add3A_3296 : vector<16xf32> to vector<1x16xf32>
    tpu.vector_store %arg5[%swap3A_3298, %swap3A_3299], %swap3A_3302 {strides = array<i32>} : memref<7x256xf32, #tpu.memory_space<vmem>>, vector<1x16xf32>,
    %get3A_3303 = arith.constant 0 : i32
    %get3A_3304 = arith.index_cast %get3A_3303 : i32 to index
    %get3A_3305 = arith.constant 192 : index
    %get3A_3306 = tpu.vector_load %arg4[%get3A_3304, %get3A_3305] {strides = array<i32>} : memref<7x256xf32, #tpu.memory_space<vmem>>, vector<1x16xf32>,
    %get3A_3307 = vector.shape_cast %get3A_3306 : vector<1x16xf32> to vector<16xf32>
    %get3A_3308 = arith.constant 1 : i32
    %get3A_3309 = arith.index_cast %get3A_3308 : i32 to index
    %get3A_3310 = arith.constant 192 : index
    %get3A_3311 = tpu.vector_load %arg4[%get3A_3309, %get3A_3310] {strides = array<i32>} : memref<7x256xf32, #tpu.memory_space<vmem>>, vector<1x16xf32>,
    %get3A_3312 = vector.shape_cast %get3A_3311 : vector<1x16xf32> to vector<16xf32>
    %get3A_3313 = arith.constant 2 : i32
    %get3A_3314 = arith.index_cast %get3A_3313 : i32 to index
    %get3A_3315 = arith.constant 192 : index
    %get3A_3316 = tpu.vector_load %arg4[%get3A_3314, %get3A_3315] {strides = array<i32>} : memref<7x256xf32, #tpu.memory_space<vmem>>, vector<1x16xf32>,
    %get3A_3317 = vector.shape_cast %get3A_3316 : vector<1x16xf32> to vector<16xf32>
    %get3A_3318 = arith.constant 3 : i32
    %get3A_3319 = arith.index_cast %get3A_3318 : i32 to index
    %get3A_3320 = arith.constant 192 : index
    %get3A_3321 = tpu.vector_load %arg4[%get3A_3319, %get3A_3320] {strides = array<i32>} : memref<7x256xf32, #tpu.memory_space<vmem>>, vector<1x16xf32>,
    %get3A_3322 = vector.shape_cast %get3A_3321 : vector<1x16xf32> to vector<16xf32>
    %get3A_3323 = arith.constant 4 : i32
    %get3A_3324 = arith.index_cast %get3A_3323 : i32 to index
    %get3A_3325 = arith.constant 192 : index
    %get3A_3326 = tpu.vector_load %arg4[%get3A_3324, %get3A_3325] {strides = array<i32>} : memref<7x256xf32, #tpu.memory_space<vmem>>, vector<1x16xf32>,
    %get3A_3327 = vector.shape_cast %get3A_3326 : vector<1x16xf32> to vector<16xf32>
    %get3A_3328 = arith.constant 5 : i32
    %get3A_3329 = arith.index_cast %get3A_3328 : i32 to index
    %get3A_3330 = arith.constant 192 : index
    %get3A_3331 = tpu.vector_load %arg4[%get3A_3329, %get3A_3330] {strides = array<i32>} : memref<7x256xf32, #tpu.memory_space<vmem>>, vector<1x16xf32>,
    %get3A_3332 = vector.shape_cast %get3A_3331 : vector<1x16xf32> to vector<16xf32>
    %get3A_3333 = arith.constant 6 : i32
    %get3A_3334 = arith.index_cast %get3A_3333 : i32 to index
    %get3A_3335 = arith.constant 192 : index
    %get3A_3336 = tpu.vector_load %arg4[%get3A_3334, %get3A_3335] {strides = array<i32>} : memref<7x256xf32, #tpu.memory_space<vmem>>, vector<1x16xf32>,
    %get3A_3337 = vector.shape_cast %get3A_3336 : vector<1x16xf32> to vector<16xf32>
    %broadcast_in_dim3A_3338 = arith.constant 0 : i32
    %broadcast_in_dim3A_3339 = vector.broadcast %broadcast_in_dim3A_3338 : i32 to vector<16xi32>
    %gt3A_3340 = arith.cmpf ogt, %get3A_3312, %get3A_3307 : vector<16xf32>
    %select_n3A_3341 = arith.select %gt3A_3340, %get3A_3312, %get3A_3307 : vector<16xi1>, vector<16xf32>
    %jit3A_3342 = arith.constant 1 : i32
    %broadcast_in_dim3A_3343 = vector.broadcast %jit3A_3342 : i32 to vector<16xi32>
    %select_n3A_3344 = arith.select %gt3A_3340, %broadcast_in_dim3A_3343, %broadcast_in_dim3A_3339 : vector<16xi1>, vector<16xi32>
    %gt3A_3345 = arith.cmpf ogt, %get3A_3317, %select_n3A_3341 : vector<16xf32>
    %select_n3A_3346 = arith.select %gt3A_3345, %get3A_3317, %select_n3A_3341 : vector<16xi1>, vector<16xf32>
    %jit3A_3347 = arith.constant 2 : i32
    %broadcast_in_dim3A_3348 = vector.broadcast %jit3A_3347 : i32 to vector<16xi32>
    %select_n3A_3349 = arith.select %gt3A_3345, %broadcast_in_dim3A_3348, %select_n3A_3344 : vector<16xi1>, vector<16xi32>
    %gt3A_3350 = arith.cmpf ogt, %get3A_3322, %select_n3A_3346 : vector<16xf32>
    %select_n3A_3351 = arith.select %gt3A_3350, %get3A_3322, %select_n3A_3346 : vector<16xi1>, vector<16xf32>
    %jit3A_3352 = arith.constant 3 : i32
    %broadcast_in_dim3A_3353 = vector.broadcast %jit3A_3352 : i32 to vector<16xi32>
    %select_n3A_3354 = arith.select %gt3A_3350, %broadcast_in_dim3A_3353, %select_n3A_3349 : vector<16xi1>, vector<16xi32>
    %gt3A_3355 = arith.cmpf ogt, %get3A_3327, %select_n3A_3351 : vector<16xf32>
    %select_n3A_3356 = arith.select %gt3A_3355, %get3A_3327, %select_n3A_3351 : vector<16xi1>, vector<16xf32>
    %jit3A_3357 = arith.constant 4 : i32
    %broadcast_in_dim3A_3358 = vector.broadcast %jit3A_3357 : i32 to vector<16xi32>
    %select_n3A_3359 = arith.select %gt3A_3355, %broadcast_in_dim3A_3358, %select_n3A_3354 : vector<16xi1>, vector<16xi32>
    %gt3A_3360 = arith.cmpf ogt, %get3A_3332, %select_n3A_3356 : vector<16xf32>
    %select_n3A_3361 = arith.select %gt3A_3360, %get3A_3332, %select_n3A_3356 : vector<16xi1>, vector<16xf32>
    %jit3A_3362 = arith.constant 5 : i32
    %broadcast_in_dim3A_3363 = vector.broadcast %jit3A_3362 : i32 to vector<16xi32>
    %select_n3A_3364 = arith.select %gt3A_3360, %broadcast_in_dim3A_3363, %select_n3A_3359 : vector<16xi1>, vector<16xi32>
    %gt3A_3365 = arith.cmpf ogt, %get3A_3337, %select_n3A_3361 : vector<16xf32>
    %select_n3A_3366 = arith.select %gt3A_3365, %get3A_3337, %select_n3A_3361 : vector<16xi1>, vector<16xf32>
    %jit3A_3367 = arith.constant 6 : i32
    %broadcast_in_dim3A_3368 = vector.broadcast %jit3A_3367 : i32 to vector<16xi32>
    %select_n3A_3369 = arith.select %gt3A_3365, %broadcast_in_dim3A_3368, %select_n3A_3364 : vector<16xi1>, vector<16xi32>
    %broadcast_in_dim3A_3370 = arith.constant -1.000000e+30 : f32
    %broadcast_in_dim3A_3371 = vector.broadcast %broadcast_in_dim3A_3370 : f32 to vector<16xf32>
    %broadcast_in_dim3A_3372 = arith.constant 7 : i32
    %broadcast_in_dim3A_3373 = vector.broadcast %broadcast_in_dim3A_3372 : i32 to vector<16xi32>
    %ne3A_3374 = arith.constant 0 : i32
    %ne3A_3375 = vector.broadcast %ne3A_3374 : i32 to vector<16xi32>
    %ne3A_3376 = arith.cmpi ne, %select_n3A_3369, %ne3A_3375 : vector<16xi32>
    %gt3A_3377 = arith.cmpf ogt, %get3A_3307, %broadcast_in_dim3A_3371 : vector<16xf32>
    %and3A_3378 = arith.andi %ne3A_3376, %gt3A_3377 : vector<16xi1>
    %select_n3A_3379 = arith.select %and3A_3378, %get3A_3307, %broadcast_in_dim3A_3371 : vector<16xi1>, vector<16xf32>
    %jit3A_3380 = arith.constant 0 : i32
    %broadcast_in_dim3A_3381 = vector.broadcast %jit3A_3380 : i32 to vector<16xi32>
    %select_n3A_3382 = arith.select %and3A_3378, %broadcast_in_dim3A_3381, %broadcast_in_dim3A_3373 : vector<16xi1>, vector<16xi32>
    %ne3A_3383 = arith.constant 1 : i32
    %ne3A_3384 = vector.broadcast %ne3A_3383 : i32 to vector<16xi32>
    %ne3A_3385 = arith.cmpi ne, %select_n3A_3369, %ne3A_3384 : vector<16xi32>
    %gt3A_3386 = arith.cmpf ogt, %get3A_3312, %select_n3A_3379 : vector<16xf32>
    %and3A_3387 = arith.andi %ne3A_3385, %gt3A_3386 : vector<16xi1>
    %select_n3A_3388 = arith.select %and3A_3387, %get3A_3312, %select_n3A_3379 : vector<16xi1>, vector<16xf32>
    %jit3A_3389 = arith.constant 1 : i32
    %broadcast_in_dim3A_3390 = vector.broadcast %jit3A_3389 : i32 to vector<16xi32>
    %select_n3A_3391 = arith.select %and3A_3387, %broadcast_in_dim3A_3390, %select_n3A_3382 : vector<16xi1>, vector<16xi32>
    %ne3A_3392 = arith.constant 2 : i32
    %ne3A_3393 = vector.broadcast %ne3A_3392 : i32 to vector<16xi32>
    %ne3A_3394 = arith.cmpi ne, %select_n3A_3369, %ne3A_3393 : vector<16xi32>
    %gt3A_3395 = arith.cmpf ogt, %get3A_3317, %select_n3A_3388 : vector<16xf32>
    %and3A_3396 = arith.andi %ne3A_3394, %gt3A_3395 : vector<16xi1>
    %select_n3A_3397 = arith.select %and3A_3396, %get3A_3317, %select_n3A_3388 : vector<16xi1>, vector<16xf32>
    %jit3A_3398 = arith.constant 2 : i32
    %broadcast_in_dim3A_3399 = vector.broadcast %jit3A_3398 : i32 to vector<16xi32>
    %select_n3A_3400 = arith.select %and3A_3396, %broadcast_in_dim3A_3399, %select_n3A_3391 : vector<16xi1>, vector<16xi32>
    %ne3A_3401 = arith.constant 3 : i32
    %ne3A_3402 = vector.broadcast %ne3A_3401 : i32 to vector<16xi32>
    %ne3A_3403 = arith.cmpi ne, %select_n3A_3369, %ne3A_3402 : vector<16xi32>
    %gt3A_3404 = arith.cmpf ogt, %get3A_3322, %select_n3A_3397 : vector<16xf32>
    %and3A_3405 = arith.andi %ne3A_3403, %gt3A_3404 : vector<16xi1>
    %select_n3A_3406 = arith.select %and3A_3405, %get3A_3322, %select_n3A_3397 : vector<16xi1>, vector<16xf32>
    %jit3A_3407 = arith.constant 3 : i32
    %broadcast_in_dim3A_3408 = vector.broadcast %jit3A_3407 : i32 to vector<16xi32>
    %select_n3A_3409 = arith.select %and3A_3405, %broadcast_in_dim3A_3408, %select_n3A_3400 : vector<16xi1>, vector<16xi32>
    %ne3A_3410 = arith.constant 4 : i32
    %ne3A_3411 = vector.broadcast %ne3A_3410 : i32 to vector<16xi32>
    %ne3A_3412 = arith.cmpi ne, %select_n3A_3369, %ne3A_3411 : vector<16xi32>
    %gt3A_3413 = arith.cmpf ogt, %get3A_3327, %select_n3A_3406 : vector<16xf32>
    %and3A_3414 = arith.andi %ne3A_3412, %gt3A_3413 : vector<16xi1>
    %select_n3A_3415 = arith.select %and3A_3414, %get3A_3327, %select_n3A_3406 : vector<16xi1>, vector<16xf32>
    %jit3A_3416 = arith.constant 4 : i32
    %broadcast_in_dim3A_3417 = vector.broadcast %jit3A_3416 : i32 to vector<16xi32>
    %select_n3A_3418 = arith.select %and3A_3414, %broadcast_in_dim3A_3417, %select_n3A_3409 : vector<16xi1>, vector<16xi32>
    %ne3A_3419 = arith.constant 5 : i32
    %ne3A_3420 = vector.broadcast %ne3A_3419 : i32 to vector<16xi32>
    %ne3A_3421 = arith.cmpi ne, %select_n3A_3369, %ne3A_3420 : vector<16xi32>
    %gt3A_3422 = arith.cmpf ogt, %get3A_3332, %select_n3A_3415 : vector<16xf32>
    %and3A_3423 = arith.andi %ne3A_3421, %gt3A_3422 : vector<16xi1>
    %select_n3A_3424 = arith.select %and3A_3423, %get3A_3332, %select_n3A_3415 : vector<16xi1>, vector<16xf32>
    %jit3A_3425 = arith.constant 5 : i32
    %broadcast_in_dim3A_3426 = vector.broadcast %jit3A_3425 : i32 to vector<16xi32>
    %select_n3A_3427 = arith.select %and3A_3423, %broadcast_in_dim3A_3426, %select_n3A_3418 : vector<16xi1>, vector<16xi32>
    %ne3A_3428 = arith.constant 6 : i32
    %ne3A_3429 = vector.broadcast %ne3A_3428 : i32 to vector<16xi32>
    %ne3A_3430 = arith.cmpi ne, %select_n3A_3369, %ne3A_3429 : vector<16xi32>
    %gt3A_3431 = arith.cmpf ogt, %get3A_3337, %select_n3A_3424 : vector<16xf32>
    %and3A_3432 = arith.andi %ne3A_3430, %gt3A_3431 : vector<16xi1>
    %select_n3A_3433 = arith.select %and3A_3432, %get3A_3337, %select_n3A_3424 : vector<16xi1>, vector<16xf32>
    %jit3A_3434 = arith.constant 6 : i32
    %broadcast_in_dim3A_3435 = vector.broadcast %jit3A_3434 : i32 to vector<16xi32>
    %select_n3A_3436 = arith.select %and3A_3432, %broadcast_in_dim3A_3435, %select_n3A_3427 : vector<16xi1>, vector<16xi32>
    %sub3A_3437 = arith.subf %select_n3A_3433, %select_n3A_3366 : vector<16xf32>
    %exp3A_3438 = math.exp %sub3A_3437 : vector<16xf32>
    %add3A_3439 = arith.constant 1.000000e+00 : f32
    %add3A_3440 = vector.broadcast %add3A_3439 : f32 to vector<16xf32>
    %add3A_3441 = arith.addf %add3A_3440, %exp3A_3438 : vector<16xf32>
    %div3A_3442 = arith.constant 1.000000e+00 : f32
    %div3A_3443 = vector.broadcast %div3A_3442 : f32 to vector<16xf32>
    %div3A_3444 = arith.divf %div3A_3443, %add3A_3441 : vector<16xf32>
    %div3A_3445 = arith.divf %exp3A_3438, %add3A_3441 : vector<16xf32>
    %eq3A_3446 = arith.constant 0 : i32
    %eq3A_3447 = vector.broadcast %eq3A_3446 : i32 to vector<16xi32>
    %eq3A_3448 = arith.cmpi eq, %select_n3A_3369, %eq3A_3447 : vector<16xi32>
    %jit3A_3449 = arith.constant 0.000000e+00 : f32
    %broadcast_in_dim3A_3450 = vector.broadcast %jit3A_3449 : f32 to vector<16xf32>
    %select_n3A_3451 = arith.select %eq3A_3448, %div3A_3444, %broadcast_in_dim3A_3450 : vector<16xi1>, vector<16xf32>
    %eq3A_3452 = arith.constant 0 : i32
    %eq3A_3453 = vector.broadcast %eq3A_3452 : i32 to vector<16xi32>
    %eq3A_3454 = arith.cmpi eq, %select_n3A_3436, %eq3A_3453 : vector<16xi32>
    %jit3A_3455 = arith.constant 0.000000e+00 : f32
    %broadcast_in_dim3A_3456 = vector.broadcast %jit3A_3455 : f32 to vector<16xf32>
    %select_n3A_3457 = arith.select %eq3A_3454, %div3A_3445, %broadcast_in_dim3A_3456 : vector<16xi1>, vector<16xf32>
    %add3A_3458 = arith.addf %select_n3A_3451, %select_n3A_3457 : vector<16xf32>
    %swap3A_3459 = arith.constant 0 : i32
    %swap3A_3460 = arith.index_cast %swap3A_3459 : i32 to index
    %swap3A_3461 = arith.constant 192 : index
    %swap3A_3462 = tpu.vector_load %arg5[%swap3A_3460, %swap3A_3461] {strides = array<i32>} : memref<7x256xf32, #tpu.memory_space<vmem>>, vector<1x16xf32>,
    %swap3A_3463 = vector.shape_cast %swap3A_3462 : vector<1x16xf32> to vector<16xf32>
    %swap3A_3464 = vector.shape_cast %add3A_3458 : vector<16xf32> to vector<1x16xf32>
    tpu.vector_store %arg5[%swap3A_3460, %swap3A_3461], %swap3A_3464 {strides = array<i32>} : memref<7x256xf32, #tpu.memory_space<vmem>>, vector<1x16xf32>,
    %eq3A_3465 = arith.constant 1 : i32
    %eq3A_3466 = vector.broadcast %eq3A_3465 : i32 to vector<16xi32>
    %eq3A_3467 = arith.cmpi eq, %select_n3A_3369, %eq3A_3466 : vector<16xi32>
    %jit3A_3468 = arith.constant 0.000000e+00 : f32
    %broadcast_in_dim3A_3469 = vector.broadcast %jit3A_3468 : f32 to vector<16xf32>
    %select_n3A_3470 = arith.select %eq3A_3467, %div3A_3444, %broadcast_in_dim3A_3469 : vector<16xi1>, vector<16xf32>
    %eq3A_3471 = arith.constant 1 : i32
    %eq3A_3472 = vector.broadcast %eq3A_3471 : i32 to vector<16xi32>
    %eq3A_3473 = arith.cmpi eq, %select_n3A_3436, %eq3A_3472 : vector<16xi32>
    %jit3A_3474 = arith.constant 0.000000e+00 : f32
    %broadcast_in_dim3A_3475 = vector.broadcast %jit3A_3474 : f32 to vector<16xf32>
    %select_n3A_3476 = arith.select %eq3A_3473, %div3A_3445, %broadcast_in_dim3A_3475 : vector<16xi1>, vector<16xf32>
    %add3A_3477 = arith.addf %select_n3A_3470, %select_n3A_3476 : vector<16xf32>
    %swap3A_3478 = arith.constant 1 : i32
    %swap3A_3479 = arith.index_cast %swap3A_3478 : i32 to index
    %swap3A_3480 = arith.constant 192 : index
    %swap3A_3481 = tpu.vector_load %arg5[%swap3A_3479, %swap3A_3480] {strides = array<i32>} : memref<7x256xf32, #tpu.memory_space<vmem>>, vector<1x16xf32>,
    %swap3A_3482 = vector.shape_cast %swap3A_3481 : vector<1x16xf32> to vector<16xf32>
    %swap3A_3483 = vector.shape_cast %add3A_3477 : vector<16xf32> to vector<1x16xf32>
    tpu.vector_store %arg5[%swap3A_3479, %swap3A_3480], %swap3A_3483 {strides = array<i32>} : memref<7x256xf32, #tpu.memory_space<vmem>>, vector<1x16xf32>,
    %eq3A_3484 = arith.constant 2 : i32
    %eq3A_3485 = vector.broadcast %eq3A_3484 : i32 to vector<16xi32>
    %eq3A_3486 = arith.cmpi eq, %select_n3A_3369, %eq3A_3485 : vector<16xi32>
    %jit3A_3487 = arith.constant 0.000000e+00 : f32
    %broadcast_in_dim3A_3488 = vector.broadcast %jit3A_3487 : f32 to vector<16xf32>
    %select_n3A_3489 = arith.select %eq3A_3486, %div3A_3444, %broadcast_in_dim3A_3488 : vector<16xi1>, vector<16xf32>
    %eq3A_3490 = arith.constant 2 : i32
    %eq3A_3491 = vector.broadcast %eq3A_3490 : i32 to vector<16xi32>
    %eq3A_3492 = arith.cmpi eq, %select_n3A_3436, %eq3A_3491 : vector<16xi32>
    %jit3A_3493 = arith.constant 0.000000e+00 : f32
    %broadcast_in_dim3A_3494 = vector.broadcast %jit3A_3493 : f32 to vector<16xf32>
    %select_n3A_3495 = arith.select %eq3A_3492, %div3A_3445, %broadcast_in_dim3A_3494 : vector<16xi1>, vector<16xf32>
    %add3A_3496 = arith.addf %select_n3A_3489, %select_n3A_3495 : vector<16xf32>
    %swap3A_3497 = arith.constant 2 : i32
    %swap3A_3498 = arith.index_cast %swap3A_3497 : i32 to index
    %swap3A_3499 = arith.constant 192 : index
    %swap3A_3500 = tpu.vector_load %arg5[%swap3A_3498, %swap3A_3499] {strides = array<i32>} : memref<7x256xf32, #tpu.memory_space<vmem>>, vector<1x16xf32>,
    %swap3A_3501 = vector.shape_cast %swap3A_3500 : vector<1x16xf32> to vector<16xf32>
    %swap3A_3502 = vector.shape_cast %add3A_3496 : vector<16xf32> to vector<1x16xf32>
    tpu.vector_store %arg5[%swap3A_3498, %swap3A_3499], %swap3A_3502 {strides = array<i32>} : memref<7x256xf32, #tpu.memory_space<vmem>>, vector<1x16xf32>,
    %eq3A_3503 = arith.constant 3 : i32
    %eq3A_3504 = vector.broadcast %eq3A_3503 : i32 to vector<16xi32>
    %eq3A_3505 = arith.cmpi eq, %select_n3A_3369, %eq3A_3504 : vector<16xi32>
    %jit3A_3506 = arith.constant 0.000000e+00 : f32
    %broadcast_in_dim3A_3507 = vector.broadcast %jit3A_3506 : f32 to vector<16xf32>
    %select_n3A_3508 = arith.select %eq3A_3505, %div3A_3444, %broadcast_in_dim3A_3507 : vector<16xi1>, vector<16xf32>
    %eq3A_3509 = arith.constant 3 : i32
    %eq3A_3510 = vector.broadcast %eq3A_3509 : i32 to vector<16xi32>
    %eq3A_3511 = arith.cmpi eq, %select_n3A_3436, %eq3A_3510 : vector<16xi32>
    %jit3A_3512 = arith.constant 0.000000e+00 : f32
    %broadcast_in_dim3A_3513 = vector.broadcast %jit3A_3512 : f32 to vector<16xf32>
    %select_n3A_3514 = arith.select %eq3A_3511, %div3A_3445, %broadcast_in_dim3A_3513 : vector<16xi1>, vector<16xf32>
    %add3A_3515 = arith.addf %select_n3A_3508, %select_n3A_3514 : vector<16xf32>
    %swap3A_3516 = arith.constant 3 : i32
    %swap3A_3517 = arith.index_cast %swap3A_3516 : i32 to index
    %swap3A_3518 = arith.constant 192 : index
    %swap3A_3519 = tpu.vector_load %arg5[%swap3A_3517, %swap3A_3518] {strides = array<i32>} : memref<7x256xf32, #tpu.memory_space<vmem>>, vector<1x16xf32>,
    %swap3A_3520 = vector.shape_cast %swap3A_3519 : vector<1x16xf32> to vector<16xf32>
    %swap3A_3521 = vector.shape_cast %add3A_3515 : vector<16xf32> to vector<1x16xf32>
    tpu.vector_store %arg5[%swap3A_3517, %swap3A_3518], %swap3A_3521 {strides = array<i32>} : memref<7x256xf32, #tpu.memory_space<vmem>>, vector<1x16xf32>,
    %eq3A_3522 = arith.constant 4 : i32
    %eq3A_3523 = vector.broadcast %eq3A_3522 : i32 to vector<16xi32>
    %eq3A_3524 = arith.cmpi eq, %select_n3A_3369, %eq3A_3523 : vector<16xi32>
    %jit3A_3525 = arith.constant 0.000000e+00 : f32
    %broadcast_in_dim3A_3526 = vector.broadcast %jit3A_3525 : f32 to vector<16xf32>
    %select_n3A_3527 = arith.select %eq3A_3524, %div3A_3444, %broadcast_in_dim3A_3526 : vector<16xi1>, vector<16xf32>
    %eq3A_3528 = arith.constant 4 : i32
    %eq3A_3529 = vector.broadcast %eq3A_3528 : i32 to vector<16xi32>
    %eq3A_3530 = arith.cmpi eq, %select_n3A_3436, %eq3A_3529 : vector<16xi32>
    %jit3A_3531 = arith.constant 0.000000e+00 : f32
    %broadcast_in_dim3A_3532 = vector.broadcast %jit3A_3531 : f32 to vector<16xf32>
    %select_n3A_3533 = arith.select %eq3A_3530, %div3A_3445, %broadcast_in_dim3A_3532 : vector<16xi1>, vector<16xf32>
    %add3A_3534 = arith.addf %select_n3A_3527, %select_n3A_3533 : vector<16xf32>
    %swap3A_3535 = arith.constant 4 : i32
    %swap3A_3536 = arith.index_cast %swap3A_3535 : i32 to index
    %swap3A_3537 = arith.constant 192 : index
    %swap3A_3538 = tpu.vector_load %arg5[%swap3A_3536, %swap3A_3537] {strides = array<i32>} : memref<7x256xf32, #tpu.memory_space<vmem>>, vector<1x16xf32>,
    %swap3A_3539 = vector.shape_cast %swap3A_3538 : vector<1x16xf32> to vector<16xf32>
    %swap3A_3540 = vector.shape_cast %add3A_3534 : vector<16xf32> to vector<1x16xf32>
    tpu.vector_store %arg5[%swap3A_3536, %swap3A_3537], %swap3A_3540 {strides = array<i32>} : memref<7x256xf32, #tpu.memory_space<vmem>>, vector<1x16xf32>,
    %eq3A_3541 = arith.constant 5 : i32
    %eq3A_3542 = vector.broadcast %eq3A_3541 : i32 to vector<16xi32>
    %eq3A_3543 = arith.cmpi eq, %select_n3A_3369, %eq3A_3542 : vector<16xi32>
    %jit3A_3544 = arith.constant 0.000000e+00 : f32
    %broadcast_in_dim3A_3545 = vector.broadcast %jit3A_3544 : f32 to vector<16xf32>
    %select_n3A_3546 = arith.select %eq3A_3543, %div3A_3444, %broadcast_in_dim3A_3545 : vector<16xi1>, vector<16xf32>
    %eq3A_3547 = arith.constant 5 : i32
    %eq3A_3548 = vector.broadcast %eq3A_3547 : i32 to vector<16xi32>
    %eq3A_3549 = arith.cmpi eq, %select_n3A_3436, %eq3A_3548 : vector<16xi32>
    %jit3A_3550 = arith.constant 0.000000e+00 : f32
    %broadcast_in_dim3A_3551 = vector.broadcast %jit3A_3550 : f32 to vector<16xf32>
    %select_n3A_3552 = arith.select %eq3A_3549, %div3A_3445, %broadcast_in_dim3A_3551 : vector<16xi1>, vector<16xf32>
    %add3A_3553 = arith.addf %select_n3A_3546, %select_n3A_3552 : vector<16xf32>
    %swap3A_3554 = arith.constant 5 : i32
    %swap3A_3555 = arith.index_cast %swap3A_3554 : i32 to index
    %swap3A_3556 = arith.constant 192 : index
    %swap3A_3557 = tpu.vector_load %arg5[%swap3A_3555, %swap3A_3556] {strides = array<i32>} : memref<7x256xf32, #tpu.memory_space<vmem>>, vector<1x16xf32>,
    %swap3A_3558 = vector.shape_cast %swap3A_3557 : vector<1x16xf32> to vector<16xf32>
    %swap3A_3559 = vector.shape_cast %add3A_3553 : vector<16xf32> to vector<1x16xf32>
    tpu.vector_store %arg5[%swap3A_3555, %swap3A_3556], %swap3A_3559 {strides = array<i32>} : memref<7x256xf32, #tpu.memory_space<vmem>>, vector<1x16xf32>,
    %eq3A_3560 = arith.constant 6 : i32
    %eq3A_3561 = vector.broadcast %eq3A_3560 : i32 to vector<16xi32>
    %eq3A_3562 = arith.cmpi eq, %select_n3A_3369, %eq3A_3561 : vector<16xi32>
    %jit3A_3563 = arith.constant 0.000000e+00 : f32
    %broadcast_in_dim3A_3564 = vector.broadcast %jit3A_3563 : f32 to vector<16xf32>
    %select_n3A_3565 = arith.select %eq3A_3562, %div3A_3444, %broadcast_in_dim3A_3564 : vector<16xi1>, vector<16xf32>
    %eq3A_3566 = arith.constant 6 : i32
    %eq3A_3567 = vector.broadcast %eq3A_3566 : i32 to vector<16xi32>
    %eq3A_3568 = arith.cmpi eq, %select_n3A_3436, %eq3A_3567 : vector<16xi32>
    %jit3A_3569 = arith.constant 0.000000e+00 : f32
    %broadcast_in_dim3A_3570 = vector.broadcast %jit3A_3569 : f32 to vector<16xf32>
    %select_n3A_3571 = arith.select %eq3A_3568, %div3A_3445, %broadcast_in_dim3A_3570 : vector<16xi1>, vector<16xf32>
    %add3A_3572 = arith.addf %select_n3A_3565, %select_n3A_3571 : vector<16xf32>
    %swap3A_3573 = arith.constant 6 : i32
    %swap3A_3574 = arith.index_cast %swap3A_3573 : i32 to index
    %swap3A_3575 = arith.constant 192 : index
    %swap3A_3576 = tpu.vector_load %arg5[%swap3A_3574, %swap3A_3575] {strides = array<i32>} : memref<7x256xf32, #tpu.memory_space<vmem>>, vector<1x16xf32>,
    %swap3A_3577 = vector.shape_cast %swap3A_3576 : vector<1x16xf32> to vector<16xf32>
    %swap3A_3578 = vector.shape_cast %add3A_3572 : vector<16xf32> to vector<1x16xf32>
    tpu.vector_store %arg5[%swap3A_3574, %swap3A_3575], %swap3A_3578 {strides = array<i32>} : memref<7x256xf32, #tpu.memory_space<vmem>>, vector<1x16xf32>,
    %get3A_3579 = arith.constant 0 : i32
    %get3A_3580 = arith.index_cast %get3A_3579 : i32 to index
    %get3A_3581 = arith.constant 208 : index
    %get3A_3582 = tpu.vector_load %arg4[%get3A_3580, %get3A_3581] {strides = array<i32>} : memref<7x256xf32, #tpu.memory_space<vmem>>, vector<1x16xf32>,
    %get3A_3583 = vector.shape_cast %get3A_3582 : vector<1x16xf32> to vector<16xf32>
    %get3A_3584 = arith.constant 1 : i32
    %get3A_3585 = arith.index_cast %get3A_3584 : i32 to index
    %get3A_3586 = arith.constant 208 : index
    %get3A_3587 = tpu.vector_load %arg4[%get3A_3585, %get3A_3586] {strides = array<i32>} : memref<7x256xf32, #tpu.memory_space<vmem>>, vector<1x16xf32>,
    %get3A_3588 = vector.shape_cast %get3A_3587 : vector<1x16xf32> to vector<16xf32>
    %get3A_3589 = arith.constant 2 : i32
    %get3A_3590 = arith.index_cast %get3A_3589 : i32 to index
    %get3A_3591 = arith.constant 208 : index
    %get3A_3592 = tpu.vector_load %arg4[%get3A_3590, %get3A_3591] {strides = array<i32>} : memref<7x256xf32, #tpu.memory_space<vmem>>, vector<1x16xf32>,
    %get3A_3593 = vector.shape_cast %get3A_3592 : vector<1x16xf32> to vector<16xf32>
    %get3A_3594 = arith.constant 3 : i32
    %get3A_3595 = arith.index_cast %get3A_3594 : i32 to index
    %get3A_3596 = arith.constant 208 : index
    %get3A_3597 = tpu.vector_load %arg4[%get3A_3595, %get3A_3596] {strides = array<i32>} : memref<7x256xf32, #tpu.memory_space<vmem>>, vector<1x16xf32>,
    %get3A_3598 = vector.shape_cast %get3A_3597 : vector<1x16xf32> to vector<16xf32>
    %get3A_3599 = arith.constant 4 : i32
    %get3A_3600 = arith.index_cast %get3A_3599 : i32 to index
    %get3A_3601 = arith.constant 208 : index
    %get3A_3602 = tpu.vector_load %arg4[%get3A_3600, %get3A_3601] {strides = array<i32>} : memref<7x256xf32, #tpu.memory_space<vmem>>, vector<1x16xf32>,
    %get3A_3603 = vector.shape_cast %get3A_3602 : vector<1x16xf32> to vector<16xf32>
    %get3A_3604 = arith.constant 5 : i32
    %get3A_3605 = arith.index_cast %get3A_3604 : i32 to index
    %get3A_3606 = arith.constant 208 : index
    %get3A_3607 = tpu.vector_load %arg4[%get3A_3605, %get3A_3606] {strides = array<i32>} : memref<7x256xf32, #tpu.memory_space<vmem>>, vector<1x16xf32>,
    %get3A_3608 = vector.shape_cast %get3A_3607 : vector<1x16xf32> to vector<16xf32>
    %get3A_3609 = arith.constant 6 : i32
    %get3A_3610 = arith.index_cast %get3A_3609 : i32 to index
    %get3A_3611 = arith.constant 208 : index
    %get3A_3612 = tpu.vector_load %arg4[%get3A_3610, %get3A_3611] {strides = array<i32>} : memref<7x256xf32, #tpu.memory_space<vmem>>, vector<1x16xf32>,
    %get3A_3613 = vector.shape_cast %get3A_3612 : vector<1x16xf32> to vector<16xf32>
    %broadcast_in_dim3A_3614 = arith.constant 0 : i32
    %broadcast_in_dim3A_3615 = vector.broadcast %broadcast_in_dim3A_3614 : i32 to vector<16xi32>
    %gt3A_3616 = arith.cmpf ogt, %get3A_3588, %get3A_3583 : vector<16xf32>
    %select_n3A_3617 = arith.select %gt3A_3616, %get3A_3588, %get3A_3583 : vector<16xi1>, vector<16xf32>
    %jit3A_3618 = arith.constant 1 : i32
    %broadcast_in_dim3A_3619 = vector.broadcast %jit3A_3618 : i32 to vector<16xi32>
    %select_n3A_3620 = arith.select %gt3A_3616, %broadcast_in_dim3A_3619, %broadcast_in_dim3A_3615 : vector<16xi1>, vector<16xi32>
    %gt3A_3621 = arith.cmpf ogt, %get3A_3593, %select_n3A_3617 : vector<16xf32>
    %select_n3A_3622 = arith.select %gt3A_3621, %get3A_3593, %select_n3A_3617 : vector<16xi1>, vector<16xf32>
    %jit3A_3623 = arith.constant 2 : i32
    %broadcast_in_dim3A_3624 = vector.broadcast %jit3A_3623 : i32 to vector<16xi32>
    %select_n3A_3625 = arith.select %gt3A_3621, %broadcast_in_dim3A_3624, %select_n3A_3620 : vector<16xi1>, vector<16xi32>
    %gt3A_3626 = arith.cmpf ogt, %get3A_3598, %select_n3A_3622 : vector<16xf32>
    %select_n3A_3627 = arith.select %gt3A_3626, %get3A_3598, %select_n3A_3622 : vector<16xi1>, vector<16xf32>
    %jit3A_3628 = arith.constant 3 : i32
    %broadcast_in_dim3A_3629 = vector.broadcast %jit3A_3628 : i32 to vector<16xi32>
    %select_n3A_3630 = arith.select %gt3A_3626, %broadcast_in_dim3A_3629, %select_n3A_3625 : vector<16xi1>, vector<16xi32>
    %gt3A_3631 = arith.cmpf ogt, %get3A_3603, %select_n3A_3627 : vector<16xf32>
    %select_n3A_3632 = arith.select %gt3A_3631, %get3A_3603, %select_n3A_3627 : vector<16xi1>, vector<16xf32>
    %jit3A_3633 = arith.constant 4 : i32
    %broadcast_in_dim3A_3634 = vector.broadcast %jit3A_3633 : i32 to vector<16xi32>
    %select_n3A_3635 = arith.select %gt3A_3631, %broadcast_in_dim3A_3634, %select_n3A_3630 : vector<16xi1>, vector<16xi32>
    %gt3A_3636 = arith.cmpf ogt, %get3A_3608, %select_n3A_3632 : vector<16xf32>
    %select_n3A_3637 = arith.select %gt3A_3636, %get3A_3608, %select_n3A_3632 : vector<16xi1>, vector<16xf32>
    %jit3A_3638 = arith.constant 5 : i32
    %broadcast_in_dim3A_3639 = vector.broadcast %jit3A_3638 : i32 to vector<16xi32>
    %select_n3A_3640 = arith.select %gt3A_3636, %broadcast_in_dim3A_3639, %select_n3A_3635 : vector<16xi1>, vector<16xi32>
    %gt3A_3641 = arith.cmpf ogt, %get3A_3613, %select_n3A_3637 : vector<16xf32>
    %select_n3A_3642 = arith.select %gt3A_3641, %get3A_3613, %select_n3A_3637 : vector<16xi1>, vector<16xf32>
    %jit3A_3643 = arith.constant 6 : i32
    %broadcast_in_dim3A_3644 = vector.broadcast %jit3A_3643 : i32 to vector<16xi32>
    %select_n3A_3645 = arith.select %gt3A_3641, %broadcast_in_dim3A_3644, %select_n3A_3640 : vector<16xi1>, vector<16xi32>
    %broadcast_in_dim3A_3646 = arith.constant -1.000000e+30 : f32
    %broadcast_in_dim3A_3647 = vector.broadcast %broadcast_in_dim3A_3646 : f32 to vector<16xf32>
    %broadcast_in_dim3A_3648 = arith.constant 7 : i32
    %broadcast_in_dim3A_3649 = vector.broadcast %broadcast_in_dim3A_3648 : i32 to vector<16xi32>
    %ne3A_3650 = arith.constant 0 : i32
    %ne3A_3651 = vector.broadcast %ne3A_3650 : i32 to vector<16xi32>
    %ne3A_3652 = arith.cmpi ne, %select_n3A_3645, %ne3A_3651 : vector<16xi32>
    %gt3A_3653 = arith.cmpf ogt, %get3A_3583, %broadcast_in_dim3A_3647 : vector<16xf32>
    %and3A_3654 = arith.andi %ne3A_3652, %gt3A_3653 : vector<16xi1>
    %select_n3A_3655 = arith.select %and3A_3654, %get3A_3583, %broadcast_in_dim3A_3647 : vector<16xi1>, vector<16xf32>
    %jit3A_3656 = arith.constant 0 : i32
    %broadcast_in_dim3A_3657 = vector.broadcast %jit3A_3656 : i32 to vector<16xi32>
    %select_n3A_3658 = arith.select %and3A_3654, %broadcast_in_dim3A_3657, %broadcast_in_dim3A_3649 : vector<16xi1>, vector<16xi32>
    %ne3A_3659 = arith.constant 1 : i32
    %ne3A_3660 = vector.broadcast %ne3A_3659 : i32 to vector<16xi32>
    %ne3A_3661 = arith.cmpi ne, %select_n3A_3645, %ne3A_3660 : vector<16xi32>
    %gt3A_3662 = arith.cmpf ogt, %get3A_3588, %select_n3A_3655 : vector<16xf32>
    %and3A_3663 = arith.andi %ne3A_3661, %gt3A_3662 : vector<16xi1>
    %select_n3A_3664 = arith.select %and3A_3663, %get3A_3588, %select_n3A_3655 : vector<16xi1>, vector<16xf32>
    %jit3A_3665 = arith.constant 1 : i32
    %broadcast_in_dim3A_3666 = vector.broadcast %jit3A_3665 : i32 to vector<16xi32>
    %select_n3A_3667 = arith.select %and3A_3663, %broadcast_in_dim3A_3666, %select_n3A_3658 : vector<16xi1>, vector<16xi32>
    %ne3A_3668 = arith.constant 2 : i32
    %ne3A_3669 = vector.broadcast %ne3A_3668 : i32 to vector<16xi32>
    %ne3A_3670 = arith.cmpi ne, %select_n3A_3645, %ne3A_3669 : vector<16xi32>
    %gt3A_3671 = arith.cmpf ogt, %get3A_3593, %select_n3A_3664 : vector<16xf32>
    %and3A_3672 = arith.andi %ne3A_3670, %gt3A_3671 : vector<16xi1>
    %select_n3A_3673 = arith.select %and3A_3672, %get3A_3593, %select_n3A_3664 : vector<16xi1>, vector<16xf32>
    %jit3A_3674 = arith.constant 2 : i32
    %broadcast_in_dim3A_3675 = vector.broadcast %jit3A_3674 : i32 to vector<16xi32>
    %select_n3A_3676 = arith.select %and3A_3672, %broadcast_in_dim3A_3675, %select_n3A_3667 : vector<16xi1>, vector<16xi32>
    %ne3A_3677 = arith.constant 3 : i32
    %ne3A_3678 = vector.broadcast %ne3A_3677 : i32 to vector<16xi32>
    %ne3A_3679 = arith.cmpi ne, %select_n3A_3645, %ne3A_3678 : vector<16xi32>
    %gt3A_3680 = arith.cmpf ogt, %get3A_3598, %select_n3A_3673 : vector<16xf32>
    %and3A_3681 = arith.andi %ne3A_3679, %gt3A_3680 : vector<16xi1>
    %select_n3A_3682 = arith.select %and3A_3681, %get3A_3598, %select_n3A_3673 : vector<16xi1>, vector<16xf32>
    %jit3A_3683 = arith.constant 3 : i32
    %broadcast_in_dim3A_3684 = vector.broadcast %jit3A_3683 : i32 to vector<16xi32>
    %select_n3A_3685 = arith.select %and3A_3681, %broadcast_in_dim3A_3684, %select_n3A_3676 : vector<16xi1>, vector<16xi32>
    %ne3A_3686 = arith.constant 4 : i32
    %ne3A_3687 = vector.broadcast %ne3A_3686 : i32 to vector<16xi32>
    %ne3A_3688 = arith.cmpi ne, %select_n3A_3645, %ne3A_3687 : vector<16xi32>
    %gt3A_3689 = arith.cmpf ogt, %get3A_3603, %select_n3A_3682 : vector<16xf32>
    %and3A_3690 = arith.andi %ne3A_3688, %gt3A_3689 : vector<16xi1>
    %select_n3A_3691 = arith.select %and3A_3690, %get3A_3603, %select_n3A_3682 : vector<16xi1>, vector<16xf32>
    %jit3A_3692 = arith.constant 4 : i32
    %broadcast_in_dim3A_3693 = vector.broadcast %jit3A_3692 : i32 to vector<16xi32>
    %select_n3A_3694 = arith.select %and3A_3690, %broadcast_in_dim3A_3693, %select_n3A_3685 : vector<16xi1>, vector<16xi32>
    %ne3A_3695 = arith.constant 5 : i32
    %ne3A_3696 = vector.broadcast %ne3A_3695 : i32 to vector<16xi32>
    %ne3A_3697 = arith.cmpi ne, %select_n3A_3645, %ne3A_3696 : vector<16xi32>
    %gt3A_3698 = arith.cmpf ogt, %get3A_3608, %select_n3A_3691 : vector<16xf32>
    %and3A_3699 = arith.andi %ne3A_3697, %gt3A_3698 : vector<16xi1>
    %select_n3A_3700 = arith.select %and3A_3699, %get3A_3608, %select_n3A_3691 : vector<16xi1>, vector<16xf32>
    %jit3A_3701 = arith.constant 5 : i32
    %broadcast_in_dim3A_3702 = vector.broadcast %jit3A_3701 : i32 to vector<16xi32>
    %select_n3A_3703 = arith.select %and3A_3699, %broadcast_in_dim3A_3702, %select_n3A_3694 : vector<16xi1>, vector<16xi32>
    %ne3A_3704 = arith.constant 6 : i32
    %ne3A_3705 = vector.broadcast %ne3A_3704 : i32 to vector<16xi32>
    %ne3A_3706 = arith.cmpi ne, %select_n3A_3645, %ne3A_3705 : vector<16xi32>
    %gt3A_3707 = arith.cmpf ogt, %get3A_3613, %select_n3A_3700 : vector<16xf32>
    %and3A_3708 = arith.andi %ne3A_3706, %gt3A_3707 : vector<16xi1>
    %select_n3A_3709 = arith.select %and3A_3708, %get3A_3613, %select_n3A_3700 : vector<16xi1>, vector<16xf32>
    %jit3A_3710 = arith.constant 6 : i32
    %broadcast_in_dim3A_3711 = vector.broadcast %jit3A_3710 : i32 to vector<16xi32>
    %select_n3A_3712 = arith.select %and3A_3708, %broadcast_in_dim3A_3711, %select_n3A_3703 : vector<16xi1>, vector<16xi32>
    %sub3A_3713 = arith.subf %select_n3A_3709, %select_n3A_3642 : vector<16xf32>
    %exp3A_3714 = math.exp %sub3A_3713 : vector<16xf32>
    %add3A_3715 = arith.constant 1.000000e+00 : f32
    %add3A_3716 = vector.broadcast %add3A_3715 : f32 to vector<16xf32>
    %add3A_3717 = arith.addf %add3A_3716, %exp3A_3714 : vector<16xf32>
    %div3A_3718 = arith.constant 1.000000e+00 : f32
    %div3A_3719 = vector.broadcast %div3A_3718 : f32 to vector<16xf32>
    %div3A_3720 = arith.divf %div3A_3719, %add3A_3717 : vector<16xf32>
    %div3A_3721 = arith.divf %exp3A_3714, %add3A_3717 : vector<16xf32>
    %eq3A_3722 = arith.constant 0 : i32
    %eq3A_3723 = vector.broadcast %eq3A_3722 : i32 to vector<16xi32>
    %eq3A_3724 = arith.cmpi eq, %select_n3A_3645, %eq3A_3723 : vector<16xi32>
    %jit3A_3725 = arith.constant 0.000000e+00 : f32
    %broadcast_in_dim3A_3726 = vector.broadcast %jit3A_3725 : f32 to vector<16xf32>
    %select_n3A_3727 = arith.select %eq3A_3724, %div3A_3720, %broadcast_in_dim3A_3726 : vector<16xi1>, vector<16xf32>
    %eq3A_3728 = arith.constant 0 : i32
    %eq3A_3729 = vector.broadcast %eq3A_3728 : i32 to vector<16xi32>
    %eq3A_3730 = arith.cmpi eq, %select_n3A_3712, %eq3A_3729 : vector<16xi32>
    %jit3A_3731 = arith.constant 0.000000e+00 : f32
    %broadcast_in_dim3A_3732 = vector.broadcast %jit3A_3731 : f32 to vector<16xf32>
    %select_n3A_3733 = arith.select %eq3A_3730, %div3A_3721, %broadcast_in_dim3A_3732 : vector<16xi1>, vector<16xf32>
    %add3A_3734 = arith.addf %select_n3A_3727, %select_n3A_3733 : vector<16xf32>
    %swap3A_3735 = arith.constant 0 : i32
    %swap3A_3736 = arith.index_cast %swap3A_3735 : i32 to index
    %swap3A_3737 = arith.constant 208 : index
    %swap3A_3738 = tpu.vector_load %arg5[%swap3A_3736, %swap3A_3737] {strides = array<i32>} : memref<7x256xf32, #tpu.memory_space<vmem>>, vector<1x16xf32>,
    %swap3A_3739 = vector.shape_cast %swap3A_3738 : vector<1x16xf32> to vector<16xf32>
    %swap3A_3740 = vector.shape_cast %add3A_3734 : vector<16xf32> to vector<1x16xf32>
    tpu.vector_store %arg5[%swap3A_3736, %swap3A_3737], %swap3A_3740 {strides = array<i32>} : memref<7x256xf32, #tpu.memory_space<vmem>>, vector<1x16xf32>,
    %eq3A_3741 = arith.constant 1 : i32
    %eq3A_3742 = vector.broadcast %eq3A_3741 : i32 to vector<16xi32>
    %eq3A_3743 = arith.cmpi eq, %select_n3A_3645, %eq3A_3742 : vector<16xi32>
    %jit3A_3744 = arith.constant 0.000000e+00 : f32
    %broadcast_in_dim3A_3745 = vector.broadcast %jit3A_3744 : f32 to vector<16xf32>
    %select_n3A_3746 = arith.select %eq3A_3743, %div3A_3720, %broadcast_in_dim3A_3745 : vector<16xi1>, vector<16xf32>
    %eq3A_3747 = arith.constant 1 : i32
    %eq3A_3748 = vector.broadcast %eq3A_3747 : i32 to vector<16xi32>
    %eq3A_3749 = arith.cmpi eq, %select_n3A_3712, %eq3A_3748 : vector<16xi32>
    %jit3A_3750 = arith.constant 0.000000e+00 : f32
    %broadcast_in_dim3A_3751 = vector.broadcast %jit3A_3750 : f32 to vector<16xf32>
    %select_n3A_3752 = arith.select %eq3A_3749, %div3A_3721, %broadcast_in_dim3A_3751 : vector<16xi1>, vector<16xf32>
    %add3A_3753 = arith.addf %select_n3A_3746, %select_n3A_3752 : vector<16xf32>
    %swap3A_3754 = arith.constant 1 : i32
    %swap3A_3755 = arith.index_cast %swap3A_3754 : i32 to index
    %swap3A_3756 = arith.constant 208 : index
    %swap3A_3757 = tpu.vector_load %arg5[%swap3A_3755, %swap3A_3756] {strides = array<i32>} : memref<7x256xf32, #tpu.memory_space<vmem>>, vector<1x16xf32>,
    %swap3A_3758 = vector.shape_cast %swap3A_3757 : vector<1x16xf32> to vector<16xf32>
    %swap3A_3759 = vector.shape_cast %add3A_3753 : vector<16xf32> to vector<1x16xf32>
    tpu.vector_store %arg5[%swap3A_3755, %swap3A_3756], %swap3A_3759 {strides = array<i32>} : memref<7x256xf32, #tpu.memory_space<vmem>>, vector<1x16xf32>,
    %eq3A_3760 = arith.constant 2 : i32
    %eq3A_3761 = vector.broadcast %eq3A_3760 : i32 to vector<16xi32>
    %eq3A_3762 = arith.cmpi eq, %select_n3A_3645, %eq3A_3761 : vector<16xi32>
    %jit3A_3763 = arith.constant 0.000000e+00 : f32
    %broadcast_in_dim3A_3764 = vector.broadcast %jit3A_3763 : f32 to vector<16xf32>
    %select_n3A_3765 = arith.select %eq3A_3762, %div3A_3720, %broadcast_in_dim3A_3764 : vector<16xi1>, vector<16xf32>
    %eq3A_3766 = arith.constant 2 : i32
    %eq3A_3767 = vector.broadcast %eq3A_3766 : i32 to vector<16xi32>
    %eq3A_3768 = arith.cmpi eq, %select_n3A_3712, %eq3A_3767 : vector<16xi32>
    %jit3A_3769 = arith.constant 0.000000e+00 : f32
    %broadcast_in_dim3A_3770 = vector.broadcast %jit3A_3769 : f32 to vector<16xf32>
    %select_n3A_3771 = arith.select %eq3A_3768, %div3A_3721, %broadcast_in_dim3A_3770 : vector<16xi1>, vector<16xf32>
    %add3A_3772 = arith.addf %select_n3A_3765, %select_n3A_3771 : vector<16xf32>
    %swap3A_3773 = arith.constant 2 : i32
    %swap3A_3774 = arith.index_cast %swap3A_3773 : i32 to index
    %swap3A_3775 = arith.constant 208 : index
    %swap3A_3776 = tpu.vector_load %arg5[%swap3A_3774, %swap3A_3775] {strides = array<i32>} : memref<7x256xf32, #tpu.memory_space<vmem>>, vector<1x16xf32>,
    %swap3A_3777 = vector.shape_cast %swap3A_3776 : vector<1x16xf32> to vector<16xf32>
    %swap3A_3778 = vector.shape_cast %add3A_3772 : vector<16xf32> to vector<1x16xf32>
    tpu.vector_store %arg5[%swap3A_3774, %swap3A_3775], %swap3A_3778 {strides = array<i32>} : memref<7x256xf32, #tpu.memory_space<vmem>>, vector<1x16xf32>,
    %eq3A_3779 = arith.constant 3 : i32
    %eq3A_3780 = vector.broadcast %eq3A_3779 : i32 to vector<16xi32>
    %eq3A_3781 = arith.cmpi eq, %select_n3A_3645, %eq3A_3780 : vector<16xi32>
    %jit3A_3782 = arith.constant 0.000000e+00 : f32
    %broadcast_in_dim3A_3783 = vector.broadcast %jit3A_3782 : f32 to vector<16xf32>
    %select_n3A_3784 = arith.select %eq3A_3781, %div3A_3720, %broadcast_in_dim3A_3783 : vector<16xi1>, vector<16xf32>
    %eq3A_3785 = arith.constant 3 : i32
    %eq3A_3786 = vector.broadcast %eq3A_3785 : i32 to vector<16xi32>
    %eq3A_3787 = arith.cmpi eq, %select_n3A_3712, %eq3A_3786 : vector<16xi32>
    %jit3A_3788 = arith.constant 0.000000e+00 : f32
    %broadcast_in_dim3A_3789 = vector.broadcast %jit3A_3788 : f32 to vector<16xf32>
    %select_n3A_3790 = arith.select %eq3A_3787, %div3A_3721, %broadcast_in_dim3A_3789 : vector<16xi1>, vector<16xf32>
    %add3A_3791 = arith.addf %select_n3A_3784, %select_n3A_3790 : vector<16xf32>
    %swap3A_3792 = arith.constant 3 : i32
    %swap3A_3793 = arith.index_cast %swap3A_3792 : i32 to index
    %swap3A_3794 = arith.constant 208 : index
    %swap3A_3795 = tpu.vector_load %arg5[%swap3A_3793, %swap3A_3794] {strides = array<i32>} : memref<7x256xf32, #tpu.memory_space<vmem>>, vector<1x16xf32>,
    %swap3A_3796 = vector.shape_cast %swap3A_3795 : vector<1x16xf32> to vector<16xf32>
    %swap3A_3797 = vector.shape_cast %add3A_3791 : vector<16xf32> to vector<1x16xf32>
    tpu.vector_store %arg5[%swap3A_3793, %swap3A_3794], %swap3A_3797 {strides = array<i32>} : memref<7x256xf32, #tpu.memory_space<vmem>>, vector<1x16xf32>,
    %eq3A_3798 = arith.constant 4 : i32
    %eq3A_3799 = vector.broadcast %eq3A_3798 : i32 to vector<16xi32>
    %eq3A_3800 = arith.cmpi eq, %select_n3A_3645, %eq3A_3799 : vector<16xi32>
    %jit3A_3801 = arith.constant 0.000000e+00 : f32
    %broadcast_in_dim3A_3802 = vector.broadcast %jit3A_3801 : f32 to vector<16xf32>
    %select_n3A_3803 = arith.select %eq3A_3800, %div3A_3720, %broadcast_in_dim3A_3802 : vector<16xi1>, vector<16xf32>
    %eq3A_3804 = arith.constant 4 : i32
    %eq3A_3805 = vector.broadcast %eq3A_3804 : i32 to vector<16xi32>
    %eq3A_3806 = arith.cmpi eq, %select_n3A_3712, %eq3A_3805 : vector<16xi32>
    %jit3A_3807 = arith.constant 0.000000e+00 : f32
    %broadcast_in_dim3A_3808 = vector.broadcast %jit3A_3807 : f32 to vector<16xf32>
    %select_n3A_3809 = arith.select %eq3A_3806, %div3A_3721, %broadcast_in_dim3A_3808 : vector<16xi1>, vector<16xf32>
    %add3A_3810 = arith.addf %select_n3A_3803, %select_n3A_3809 : vector<16xf32>
    %swap3A_3811 = arith.constant 4 : i32
    %swap3A_3812 = arith.index_cast %swap3A_3811 : i32 to index
    %swap3A_3813 = arith.constant 208 : index
    %swap3A_3814 = tpu.vector_load %arg5[%swap3A_3812, %swap3A_3813] {strides = array<i32>} : memref<7x256xf32, #tpu.memory_space<vmem>>, vector<1x16xf32>,
    %swap3A_3815 = vector.shape_cast %swap3A_3814 : vector<1x16xf32> to vector<16xf32>
    %swap3A_3816 = vector.shape_cast %add3A_3810 : vector<16xf32> to vector<1x16xf32>
    tpu.vector_store %arg5[%swap3A_3812, %swap3A_3813], %swap3A_3816 {strides = array<i32>} : memref<7x256xf32, #tpu.memory_space<vmem>>, vector<1x16xf32>,
    %eq3A_3817 = arith.constant 5 : i32
    %eq3A_3818 = vector.broadcast %eq3A_3817 : i32 to vector<16xi32>
    %eq3A_3819 = arith.cmpi eq, %select_n3A_3645, %eq3A_3818 : vector<16xi32>
    %jit3A_3820 = arith.constant 0.000000e+00 : f32
    %broadcast_in_dim3A_3821 = vector.broadcast %jit3A_3820 : f32 to vector<16xf32>
    %select_n3A_3822 = arith.select %eq3A_3819, %div3A_3720, %broadcast_in_dim3A_3821 : vector<16xi1>, vector<16xf32>
    %eq3A_3823 = arith.constant 5 : i32
    %eq3A_3824 = vector.broadcast %eq3A_3823 : i32 to vector<16xi32>
    %eq3A_3825 = arith.cmpi eq, %select_n3A_3712, %eq3A_3824 : vector<16xi32>
    %jit3A_3826 = arith.constant 0.000000e+00 : f32
    %broadcast_in_dim3A_3827 = vector.broadcast %jit3A_3826 : f32 to vector<16xf32>
    %select_n3A_3828 = arith.select %eq3A_3825, %div3A_3721, %broadcast_in_dim3A_3827 : vector<16xi1>, vector<16xf32>
    %add3A_3829 = arith.addf %select_n3A_3822, %select_n3A_3828 : vector<16xf32>
    %swap3A_3830 = arith.constant 5 : i32
    %swap3A_3831 = arith.index_cast %swap3A_3830 : i32 to index
    %swap3A_3832 = arith.constant 208 : index
    %swap3A_3833 = tpu.vector_load %arg5[%swap3A_3831, %swap3A_3832] {strides = array<i32>} : memref<7x256xf32, #tpu.memory_space<vmem>>, vector<1x16xf32>,
    %swap3A_3834 = vector.shape_cast %swap3A_3833 : vector<1x16xf32> to vector<16xf32>
    %swap3A_3835 = vector.shape_cast %add3A_3829 : vector<16xf32> to vector<1x16xf32>
    tpu.vector_store %arg5[%swap3A_3831, %swap3A_3832], %swap3A_3835 {strides = array<i32>} : memref<7x256xf32, #tpu.memory_space<vmem>>, vector<1x16xf32>,
    %eq3A_3836 = arith.constant 6 : i32
    %eq3A_3837 = vector.broadcast %eq3A_3836 : i32 to vector<16xi32>
    %eq3A_3838 = arith.cmpi eq, %select_n3A_3645, %eq3A_3837 : vector<16xi32>
    %jit3A_3839 = arith.constant 0.000000e+00 : f32
    %broadcast_in_dim3A_3840 = vector.broadcast %jit3A_3839 : f32 to vector<16xf32>
    %select_n3A_3841 = arith.select %eq3A_3838, %div3A_3720, %broadcast_in_dim3A_3840 : vector<16xi1>, vector<16xf32>
    %eq3A_3842 = arith.constant 6 : i32
    %eq3A_3843 = vector.broadcast %eq3A_3842 : i32 to vector<16xi32>
    %eq3A_3844 = arith.cmpi eq, %select_n3A_3712, %eq3A_3843 : vector<16xi32>
    %jit3A_3845 = arith.constant 0.000000e+00 : f32
    %broadcast_in_dim3A_3846 = vector.broadcast %jit3A_3845 : f32 to vector<16xf32>
    %select_n3A_3847 = arith.select %eq3A_3844, %div3A_3721, %broadcast_in_dim3A_3846 : vector<16xi1>, vector<16xf32>
    %add3A_3848 = arith.addf %select_n3A_3841, %select_n3A_3847 : vector<16xf32>
    %swap3A_3849 = arith.constant 6 : i32
    %swap3A_3850 = arith.index_cast %swap3A_3849 : i32 to index
    %swap3A_3851 = arith.constant 208 : index
    %swap3A_3852 = tpu.vector_load %arg5[%swap3A_3850, %swap3A_3851] {strides = array<i32>} : memref<7x256xf32, #tpu.memory_space<vmem>>, vector<1x16xf32>,
    %swap3A_3853 = vector.shape_cast %swap3A_3852 : vector<1x16xf32> to vector<16xf32>
    %swap3A_3854 = vector.shape_cast %add3A_3848 : vector<16xf32> to vector<1x16xf32>
    tpu.vector_store %arg5[%swap3A_3850, %swap3A_3851], %swap3A_3854 {strides = array<i32>} : memref<7x256xf32, #tpu.memory_space<vmem>>, vector<1x16xf32>,
    %get3A_3855 = arith.constant 0 : i32
    %get3A_3856 = arith.index_cast %get3A_3855 : i32 to index
    %get3A_3857 = arith.constant 224 : index
    %get3A_3858 = tpu.vector_load %arg4[%get3A_3856, %get3A_3857] {strides = array<i32>} : memref<7x256xf32, #tpu.memory_space<vmem>>, vector<1x16xf32>,
    %get3A_3859 = vector.shape_cast %get3A_3858 : vector<1x16xf32> to vector<16xf32>
    %get3A_3860 = arith.constant 1 : i32
    %get3A_3861 = arith.index_cast %get3A_3860 : i32 to index
    %get3A_3862 = arith.constant 224 : index
    %get3A_3863 = tpu.vector_load %arg4[%get3A_3861, %get3A_3862] {strides = array<i32>} : memref<7x256xf32, #tpu.memory_space<vmem>>, vector<1x16xf32>,
    %get3A_3864 = vector.shape_cast %get3A_3863 : vector<1x16xf32> to vector<16xf32>
    %get3A_3865 = arith.constant 2 : i32
    %get3A_3866 = arith.index_cast %get3A_3865 : i32 to index
    %get3A_3867 = arith.constant 224 : index
    %get3A_3868 = tpu.vector_load %arg4[%get3A_3866, %get3A_3867] {strides = array<i32>} : memref<7x256xf32, #tpu.memory_space<vmem>>, vector<1x16xf32>,
    %get3A_3869 = vector.shape_cast %get3A_3868 : vector<1x16xf32> to vector<16xf32>
    %get3A_3870 = arith.constant 3 : i32
    %get3A_3871 = arith.index_cast %get3A_3870 : i32 to index
    %get3A_3872 = arith.constant 224 : index
    %get3A_3873 = tpu.vector_load %arg4[%get3A_3871, %get3A_3872] {strides = array<i32>} : memref<7x256xf32, #tpu.memory_space<vmem>>, vector<1x16xf32>,
    %get3A_3874 = vector.shape_cast %get3A_3873 : vector<1x16xf32> to vector<16xf32>
    %get3A_3875 = arith.constant 4 : i32
    %get3A_3876 = arith.index_cast %get3A_3875 : i32 to index
    %get3A_3877 = arith.constant 224 : index
    %get3A_3878 = tpu.vector_load %arg4[%get3A_3876, %get3A_3877] {strides = array<i32>} : memref<7x256xf32, #tpu.memory_space<vmem>>, vector<1x16xf32>,
    %get3A_3879 = vector.shape_cast %get3A_3878 : vector<1x16xf32> to vector<16xf32>
    %get3A_3880 = arith.constant 5 : i32
    %get3A_3881 = arith.index_cast %get3A_3880 : i32 to index
    %get3A_3882 = arith.constant 224 : index
    %get3A_3883 = tpu.vector_load %arg4[%get3A_3881, %get3A_3882] {strides = array<i32>} : memref<7x256xf32, #tpu.memory_space<vmem>>, vector<1x16xf32>,
    %get3A_3884 = vector.shape_cast %get3A_3883 : vector<1x16xf32> to vector<16xf32>
    %get3A_3885 = arith.constant 6 : i32
    %get3A_3886 = arith.index_cast %get3A_3885 : i32 to index
    %get3A_3887 = arith.constant 224 : index
    %get3A_3888 = tpu.vector_load %arg4[%get3A_3886, %get3A_3887] {strides = array<i32>} : memref<7x256xf32, #tpu.memory_space<vmem>>, vector<1x16xf32>,
    %get3A_3889 = vector.shape_cast %get3A_3888 : vector<1x16xf32> to vector<16xf32>
    %broadcast_in_dim3A_3890 = arith.constant 0 : i32
    %broadcast_in_dim3A_3891 = vector.broadcast %broadcast_in_dim3A_3890 : i32 to vector<16xi32>
    %gt3A_3892 = arith.cmpf ogt, %get3A_3864, %get3A_3859 : vector<16xf32>
    %select_n3A_3893 = arith.select %gt3A_3892, %get3A_3864, %get3A_3859 : vector<16xi1>, vector<16xf32>
    %jit3A_3894 = arith.constant 1 : i32
    %broadcast_in_dim3A_3895 = vector.broadcast %jit3A_3894 : i32 to vector<16xi32>
    %select_n3A_3896 = arith.select %gt3A_3892, %broadcast_in_dim3A_3895, %broadcast_in_dim3A_3891 : vector<16xi1>, vector<16xi32>
    %gt3A_3897 = arith.cmpf ogt, %get3A_3869, %select_n3A_3893 : vector<16xf32>
    %select_n3A_3898 = arith.select %gt3A_3897, %get3A_3869, %select_n3A_3893 : vector<16xi1>, vector<16xf32>
    %jit3A_3899 = arith.constant 2 : i32
    %broadcast_in_dim3A_3900 = vector.broadcast %jit3A_3899 : i32 to vector<16xi32>
    %select_n3A_3901 = arith.select %gt3A_3897, %broadcast_in_dim3A_3900, %select_n3A_3896 : vector<16xi1>, vector<16xi32>
    %gt3A_3902 = arith.cmpf ogt, %get3A_3874, %select_n3A_3898 : vector<16xf32>
    %select_n3A_3903 = arith.select %gt3A_3902, %get3A_3874, %select_n3A_3898 : vector<16xi1>, vector<16xf32>
    %jit3A_3904 = arith.constant 3 : i32
    %broadcast_in_dim3A_3905 = vector.broadcast %jit3A_3904 : i32 to vector<16xi32>
    %select_n3A_3906 = arith.select %gt3A_3902, %broadcast_in_dim3A_3905, %select_n3A_3901 : vector<16xi1>, vector<16xi32>
    %gt3A_3907 = arith.cmpf ogt, %get3A_3879, %select_n3A_3903 : vector<16xf32>
    %select_n3A_3908 = arith.select %gt3A_3907, %get3A_3879, %select_n3A_3903 : vector<16xi1>, vector<16xf32>
    %jit3A_3909 = arith.constant 4 : i32
    %broadcast_in_dim3A_3910 = vector.broadcast %jit3A_3909 : i32 to vector<16xi32>
    %select_n3A_3911 = arith.select %gt3A_3907, %broadcast_in_dim3A_3910, %select_n3A_3906 : vector<16xi1>, vector<16xi32>
    %gt3A_3912 = arith.cmpf ogt, %get3A_3884, %select_n3A_3908 : vector<16xf32>
    %select_n3A_3913 = arith.select %gt3A_3912, %get3A_3884, %select_n3A_3908 : vector<16xi1>, vector<16xf32>
    %jit3A_3914 = arith.constant 5 : i32
    %broadcast_in_dim3A_3915 = vector.broadcast %jit3A_3914 : i32 to vector<16xi32>
    %select_n3A_3916 = arith.select %gt3A_3912, %broadcast_in_dim3A_3915, %select_n3A_3911 : vector<16xi1>, vector<16xi32>
    %gt3A_3917 = arith.cmpf ogt, %get3A_3889, %select_n3A_3913 : vector<16xf32>
    %select_n3A_3918 = arith.select %gt3A_3917, %get3A_3889, %select_n3A_3913 : vector<16xi1>, vector<16xf32>
    %jit3A_3919 = arith.constant 6 : i32
    %broadcast_in_dim3A_3920 = vector.broadcast %jit3A_3919 : i32 to vector<16xi32>
    %select_n3A_3921 = arith.select %gt3A_3917, %broadcast_in_dim3A_3920, %select_n3A_3916 : vector<16xi1>, vector<16xi32>
    %broadcast_in_dim3A_3922 = arith.constant -1.000000e+30 : f32
    %broadcast_in_dim3A_3923 = vector.broadcast %broadcast_in_dim3A_3922 : f32 to vector<16xf32>
    %broadcast_in_dim3A_3924 = arith.constant 7 : i32
    %broadcast_in_dim3A_3925 = vector.broadcast %broadcast_in_dim3A_3924 : i32 to vector<16xi32>
    %ne3A_3926 = arith.constant 0 : i32
    %ne3A_3927 = vector.broadcast %ne3A_3926 : i32 to vector<16xi32>
    %ne3A_3928 = arith.cmpi ne, %select_n3A_3921, %ne3A_3927 : vector<16xi32>
    %gt3A_3929 = arith.cmpf ogt, %get3A_3859, %broadcast_in_dim3A_3923 : vector<16xf32>
    %and3A_3930 = arith.andi %ne3A_3928, %gt3A_3929 : vector<16xi1>
    %select_n3A_3931 = arith.select %and3A_3930, %get3A_3859, %broadcast_in_dim3A_3923 : vector<16xi1>, vector<16xf32>
    %jit3A_3932 = arith.constant 0 : i32
    %broadcast_in_dim3A_3933 = vector.broadcast %jit3A_3932 : i32 to vector<16xi32>
    %select_n3A_3934 = arith.select %and3A_3930, %broadcast_in_dim3A_3933, %broadcast_in_dim3A_3925 : vector<16xi1>, vector<16xi32>
    %ne3A_3935 = arith.constant 1 : i32
    %ne3A_3936 = vector.broadcast %ne3A_3935 : i32 to vector<16xi32>
    %ne3A_3937 = arith.cmpi ne, %select_n3A_3921, %ne3A_3936 : vector<16xi32>
    %gt3A_3938 = arith.cmpf ogt, %get3A_3864, %select_n3A_3931 : vector<16xf32>
    %and3A_3939 = arith.andi %ne3A_3937, %gt3A_3938 : vector<16xi1>
    %select_n3A_3940 = arith.select %and3A_3939, %get3A_3864, %select_n3A_3931 : vector<16xi1>, vector<16xf32>
    %jit3A_3941 = arith.constant 1 : i32
    %broadcast_in_dim3A_3942 = vector.broadcast %jit3A_3941 : i32 to vector<16xi32>
    %select_n3A_3943 = arith.select %and3A_3939, %broadcast_in_dim3A_3942, %select_n3A_3934 : vector<16xi1>, vector<16xi32>
    %ne3A_3944 = arith.constant 2 : i32
    %ne3A_3945 = vector.broadcast %ne3A_3944 : i32 to vector<16xi32>
    %ne3A_3946 = arith.cmpi ne, %select_n3A_3921, %ne3A_3945 : vector<16xi32>
    %gt3A_3947 = arith.cmpf ogt, %get3A_3869, %select_n3A_3940 : vector<16xf32>
    %and3A_3948 = arith.andi %ne3A_3946, %gt3A_3947 : vector<16xi1>
    %select_n3A_3949 = arith.select %and3A_3948, %get3A_3869, %select_n3A_3940 : vector<16xi1>, vector<16xf32>
    %jit3A_3950 = arith.constant 2 : i32
    %broadcast_in_dim3A_3951 = vector.broadcast %jit3A_3950 : i32 to vector<16xi32>
    %select_n3A_3952 = arith.select %and3A_3948, %broadcast_in_dim3A_3951, %select_n3A_3943 : vector<16xi1>, vector<16xi32>
    %ne3A_3953 = arith.constant 3 : i32
    %ne3A_3954 = vector.broadcast %ne3A_3953 : i32 to vector<16xi32>
    %ne3A_3955 = arith.cmpi ne, %select_n3A_3921, %ne3A_3954 : vector<16xi32>
    %gt3A_3956 = arith.cmpf ogt, %get3A_3874, %select_n3A_3949 : vector<16xf32>
    %and3A_3957 = arith.andi %ne3A_3955, %gt3A_3956 : vector<16xi1>
    %select_n3A_3958 = arith.select %and3A_3957, %get3A_3874, %select_n3A_3949 : vector<16xi1>, vector<16xf32>
    %jit3A_3959 = arith.constant 3 : i32
    %broadcast_in_dim3A_3960 = vector.broadcast %jit3A_3959 : i32 to vector<16xi32>
    %select_n3A_3961 = arith.select %and3A_3957, %broadcast_in_dim3A_3960, %select_n3A_3952 : vector<16xi1>, vector<16xi32>
    %ne3A_3962 = arith.constant 4 : i32
    %ne3A_3963 = vector.broadcast %ne3A_3962 : i32 to vector<16xi32>
    %ne3A_3964 = arith.cmpi ne, %select_n3A_3921, %ne3A_3963 : vector<16xi32>
    %gt3A_3965 = arith.cmpf ogt, %get3A_3879, %select_n3A_3958 : vector<16xf32>
    %and3A_3966 = arith.andi %ne3A_3964, %gt3A_3965 : vector<16xi1>
    %select_n3A_3967 = arith.select %and3A_3966, %get3A_3879, %select_n3A_3958 : vector<16xi1>, vector<16xf32>
    %jit3A_3968 = arith.constant 4 : i32
    %broadcast_in_dim3A_3969 = vector.broadcast %jit3A_3968 : i32 to vector<16xi32>
    %select_n3A_3970 = arith.select %and3A_3966, %broadcast_in_dim3A_3969, %select_n3A_3961 : vector<16xi1>, vector<16xi32>
    %ne3A_3971 = arith.constant 5 : i32
    %ne3A_3972 = vector.broadcast %ne3A_3971 : i32 to vector<16xi32>
    %ne3A_3973 = arith.cmpi ne, %select_n3A_3921, %ne3A_3972 : vector<16xi32>
    %gt3A_3974 = arith.cmpf ogt, %get3A_3884, %select_n3A_3967 : vector<16xf32>
    %and3A_3975 = arith.andi %ne3A_3973, %gt3A_3974 : vector<16xi1>
    %select_n3A_3976 = arith.select %and3A_3975, %get3A_3884, %select_n3A_3967 : vector<16xi1>, vector<16xf32>
    %jit3A_3977 = arith.constant 5 : i32
    %broadcast_in_dim3A_3978 = vector.broadcast %jit3A_3977 : i32 to vector<16xi32>
    %select_n3A_3979 = arith.select %and3A_3975, %broadcast_in_dim3A_3978, %select_n3A_3970 : vector<16xi1>, vector<16xi32>
    %ne3A_3980 = arith.constant 6 : i32
    %ne3A_3981 = vector.broadcast %ne3A_3980 : i32 to vector<16xi32>
    %ne3A_3982 = arith.cmpi ne, %select_n3A_3921, %ne3A_3981 : vector<16xi32>
    %gt3A_3983 = arith.cmpf ogt, %get3A_3889, %select_n3A_3976 : vector<16xf32>
    %and3A_3984 = arith.andi %ne3A_3982, %gt3A_3983 : vector<16xi1>
    %select_n3A_3985 = arith.select %and3A_3984, %get3A_3889, %select_n3A_3976 : vector<16xi1>, vector<16xf32>
    %jit3A_3986 = arith.constant 6 : i32
    %broadcast_in_dim3A_3987 = vector.broadcast %jit3A_3986 : i32 to vector<16xi32>
    %select_n3A_3988 = arith.select %and3A_3984, %broadcast_in_dim3A_3987, %select_n3A_3979 : vector<16xi1>, vector<16xi32>
    %sub3A_3989 = arith.subf %select_n3A_3985, %select_n3A_3918 : vector<16xf32>
    %exp3A_3990 = math.exp %sub3A_3989 : vector<16xf32>
    %add3A_3991 = arith.constant 1.000000e+00 : f32
    %add3A_3992 = vector.broadcast %add3A_3991 : f32 to vector<16xf32>
    %add3A_3993 = arith.addf %add3A_3992, %exp3A_3990 : vector<16xf32>
    %div3A_3994 = arith.constant 1.000000e+00 : f32
    %div3A_3995 = vector.broadcast %div3A_3994 : f32 to vector<16xf32>
    %div3A_3996 = arith.divf %div3A_3995, %add3A_3993 : vector<16xf32>
    %div3A_3997 = arith.divf %exp3A_3990, %add3A_3993 : vector<16xf32>
    %eq3A_3998 = arith.constant 0 : i32
    %eq3A_3999 = vector.broadcast %eq3A_3998 : i32 to vector<16xi32>
    %eq3A_4000 = arith.cmpi eq, %select_n3A_3921, %eq3A_3999 : vector<16xi32>
    %jit3A_4001 = arith.constant 0.000000e+00 : f32
    %broadcast_in_dim3A_4002 = vector.broadcast %jit3A_4001 : f32 to vector<16xf32>
    %select_n3A_4003 = arith.select %eq3A_4000, %div3A_3996, %broadcast_in_dim3A_4002 : vector<16xi1>, vector<16xf32>
    %eq3A_4004 = arith.constant 0 : i32
    %eq3A_4005 = vector.broadcast %eq3A_4004 : i32 to vector<16xi32>
    %eq3A_4006 = arith.cmpi eq, %select_n3A_3988, %eq3A_4005 : vector<16xi32>
    %jit3A_4007 = arith.constant 0.000000e+00 : f32
    %broadcast_in_dim3A_4008 = vector.broadcast %jit3A_4007 : f32 to vector<16xf32>
    %select_n3A_4009 = arith.select %eq3A_4006, %div3A_3997, %broadcast_in_dim3A_4008 : vector<16xi1>, vector<16xf32>
    %add3A_4010 = arith.addf %select_n3A_4003, %select_n3A_4009 : vector<16xf32>
    %swap3A_4011 = arith.constant 0 : i32
    %swap3A_4012 = arith.index_cast %swap3A_4011 : i32 to index
    %swap3A_4013 = arith.constant 224 : index
    %swap3A_4014 = tpu.vector_load %arg5[%swap3A_4012, %swap3A_4013] {strides = array<i32>} : memref<7x256xf32, #tpu.memory_space<vmem>>, vector<1x16xf32>,
    %swap3A_4015 = vector.shape_cast %swap3A_4014 : vector<1x16xf32> to vector<16xf32>
    %swap3A_4016 = vector.shape_cast %add3A_4010 : vector<16xf32> to vector<1x16xf32>
    tpu.vector_store %arg5[%swap3A_4012, %swap3A_4013], %swap3A_4016 {strides = array<i32>} : memref<7x256xf32, #tpu.memory_space<vmem>>, vector<1x16xf32>,
    %eq3A_4017 = arith.constant 1 : i32
    %eq3A_4018 = vector.broadcast %eq3A_4017 : i32 to vector<16xi32>
    %eq3A_4019 = arith.cmpi eq, %select_n3A_3921, %eq3A_4018 : vector<16xi32>
    %jit3A_4020 = arith.constant 0.000000e+00 : f32
    %broadcast_in_dim3A_4021 = vector.broadcast %jit3A_4020 : f32 to vector<16xf32>
    %select_n3A_4022 = arith.select %eq3A_4019, %div3A_3996, %broadcast_in_dim3A_4021 : vector<16xi1>, vector<16xf32>
    %eq3A_4023 = arith.constant 1 : i32
    %eq3A_4024 = vector.broadcast %eq3A_4023 : i32 to vector<16xi32>
    %eq3A_4025 = arith.cmpi eq, %select_n3A_3988, %eq3A_4024 : vector<16xi32>
    %jit3A_4026 = arith.constant 0.000000e+00 : f32
    %broadcast_in_dim3A_4027 = vector.broadcast %jit3A_4026 : f32 to vector<16xf32>
    %select_n3A_4028 = arith.select %eq3A_4025, %div3A_3997, %broadcast_in_dim3A_4027 : vector<16xi1>, vector<16xf32>
    %add3A_4029 = arith.addf %select_n3A_4022, %select_n3A_4028 : vector<16xf32>
    %swap3A_4030 = arith.constant 1 : i32
    %swap3A_4031 = arith.index_cast %swap3A_4030 : i32 to index
    %swap3A_4032 = arith.constant 224 : index
    %swap3A_4033 = tpu.vector_load %arg5[%swap3A_4031, %swap3A_4032] {strides = array<i32>} : memref<7x256xf32, #tpu.memory_space<vmem>>, vector<1x16xf32>,
    %swap3A_4034 = vector.shape_cast %swap3A_4033 : vector<1x16xf32> to vector<16xf32>
    %swap3A_4035 = vector.shape_cast %add3A_4029 : vector<16xf32> to vector<1x16xf32>
    tpu.vector_store %arg5[%swap3A_4031, %swap3A_4032], %swap3A_4035 {strides = array<i32>} : memref<7x256xf32, #tpu.memory_space<vmem>>, vector<1x16xf32>,
    %eq3A_4036 = arith.constant 2 : i32
    %eq3A_4037 = vector.broadcast %eq3A_4036 : i32 to vector<16xi32>
    %eq3A_4038 = arith.cmpi eq, %select_n3A_3921, %eq3A_4037 : vector<16xi32>
    %jit3A_4039 = arith.constant 0.000000e+00 : f32
    %broadcast_in_dim3A_4040 = vector.broadcast %jit3A_4039 : f32 to vector<16xf32>
    %select_n3A_4041 = arith.select %eq3A_4038, %div3A_3996, %broadcast_in_dim3A_4040 : vector<16xi1>, vector<16xf32>
    %eq3A_4042 = arith.constant 2 : i32
    %eq3A_4043 = vector.broadcast %eq3A_4042 : i32 to vector<16xi32>
    %eq3A_4044 = arith.cmpi eq, %select_n3A_3988, %eq3A_4043 : vector<16xi32>
    %jit3A_4045 = arith.constant 0.000000e+00 : f32
    %broadcast_in_dim3A_4046 = vector.broadcast %jit3A_4045 : f32 to vector<16xf32>
    %select_n3A_4047 = arith.select %eq3A_4044, %div3A_3997, %broadcast_in_dim3A_4046 : vector<16xi1>, vector<16xf32>
    %add3A_4048 = arith.addf %select_n3A_4041, %select_n3A_4047 : vector<16xf32>
    %swap3A_4049 = arith.constant 2 : i32
    %swap3A_4050 = arith.index_cast %swap3A_4049 : i32 to index
    %swap3A_4051 = arith.constant 224 : index
    %swap3A_4052 = tpu.vector_load %arg5[%swap3A_4050, %swap3A_4051] {strides = array<i32>} : memref<7x256xf32, #tpu.memory_space<vmem>>, vector<1x16xf32>,
    %swap3A_4053 = vector.shape_cast %swap3A_4052 : vector<1x16xf32> to vector<16xf32>
    %swap3A_4054 = vector.shape_cast %add3A_4048 : vector<16xf32> to vector<1x16xf32>
    tpu.vector_store %arg5[%swap3A_4050, %swap3A_4051], %swap3A_4054 {strides = array<i32>} : memref<7x256xf32, #tpu.memory_space<vmem>>, vector<1x16xf32>,
    %eq3A_4055 = arith.constant 3 : i32
    %eq3A_4056 = vector.broadcast %eq3A_4055 : i32 to vector<16xi32>
    %eq3A_4057 = arith.cmpi eq, %select_n3A_3921, %eq3A_4056 : vector<16xi32>
    %jit3A_4058 = arith.constant 0.000000e+00 : f32
    %broadcast_in_dim3A_4059 = vector.broadcast %jit3A_4058 : f32 to vector<16xf32>
    %select_n3A_4060 = arith.select %eq3A_4057, %div3A_3996, %broadcast_in_dim3A_4059 : vector<16xi1>, vector<16xf32>
    %eq3A_4061 = arith.constant 3 : i32
    %eq3A_4062 = vector.broadcast %eq3A_4061 : i32 to vector<16xi32>
    %eq3A_4063 = arith.cmpi eq, %select_n3A_3988, %eq3A_4062 : vector<16xi32>
    %jit3A_4064 = arith.constant 0.000000e+00 : f32
    %broadcast_in_dim3A_4065 = vector.broadcast %jit3A_4064 : f32 to vector<16xf32>
    %select_n3A_4066 = arith.select %eq3A_4063, %div3A_3997, %broadcast_in_dim3A_4065 : vector<16xi1>, vector<16xf32>
    %add3A_4067 = arith.addf %select_n3A_4060, %select_n3A_4066 : vector<16xf32>
    %swap3A_4068 = arith.constant 3 : i32
    %swap3A_4069 = arith.index_cast %swap3A_4068 : i32 to index
    %swap3A_4070 = arith.constant 224 : index
    %swap3A_4071 = tpu.vector_load %arg5[%swap3A_4069, %swap3A_4070] {strides = array<i32>} : memref<7x256xf32, #tpu.memory_space<vmem>>, vector<1x16xf32>,
    %swap3A_4072 = vector.shape_cast %swap3A_4071 : vector<1x16xf32> to vector<16xf32>
    %swap3A_4073 = vector.shape_cast %add3A_4067 : vector<16xf32> to vector<1x16xf32>
    tpu.vector_store %arg5[%swap3A_4069, %swap3A_4070], %swap3A_4073 {strides = array<i32>} : memref<7x256xf32, #tpu.memory_space<vmem>>, vector<1x16xf32>,
    %eq3A_4074 = arith.constant 4 : i32
    %eq3A_4075 = vector.broadcast %eq3A_4074 : i32 to vector<16xi32>
    %eq3A_4076 = arith.cmpi eq, %select_n3A_3921, %eq3A_4075 : vector<16xi32>
    %jit3A_4077 = arith.constant 0.000000e+00 : f32
    %broadcast_in_dim3A_4078 = vector.broadcast %jit3A_4077 : f32 to vector<16xf32>
    %select_n3A_4079 = arith.select %eq3A_4076, %div3A_3996, %broadcast_in_dim3A_4078 : vector<16xi1>, vector<16xf32>
    %eq3A_4080 = arith.constant 4 : i32
    %eq3A_4081 = vector.broadcast %eq3A_4080 : i32 to vector<16xi32>
    %eq3A_4082 = arith.cmpi eq, %select_n3A_3988, %eq3A_4081 : vector<16xi32>
    %jit3A_4083 = arith.constant 0.000000e+00 : f32
    %broadcast_in_dim3A_4084 = vector.broadcast %jit3A_4083 : f32 to vector<16xf32>
    %select_n3A_4085 = arith.select %eq3A_4082, %div3A_3997, %broadcast_in_dim3A_4084 : vector<16xi1>, vector<16xf32>
    %add3A_4086 = arith.addf %select_n3A_4079, %select_n3A_4085 : vector<16xf32>
    %swap3A_4087 = arith.constant 4 : i32
    %swap3A_4088 = arith.index_cast %swap3A_4087 : i32 to index
    %swap3A_4089 = arith.constant 224 : index
    %swap3A_4090 = tpu.vector_load %arg5[%swap3A_4088, %swap3A_4089] {strides = array<i32>} : memref<7x256xf32, #tpu.memory_space<vmem>>, vector<1x16xf32>,
    %swap3A_4091 = vector.shape_cast %swap3A_4090 : vector<1x16xf32> to vector<16xf32>
    %swap3A_4092 = vector.shape_cast %add3A_4086 : vector<16xf32> to vector<1x16xf32>
    tpu.vector_store %arg5[%swap3A_4088, %swap3A_4089], %swap3A_4092 {strides = array<i32>} : memref<7x256xf32, #tpu.memory_space<vmem>>, vector<1x16xf32>,
    %eq3A_4093 = arith.constant 5 : i32
    %eq3A_4094 = vector.broadcast %eq3A_4093 : i32 to vector<16xi32>
    %eq3A_4095 = arith.cmpi eq, %select_n3A_3921, %eq3A_4094 : vector<16xi32>
    %jit3A_4096 = arith.constant 0.000000e+00 : f32
    %broadcast_in_dim3A_4097 = vector.broadcast %jit3A_4096 : f32 to vector<16xf32>
    %select_n3A_4098 = arith.select %eq3A_4095, %div3A_3996, %broadcast_in_dim3A_4097 : vector<16xi1>, vector<16xf32>
    %eq3A_4099 = arith.constant 5 : i32
    %eq3A_4100 = vector.broadcast %eq3A_4099 : i32 to vector<16xi32>
    %eq3A_4101 = arith.cmpi eq, %select_n3A_3988, %eq3A_4100 : vector<16xi32>
    %jit3A_4102 = arith.constant 0.000000e+00 : f32
    %broadcast_in_dim3A_4103 = vector.broadcast %jit3A_4102 : f32 to vector<16xf32>
    %select_n3A_4104 = arith.select %eq3A_4101, %div3A_3997, %broadcast_in_dim3A_4103 : vector<16xi1>, vector<16xf32>
    %add3A_4105 = arith.addf %select_n3A_4098, %select_n3A_4104 : vector<16xf32>
    %swap3A_4106 = arith.constant 5 : i32
    %swap3A_4107 = arith.index_cast %swap3A_4106 : i32 to index
    %swap3A_4108 = arith.constant 224 : index
    %swap3A_4109 = tpu.vector_load %arg5[%swap3A_4107, %swap3A_4108] {strides = array<i32>} : memref<7x256xf32, #tpu.memory_space<vmem>>, vector<1x16xf32>,
    %swap3A_4110 = vector.shape_cast %swap3A_4109 : vector<1x16xf32> to vector<16xf32>
    %swap3A_4111 = vector.shape_cast %add3A_4105 : vector<16xf32> to vector<1x16xf32>
    tpu.vector_store %arg5[%swap3A_4107, %swap3A_4108], %swap3A_4111 {strides = array<i32>} : memref<7x256xf32, #tpu.memory_space<vmem>>, vector<1x16xf32>,
    %eq3A_4112 = arith.constant 6 : i32
    %eq3A_4113 = vector.broadcast %eq3A_4112 : i32 to vector<16xi32>
    %eq3A_4114 = arith.cmpi eq, %select_n3A_3921, %eq3A_4113 : vector<16xi32>
    %jit3A_4115 = arith.constant 0.000000e+00 : f32
    %broadcast_in_dim3A_4116 = vector.broadcast %jit3A_4115 : f32 to vector<16xf32>
    %select_n3A_4117 = arith.select %eq3A_4114, %div3A_3996, %broadcast_in_dim3A_4116 : vector<16xi1>, vector<16xf32>
    %eq3A_4118 = arith.constant 6 : i32
    %eq3A_4119 = vector.broadcast %eq3A_4118 : i32 to vector<16xi32>
    %eq3A_4120 = arith.cmpi eq, %select_n3A_3988, %eq3A_4119 : vector<16xi32>
    %jit3A_4121 = arith.constant 0.000000e+00 : f32
    %broadcast_in_dim3A_4122 = vector.broadcast %jit3A_4121 : f32 to vector<16xf32>
    %select_n3A_4123 = arith.select %eq3A_4120, %div3A_3997, %broadcast_in_dim3A_4122 : vector<16xi1>, vector<16xf32>
    %add3A_4124 = arith.addf %select_n3A_4117, %select_n3A_4123 : vector<16xf32>
    %swap3A_4125 = arith.constant 6 : i32
    %swap3A_4126 = arith.index_cast %swap3A_4125 : i32 to index
    %swap3A_4127 = arith.constant 224 : index
    %swap3A_4128 = tpu.vector_load %arg5[%swap3A_4126, %swap3A_4127] {strides = array<i32>} : memref<7x256xf32, #tpu.memory_space<vmem>>, vector<1x16xf32>,
    %swap3A_4129 = vector.shape_cast %swap3A_4128 : vector<1x16xf32> to vector<16xf32>
    %swap3A_4130 = vector.shape_cast %add3A_4124 : vector<16xf32> to vector<1x16xf32>
    tpu.vector_store %arg5[%swap3A_4126, %swap3A_4127], %swap3A_4130 {strides = array<i32>} : memref<7x256xf32, #tpu.memory_space<vmem>>, vector<1x16xf32>,
    %get3A_4131 = arith.constant 0 : i32
    %get3A_4132 = arith.index_cast %get3A_4131 : i32 to index
    %get3A_4133 = arith.constant 240 : index
    %get3A_4134 = tpu.vector_load %arg4[%get3A_4132, %get3A_4133] {strides = array<i32>} : memref<7x256xf32, #tpu.memory_space<vmem>>, vector<1x16xf32>,
    %get3A_4135 = vector.shape_cast %get3A_4134 : vector<1x16xf32> to vector<16xf32>
    %get3A_4136 = arith.constant 1 : i32
    %get3A_4137 = arith.index_cast %get3A_4136 : i32 to index
    %get3A_4138 = arith.constant 240 : index
    %get3A_4139 = tpu.vector_load %arg4[%get3A_4137, %get3A_4138] {strides = array<i32>} : memref<7x256xf32, #tpu.memory_space<vmem>>, vector<1x16xf32>,
    %get3A_4140 = vector.shape_cast %get3A_4139 : vector<1x16xf32> to vector<16xf32>
    %get3A_4141 = arith.constant 2 : i32
    %get3A_4142 = arith.index_cast %get3A_4141 : i32 to index
    %get3A_4143 = arith.constant 240 : index
    %get3A_4144 = tpu.vector_load %arg4[%get3A_4142, %get3A_4143] {strides = array<i32>} : memref<7x256xf32, #tpu.memory_space<vmem>>, vector<1x16xf32>,
    %get3A_4145 = vector.shape_cast %get3A_4144 : vector<1x16xf32> to vector<16xf32>
    %get3A_4146 = arith.constant 3 : i32
    %get3A_4147 = arith.index_cast %get3A_4146 : i32 to index
    %get3A_4148 = arith.constant 240 : index
    %get3A_4149 = tpu.vector_load %arg4[%get3A_4147, %get3A_4148] {strides = array<i32>} : memref<7x256xf32, #tpu.memory_space<vmem>>, vector<1x16xf32>,
    %get3A_4150 = vector.shape_cast %get3A_4149 : vector<1x16xf32> to vector<16xf32>
    %get3A_4151 = arith.constant 4 : i32
    %get3A_4152 = arith.index_cast %get3A_4151 : i32 to index
    %get3A_4153 = arith.constant 240 : index
    %get3A_4154 = tpu.vector_load %arg4[%get3A_4152, %get3A_4153] {strides = array<i32>} : memref<7x256xf32, #tpu.memory_space<vmem>>, vector<1x16xf32>,
    %get3A_4155 = vector.shape_cast %get3A_4154 : vector<1x16xf32> to vector<16xf32>
    %get3A_4156 = arith.constant 5 : i32
    %get3A_4157 = arith.index_cast %get3A_4156 : i32 to index
    %get3A_4158 = arith.constant 240 : index
    %get3A_4159 = tpu.vector_load %arg4[%get3A_4157, %get3A_4158] {strides = array<i32>} : memref<7x256xf32, #tpu.memory_space<vmem>>, vector<1x16xf32>,
    %get3A_4160 = vector.shape_cast %get3A_4159 : vector<1x16xf32> to vector<16xf32>
    %get3A_4161 = arith.constant 6 : i32
    %get3A_4162 = arith.index_cast %get3A_4161 : i32 to index
    %get3A_4163 = arith.constant 240 : index
    %get3A_4164 = tpu.vector_load %arg4[%get3A_4162, %get3A_4163] {strides = array<i32>} : memref<7x256xf32, #tpu.memory_space<vmem>>, vector<1x16xf32>,
    %get3A_4165 = vector.shape_cast %get3A_4164 : vector<1x16xf32> to vector<16xf32>
    %broadcast_in_dim3A_4166 = arith.constant 0 : i32
    %broadcast_in_dim3A_4167 = vector.broadcast %broadcast_in_dim3A_4166 : i32 to vector<16xi32>
    %gt3A_4168 = arith.cmpf ogt, %get3A_4140, %get3A_4135 : vector<16xf32>
    %select_n3A_4169 = arith.select %gt3A_4168, %get3A_4140, %get3A_4135 : vector<16xi1>, vector<16xf32>
    %jit3A_4170 = arith.constant 1 : i32
    %broadcast_in_dim3A_4171 = vector.broadcast %jit3A_4170 : i32 to vector<16xi32>
    %select_n3A_4172 = arith.select %gt3A_4168, %broadcast_in_dim3A_4171, %broadcast_in_dim3A_4167 : vector<16xi1>, vector<16xi32>
    %gt3A_4173 = arith.cmpf ogt, %get3A_4145, %select_n3A_4169 : vector<16xf32>
    %select_n3A_4174 = arith.select %gt3A_4173, %get3A_4145, %select_n3A_4169 : vector<16xi1>, vector<16xf32>
    %jit3A_4175 = arith.constant 2 : i32
    %broadcast_in_dim3A_4176 = vector.broadcast %jit3A_4175 : i32 to vector<16xi32>
    %select_n3A_4177 = arith.select %gt3A_4173, %broadcast_in_dim3A_4176, %select_n3A_4172 : vector<16xi1>, vector<16xi32>
    %gt3A_4178 = arith.cmpf ogt, %get3A_4150, %select_n3A_4174 : vector<16xf32>
    %select_n3A_4179 = arith.select %gt3A_4178, %get3A_4150, %select_n3A_4174 : vector<16xi1>, vector<16xf32>
    %jit3A_4180 = arith.constant 3 : i32
    %broadcast_in_dim3A_4181 = vector.broadcast %jit3A_4180 : i32 to vector<16xi32>
    %select_n3A_4182 = arith.select %gt3A_4178, %broadcast_in_dim3A_4181, %select_n3A_4177 : vector<16xi1>, vector<16xi32>
    %gt3A_4183 = arith.cmpf ogt, %get3A_4155, %select_n3A_4179 : vector<16xf32>
    %select_n3A_4184 = arith.select %gt3A_4183, %get3A_4155, %select_n3A_4179 : vector<16xi1>, vector<16xf32>
    %jit3A_4185 = arith.constant 4 : i32
    %broadcast_in_dim3A_4186 = vector.broadcast %jit3A_4185 : i32 to vector<16xi32>
    %select_n3A_4187 = arith.select %gt3A_4183, %broadcast_in_dim3A_4186, %select_n3A_4182 : vector<16xi1>, vector<16xi32>
    %gt3A_4188 = arith.cmpf ogt, %get3A_4160, %select_n3A_4184 : vector<16xf32>
    %select_n3A_4189 = arith.select %gt3A_4188, %get3A_4160, %select_n3A_4184 : vector<16xi1>, vector<16xf32>
    %jit3A_4190 = arith.constant 5 : i32
    %broadcast_in_dim3A_4191 = vector.broadcast %jit3A_4190 : i32 to vector<16xi32>
    %select_n3A_4192 = arith.select %gt3A_4188, %broadcast_in_dim3A_4191, %select_n3A_4187 : vector<16xi1>, vector<16xi32>
    %gt3A_4193 = arith.cmpf ogt, %get3A_4165, %select_n3A_4189 : vector<16xf32>
    %select_n3A_4194 = arith.select %gt3A_4193, %get3A_4165, %select_n3A_4189 : vector<16xi1>, vector<16xf32>
    %jit3A_4195 = arith.constant 6 : i32
    %broadcast_in_dim3A_4196 = vector.broadcast %jit3A_4195 : i32 to vector<16xi32>
    %select_n3A_4197 = arith.select %gt3A_4193, %broadcast_in_dim3A_4196, %select_n3A_4192 : vector<16xi1>, vector<16xi32>
    %broadcast_in_dim3A_4198 = arith.constant -1.000000e+30 : f32
    %broadcast_in_dim3A_4199 = vector.broadcast %broadcast_in_dim3A_4198 : f32 to vector<16xf32>
    %broadcast_in_dim3A_4200 = arith.constant 7 : i32
    %broadcast_in_dim3A_4201 = vector.broadcast %broadcast_in_dim3A_4200 : i32 to vector<16xi32>
    %ne3A_4202 = arith.constant 0 : i32
    %ne3A_4203 = vector.broadcast %ne3A_4202 : i32 to vector<16xi32>
    %ne3A_4204 = arith.cmpi ne, %select_n3A_4197, %ne3A_4203 : vector<16xi32>
    %gt3A_4205 = arith.cmpf ogt, %get3A_4135, %broadcast_in_dim3A_4199 : vector<16xf32>
    %and3A_4206 = arith.andi %ne3A_4204, %gt3A_4205 : vector<16xi1>
    %select_n3A_4207 = arith.select %and3A_4206, %get3A_4135, %broadcast_in_dim3A_4199 : vector<16xi1>, vector<16xf32>
    %jit3A_4208 = arith.constant 0 : i32
    %broadcast_in_dim3A_4209 = vector.broadcast %jit3A_4208 : i32 to vector<16xi32>
    %select_n3A_4210 = arith.select %and3A_4206, %broadcast_in_dim3A_4209, %broadcast_in_dim3A_4201 : vector<16xi1>, vector<16xi32>
    %ne3A_4211 = arith.constant 1 : i32
    %ne3A_4212 = vector.broadcast %ne3A_4211 : i32 to vector<16xi32>
    %ne3A_4213 = arith.cmpi ne, %select_n3A_4197, %ne3A_4212 : vector<16xi32>
    %gt3A_4214 = arith.cmpf ogt, %get3A_4140, %select_n3A_4207 : vector<16xf32>
    %and3A_4215 = arith.andi %ne3A_4213, %gt3A_4214 : vector<16xi1>
    %select_n3A_4216 = arith.select %and3A_4215, %get3A_4140, %select_n3A_4207 : vector<16xi1>, vector<16xf32>
    %jit3A_4217 = arith.constant 1 : i32
    %broadcast_in_dim3A_4218 = vector.broadcast %jit3A_4217 : i32 to vector<16xi32>
    %select_n3A_4219 = arith.select %and3A_4215, %broadcast_in_dim3A_4218, %select_n3A_4210 : vector<16xi1>, vector<16xi32>
    %ne3A_4220 = arith.constant 2 : i32
    %ne3A_4221 = vector.broadcast %ne3A_4220 : i32 to vector<16xi32>
    %ne3A_4222 = arith.cmpi ne, %select_n3A_4197, %ne3A_4221 : vector<16xi32>
    %gt3A_4223 = arith.cmpf ogt, %get3A_4145, %select_n3A_4216 : vector<16xf32>
    %and3A_4224 = arith.andi %ne3A_4222, %gt3A_4223 : vector<16xi1>
    %select_n3A_4225 = arith.select %and3A_4224, %get3A_4145, %select_n3A_4216 : vector<16xi1>, vector<16xf32>
    %jit3A_4226 = arith.constant 2 : i32
    %broadcast_in_dim3A_4227 = vector.broadcast %jit3A_4226 : i32 to vector<16xi32>
    %select_n3A_4228 = arith.select %and3A_4224, %broadcast_in_dim3A_4227, %select_n3A_4219 : vector<16xi1>, vector<16xi32>
    %ne3A_4229 = arith.constant 3 : i32
    %ne3A_4230 = vector.broadcast %ne3A_4229 : i32 to vector<16xi32>
    %ne3A_4231 = arith.cmpi ne, %select_n3A_4197, %ne3A_4230 : vector<16xi32>
    %gt3A_4232 = arith.cmpf ogt, %get3A_4150, %select_n3A_4225 : vector<16xf32>
    %and3A_4233 = arith.andi %ne3A_4231, %gt3A_4232 : vector<16xi1>
    %select_n3A_4234 = arith.select %and3A_4233, %get3A_4150, %select_n3A_4225 : vector<16xi1>, vector<16xf32>
    %jit3A_4235 = arith.constant 3 : i32
    %broadcast_in_dim3A_4236 = vector.broadcast %jit3A_4235 : i32 to vector<16xi32>
    %select_n3A_4237 = arith.select %and3A_4233, %broadcast_in_dim3A_4236, %select_n3A_4228 : vector<16xi1>, vector<16xi32>
    %ne3A_4238 = arith.constant 4 : i32
    %ne3A_4239 = vector.broadcast %ne3A_4238 : i32 to vector<16xi32>
    %ne3A_4240 = arith.cmpi ne, %select_n3A_4197, %ne3A_4239 : vector<16xi32>
    %gt3A_4241 = arith.cmpf ogt, %get3A_4155, %select_n3A_4234 : vector<16xf32>
    %and3A_4242 = arith.andi %ne3A_4240, %gt3A_4241 : vector<16xi1>
    %select_n3A_4243 = arith.select %and3A_4242, %get3A_4155, %select_n3A_4234 : vector<16xi1>, vector<16xf32>
    %jit3A_4244 = arith.constant 4 : i32
    %broadcast_in_dim3A_4245 = vector.broadcast %jit3A_4244 : i32 to vector<16xi32>
    %select_n3A_4246 = arith.select %and3A_4242, %broadcast_in_dim3A_4245, %select_n3A_4237 : vector<16xi1>, vector<16xi32>
    %ne3A_4247 = arith.constant 5 : i32
    %ne3A_4248 = vector.broadcast %ne3A_4247 : i32 to vector<16xi32>
    %ne3A_4249 = arith.cmpi ne, %select_n3A_4197, %ne3A_4248 : vector<16xi32>
    %gt3A_4250 = arith.cmpf ogt, %get3A_4160, %select_n3A_4243 : vector<16xf32>
    %and3A_4251 = arith.andi %ne3A_4249, %gt3A_4250 : vector<16xi1>
    %select_n3A_4252 = arith.select %and3A_4251, %get3A_4160, %select_n3A_4243 : vector<16xi1>, vector<16xf32>
    %jit3A_4253 = arith.constant 5 : i32
    %broadcast_in_dim3A_4254 = vector.broadcast %jit3A_4253 : i32 to vector<16xi32>
    %select_n3A_4255 = arith.select %and3A_4251, %broadcast_in_dim3A_4254, %select_n3A_4246 : vector<16xi1>, vector<16xi32>
    %ne3A_4256 = arith.constant 6 : i32
    %ne3A_4257 = vector.broadcast %ne3A_4256 : i32 to vector<16xi32>
    %ne3A_4258 = arith.cmpi ne, %select_n3A_4197, %ne3A_4257 : vector<16xi32>
    %gt3A_4259 = arith.cmpf ogt, %get3A_4165, %select_n3A_4252 : vector<16xf32>
    %and3A_4260 = arith.andi %ne3A_4258, %gt3A_4259 : vector<16xi1>
    %select_n3A_4261 = arith.select %and3A_4260, %get3A_4165, %select_n3A_4252 : vector<16xi1>, vector<16xf32>
    %jit3A_4262 = arith.constant 6 : i32
    %broadcast_in_dim3A_4263 = vector.broadcast %jit3A_4262 : i32 to vector<16xi32>
    %select_n3A_4264 = arith.select %and3A_4260, %broadcast_in_dim3A_4263, %select_n3A_4255 : vector<16xi1>, vector<16xi32>
    %sub3A_4265 = arith.subf %select_n3A_4261, %select_n3A_4194 : vector<16xf32>
    %exp3A_4266 = math.exp %sub3A_4265 : vector<16xf32>
    %add3A_4267 = arith.constant 1.000000e+00 : f32
    %add3A_4268 = vector.broadcast %add3A_4267 : f32 to vector<16xf32>
    %add3A_4269 = arith.addf %add3A_4268, %exp3A_4266 : vector<16xf32>
    %div3A_4270 = arith.constant 1.000000e+00 : f32
    %div3A_4271 = vector.broadcast %div3A_4270 : f32 to vector<16xf32>
    %div3A_4272 = arith.divf %div3A_4271, %add3A_4269 : vector<16xf32>
    %div3A_4273 = arith.divf %exp3A_4266, %add3A_4269 : vector<16xf32>
    %eq3A_4274 = arith.constant 0 : i32
    %eq3A_4275 = vector.broadcast %eq3A_4274 : i32 to vector<16xi32>
    %eq3A_4276 = arith.cmpi eq, %select_n3A_4197, %eq3A_4275 : vector<16xi32>
    %jit3A_4277 = arith.constant 0.000000e+00 : f32
    %broadcast_in_dim3A_4278 = vector.broadcast %jit3A_4277 : f32 to vector<16xf32>
    %select_n3A_4279 = arith.select %eq3A_4276, %div3A_4272, %broadcast_in_dim3A_4278 : vector<16xi1>, vector<16xf32>
    %eq3A_4280 = arith.constant 0 : i32
    %eq3A_4281 = vector.broadcast %eq3A_4280 : i32 to vector<16xi32>
    %eq3A_4282 = arith.cmpi eq, %select_n3A_4264, %eq3A_4281 : vector<16xi32>
    %jit3A_4283 = arith.constant 0.000000e+00 : f32
    %broadcast_in_dim3A_4284 = vector.broadcast %jit3A_4283 : f32 to vector<16xf32>
    %select_n3A_4285 = arith.select %eq3A_4282, %div3A_4273, %broadcast_in_dim3A_4284 : vector<16xi1>, vector<16xf32>
    %add3A_4286 = arith.addf %select_n3A_4279, %select_n3A_4285 : vector<16xf32>
    %swap3A_4287 = arith.constant 0 : i32
    %swap3A_4288 = arith.index_cast %swap3A_4287 : i32 to index
    %swap3A_4289 = arith.constant 240 : index
    %swap3A_4290 = tpu.vector_load %arg5[%swap3A_4288, %swap3A_4289] {strides = array<i32>} : memref<7x256xf32, #tpu.memory_space<vmem>>, vector<1x16xf32>,
    %swap3A_4291 = vector.shape_cast %swap3A_4290 : vector<1x16xf32> to vector<16xf32>
    %swap3A_4292 = vector.shape_cast %add3A_4286 : vector<16xf32> to vector<1x16xf32>
    tpu.vector_store %arg5[%swap3A_4288, %swap3A_4289], %swap3A_4292 {strides = array<i32>} : memref<7x256xf32, #tpu.memory_space<vmem>>, vector<1x16xf32>,
    %eq3A_4293 = arith.constant 1 : i32
    %eq3A_4294 = vector.broadcast %eq3A_4293 : i32 to vector<16xi32>
    %eq3A_4295 = arith.cmpi eq, %select_n3A_4197, %eq3A_4294 : vector<16xi32>
    %jit3A_4296 = arith.constant 0.000000e+00 : f32
    %broadcast_in_dim3A_4297 = vector.broadcast %jit3A_4296 : f32 to vector<16xf32>
    %select_n3A_4298 = arith.select %eq3A_4295, %div3A_4272, %broadcast_in_dim3A_4297 : vector<16xi1>, vector<16xf32>
    %eq3A_4299 = arith.constant 1 : i32
    %eq3A_4300 = vector.broadcast %eq3A_4299 : i32 to vector<16xi32>
    %eq3A_4301 = arith.cmpi eq, %select_n3A_4264, %eq3A_4300 : vector<16xi32>
    %jit3A_4302 = arith.constant 0.000000e+00 : f32
    %broadcast_in_dim3A_4303 = vector.broadcast %jit3A_4302 : f32 to vector<16xf32>
    %select_n3A_4304 = arith.select %eq3A_4301, %div3A_4273, %broadcast_in_dim3A_4303 : vector<16xi1>, vector<16xf32>
    %add3A_4305 = arith.addf %select_n3A_4298, %select_n3A_4304 : vector<16xf32>
    %swap3A_4306 = arith.constant 1 : i32
    %swap3A_4307 = arith.index_cast %swap3A_4306 : i32 to index
    %swap3A_4308 = arith.constant 240 : index
    %swap3A_4309 = tpu.vector_load %arg5[%swap3A_4307, %swap3A_4308] {strides = array<i32>} : memref<7x256xf32, #tpu.memory_space<vmem>>, vector<1x16xf32>,
    %swap3A_4310 = vector.shape_cast %swap3A_4309 : vector<1x16xf32> to vector<16xf32>
    %swap3A_4311 = vector.shape_cast %add3A_4305 : vector<16xf32> to vector<1x16xf32>
    tpu.vector_store %arg5[%swap3A_4307, %swap3A_4308], %swap3A_4311 {strides = array<i32>} : memref<7x256xf32, #tpu.memory_space<vmem>>, vector<1x16xf32>,
    %eq3A_4312 = arith.constant 2 : i32
    %eq3A_4313 = vector.broadcast %eq3A_4312 : i32 to vector<16xi32>
    %eq3A_4314 = arith.cmpi eq, %select_n3A_4197, %eq3A_4313 : vector<16xi32>
    %jit3A_4315 = arith.constant 0.000000e+00 : f32
    %broadcast_in_dim3A_4316 = vector.broadcast %jit3A_4315 : f32 to vector<16xf32>
    %select_n3A_4317 = arith.select %eq3A_4314, %div3A_4272, %broadcast_in_dim3A_4316 : vector<16xi1>, vector<16xf32>
    %eq3A_4318 = arith.constant 2 : i32
    %eq3A_4319 = vector.broadcast %eq3A_4318 : i32 to vector<16xi32>
    %eq3A_4320 = arith.cmpi eq, %select_n3A_4264, %eq3A_4319 : vector<16xi32>
    %jit3A_4321 = arith.constant 0.000000e+00 : f32
    %broadcast_in_dim3A_4322 = vector.broadcast %jit3A_4321 : f32 to vector<16xf32>
    %select_n3A_4323 = arith.select %eq3A_4320, %div3A_4273, %broadcast_in_dim3A_4322 : vector<16xi1>, vector<16xf32>
    %add3A_4324 = arith.addf %select_n3A_4317, %select_n3A_4323 : vector<16xf32>
    %swap3A_4325 = arith.constant 2 : i32
    %swap3A_4326 = arith.index_cast %swap3A_4325 : i32 to index
    %swap3A_4327 = arith.constant 240 : index
    %swap3A_4328 = tpu.vector_load %arg5[%swap3A_4326, %swap3A_4327] {strides = array<i32>} : memref<7x256xf32, #tpu.memory_space<vmem>>, vector<1x16xf32>,
    %swap3A_4329 = vector.shape_cast %swap3A_4328 : vector<1x16xf32> to vector<16xf32>
    %swap3A_4330 = vector.shape_cast %add3A_4324 : vector<16xf32> to vector<1x16xf32>
    tpu.vector_store %arg5[%swap3A_4326, %swap3A_4327], %swap3A_4330 {strides = array<i32>} : memref<7x256xf32, #tpu.memory_space<vmem>>, vector<1x16xf32>,
    %eq3A_4331 = arith.constant 3 : i32
    %eq3A_4332 = vector.broadcast %eq3A_4331 : i32 to vector<16xi32>
    %eq3A_4333 = arith.cmpi eq, %select_n3A_4197, %eq3A_4332 : vector<16xi32>
    %jit3A_4334 = arith.constant 0.000000e+00 : f32
    %broadcast_in_dim3A_4335 = vector.broadcast %jit3A_4334 : f32 to vector<16xf32>
    %select_n3A_4336 = arith.select %eq3A_4333, %div3A_4272, %broadcast_in_dim3A_4335 : vector<16xi1>, vector<16xf32>
    %eq3A_4337 = arith.constant 3 : i32
    %eq3A_4338 = vector.broadcast %eq3A_4337 : i32 to vector<16xi32>
    %eq3A_4339 = arith.cmpi eq, %select_n3A_4264, %eq3A_4338 : vector<16xi32>
    %jit3A_4340 = arith.constant 0.000000e+00 : f32
    %broadcast_in_dim3A_4341 = vector.broadcast %jit3A_4340 : f32 to vector<16xf32>
    %select_n3A_4342 = arith.select %eq3A_4339, %div3A_4273, %broadcast_in_dim3A_4341 : vector<16xi1>, vector<16xf32>
    %add3A_4343 = arith.addf %select_n3A_4336, %select_n3A_4342 : vector<16xf32>
    %swap3A_4344 = arith.constant 3 : i32
    %swap3A_4345 = arith.index_cast %swap3A_4344 : i32 to index
    %swap3A_4346 = arith.constant 240 : index
    %swap3A_4347 = tpu.vector_load %arg5[%swap3A_4345, %swap3A_4346] {strides = array<i32>} : memref<7x256xf32, #tpu.memory_space<vmem>>, vector<1x16xf32>,
    %swap3A_4348 = vector.shape_cast %swap3A_4347 : vector<1x16xf32> to vector<16xf32>
    %swap3A_4349 = vector.shape_cast %add3A_4343 : vector<16xf32> to vector<1x16xf32>
    tpu.vector_store %arg5[%swap3A_4345, %swap3A_4346], %swap3A_4349 {strides = array<i32>} : memref<7x256xf32, #tpu.memory_space<vmem>>, vector<1x16xf32>,
    %eq3A_4350 = arith.constant 4 : i32
    %eq3A_4351 = vector.broadcast %eq3A_4350 : i32 to vector<16xi32>
    %eq3A_4352 = arith.cmpi eq, %select_n3A_4197, %eq3A_4351 : vector<16xi32>
    %jit3A_4353 = arith.constant 0.000000e+00 : f32
    %broadcast_in_dim3A_4354 = vector.broadcast %jit3A_4353 : f32 to vector<16xf32>
    %select_n3A_4355 = arith.select %eq3A_4352, %div3A_4272, %broadcast_in_dim3A_4354 : vector<16xi1>, vector<16xf32>
    %eq3A_4356 = arith.constant 4 : i32
    %eq3A_4357 = vector.broadcast %eq3A_4356 : i32 to vector<16xi32>
    %eq3A_4358 = arith.cmpi eq, %select_n3A_4264, %eq3A_4357 : vector<16xi32>
    %jit3A_4359 = arith.constant 0.000000e+00 : f32
    %broadcast_in_dim3A_4360 = vector.broadcast %jit3A_4359 : f32 to vector<16xf32>
    %select_n3A_4361 = arith.select %eq3A_4358, %div3A_4273, %broadcast_in_dim3A_4360 : vector<16xi1>, vector<16xf32>
    %add3A_4362 = arith.addf %select_n3A_4355, %select_n3A_4361 : vector<16xf32>
    %swap3A_4363 = arith.constant 4 : i32
    %swap3A_4364 = arith.index_cast %swap3A_4363 : i32 to index
    %swap3A_4365 = arith.constant 240 : index
    %swap3A_4366 = tpu.vector_load %arg5[%swap3A_4364, %swap3A_4365] {strides = array<i32>} : memref<7x256xf32, #tpu.memory_space<vmem>>, vector<1x16xf32>,
    %swap3A_4367 = vector.shape_cast %swap3A_4366 : vector<1x16xf32> to vector<16xf32>
    %swap3A_4368 = vector.shape_cast %add3A_4362 : vector<16xf32> to vector<1x16xf32>
    tpu.vector_store %arg5[%swap3A_4364, %swap3A_4365], %swap3A_4368 {strides = array<i32>} : memref<7x256xf32, #tpu.memory_space<vmem>>, vector<1x16xf32>,
    %eq3A_4369 = arith.constant 5 : i32
    %eq3A_4370 = vector.broadcast %eq3A_4369 : i32 to vector<16xi32>
    %eq3A_4371 = arith.cmpi eq, %select_n3A_4197, %eq3A_4370 : vector<16xi32>
    %jit3A_4372 = arith.constant 0.000000e+00 : f32
    %broadcast_in_dim3A_4373 = vector.broadcast %jit3A_4372 : f32 to vector<16xf32>
    %select_n3A_4374 = arith.select %eq3A_4371, %div3A_4272, %broadcast_in_dim3A_4373 : vector<16xi1>, vector<16xf32>
    %eq3A_4375 = arith.constant 5 : i32
    %eq3A_4376 = vector.broadcast %eq3A_4375 : i32 to vector<16xi32>
    %eq3A_4377 = arith.cmpi eq, %select_n3A_4264, %eq3A_4376 : vector<16xi32>
    %jit3A_4378 = arith.constant 0.000000e+00 : f32
    %broadcast_in_dim3A_4379 = vector.broadcast %jit3A_4378 : f32 to vector<16xf32>
    %select_n3A_4380 = arith.select %eq3A_4377, %div3A_4273, %broadcast_in_dim3A_4379 : vector<16xi1>, vector<16xf32>
    %add3A_4381 = arith.addf %select_n3A_4374, %select_n3A_4380 : vector<16xf32>
    %swap3A_4382 = arith.constant 5 : i32
    %swap3A_4383 = arith.index_cast %swap3A_4382 : i32 to index
    %swap3A_4384 = arith.constant 240 : index
    %swap3A_4385 = tpu.vector_load %arg5[%swap3A_4383, %swap3A_4384] {strides = array<i32>} : memref<7x256xf32, #tpu.memory_space<vmem>>, vector<1x16xf32>,
    %swap3A_4386 = vector.shape_cast %swap3A_4385 : vector<1x16xf32> to vector<16xf32>
    %swap3A_4387 = vector.shape_cast %add3A_4381 : vector<16xf32> to vector<1x16xf32>
    tpu.vector_store %arg5[%swap3A_4383, %swap3A_4384], %swap3A_4387 {strides = array<i32>} : memref<7x256xf32, #tpu.memory_space<vmem>>, vector<1x16xf32>,
    %eq3A_4388 = arith.constant 6 : i32
    %eq3A_4389 = vector.broadcast %eq3A_4388 : i32 to vector<16xi32>
    %eq3A_4390 = arith.cmpi eq, %select_n3A_4197, %eq3A_4389 : vector<16xi32>
    %jit3A_4391 = arith.constant 0.000000e+00 : f32
    %broadcast_in_dim3A_4392 = vector.broadcast %jit3A_4391 : f32 to vector<16xf32>
    %select_n3A_4393 = arith.select %eq3A_4390, %div3A_4272, %broadcast_in_dim3A_4392 : vector<16xi1>, vector<16xf32>
    %eq3A_4394 = arith.constant 6 : i32
    %eq3A_4395 = vector.broadcast %eq3A_4394 : i32 to vector<16xi32>
    %eq3A_4396 = arith.cmpi eq, %select_n3A_4264, %eq3A_4395 : vector<16xi32>
    %jit3A_4397 = arith.constant 0.000000e+00 : f32
    %broadcast_in_dim3A_4398 = vector.broadcast %jit3A_4397 : f32 to vector<16xf32>
    %select_n3A_4399 = arith.select %eq3A_4396, %div3A_4273, %broadcast_in_dim3A_4398 : vector<16xi1>, vector<16xf32>
    %add3A_4400 = arith.addf %select_n3A_4393, %select_n3A_4399 : vector<16xf32>
    %swap3A_4401 = arith.constant 6 : i32
    %swap3A_4402 = arith.index_cast %swap3A_4401 : i32 to index
    %swap3A_4403 = arith.constant 240 : index
    %swap3A_4404 = tpu.vector_load %arg5[%swap3A_4402, %swap3A_4403] {strides = array<i32>} : memref<7x256xf32, #tpu.memory_space<vmem>>, vector<1x16xf32>,
    %swap3A_4405 = vector.shape_cast %swap3A_4404 : vector<1x16xf32> to vector<16xf32>
    %swap3A_4406 = vector.shape_cast %add3A_4400 : vector<16xf32> to vector<1x16xf32>
    tpu.vector_store %arg5[%swap3A_4402, %swap3A_4403], %swap3A_4406 {strides = array<i32>} : memref<7x256xf32, #tpu.memory_space<vmem>>, vector<1x16xf32>,
    "tpu.region"() ({
      %run_scoped3A = tpu.sem_alloc : memref<!tpu.dma_semaphore, #tpu.memory_space<semaphore_mem>>
      %dma_start3A = arith.constant 0 : i32
      %dma_start3A_4407 = tpu.memref_slice %arg3[%dma_start3A, %mul3A_2] : memref<7x8192xf32, #tpu.memory_space<hbm>> -> memref<7x256xf32, #tpu.memory_space<hbm>>
      %dma_start3A_4408 = arith.constant 0 : i32
      %dma_start3A_4409 = tpu.memref_slice %arg3[%dma_start3A_4408, %mul3A_2] : memref<7x8192xf32, #tpu.memory_space<hbm>> -> memref<7x256xf32, #tpu.memory_space<hbm>>
      tpu.enqueue_dma source(%arg5 : memref<7x256xf32, #tpu.memory_space<vmem>>) target(%dma_start3A_4409 : memref<7x256xf32, #tpu.memory_space<hbm>>) target_semaphore(%run_scoped3A : memref<!tpu.dma_semaphore, #tpu.memory_space<semaphore_mem>>)
      %dma_wait3A = arith.constant 0 : i32
      %dma_wait3A_4410 = tpu.memref_slice %arg3[%dma_wait3A, %mul3A_2] : memref<7x8192xf32, #tpu.memory_space<hbm>> -> memref<7x256xf32, #tpu.memory_space<hbm>>
      %dma_wait3A_4411 = arith.constant 0 : i32
      %dma_wait3A_4412 = tpu.memref_slice %arg3[%dma_wait3A_4411, %mul3A_2] : memref<7x8192xf32, #tpu.memory_space<hbm>> -> memref<7x256xf32, #tpu.memory_space<hbm>>
      tpu.wait_dma2 semaphore(%run_scoped3A : memref<!tpu.dma_semaphore, #tpu.memory_space<semaphore_mem>>) src(%arg5 : memref<7x256xf32, #tpu.memory_space<vmem>>) dst(%dma_wait3A_4412 : memref<7x256xf32, #tpu.memory_space<hbm>>)
      tpu.yield
    }) : () -> ()
    return
  }
}

module attributes {stable_mosaic.version = 14 : i64} {
  func.func @_proj_kernel(%arg0: i32, %arg1: memref<512x4096xf32, #tpu.memory_space<vmem>>, %arg2: memref<6x4096xf32, #tpu.memory_space<vmem>>, %arg3: memref<7x6xf32, #tpu.memory_space<vmem>>, %arg4: memref<1xf32, #tpu.memory_space<smem>>, %arg5: memref<7x512xf32, #tpu.memory_space<vmem>>, %arg6: memref<6x512xf32, #tpu.memory_space<vmem>>) attributes {dimension_semantics = [#tpu.dimension_semantics<arbitrary>], iteration_bounds = array<i64: 16>, scalar_prefetch = 0 : i64, scratch_operands = 0 : i64, tpu.core_type = #tpu.core_type<tc>, window_params = [{transform_indices = @transform_0, window_bounds = array<i64: 512, 4096>}, {pipeline_mode = #tpu.pipeline_mode<synchronous>, transform_indices = @transform_1, window_bounds = array<i64: 6, 4096>}, {pipeline_mode = #tpu.pipeline_mode<synchronous>, transform_indices = @transform_2, window_bounds = array<i64: 7, 6>}, {transform_indices = @transform_3, window_bounds = array<i64: 1>}, {transform_indices = @transform_4, window_bounds = array<i64: 7, 512>}, {transform_indices = @transform_5, window_bounds = array<i64: 6, 512>}]} {
    %get3A = arith.constant 0 : index
    %get3A_0 = arith.constant 0 : index
    %get3A_1 = vector.load %arg1[%get3A, %get3A_0] : memref<512x4096xf32, #tpu.memory_space<vmem>>, vector<512x4096xf32>
    %get3A_2 = arith.constant 0 : index
    %get3A_3 = arith.constant 0 : index
    %get3A_4 = vector.load %arg2[%get3A_2, %get3A_3] : memref<6x4096xf32, #tpu.memory_space<vmem>>, vector<6x4096xf32>
    %get3A_5 = arith.constant 0 : index
    %get3A_6 = arith.constant 0 : index
    %get3A_7 = vector.load %arg3[%get3A_5, %get3A_6] : memref<7x6xf32, #tpu.memory_space<vmem>>, vector<7x6xf32>
    %get3A_8 = arith.constant 0 : index
    %get3A_9 = memref.load %arg4[%get3A_8] : memref<1xf32, #tpu.memory_space<smem>>
    %max3A = arith.constant 1.000000e-01 : f32
    %max3A_10 = arith.maximumf %get3A_9, %max3A : f32
    %mul3A = arith.constant 2.000000e+00 : f32
    %mul3A_11 = arith.mulf %mul3A, %max3A_10 : f32
    %div3A = arith.constant 1.000000e+00 : f32
    %div3A_12 = arith.divf %div3A, %mul3A_11 : f32
    %dot_general3A = arith.constant dense<0.000000e+00> : vector<6x512xf32>
    %dot_general3A_13 = tpu.matmul %get3A_4, %get3A_1, %dot_general3A {dimension_numbers = #tpu.dot_dimension_numbers<[1], [1], [0], [0], [0, 0, 1, 0], [], []>, transpose_lhs_hint = false} : vector<6x4096xf32>, vector<512x4096xf32>, vector<6x512xf32> -> vector<6x512xf32>
    %reduce_sum3A = arith.constant dense<0.000000e+00> : vector<512xf32>
    %reduce_sum3A_14 = vector.multi_reduction <add>, %dot_general3A_13, %reduce_sum3A [0] : vector<6x512xf32> to vector<512xf32>
    %broadcast_in_dim3A = vector.shape_cast %reduce_sum3A_14 : vector<512xf32> to vector<1x512xf32>
    %div3A_15 = arith.constant 6.000000e+00 : f32
    %div3A_16 = vector.broadcast %div3A_15 : f32 to vector<1x512xf32>
    %div3A_17 = arith.divf %broadcast_in_dim3A, %div3A_16 : vector<1x512xf32>
    %sub3A = vector.broadcast %div3A_17 : vector<1x512xf32> to vector<6x512xf32>
    %sub3A_18 = arith.subf %dot_general3A_13, %sub3A : vector<6x512xf32>
    %sub3A_19 = vector.broadcast %div3A_17 : vector<1x512xf32> to vector<6x512xf32>
    %sub3A_20 = arith.subf %dot_general3A_13, %sub3A_19 : vector<6x512xf32>
    %mul3A_21 = arith.mulf %sub3A_18, %sub3A_20 : vector<6x512xf32>
    %reduce_sum3A_22 = arith.constant dense<0.000000e+00> : vector<512xf32>
    %reduce_sum3A_23 = vector.multi_reduction <add>, %mul3A_21, %reduce_sum3A_22 [0] : vector<6x512xf32> to vector<512xf32>
    %broadcast_in_dim3A_24 = vector.shape_cast %reduce_sum3A_23 : vector<512xf32> to vector<1x512xf32>
    %div3A_25 = arith.constant 6.000000e+00 : f32
    %div3A_26 = vector.broadcast %div3A_25 : f32 to vector<1x512xf32>
    %div3A_27 = arith.divf %broadcast_in_dim3A_24, %div3A_26 : vector<1x512xf32>
    %sqrt3A = math.sqrt %div3A_27 : vector<1x512xf32>
    %add3A = arith.constant 9.99999997E-7 : f32
    %add3A_28 = vector.broadcast %add3A : f32 to vector<1x512xf32>
    %add3A_29 = arith.addf %sqrt3A, %add3A_28 : vector<1x512xf32>
    %mul3A_30 = arith.constant 3.000000e-01 : f32
    %mul3A_31 = vector.broadcast %mul3A_30 : f32 to vector<1x512xf32>
    %mul3A_32 = arith.mulf %mul3A_31, %add3A_29 : vector<1x512xf32>
    %div3A_33 = vector.broadcast %mul3A_32 : vector<1x512xf32> to vector<6x512xf32>
    %div3A_34 = arith.divf %dot_general3A_13, %div3A_33 : vector<6x512xf32>
    %tanh3A = math.tanh %div3A_34 : vector<6x512xf32>
    %swap3A = arith.constant 0 : index
    %swap3A_35 = arith.constant 0 : index
    %swap3A_36 = vector.load %arg6[%swap3A, %swap3A_35] : memref<6x512xf32, #tpu.memory_space<vmem>>, vector<6x512xf32>
    tpu.vector_store %arg6[%swap3A, %swap3A_35], %tanh3A {strides = array<i32>} : memref<6x512xf32, #tpu.memory_space<vmem>>, vector<6x512xf32>,
    %dot_general3A_37 = arith.constant dense<0.000000e+00> : vector<7x512xf32>
    %dot_general3A_38 = tpu.matmul %get3A_7, %tanh3A, %dot_general3A_37 {dimension_numbers = #tpu.dot_dimension_numbers<[1], [0], [0], [1], [0, 0, 1, 1], [], []>, transpose_lhs_hint = false} : vector<7x6xf32>, vector<6x512xf32>, vector<7x512xf32> -> vector<7x512xf32>
    %sub3A_39 = arith.constant 6.000000e+00 : f32
    %sub3A_40 = vector.broadcast %sub3A_39 : f32 to vector<7x512xf32>
    %sub3A_41 = arith.subf %dot_general3A_38, %sub3A_40 : vector<7x512xf32>
    %mul3A_42 = vector.broadcast %div3A_12 : f32 to vector<7x512xf32>
    %mul3A_43 = arith.mulf %sub3A_41, %mul3A_42 : vector<7x512xf32>
    %swap3A_44 = arith.constant 0 : index
    %swap3A_45 = arith.constant 0 : index
    %swap3A_46 = vector.load %arg5[%swap3A_44, %swap3A_45] : memref<7x512xf32, #tpu.memory_space<vmem>>, vector<7x512xf32>
    tpu.vector_store %arg5[%swap3A_44, %swap3A_45], %mul3A_43 {strides = array<i32>} : memref<7x512xf32, #tpu.memory_space<vmem>>, vector<7x512xf32>,
    return
  }
  func.func @transform_0(%arg0: i32) -> (i32, i32) {
    %c0_i32 = arith.constant 0 : i32
    %c0_i32_0 = arith.constant 0 : i32
    return %arg0, %c0_i32 : i32, i32
  }
  func.func @transform_1(%arg0: i32) -> (i32, i32) {
    %c0_i32 = arith.constant 0 : i32
    %c0_i32_0 = arith.constant 0 : i32
    %c0_i32_1 = arith.constant 0 : i32
    return %c0_i32, %c0_i32_0 : i32, i32
  }
  func.func @transform_2(%arg0: i32) -> (i32, i32) {
    %c0_i32 = arith.constant 0 : i32
    %c0_i32_0 = arith.constant 0 : i32
    %c0_i32_1 = arith.constant 0 : i32
    return %c0_i32, %c0_i32_0 : i32, i32
  }
  func.func @transform_3(%arg0: i32) -> i32 {
    %c0_i32 = arith.constant 0 : i32
    %c0_i32_0 = arith.constant 0 : i32
    return %c0_i32 : i32
  }
  func.func @transform_4(%arg0: i32) -> (i32, i32) {
    %c0_i32 = arith.constant 0 : i32
    %c0_i32_0 = arith.constant 0 : i32
    return %c0_i32, %arg0 : i32, i32
  }
  func.func @transform_5(%arg0: i32) -> (i32, i32) {
    %c0_i32 = arith.constant 0 : i32
    %c0_i32_0 = arith.constant 0 : i32
    return %c0_i32, %arg0 : i32, i32
  }
}

</mosaic_0001>

<sc_bundles>
// kernel: kernel.4.cloned.1.call-start
scs
__scs_entry_jumppad:
0x0: {  	(pc) =	sbr.rel $0x88, $3  }
0x1: {  	(tag) =	ssettag $0x0;
	lr =	simm.s32 $0x1  }
0x2: {  	[smem:$0x3F9D] =	sst lr;
	_ =	strace $0xD0000000  }
0x3: {  	_ = 	snop  }
0x4: {  	_ = 	snop  }
0x5: {  	_ = 	snop  }
0x6: {  	_ = 	snop  }
0x7: {  	_ = 	snop  }
__scs_overlays_trampoline_lowered:
0x8: {  	[smem:$0x3FAC] =	sst s0  }
0x9: {  	[smem:$0x3FAD] =	sst s1  }
0xa: {  	[smem:$0x3FAE] =	sst s2  }
0xb: {  	[smem:$0x3FAF] =	sst s3  }
0xc: {  	[smem:$0x3FB0] =	sst s4  }
0xd: {  	[smem:$0x3FB1] =	sst s5  }
0xe: {  	[smem:$0x3FB2] =	sst s6  }
0xf: {  	[smem:$0x3FB3] =	sst s7  }
0x10: {  	[smem:$0x3FB4] =	sst s8  }
0x11: {  	[smem:$0x3FB5] =	sst s9;
	s0 =	simm.s32 @!p0 $0x0  }
0x12: {  	s1 =	sld [smem:$0x3F9B];
	s0 =	simm.s32 @p0 $0x1  }
0x13: {  	[smem:$0x3FB6] =	sst s0;
	s0 =	simm.s32 @!p1 $0x0  }
0x14: {  	s2 =	sld [smem:$0x3F9A];
	s0 =	simm.s32 @p1 $0x1  }
0x15: {  	[smem:$0x3FB7] =	sst s0;
	s0 =	simm.s32 @!p2 $0x0  }
0x16: {  	s3 =	sld [smem:$0x3FDB];
	s0 =	simm.s32 @p2 $0x1  }
0x17: {  	s4 =	simm.s32 $0x1BF5;
	[smem:$0x3FB9] =	sst s0  }
0x18: {  	s0 =	sld [smem:$0x3F9C];
	_ =	swait.ge [sflag:s4], $0x0  }
0x19: {  	s7 =	sld [smem:$0x3F9D]  }
0x1a: {  	s8 =	sadd.s32 $0xFFFFE003, lr  }
0x1b: {  	s9 =	sadd.s32 $0xFFFFFEF7, lr;
	s5 =	simm.s32 $0xFFFFFFFF;
	p2 =	slt.u32 s8, $0xFFFFF086  }
0x1c: {  	p1 =	slt.u32 s9, $0xF7A;
	s5 =	simm.s32 @!p2 $0x0  }
0x1d: {  	s5 =	simm.s32 @p1 $0x1;
	p0 =	seq.s32 s7, s2  }
0x1e: {  	s7 =	smul.u32 @!p0 $0xF7A, s2;
	p2 =	seq.s32 @!p0 s5, $0x0  }
0x1f: {  	s9 =	smul.u32 $0xF7A, s1;
	s8 =	simm.s32 @!p0 $0x1BF5;
	p2 =	por !p2, p0  }
0x20: {  	[sflag:s8] =	ssyncset.s32 @!p0 $0xFFFFF086;
	s6 =	sadd.s32 @!p0 s3, s7;
	s7 =	simm.s32 @!p0 $0x108  }
0x21: {  	s3 =	sadd.s32 s3, s9;
	s6 =	sadd.s32 @!p0 $0x88, s6;
	s7 =	simm.s32 @p2 $0x1082  }
0x22: {  	[simem:s7], [sflag:s8] =	dma.local @!p0 [hbm:s6], $0xF7A  }
0x23: {  	s9 =	sor.u32 $0xD0000000, s2;
	s6 =	simm.s32 $0x108;
	_ =	swait.ge @!p0 [sflag:s8], $0x0  }
0x24: {  	s3 =	sadd.s32 $0x88, s3;
	s6 =	simm.s32 @!p1 $0x1082;
	[sflag:s4] =	ssyncset.s32 $0xFFFFF086  }
0x25: {  	[simem:s6], [sflag:s4] =	dma.local [hbm:s3], $0xF7A  }
0x26: {  	[smem:$0x3F9D] =	sst s1;
	(tag) =	ssettag s2;
	_ =	strace s9  }
0x27: {  	s1 =	sld [smem:$0x3FAD]  }
0x28: {  	s2 =	sld [smem:$0x3FAE]  }
0x29: {  	s4 =	sld [smem:$0x3FB0]  }
0x2a: {  	p0 =	seq.s32 s5, $0x0;
	s5 =	sld [smem:$0x3FB1]  }
0x2b: {  	s6 =	sld [smem:$0x3FB2]  }
0x2c: {  	s7 =	sld [smem:$0x3FB3]  }
0x2d: {  	s3 =	simm.s32 $0x108;
	s8 =	sld [smem:$0x3FB4]  }
0x2e: {  	s3 =	simm.s32 @!p0 $0x1082;
	s9 =	sld [smem:$0x3FB5]  }
0x2f: {  	lr =	sadd.s32 s0, s3;
	s0 =	sld [smem:$0x3FAC]  }
0x30: {  	s3 =	sld [smem:$0x3FAF]  }
0x31: {  	[smem:$0x3FB8] =	sst s10  }
0x32: {  	s10 =	sld [smem:$0x3FB6];
	_ =	sdelay $0x3  }
0x33: {  	p0 =	seq.s32 s10, $0x1;
	s10 =	sld [smem:$0x3FB8];
	_ =	sdelay $0x3  }
0x34: {  	[smem:$0x3FB8] =	sst s10  }
0x35: {  	s10 =	sld [smem:$0x3FB7];
	_ =	sdelay $0x3  }
0x36: {  	p1 =	seq.s32 s10, $0x1;
	s10 =	sld [smem:$0x3FB8];
	_ =	sdelay $0x3  }
0x37: {  	[smem:$0x3FB8] =	sst s10  }
0x38: {  	s10 =	sld [smem:$0x3FB9]  }
0x39: {  	_ = 	snop;
	(pc) =	sbr.ind lr, $3  }
0x3a: {  	_ = 	snop  }
0x3b: {  	_ = 	snop  }
0x3c: {  	p2 =	seq.s32 s10, $0x1;
	s10 =	sld [smem:$0x3FB8]  }
0x3d: {  	_ =	shalt  }
0x3e: {  	_ =	shalt  }
0x3f: {  	_ =	shalt  }
0x40: {  	_ =	shalt  }
0x41: {  	_ =	shalt  }
0x42: {  	_ =	shalt  }
0x43: {  	_ =	shalt  }
0x44: {  	_ =	shalt  }
0x45: {  	_ =	shalt  }
0x46: {  	_ =	shalt  }
0x47: {  	_ =	shalt  }
0x48: {  	_ =	shalt  }
0x49: {  	_ =	shalt  }
0x4a: {  	_ =	shalt  }
0x4b: {  	_ =	shalt  }
0x4c: {  	_ =	shalt  }
0x4d: {  	_ =	shalt  }
0x4e: {  	_ =	shalt  }
0x4f: {  	_ =	shalt  }
0x50: {  	_ =	shalt  }
0x51: {  	_ =	shalt  }
0x52: {  	_ =	shalt  }
0x53: {  	_ =	shalt  }
0x54: {  	_ =	shalt  }
0x55: {  	_ =	shalt  }
0x56: {  	_ =	shalt  }
0x57: {  	_ =	shalt  }
0x58: {  	_ =	shalt  }
0x59: {  	_ =	shalt  }
0x5a: {  	_ =	shalt  }
0x5b: {  	_ =	shalt  }
0x5c: {  	_ =	shalt  }
0x5d: {  	_ =	shalt  }
0x5e: {  	_ =	shalt  }
0x5f: {  	_ =	shalt  }
0x60: {  	_ =	shalt  }
0x61: {  	_ =	shalt  }
0x62: {  	_ =	shalt  }
0x63: {  	_ =	shalt  }
0x64: {  	_ =	shalt  }
0x65: {  	_ =	shalt  }
0x66: {  	_ =	shalt  }
0x67: {  	_ =	shalt  }
0x68: {  	_ =	shalt  }
0x69: {  	_ =	shalt  }
0x6a: {  	_ =	shalt  }
0x6b: {  	_ =	shalt  }
0x6c: {  	_ =	shalt  }
0x6d: {  	_ =	shalt  }
0x6e: {  	_ =	shalt  }
0x6f: {  	_ =	shalt  }
0x70: {  	_ =	shalt  }
0x71: {  	_ =	shalt  }
0x72: {  	_ =	shalt  }
0x73: {  	_ =	shalt  }
0x74: {  	_ =	shalt  }
0x75: {  	_ =	shalt  }
0x76: {  	_ =	shalt  }
0x77: {  	_ =	shalt  }
0x78: {  	_ =	shalt  }
0x79: {  	_ =	shalt  }
0x7a: {  	_ =	shalt  }
0x7b: {  	_ =	shalt  }
0x7c: {  	_ =	shalt  }
0x7d: {  	_ =	shalt  }
0x7e: {  	_ =	shalt  }
0x7f: {  	_ =	shalt  }
0x80: {  	_ =	shalt  }
0x81: {  	_ =	shalt  }
0x82: {  	_ =	shalt  }
0x83: {  	_ =	shalt  }
0x84: {  	_ =	shalt  }
0x85: {  	_ =	shalt  }
0x86: {  	_ =	shalt  }
0x87: {  	_ =	shalt  }
.Lfunc_end0:
.L_simem_size_0:
called_computation_lowered:
.L_overlay_start_0:
0x88: {  	s2 =	sld [smem:$0x3FD9]  }
0x89: {  	s3 =	sld [smem:$0x3FFE];
	_ =	sdelay $0x1  }
0x8a: {  	s1 =	srdreg.scid  }
0x8b: {  	s0 =	sand.u32 $0x1, s1  }
0x8c: {  	s16 =	sshll.u32 s0, $0xA;
	s2 =	sadd.s32 s3, s2  }
0x8d: {  	s2 =	sadd.s32 s2, s16  }
0x8e: {  	[smem:$0x3FC4] =	sst s2  }
0x8f: {  	_ = 	snop  }
0x90: {  	(tm) =	ssettm $0x1  }
0x91: {  	s17 =	sld [smem:$0x3FFB];
	_ =	sdelay $0x3  }
0x92: {  	_ =	strace s17  }
0x93: {  	s2 =	sld [smem:$0x3FFC];
	_ =	sdelay $0x3  }
0x94: {  	_ =	strace s2  }
0x95: {  	s2 =	sld [smem:$0x3FFD];
	_ =	sdelay $0x3  }
0x96: {  	_ =	strace s2  }
0x97: {  	_ =	strace $0x8FFFFFFF  }
0x98: {  	s18 =	sld [smem:$0x3FDB];
	_ =	sdelay $0x1  }
0x99: {  	s19 =	simm.s32 $_scs_section_size  }
0x9a: {  	s4 =	simm.s32 $_size__tile_overlayer_lowered;
	s5 =	simm.s32 $_tile_overlayer_lowered  }
0x9b: {  	s22 =	simm.s32 $0x1BFF;
	s21 =	sshll.u32 s5, $0x1;
	s2 =	sadd.s32 s19, s18  }
0x9c: {  	s6 =	simm.s32 $0x0;
	s20 =	sshll.u32 s4, $0x1;
	s4 =	sadd.s32 s21, s2  }
0x9d: {  	[timem:s6], [sflag:s22] =	dma.local [hbm:s4], s20  }
0x9e: {  	_ =	swait.ge [sflag:s22], s20  }
0x9f: {  	s3 =	ssub.s32 $0x0, s20;
	[sflag:s22] =	ssyncset.done $0x0  }
0xa0: {  	[sflag:s22] =	ssyncadd.s32 s3;
	_ =	sdelay $0x1  }
0xa1: {  	s23 =	simm.s32 $0x1B8B  }
0xa2: {  	_ =	swait.ge [sflag:s23], $0x1  }
0xa3: {  	[sflag:s23] =	ssyncset.done $0x0  }
0xa4: {  	s25 =	simm.s32 $0x1B8E;
	s24 =	sld [smem:$0x3FFE];
	[sflag:s23] =	ssyncadd.s32 $0xFFFFFFFF  }
0xa5: {  	s26 =	simm.s32 $execute0_lowered;
	[smem:$0x3FD2] =	sst s25  }
0xa6: {  	s4 =	sshll.u32 s26, $0x1;
	_ =	strace $0x80000046;
	[dreg:$0x1] =	wrdreg $0xFFFFFFFF  }
0xa7: {  	s28 =	simm.s32 $_size_execute0_lowered;
	s2 =	sadd.s32 s2, s4;
	[dreg:$0x0] =	wrdreg $0x0  }
0xa8: {  	s4 =	sshll.u32 s28, $0x1;
	[dreg:$0x2] =	wrdreg s2  }
0xa9: {  	[dreg:$0x3] =	wrdreg s4  }
0xaa: {  	[dreg:$0x4] =	wrdreg $0xC0  }
0xab: {  	_ =	task [dreg:s6], $0x5FFFF  }
0xac: {  	[dreg:$0x1] =	wrdreg $0xFFFFFFFF  }
0xad: {  	[dreg:$0x0] =	wrdreg $0x60  }
0xae: {  	[dreg:$0x2] =	wrdreg s24  }
0xaf: {  	[dreg:$0x3] =	wrdreg $0x9  }
0xb0: {  	_ =	task.clear_ibuf [dreg:s6], $0x4FFFF;
	_ =	strace $0x90000046  }
0xb1: {  	s29 =	simm.s32 $0x9;
	_ =	strace $0x80000048  }
0xb2: {  	_ =	swait.ge [sflag:s29], $0x1  }
0xb3: {  	[sflag:s29] =	ssyncadd.s32 $0xFFFFFFFF  }
0xb4: {  	_ =	strace $0x90000048  }
0xb5: {  	_ =	sfence  }
0xb6: {  	s30 =	sld [smem:$0x0];
	_ =	sdelay $0x2  }
0xb7: {  	s31 =	sshll.u32 s1, $0xD;
	s1 =	sshrl.u32 s1, $0x2  }
0xb8: {  	s3 =	sand.u32 $0x4000, s31;
	s1 =	sadd.s32 s1, s30  }
0xb9: {  	s0 =	sor.u32 s3, s0;
	s1 =	sshll.u32 s1, $0x11  }
0xba: {  	s0 =	sor.u32 s1, s0  }
0xbb: {  	s0 =	sadd.s32 $0x8F2B, s0  }
0xbc: {  	[sflag:s0] =	ssyncadd.remote.s32 $0x1  }
0xbd: {  	_ =	sfence.sel $0xFFFF  }
0xbe: {  	[dreg:$0x0] =	wrdreg $0xFFFFFFFF;
	(pc) =	sbr.abs _section_cstart, $3  }
0xbf: {  	[dreg:$0x1] =	wrdreg $0xFFFFFFFF  }
0xc0: {  	_ =	task.clear_ibuf [dreg:s6], $0x2FFFF;
	_ =	strace $0x9FFFFFFF  }
0xc1: {  	(tm) =	ssettm $0x7FFFFFFF  }
tec
execute0_lowered:
.L_overlay_start_1:
0x0: {  	(tag) =	ssettag $0x1  }
0x1: {  	s3 =	rddreg [dreg:$0x0];
	s2 =	srdreg.scid  }
0x2: {  	s0 =	rddreg [dreg:$0x1];
	s1 =	stileid.u32;
	s7 =	simm.s32 $0x800  }
0x3: {  	s4 =	sand.u32 $0x1, s2;
	s2 =	simm.s32 $0x0;
	s5 =	sshll.u32 s1, $0x9  }
0x4: {  	s6 =	sshll.u32 s4, $0x8;
	[smem:$0x7FF] =	sst s2;
	s4 =	ssub.s32 $0x2, s4  }
0x5: {  	s5 =	sor.u32 s6, s5;
	_ =	strace $0x80000047;
	s30 =	sshrl.u32 s4, $0x1  }
0x6: {  	s6 =	simm.s32 $0x1;
	s5 =	sadd.s32 s5, s3;
	s31 =	ssub.s32 s4, s30  }
0x7: {  	v45 =	vimm.s32 $0x0;
	v61 =	vimm.s32 $0x7;
	s3 =	sadd.s32 $0xC00, s5;
	s4 =	sadd.s32 $0x2C00, s5;
	s5 =	smax.u32 s31, $0x1  }
.LBB2_1:
0x8: {  	[tilespmem:s2], [sflag:$0x1] =	stream.linear.gather [hbm4b:s3+s2], $0x800, $0x38;
	[tilespmem:$0x1000] =	vst v63  }
0x9: {  	_ =	swait.ge [sflag:s6], $0x800  }
0xa: {  	[sflag:s6] =	ssyncset.done $0x0  }
0xb: {  	[sflag:s6] =	ssyncadd.s32 $0xFFFFF800  }
0xc: {  	v2 =	vld [tilespmem:$0x0]  }
0xd: {  	v3 =	vld [tilespmem:$0x80];
	_ =	sdelay $0x1  }
0xe: {  	v4 =	vld [tilespmem:$0x100];
	_ =	sdelay $0x1  }
0xf: {  	v5 =	vld [tilespmem:$0x180]  }
0x10: {  	vm0 =	vgt.f32 v3, v2  }
0x11: {  	v6 =	vld [tilespmem:$0x200];
	v0 =	vsel vm0, v3, v2  }
0x12: {  	vm1 =	vgt.f32 v4, v0  }
0x13: {  	v7 =	vld [tilespmem:$0x280];
	v0 =	vsel vm1, v4, v0  }
0x14: {  	vm2 =	vgt.f32 v5, v0  }
0x15: {  	v8 =	vld [tilespmem:$0x300];
	v0 =	vsel vm2, v5, v0  }
0x16: {  	vm3 =	vgt.f32 v6, v0  }
0x17: {  	v9 =	vsel vm0, $0x1, v45;
	v0 =	vsel vm3, v6, v0  }
0x18: {  	v9 =	vsel vm1, $0x2, v9;
	vm0 =	vgt.f32 v7, v0  }
0x19: {  	v9 =	vsel vm2, $0x3, v9;
	v11 =	vsel vm0, v7, v0  }
0x1a: {  	v41 =	vsel vm3, $0x4, v9;
	vm7 =	vgt.f32 v8, v11  }
0x1b: {  	v0 =	vsel vm0, $0x5, v41;
	vm3 =	vmneg vm7  }
0x1c: {  	v0 =	vnsel vm3, $0x6, v0  }
0x1d: {  	vm9 =	vgt.f32 v2, $-1.000000020e+30;
	vm8 =	vne.s32 v0, $0x0  }
0x1e: {  	vm4 =	vmand vm9, vm8  }
0x1f: {  	v2 =	vnsel vm4, $0xF149F2CA, v2  }
0x20: {  	vm10 =	vne.s32 v0, $0x1;
	vm11 =	vgt.f32 v3, v2  }
0x21: {  	vm8 =	vmand vm10, vm11  }
0x22: {  	v2 =	vsel vm8, v3, v2  }
0x23: {  	vm12 =	vne.s32 v0, $0x2;
	vm13 =	vgt.f32 v4, v2  }
0x24: {  	vm9 =	vmand vm12, vm13  }
0x25: {  	v2 =	vsel vm9, v4, v2  }
0x26: {  	vm14 =	vne.s32 v0, $0x3;
	vm15 =	vgt.f32 v5, v2  }
0x27: {  	vm10 =	vmand vm14, vm15  }
0x28: {  	v2 =	vsel vm10, v5, v2  }
0x29: {  	vm5 =	vne.s32 v0, $0x4;
	vm6 =	vgt.f32 v6, v2  }
0x2a: {  	vm11 =	vmand vm5, vm6  }
0x2b: {  	v2 =	vsel vm11, v6, v2  }
0x2c: {  	vm7 =	vgt.f32 v7, v2  }
0x2d: {  	vm12 =	vmand vm0, vm3;
	vm13 =	vmneg vm7  }
0x2e: {  	vm6 =	vmor vm12, vm13  }
0x2f: {  	v2 =	vsel vm6, v2, v7  }
0x30: {  	vm14 =	vgt.f32 v8, v2  }
0x31: {  	v44 =	vld [tilespmem:$0x10];
	vm0 =	vmand vm3, vm14  }
0x32: {  	v46 =	vld [tilespmem:$0x90];
	v42 =	vsel vm3, v11, v8;
	v2 =	vsel vm0, v8, v2  }
0x33: {  	v2 =	vsub.f32 v2, v42  }
0x34: {  	v47 =	vld [tilespmem:$0x110]  }
0x35: {  	v2 =	vmul.f32 $1.442695020e+00, v2  }
0x36: {  	v48 =	vld [tilespmem:$0x190]  }
0x37: {  	vm2 =	vgt.f32 v46, v44;
	(erf) = vpow2.f32 v2  }
0x38: {  	v49 =	vld [tilespmem:$0x210];
	v50 =	vsel vm2, v46, v44  }
0x39: {  	v51 =	vld [tilespmem:$0x290];
	vm5 =	vgt.f32 v47, v50  }
0x3a: {  	v1 =	vimm.s32 $0x0;
	v56 =	vld [tilespmem:$0x20];
	v3 =	vsel vm5, v47, v50  }
0x3b: {  	v16 =	vld [tilespmem:$0xA0];
	v1 =	vsel vm12, $0xFFFFFFFF, v1;
	vm12 =	vgt.f32 v48, v3  }
0x3c: {  	v43 =	vimm.s32 $0x0;
	v19 =	vimm.s32 $0x0;
	v52 =	vld [tilespmem:$0x310];
	v3 =	vsel vm12, v48, v3  }
0x3d: {  	v35 =	vimm.s32 $0x0;
	v21 =	vimm.s32 $0x0;
	vm13 =	vgt.f32 v49, v3  }
0x3e: {  	v53 =	vsel vm2, $0x1, v45;
	vm2 =	vgt.f32 v44, $-1.000000020e+30;
	v3 =	vsel vm13, v49, v3  }
0x3f: {  	v55 =	vsel vm4, $0x0, v61;
	v11 =	vsel vm5, $0x2, v53;
	vm7 =	vgt.f32 v51, v3  }
0x40: {  	vm4 =	vgt.f32 v16, v56;
	v11 =	vsel vm12, $0x3, v11;
	v14 =	vsel vm7, v51, v3;
	v12 =	vpop (erf)  }
0x41: {  	v54 =	vsel vm13, $0x4, v11;
	vm15 =	vgt.f32 v52, v14;
	v13 =	vadd.f32 $1.000000000e+00, v12  }
0x42: {  	v11 =	vsel vm8, $0x1, v55;
	v3 =	vsel vm7, $0x5, v54;
	vm1 =	vmneg vm15  }
0x43: {  	v11 =	vsel vm9, $0x2, v11;
	v3 =	vnsel vm1, $0x6, v3;
	(erf) = vrcp.f32 v13  }
0x44: {  	v60 =	vsel vm4, v16, v56;
	v11 =	vsel vm10, $0x3, v11;
	vm5 =	vne.s32 v3, $0x0  }
0x45: {  	vm14 =	veq.s32 v0, $0x0;
	v11 =	vsel vm11, $0x4, v11;
	vm5 =	vmand vm2, vm5  }
0x46: {  	[tilespmem:$0x1F560] =	vst v1;
	v1 =	vsel vm0, $0xFFFFFFFF, v43;
	v57 =	vnsel vm6, $0x5, v11;
	v4 =	vnsel vm5, $0xF149F2CA, v44  }
0x47: {  	v11 =	vsel vm0, $0x6, v57;
	vm15 =	vne.s32 v3, $0x1;
	vm2 =	vgt.f32 v46, v4  }
0x48: {  	v62 =	vsel vm1, v14, v52;
	vm12 =	vne.s32 v3, $0x2;
	vm9 =	vmand vm15, vm2  }
0x49: {  	v17 =	vld [tilespmem:$0x120];
	vm8 =	vne.s32 v3, $0x4;
	v44 =	vimm.s32 $0x0;
	v15 =	vsel vm9, v46, v4  }
0x4a: {  	v54 =	vsel vm5, $0x0, v61;
	vm15 =	vne.s32 v3, $0x3;
	vm13 =	vgt.f32 v47, v15  }
0x4b: {  	vm2 =	veq.s32 v11, $0x0;
	v9 =	vsel vm9, $0x1, v54;
	vm10 =	vmand vm12, vm13  }
0x4c: {  	v46 =	vsel vm4, $0x1, v45;
	v6 =	vsel vm10, v47, v15;
	v9 =	vsel vm10, $0x2, v9;
	v5 =	vpop (erf)  }
0x4d: {  	v58 =	vld [tilespmem:$0x1A0];
	[tilespmem:$0x1F570] =	vst v1;
	vm0 =	vgt.f32 v48, v6;
	v4 =	vmul.f32 v5, v12;
	v1 =	vnsel vm14, $0x0, v5  }
0x4e: {  	vm14 =	vmand vm15, vm0;
	vm15 =	vgt.f32 v17, v60;
	v42 =	vsel vm3, $0x0, v5  }
0x4f: {  	vm3 =	veq.s32 v3, $0x0;
	v2 =	vsel vm14, v48, v6;
	v15 =	vsel vm15, v17, v60  }
0x50: {  	v59 =	vld [tilespmem:$0x220];
	v47 =	vsel vm15, $0x2, v46;
	v48 =	vimm.s32 $0x0;
	v9 =	vsel vm14, $0x3, v9  }
0x51: {  	v10 =	vnsel vm2, $0x0, v4;
	vm0 =	vgt.f32 v49, v2;
	vm2 =	veq.s32 v0, $0x1  }
0x52: {  	vm11 =	vgt.f32 v58, v15;
	vm12 =	vmand vm8, vm0;
	v27 =	vnsel vm2, $0x0, v5  }
0x53: {  	v18 =	vld [tilespmem:$0x2A0];
	vm0 =	vmmov vm1;
	v15 =	vsel vm11, v58, v15;
	vm1 =	vmand vm7, vm1  }
0x54: {  	v8 =	vsel vm11, $0x3, v47;
	vm11 =	veq.s32 v0, $0x2;
	v2 =	vsel vm12, v49, v2  }
0x55: {  	v63 =	vld [tilespmem:$0x320];
	vm2 =	vmmov vm0;
	v19 =	vsel vm0, $0xFFFFFFFF, v19;
	vm0 =	vgt.f32 v59, v15  }
0x56: {  	v28 =	vnsel vm11, $0x0, v5;
	vm11 =	veq.s32 v11, $0x2;
	v9 =	vsel vm12, $0x4, v9  }
0x57: {  	vm13 =	vgt.f32 v51, v2;
	[tilespmem:$0x1F5A0] =	vst v19;
	v19 =	vsel vm1, $0xFFFFFFFF, v44;
	v15 =	vsel vm0, v59, v15  }
0x58: {  	v8 =	vsel vm0, $0x4, v8;
	vm13 =	vmneg vm13;
	vm8 =	vgt.f32 v18, v15  }
0x59: {  	vm0 =	vgt.f32 v56, $-1.000000020e+30;
	vm13 =	vmor vm1, vm13;
	v15 =	vsel vm8, v18, v15  }
0x5a: {  	v29 =	vnsel vm11, $0x0, v4;
	v2 =	vsel vm13, v2, v51;
	vm4 =	vgt.f32 v63, v15  }
0x5b: {  	v8 =	vsel vm8, $0x5, v8;
	vm1 =	vgt.f32 v52, v2;
	vm4 =	vmneg vm4  }
0x5c: {  	vm7 =	vmand vm2, vm1;
	vm1 =	veq.s32 v11, $0x1;
	vm12 =	vmand vm8, vm4  }
0x5d: {  	v15 =	vsel vm4, v15, v63;
	v2 =	vsel vm7, v52, v2;
	v31 =	vnsel vm1, $0x0, v4  }
0x5e: {  	[tilespmem:$0x1F590] =	vst v19;
	v19 =	vsel vm12, $0xFFFFFFFF, v35;
	v7 =	vsub.f32 v2, v62;
	v2 =	vnsel vm4, $0x6, v8  }
0x5f: {  	v62 =	vimm.s32 $0x0;
	v31 =	vadd.f32 v31, v27;
	vm15 =	vne.s32 v2, $0x0  }
0x60: {  	vm11 =	vne.s32 v2, $0x1;
	vm1 =	vne.s32 v2, $0x2;
	vm2 =	vmand vm0, vm15  }
0x61: {  	v55 =	vld [tilespmem:$0x1F570];
	v7 =	vmul.f32 $1.442695020e+00, v7;
	vm15 =	veq.s32 v0, $0x3;
	v49 =	vnsel vm2, $0xF149F2CA, v56  }
0x62: {  	v53 =	vld [tilespmem:$0x1F560];
	vm0 =	veq.s32 v11, $0x3;
	v34 =	vnsel vm15, $0x0, v5;
	vm15 =	vgt.f32 v16, v49  }
0x63: {  	v8 =	vsel vm2, $0xFFFFFFFF, v48;
	(erf) = vpow2.f32 v7;
	vm15 =	vmand vm11, vm15  }
0x64: {  	v51 =	vld [tilespmem:$0x30];
	v37 =	vnsel vm0, $0x0, v4;
	vm11 =	veq.s32 v0, $0x4;
	v50 =	vsel vm15, v16, v49  }
0x65: {  	v52 =	vld [tilespmem:$0xB0];
	vm0 =	veq.s32 v11, $0x4;
	v38 =	vnsel vm11, $0x0, v5;
	vm11 =	vgt.f32 v17, v50  }
0x66: {  	vm2 =	vnez.u8 v55;
	v40 =	vnsel vm0, $0x0, v4;
	vm11 =	vmand vm1, vm11  }
0x67: {  	v56 =	vld [tilespmem:$0x130];
	vm0 =	vnez.u8 v53;
	v43 =	vnsel vm2, $0x0, v4;
	v0 =	vsel vm11, v17, v50  }
0x68: {  	v37 =	vadd.f32 v37, v34;
	vm1 =	vne.s32 v2, $0x3;
	vm9 =	vgt.f32 v58, v0  }
0x69: {  	v24 =	vld [tilespmem:$0x1B0];
	v39 =	vnsel vm0, $0x0, v5;
	vm0 =	vmor vm2, vm6;
	vm5 =	vmand vm1, vm9  }
0x6a: {  	v41 =	vsel vm0, $0x0, v4;
	vm0 =	vgt.f32 v52, v51;
	v0 =	vsel vm5, v58, v0  }
0x6b: {  	v26 =	vld [tilespmem:$0x230];
	v30 =	vsel vm0, v52, v51;
	vm9 =	vne.s32 v2, $0x4;
	vm10 =	vgt.f32 v59, v0  }
0x6c: {  	v20 =	vsel vm0, $0x1, v45;
	vm6 =	vgt.f32 v56, v30;
	v25 =	vpop (erf);
	vm1 =	vmand vm9, vm10  }
0x6d: {  	v33 =	vld [tilespmem:$0x2B0];
	v17 =	vsel vm6, v56, v30;
	v32 =	vadd.f32 $1.000000000e+00, v25;
	v0 =	vsel vm1, v59, v0  }
0x6e: {  	v38 =	vadd.f32 v40, v38;
	vm10 =	vgt.f32 v24, v17;
	vm9 =	vgt.f32 v18, v0  }
0x6f: {  	v36 =	vld [tilespmem:$0x330];
	v17 =	vsel vm10, v24, v17;
	(erf) = vrcp.f32 v32;
	vm14 =	vmneg vm9  }
0x70: {  	v20 =	vsel vm6, $0x2, v20;
	vm12 =	vmor vm12, vm14;
	vm14 =	vgt.f32 v26, v17  }
0x71: {  	v40 =	vadd.f32 v43, v42;
	v57 =	vsel vm10, $0x3, v20;
	v17 =	vsel vm14, v26, v17  }
0x72: {  	v59 =	vnsel vm13, $0x5, v9;
	v0 =	vsel vm12, v0, v18;
	vm0 =	vgt.f32 v33, v17  }
0x73: {  	v20 =	vimm.s32 $0x0;
	vm10 =	vgt.f32 v63, v0;
	v17 =	vsel vm0, v33, v17  }
0x74: {  	v18 =	vsel vm14, $0x4, v57;
	vm8 =	vmand vm4, vm10;
	vm14 =	vgt.f32 v36, v17  }
0x75: {  	v58 =	vsel vm0, $0x5, v18;
	v0 =	vsel vm8, v63, v0;
	vm10 =	vmneg vm14  }
0x76: {  	vm13 =	vmor vm7, vm13;
	v14 =	vsub.f32 v0, v15;
	v0 =	vnsel vm10, $0x6, v58  }
0x77: {  	v63 =	vsel vm7, $0x6, v59;
	vm14 =	vgt.f32 v51, $-1.000000020e+30;
	vm9 =	vne.s32 v0, $0x0  }
0x78: {  	vm6 =	veq.s32 v63, $0x0;
	v60 =	vmul.f32 $1.442695020e+00, v14;
	v18 =	vpop (erf);
	vm9 =	vmand vm14, vm9  }
0x79: {  	v12 =	vmul.f32 v18, v25;
	vm14 =	vne.s32 v0, $0x1;
	v44 =	vnsel vm3, $0x0, v18  }
0x7a: {  	vm3 =	veq.s32 v63, $0x2;
	v4 =	vsel vm9, $0xFFFFFFFF, v62;
	v7 =	vnsel vm9, $0xF149F2CA, v51  }
0x7b: {  	(erf) = vpow2.f32 v60;
	vm9 =	veq.s32 v3, $0x1;
	vm2 =	vgt.f32 v52, v7  }
0x7c: {  	v46 =	vnsel vm6, $0x0, v12;
	v47 =	vnsel vm9, $0x0, v18;
	v50 =	vnsel vm3, $0x0, v12  }
0x7d: {  	vm6 =	veq.s32 v63, $0x3;
	v57 =	vsel vm13, $0x0, v12;
	v58 =	vnsel vm7, $0x0, v12  }
0x7e: {  	vm7 =	veq.s32 v2, $0x0;
	vm13 =	veq.s32 v2, $0x1;
	vm14 =	vmand vm14, vm2  }
0x7f: {  	[tilespmem:$0x1F580] =	vst v8;
	v42 =	vadd.f32 v46, v44;
	v9 =	vsel vm14, $0xFFFFFFFF, v20;
	v7 =	vsel vm14, v52, v7  }
0x80: {  	v25 =	vld [tilespmem:$0x1F580];
	vm14 =	vne.s32 v0, $0x2;
	v52 =	vnsel vm6, $0x0, v12;
	vm6 =	veq.s32 v3, $0x4  }
0x81: {  	vm9 =	vgt.f32 v56, v7;
	v53 =	vnsel vm6, $0x0, v18;
	vm6 =	veq.s32 v63, $0x4  }
0x82: {  	vm2 =	vmand vm14, vm9;
	vm14 =	veq.s32 v63, $0x1;
	vm9 =	veq.s32 v3, $0x2  }
0x83: {  	v54 =	vnsel vm6, $0x0, v12;
	v8 =	vsel vm2, $0xFFFFFFFF, v21;
	v7 =	vsel vm2, v56, v7  }
0x84: {  	v48 =	vnsel vm14, $0x0, v12;
	vm14 =	vne.s32 v0, $0x3;
	vm2 =	vgt.f32 v24, v7  }
0x85: {  	vm6 =	vnez.u8 v25;
	v25 =	vimm.s32 $0x0;
	vm14 =	vmand vm14, vm2  }
0x86: {  	v49 =	vnsel vm9, $0x0, v18;
	vm9 =	veq.s32 v3, $0x3;
	v7 =	vsel vm14, v24, v7  }
0x87: {  	v51 =	vnsel vm9, $0x0, v18;
	vm9 =	vne.s32 v0, $0x4;
	v22 =	vpop (erf);
	vm2 =	vgt.f32 v26, v7  }
0x88: {  	[tilespmem:$0x1F5C0] =	vst v4;
	v4 =	vsel vm6, $0x0, v61;
	v23 =	vadd.f32 $1.000000000e+00, v22;
	vm9 =	vmand vm9, vm2  }
0x89: {  	v32 =	vld [tilespmem:$0x1F5A0];
	vm6 =	vmand vm0, vm10;
	v4 =	vsel vm15, $0x1, v4;
	v24 =	vsel vm9, v26, v7  }
0x8a: {  	v30 =	vld [tilespmem:$0x1F590];
	(erf) = vrcp.f32 v23;
	v26 =	vimm.s32 $0x0;
	vm3 =	vgt.f32 v33, v24  }
0x8b: {  	[tilespmem:$0x1F5D0] =	vst v9;
	v4 =	vsel vm11, $0x2, v4;
	v7 =	vld [tilespmem:$0x40];
	v9 =	vsel vm6, $0xFFFFFFFF, v26;
	vm0 =	vmneg vm3  }
0x8c: {  	v43 =	vadd.f32 v48, v47;
	v4 =	vsel vm5, $0x3, v4;
	[tilespmem:$0x1F5F0] =	vst v9;
	v9 =	vld [tilespmem:$0xC0];
	vm15 =	vmor vm6, vm0  }
0x8d: {  	v47 =	vadd.f32 v50, v49;
	v4 =	vsel vm1, $0x4, v4;
	v3 =	vsel vm15, v24, v33  }
0x8e: {  	v6 =	vld [tilespmem:$0x140];
	v4 =	vnsel vm12, $0x5, v4;
	vm6 =	vnez.u8 v32;
	vm5 =	vgt.f32 v36, v3  }
0x8f: {  	vm3 =	vnez.u8 v30;
	v56 =	vsel vm6, $0x0, v18;
	vm6 =	vmand vm10, vm5  }
0x90: {  	v55 =	vnsel vm3, $0x0, v18;
	v33 =	vsel vm10, v17, v36;
	v3 =	vsel vm6, v36, v3  }
0x91: {  	vm0 =	vgt.f32 v9, v7;
	v36 =	vsel vm8, $0x6, v4;
	v3 =	vsub.f32 v3, v33  }
0x92: {  	v5 =	vld [tilespmem:$0x1C0];
	v35 =	vsel vm0, v9, v7;
	vm11 =	veq.s32 v36, $0x0;
	v20 =	vsel vm0, $0x1, v45  }
0x93: {  	[tilespmem:$0x1F5B0] =	vst v19;
	vm0 =	veq.s32 v2, $0x3;
	v33 =	vimm.s32 $0x0;
	vm1 =	vgt.f32 v6, v35;
	v14 =	vpop (erf)  }
0x94: {  	v11 =	vld [tilespmem:$0x240];
	[tilespmem:$0x1F5E0] =	vst v8;
	v3 =	vmul.f32 $1.442695020e+00, v3;
	v19 =	vsel vm1, v6, v35;
	v8 =	vmul.f32 v14, v22  }
0x95: {  	v59 =	vnsel vm7, $0x0, v14;
	v62 =	vnsel vm13, $0x0, v14;
	v13 =	vsel vm1, $0x2, v20  }
0x96: {  	v15 =	vld [tilespmem:$0x2C0];
	vm13 =	veq.s32 v2, $0x2;
	vm7 =	veq.s32 v36, $0x2;
	v24 =	vnsel vm0, $0x0, v14  }
0x97: {  	vm0 =	veq.s32 v2, $0x4;
	vm3 =	vgt.f32 v5, v19;
	v22 =	vnsel vm13, $0x0, v14  }
0x98: {  	vm13 =	vgt.f32 v7, $-1.000000020e+30;
	(erf) = vpow2.f32 v3;
	v3 =	vld [tilespmem:$0x340];
	v4 =	vsel vm3, v5, v19  }
0x99: {  	v2 =	vnsel vm0, $0x0, v14;
	v60 =	vnsel vm11, $0x0, v8;
	v19 =	vld [tilespmem:$0x1F5B0];
	vm5 =	vgt.f32 v11, v4  }
0x9a: {  	vm11 =	veq.s32 v36, $0x1;
	v23 =	vnsel vm7, $0x0, v8;
	v4 =	vsel vm5, v11, v4  }
0x9b: {  	v13 =	vsel vm3, $0x3, v13;
	vm7 =	veq.s32 v36, $0x3;
	[tilespmem:$0x1F7A0] =	vst v23;
	v23 =	vld [tilespmem:$0x1F5E0];
	vm2 =	vgt.f32 v15, v4  }
0x9c: {  	v63 =	vnsel vm11, $0x0, v8;
	v21 =	vsel vm5, $0x4, v13;
	v16 =	vsel vm2, v15, v4  }
0x9d: {  	v30 =	vnsel vm7, $0x0, v8;
	v4 =	vsel vm2, $0x5, v21;
	vm5 =	vgt.f32 v3, v16  }
0x9e: {  	vm7 =	vnez.u8 v19;
	vm3 =	vmneg vm5;
	vm5 =	veq.s32 v36, $0x4  }
0x9f: {  	v4 =	vnsel vm3, $0x6, v4;
	v35 =	vnsel vm5, $0x0, v8;
	vm5 =	vmor vm8, vm12  }
0xa0: {  	vm12 =	vnez.u8 v23;
	vm0 =	vmand vm2, vm3;
	vm11 =	vne.s32 v4, $0x0  }
0xa1: {  	v20 =	vld [tilespmem:$0x1F5C0];
	v16 =	vsel vm3, v16, v3;
	v21 =	vsel vm5, $0x0, v8;
	vm1 =	vmand vm13, vm11  }
0xa2: {  	v8 =	vnsel vm8, $0x0, v8;
	v26 =	vpop (erf);
	vm11 =	vne.s32 v4, $0x1;
	v13 =	vsel vm1, $0xFFFFFFFF, v25  }
0xa3: {  	[tilespmem:$0x1F790] =	vst v22;
	v22 =	vld [tilespmem:$0x1F5D0];
	v32 =	vadd.f32 $1.000000000e+00, v26;
	v7 =	vnsel vm1, $0xF149F2CA, v7;
	v25 =	vimm.s32 $0x0  }
0xa4: {  	[tilespmem:$0x1F800] =	vst v21;
	v21 =	vimm.s32 $0x0;
	vm13 =	vgt.f32 v9, v7;
	v18 =	vsel vm0, $0xFFFFFFFF, v25  }
0xa5: {  	v25 =	vimm.s32 $0x0;
	vm1 =	vmand vm11, vm13;
	(erf) = vrcp.f32 v32  }
0xa6: {  	vm11 =	vne.s32 v4, $0x2;
	vm13 =	vnez.u8 v20;
	v36 =	vsel vm1, v9, v7  }
0xa7: {  	v12 =	vld [tilespmem:$0xD0];
	[tilespmem:$0x1F7D0] =	vst v2;
	v2 =	vsel vm1, $0xFFFFFFFF, v33;
	v7 =	vnsel vm7, $0x0, v14;
	vm1 =	vgt.f32 v6, v36  }
0xa8: {  	v9 =	vsel vm13, $0x0, v61;
	[tilespmem:$0x1F7F0] =	vst v7;
	v7 =	vld [tilespmem:$0x50];
	vm7 =	vmand vm11, vm1;
	vm11 =	vnez.u8 v22  }
0xa9: {  	vm13 =	vne.s32 v4, $0x3;
	[tilespmem:$0x1F610] =	vst v2;
	v9 =	vsel vm11, $0x1, v9;
	v2 =	vsel vm7, v6, v36  }
0xaa: {  	v14 =	vsel vm4, $0x0, v14;
	v6 =	vsel vm12, $0x2, v9;
	vm11 =	vgt.f32 v5, v2;
	v9 =	vld [tilespmem:$0x150]  }
0xab: {  	v36 =	vimm.s32 $0x0;
	v6 =	vsel vm14, $0x3, v6;
	vm1 =	vmand vm13, vm11  }
0xac: {  	vm12 =	vne.s32 v4, $0x4;
	v6 =	vsel vm9, $0x4, v6;
	v2 =	vsel vm1, v5, v2;
	v5 =	vld [tilespmem:$0x1D0]  }
0xad: {  	[tilespmem:$0x1F7B0] =	vst v24;
	vm8 =	vgt.f32 v12, v7;
	vm13 =	vgt.f32 v11, v2;
	v6 =	vnsel vm15, $0x5, v6  }
0xae: {  	[tilespmem:$0x1F820] =	vst v8;
	v8 =	vld [tilespmem:$0x250];
	v24 =	vsel vm8, v12, v7;
	vm4 =	vmand vm12, vm13;
	v6 =	vsel vm6, $0x6, v6  }
0xaf: {  	v17 =	vpop (erf);
	vm13 =	veq.s32 v0, $0x0;
	v2 =	vsel vm4, v11, v2;
	vm9 =	vgt.f32 v9, v24  }
0xb0: {  	[tilespmem:$0x1F810] =	vst v14;
	v11 =	vmul.f32 v17, v26;
	vm14 =	vgt.f32 v15, v2;
	v14 =	vsel vm9, v9, v24  }
0xb1: {  	[tilespmem:$0x1F600] =	vst v13;
	v13 =	vld [tilespmem:$0x2D0];
	v26 =	vsel vm8, $0x1, v45;
	vm11 =	vmneg vm14;
	vm12 =	vgt.f32 v5, v14  }
0xb2: {  	v32 =	vnsel vm13, $0x0, v17;
	vm5 =	vmor vm0, vm11;
	v14 =	vsel vm12, v5, v14  }
0xb3: {  	[tilespmem:$0x1F620] =	vst v18;
	v18 =	vld [tilespmem:$0x350];
	v2 =	vsel vm5, v2, v15;
	vm14 =	vgt.f32 v8, v14;
	v15 =	vsel vm9, $0x2, v26  }
0xb4: {  	vm9 =	veq.s32 v6, $0x0;
	vm0 =	vgt.f32 v3, v2;
	v14 =	vsel vm14, v8, v14  }
0xb5: {  	v15 =	vsel vm12, $0x3, v15;
	vm12 =	veq.s32 v0, $0x1;
	v33 =	vnsel vm9, $0x0, v11  }
0xb6: {  	[tilespmem:$0x1F7C0] =	vst v30;
	vm11 =	vmand vm3, vm0;
	vm8 =	vgt.f32 v13, v14;
	v30 =	vsel vm14, $0x4, v15  }
0xb7: {  	[tilespmem:$0x1F7E0] =	vst v35;
	vm0 =	vgt.f32 v7, $-1.000000020e+30;
	v35 =	vnsel vm12, $0x0, v17;
	v14 =	vsel vm8, v13, v14  }
0xb8: {  	vm12 =	veq.s32 v6, $0x2;
	v2 =	vsel vm11, v3, v2;
	vm14 =	vgt.f32 v18, v14  }
0xb9: {  	v3 =	vsel vm8, $0x5, v30;
	v2 =	vsub.f32 v2, v16;
	vm2 =	vmneg vm14  }
0xba: {  	v23 =	vnsel vm12, $0x0, v11;
	vm14 =	veq.s32 v6, $0x1;
	v3 =	vnsel vm2, $0x6, v3  }
0xbb: {  	v2 =	vmul.f32 $1.442695020e+00, v2;
	v20 =	vnsel vm14, $0x0, v11;
	vm13 =	vne.s32 v3, $0x0  }
0xbc: {  	vm14 =	veq.s32 v6, $0x3;
	vm8 =	vmand vm8, vm2;
	vm13 =	vmand vm0, vm13  }
0xbd: {  	v14 =	vsel vm2, v14, v18;
	[tilespmem:$0x1F860] =	vst v20;
	vm9 =	vne.s32 v3, $0x1;
	v20 =	vld [tilespmem:$0x1F600];
	v19 =	vnsel vm13, $0xF149F2CA, v7  }
0xbe: {  	vm12 =	vne.s32 v3, $0x2;
	(erf) = vpow2.f32 v2;
	vm0 =	vgt.f32 v12, v19  }
0xbf: {  	v26 =	vnsel vm14, $0x0, v11;
	vm0 =	vmand vm9, vm0;
	vm9 =	veq.s32 v0, $0x2  }
0xc0: {  	[tilespmem:$0x1F830] =	vst v32;
	v32 =	vld [tilespmem:$0x1F5F0];
	v15 =	vsel vm13, $0xFFFFFFFF, v36;
	v7 =	vsel vm0, $0xFFFFFFFF, v21;
	v22 =	vnsel vm9, $0x0, v17  }
0xc1: {  	v2 =	vsel vm0, v12, v19;
	vm9 =	veq.s32 v0, $0x3;
	v19 =	vsel vm10, $0x0, v17  }
0xc2: {  	vm10 =	vnez.u8 v20;
	v21 =	vimm.s32 $0x0;
	v20 =	vimm.s32 $0x0  }
0xc3: {  	[tilespmem:$0x1F850] =	vst v35;
	vm0 =	vgt.f32 v9, v2;
	v24 =	vnsel vm9, $0x0, v17;
	vm9 =	veq.s32 v0, $0x4  }
0xc4: {  	[tilespmem:$0x1F880] =	vst v23;
	vm13 =	vmand vm12, vm0;
	vm12 =	veq.s32 v6, $0x4;
	v0 =	vnsel vm9, $0x0, v17  }
0xc5: {  	v23 =	vld [tilespmem:$0x1F610];
	[tilespmem:$0x1F640] =	vst v7;
	vm9 =	vnez.u8 v32;
	v7 =	vsel vm13, $0xFFFFFFFF, v25;
	v2 =	vsel vm13, v9, v2  }
0xc6: {  	v6 =	vld [tilespmem:$0xE0];
	vm13 =	vne.s32 v3, $0x3;
	[tilespmem:$0x1F8B0] =	vst v0;
	v30 =	vnsel vm12, $0x0, v11;
	vm0 =	vgt.f32 v5, v2  }
0xc7: {  	v0 =	vnsel vm9, $0x0, v17;
	vm9 =	vne.s32 v3, $0x4;
	[tilespmem:$0x1F650] =	vst v7;
	v7 =	vld [tilespmem:$0x60];
	vm13 =	vmand vm13, vm0;
	v35 =	vpop (erf)  }
0xc8: {  	[tilespmem:$0x1F840] =	vst v33;
	vm0 =	vmor vm6, vm15;
	v33 =	vsel vm13, v5, v2;
	v36 =	vadd.f32 $1.000000000e+00, v35  }
0xc9: {  	v16 =	vsel vm0, $0x0, v11;
	v11 =	vnsel vm6, $0x0, v11;
	vm12 =	vgt.f32 v8, v33  }
0xca: {  	v9 =	vld [tilespmem:$0x160];
	vm15 =	vnez.u8 v23;
	[tilespmem:$0x1F900] =	vst v11;
	v11 =	vsel vm8, $0xFFFFFFFF, v21;
	vm12 =	vmand vm9, vm12  }
0xcb: {  	[tilespmem:$0x1F8D0] =	vst v0;
	(erf) = vrcp.f32 v36;
	v36 =	vimm.s32 $0x0;
	v0 =	vsel vm12, v8, v33  }
0xcc: {  	[tilespmem:$0x1F870] =	vst v22;
	v5 =	vld [tilespmem:$0x1E0];
	v8 =	vsel vm10, $0x0, v61;
	vm6 =	vgt.f32 v6, v7;
	vm10 =	veq.s32 v4, $0x0  }
0xcd: {  	[tilespmem:$0x1F890] =	vst v24;
	vm14 =	vgt.f32 v13, v0;
	v22 =	vsel vm6, v6, v7;
	v8 =	vsel vm15, $0x1, v8  }
0xce: {  	[tilespmem:$0x1F660] =	vst v11;
	v11 =	vld [tilespmem:$0x260];
	v24 =	vsel vm6, $0x1, v45;
	vm0 =	vmneg vm14;
	v8 =	vsel vm7, $0x2, v8  }
0xcf: {  	vm8 =	vmor vm8, vm0;
	vm0 =	vgt.f32 v9, v22;
	v8 =	vsel vm1, $0x3, v8  }
0xd0: {  	vm1 =	vgt.f32 v7, $-1.000000020e+30;
	v0 =	vsel vm8, v0, v13;
	v12 =	vsel vm0, v9, v22;
	v13 =	vld [tilespmem:$0x2E0]  }
0xd1: {  	v8 =	vsel vm4, $0x4, v8;
	vm14 =	vgt.f32 v18, v0;
	vm15 =	vgt.f32 v5, v12  }
0xd2: {  	[tilespmem:$0x1F8A0] =	vst v26;
	v26 =	vsel vm0, $0x2, v24;
	vm7 =	vmand vm2, vm14;
	v12 =	vsel vm15, v5, v12  }
0xd3: {  	[tilespmem:$0x1F630] =	vst v15;
	v15 =	vld [tilespmem:$0x360];
	v8 =	vnsel vm5, $0x5, v8;
	v0 =	vsel vm7, v18, v0;
	vm4 =	vgt.f32 v11, v12  }
0xd4: {  	v8 =	vsel vm11, $0x6, v8;
	v14 =	vsub.f32 v0, v14;
	v25 =	vsel vm4, v11, v12;
	v17 =	vpop (erf)  }
0xd5: {  	v12 =	vsel vm15, $0x3, v26;
	vm0 =	vgt.f32 v13, v25;
	v2 =	vmul.f32 v17, v35  }
0xd6: {  	[tilespmem:$0x1F8C0] =	vst v30;
	v30 =	vsel vm4, $0x4, v12;
	v32 =	vnsel vm10, $0x0, v17;
	vm4 =	veq.s32 v8, $0x0  }
0xd7: {  	[tilespmem:$0x1F8E0] =	vst v16;
	vm10 =	veq.s32 v4, $0x1;
	v16 =	vsel vm0, v13, v25;
	v0 =	vsel vm0, $0x5, v30  }
0xd8: {  	[tilespmem:$0x1F8F0] =	vst v19;
	v33 =	vmul.f32 $1.442695020e+00, v14;
	v18 =	vnsel vm10, $0x0, v17;
	vm9 =	vgt.f32 v15, v16  }
0xd9: {  	[tilespmem:$0x1F910] =	vst v32;
	vm10 =	veq.s32 v8, $0x2;
	v35 =	vnsel vm4, $0x0, v2;
	vm14 =	vmneg vm9  }
0xda: {  	[tilespmem:$0x1F930] =	vst v18;
	vm4 =	veq.s32 v8, $0x1;
	v22 =	vnsel vm10, $0x0, v2;
	v0 =	vnsel vm14, $0x6, v0  }
0xdb: {  	vm10 =	veq.s32 v8, $0x3;
	[tilespmem:$0x1F920] =	vst v35;
	(erf) = vpow2.f32 v33;
	vm15 =	vne.s32 v0, $0x0  }
0xdc: {  	v19 =	vnsel vm4, $0x0, v2;
	[tilespmem:$0x1F970] =	vst v22;
	vm9 =	vmand vm1, vm15;
	vm15 =	vne.s32 v0, $0x1  }
0xdd: {  	[tilespmem:$0x1F940] =	vst v19;
	v14 =	vsel vm9, $0xFFFFFFFF, v36;
	v7 =	vnsel vm9, $0xF149F2CA, v7;
	vm9 =	veq.s32 v4, $0x2  }
0xde: {  	[tilespmem:$0x1F670] =	vst v14;
	vm1 =	vgt.f32 v6, v7;
	v21 =	vnsel vm9, $0x0, v17;
	vm9 =	veq.s32 v4, $0x3  }
0xdf: {  	v24 =	vnsel vm10, $0x0, v2;
	vm15 =	vmand vm15, vm1;
	[tilespmem:$0x1F960] =	vst v21;
	v23 =	vnsel vm9, $0x0, v17  }
0xe0: {  	vm4 =	veq.s32 v4, $0x4;
	v12 =	vsel vm15, $0xFFFFFFFF, v20;
	v6 =	vsel vm15, v6, v7;
	[tilespmem:$0x1F980] =	vst v23  }
0xe1: {  	v35 =	vsel vm3, $0x0, v17;
	vm15 =	vne.s32 v0, $0x2;
	[tilespmem:$0x1F680] =	vst v12;
	vm1 =	vgt.f32 v9, v6  }
0xe2: {  	v16 =	vsel vm14, v16, v15;
	vm6 =	vne.s32 v0, $0x3;
	[tilespmem:$0x1F990] =	vst v24;
	vm15 =	vmand vm15, vm1  }
0xe3: {  	vm10 =	vne.s32 v0, $0x4;
	v4 =	vnsel vm4, $0x0, v17;
	v26 =	vld [tilespmem:$0x1F620];
	v6 =	vsel vm15, v9, v6  }
0xe4: {  	vm4 =	vmor vm11, vm5;
	v14 =	vimm.s32 $0x0;
	v30 =	vpop (erf);
	v12 =	vld [tilespmem:$0x1F630];
	vm1 =	vgt.f32 v5, v6  }
0xe5: {  	v32 =	vsel vm4, $0x0, v2;
	[tilespmem:$0x1F9A0] =	vst v4;
	v4 =	vld [tilespmem:$0x70];
	v33 =	vadd.f32 $1.000000000e+00, v30;
	vm9 =	vmand vm6, vm1  }
0xe6: {  	[tilespmem:$0x1F9F0] =	vst v32;
	v32 =	vimm.s32 $0x0;
	v19 =	vld [tilespmem:$0x1F650];
	vm1 =	veq.s32 v8, $0x4;
	v5 =	vsel vm9, v5, v6  }
0xe7: {  	(erf) = vrcp.f32 v33;
	v25 =	vnsel vm1, $0x0, v2;
	v6 =	vld [tilespmem:$0xF0];
	vm1 =	vgt.f32 v11, v5  }
0xe8: {  	v9 =	vld [tilespmem:$0x170];
	v2 =	vnsel vm11, $0x0, v2;
	vm6 =	vnez.u8 v26;
	vm10 =	vmand vm10, vm1  }
0xe9: {  	vm5 =	vnez.u8 v12;
	v7 =	vnsel vm6, $0x0, v17;
	v17 =	vld [tilespmem:$0x1F640];
	v36 =	vsel vm10, v11, v5  }
0xea: {  	[tilespmem:$0x1F9B0] =	vst v25;
	v25 =	vimm.s32 $0x0;
	vm1 =	vmand vm0, vm14;
	vm6 =	vgt.f32 v13, v36  }
0xeb: {  	v5 =	vsel vm5, $0x0, v61;
	v11 =	vsel vm1, $0xFFFFFFFF, v14;
	vm0 =	vmneg vm6  }
0xec: {  	vm3 =	vgt.f32 v6, v4;
	vm6 =	vnez.u8 v19;
	vm5 =	vmor vm1, vm0  }
0xed: {  	v8 =	vld [tilespmem:$0x1F0];
	v18 =	vsel vm3, v6, v4;
	v20 =	vsel vm3, $0x1, v45;
	vm1 =	vgt.f32 v4, $-1.000000020e+30  }
0xee: {  	[tilespmem:$0x1FA10] =	vst v2;
	vm11 =	vnez.u8 v17;
	v2 =	vsel vm5, v36, v13;
	vm0 =	vgt.f32 v9, v18  }
0xef: {  	[tilespmem:$0x1F690] =	vst v11;
	v11 =	vld [tilespmem:$0x270];
	v36 =	vimm.s32 $0x0;
	v5 =	vsel vm11, $0x1, v5;
	v12 =	vsel vm0, v9, v18  }
0xf0: {  	vm11 =	vgt.f32 v15, v2;
	v14 =	vsel vm0, $0x2, v20;
	vm0 =	veq.s32 v3, $0x1  }
0xf1: {  	v5 =	vsel vm6, $0x2, v5;
	vm6 =	vmand vm14, vm11;
	vm11 =	veq.s32 v3, $0x0  }
0xf2: {  	v13 =	vld [tilespmem:$0x2F0];
	v5 =	vsel vm13, $0x3, v5;
	vm13 =	vgt.f32 v8, v12;
	v2 =	vsel vm6, v15, v2  }
0xf3: {  	v12 =	vsel vm13, v8, v12;
	v2 =	vsub.f32 v2, v16;
	v5 =	vsel vm12, $0x4, v5  }
0xf4: {  	v15 =	vld [tilespmem:$0x370];
	v14 =	vsel vm13, $0x3, v14;
	v16 =	vpop (erf);
	vm4 =	vgt.f32 v11, v12;
	v5 =	vnsel vm8, $0x5, v5  }
0xf5: {  	[tilespmem:$0x1F9E0] =	vst v7;
	v7 =	vmul.f32 v16, v30;
	v21 =	vnsel vm11, $0x0, v16;
	v24 =	vnsel vm0, $0x0, v16  }
0xf6: {  	vm0 =	veq.s32 v3, $0x2;
	v12 =	vsel vm4, v11, v12;
	v22 =	vmul.f32 $1.442695020e+00, v2  }
0xf7: {  	v14 =	vsel vm4, $0x4, v14;
	v5 =	vsel vm7, $0x6, v5;
	vm12 =	vgt.f32 v13, v12  }
0xf8: {  	v30 =	vnsel vm0, $0x0, v16;
	v12 =	vsel vm12, v13, v12;
	(erf) = vpow2.f32 v22  }
0xf9: {  	vm11 =	veq.s32 v5, $0x0;
	v14 =	vsel vm12, $0x5, v14;
	vm13 =	vgt.f32 v15, v12  }
0xfa: {  	v23 =	vnsel vm11, $0x0, v7;
	vm11 =	veq.s32 v5, $0x1;
	vm4 =	vmneg vm13  }
0xfb: {  	vm0 =	veq.s32 v5, $0x4;
	v26 =	vnsel vm11, $0x0, v7;
	v2 =	vnsel vm4, $0x6, v14  }
0xfc: {  	[tilespmem:$0x1FA30] =	vst v23;
	vm11 =	veq.s32 v5, $0x2;
	v23 =	vsel vm2, $0x0, v16;
	vm13 =	vne.s32 v2, $0x0  }
0xfd: {  	[tilespmem:$0x1FA50] =	vst v26;
	v33 =	vnsel vm11, $0x0, v7;
	v26 =	vimm.s32 $0x0;
	vm13 =	vmand vm1, vm13  }
0xfe: {  	[tilespmem:$0x1FAF0] =	vst v23;
	v23 =	vimm.s32 $0x0;
	v12 =	vsel vm4, v12, v15;
	v4 =	vnsel vm13, $0xF149F2CA, v4  }
0xff: {  	v14 =	vsel vm13, $0xFFFFFFFF, v25;
	vm13 =	vne.s32 v2, $0x1;
	vm1 =	vgt.f32 v6, v4  }
0x100: {  	[tilespmem:$0x1FA20] =	vst v21;
	vm11 =	vne.s32 v2, $0x2;
	vm3 =	vne.s32 v2, $0x3;
	vm13 =	vmand vm13, vm1  }
0x101: {  	v19 =	vld [tilespmem:$0x1F660];
	[tilespmem:$0x1F6A0] =	vst v14;
	v14 =	vsel vm13, $0xFFFFFFFF, v32;
	v4 =	vsel vm13, v6, v4;
	vm13 =	veq.s32 v3, $0x3;
	v21 =	vpop (erf)  }
0x102: {  	[tilespmem:$0x1FA00] =	vst v35;
	v35 =	vnsel vm13, $0x0, v16;
	vm13 =	vgt.f32 v9, v4;
	v22 =	vadd.f32 $1.000000000e+00, v21  }
0x103: {  	[tilespmem:$0x1FA40] =	vst v24;
	v24 =	vld [tilespmem:$0x1F670];
	vm1 =	vmand vm11, vm13;
	vm11 =	veq.s32 v5, $0x3;
	vm13 =	veq.s32 v3, $0x4  }
0x104: {  	v25 =	vld [tilespmem:$0x1F680];
	[tilespmem:$0x1F6B0] =	vst v14;
	v5 =	vnsel vm0, $0x0, v7;
	v6 =	vsel vm1, $0xFFFFFFFF, v36;
	v14 =	vnsel vm11, $0x0, v7  }
0x105: {  	v17 =	vnsel vm13, $0x0, v16;
	v18 =	vsel vm1, v9, v4;
	v4 =	vld [tilespmem:$0x400];
	vm13 =	vmor vm7, vm8  }
0x106: {  	[tilespmem:$0x1FAB0] =	vst v5;
	v5 =	vld [tilespmem:$0x480];
	vm8 =	vnez.u8 v19;
	(erf) = vrcp.f32 v22;
	vm11 =	vgt.f32 v8, v18  }
0x107: {  	[tilespmem:$0x1F6C0] =	vst v6;
	v6 =	vnsel vm8, $0x0, v16;
	v20 =	vsel vm13, $0x0, v7;
	vm11 =	vmand vm3, vm11  }
0x108: {  	v7 =	vnsel vm7, $0x0, v7;
	vm8 =	vnez.u8 v24;
	v3 =	vsel vm11, v8, v18  }
0x109: {  	v9 =	vld [tilespmem:$0x500];
	vm13 =	vne.s32 v2, $0x4;
	[tilespmem:$0x1FB00] =	vst v7;
	v7 =	vsel vm8, $0x0, v61;
	vm1 =	vgt.f32 v11, v3  }
0x10a: {  	vm8 =	vmand vm12, vm4;
	vm3 =	vmand vm13, vm1;
	vm13 =	vnez.u8 v25  }
0x10b: {  	[tilespmem:$0x1FA60] =	vst v30;
	v8 =	vld [tilespmem:$0x580];
	v3 =	vsel vm3, v11, v3;
	v7 =	vsel vm13, $0x1, v7;
	vm13 =	vgt.f32 v5, v4  }
0x10c: {  	[tilespmem:$0x1FA70] =	vst v33;
	v11 =	vsel vm8, $0xFFFFFFFF, v26;
	vm7 =	vgt.f32 v13, v3;
	v30 =	vsel vm13, v5, v4  }
0x10d: {  	[tilespmem:$0x1F6D0] =	vst v11;
	v11 =	vld [tilespmem:$0x600];
	v7 =	vsel vm15, $0x2, v7;
	v33 =	vsel vm13, $0x1, v45;
	vm2 =	vmneg vm7  }
0x10e: {  	vm12 =	vgt.f32 v9, v30;
	v7 =	vsel vm9, $0x3, v7;
	vm7 =	vmor vm8, vm2  }
0x10f: {  	[tilespmem:$0x1FA80] =	vst v35;
	v32 =	vsel vm12, v9, v30;
	v7 =	vsel vm10, $0x4, v7;
	v35 =	vsel vm12, $0x2, v33  }
0x110: {  	[tilespmem:$0x1FA90] =	vst v14;
	v14 =	vld [tilespmem:$0x680];
	vm10 =	veq.s32 v0, $0x1;
	v3 =	vsel vm7, v3, v13;
	vm0 =	vgt.f32 v8, v32  }
0x111: {  	v7 =	vnsel vm5, $0x5, v7;
	vm15 =	vgt.f32 v15, v3;
	v13 =	vsel vm0, v8, v32  }
0x112: {  	v7 =	vsel vm6, $0x6, v7;
	vm8 =	vmand vm4, vm15;
	vm1 =	vgt.f32 v11, v13  }
0x113: {  	v16 =	vld [tilespmem:$0x700];
	vm15 =	veq.s32 v0, $0x0;
	vm9 =	veq.s32 v7, $0x0;
	v3 =	vsel vm8, v15, v3  }
0x114: {  	v13 =	vsel vm1, v11, v13;
	v15 =	vpop (erf);
	v3 =	vsub.f32 v3, v12;
	v12 =	vsel vm0, $0x3, v35  }
0x115: {  	[tilespmem:$0x1FAD0] =	vst v6;
	vm13 =	vgt.f32 v14, v13;
	v6 =	vmul.f32 v15, v21;
	v18 =	vnsel vm15, $0x0, v15  }
0x116: {  	[tilespmem:$0x1FAE0] =	vst v20;
	v20 =	vnsel vm10, $0x0, v15;
	v21 =	vimm.s32 $0x0;
	vm15 =	veq.s32 v7, $0x1  }
0x117: {  	vm10 =	veq.s32 v7, $0x4;
	v12 =	vsel vm1, $0x4, v12;
	v13 =	vsel vm13, v14, v13  }
0x118: {  	vm1 =	vgt.f32 v4, $-1.000000020e+30;
	v36 =	vmul.f32 $1.442695020e+00, v3;
	vm12 =	vgt.f32 v16, v13  }
0x119: {  	v12 =	vsel vm13, $0x5, v12;
	v19 =	vnsel vm9, $0x0, v6;
	v22 =	vnsel vm15, $0x0, v6  }
0x11a: {  	vm15 =	veq.s32 v7, $0x2;
	vm9 =	veq.s32 v0, $0x3;
	vm2 =	vmneg vm12  }
0x11b: {  	v32 =	vnsel vm10, $0x0, v6;
	v25 =	vnsel vm15, $0x0, v6;
	v3 =	vnsel vm2, $0x6, v12  }
0x11c: {  	v26 =	vnsel vm9, $0x0, v15;
	(erf) = vpow2.f32 v36;
	vm0 =	vne.s32 v3, $0x0  }
0x11d: {  	vm9 =	veq.s32 v0, $0x4;
	v13 =	vsel vm2, v13, v16;
	vm12 =	vmand vm1, vm0  }
0x11e: {  	vm10 =	vne.s32 v3, $0x4;
	vm0 =	vne.s32 v3, $0x1;
	v4 =	vnsel vm12, $0xF149F2CA, v4  }
0x11f: {  	v12 =	vsel vm12, $0xFFFFFFFF, v21;
	vm12 =	veq.s32 v0, $0x2;
	vm1 =	vgt.f32 v5, v4  }
0x120: {  	[tilespmem:$0x1FB40] =	vst v22;
	v0 =	vnsel vm9, $0x0, v15;
	v21 =	vsel vm14, $0x0, v15;
	vm0 =	vmand vm0, vm1  }
0x121: {  	v33 =	vld [tilespmem:$0x1F690];
	[tilespmem:$0x1F6E0] =	vst v12;
	v24 =	vnsel vm12, $0x0, v15;
	vm1 =	vne.s32 v3, $0x2;
	v4 =	vsel vm0, v5, v4  }
0x122: {  	v22 =	vld [tilespmem:$0x1F6A0];
	[tilespmem:$0x1FB60] =	vst v24;
	v24 =	vimm.s32 $0x0;
	v12 =	vsel vm0, $0xFFFFFFFF, v23;
	vm0 =	vgt.f32 v9, v4  }
0x123: {  	[tilespmem:$0x1FB30] =	vst v20;
	v5 =	vld [tilespmem:$0x410];
	v23 =	vimm.s32 $0x0;
	vm15 =	vmand vm1, vm0;
	vm1 =	veq.s32 v7, $0x3  }
0x124: {  	[tilespmem:$0x1FB20] =	vst v19;
	v7 =	vld [tilespmem:$0x490];
	vm0 =	vmor vm6, vm5;
	v30 =	vnsel vm1, $0x0, v6;
	v4 =	vsel vm15, v9, v4  }
0x125: {  	[tilespmem:$0x1FBB0] =	vst v32;
	vm1 =	vne.s32 v3, $0x3;
	v36 =	vpop (erf);
	v20 =	vsel vm0, $0x0, v6;
	vm12 =	vgt.f32 v8, v4  }
0x126: {  	[tilespmem:$0x1FB80] =	vst v26;
	v19 =	vadd.f32 $1.000000000e+00, v36;
	vm9 =	vmand vm1, vm12;
	vm12 =	vnez.u8 v33  }
0x127: {  	v26 =	vld [tilespmem:$0x1F6B0];
	[tilespmem:$0x1FBA0] =	vst v0;
	v6 =	vnsel vm6, $0x0, v6;
	v0 =	vnsel vm12, $0x0, v15;
	v35 =	vsel vm9, v8, v4  }
0x128: {  	[tilespmem:$0x1FB90] =	vst v30;
	v30 =	vld [tilespmem:$0x1F6C0];
	(erf) = vrcp.f32 v19;
	v19 =	vimm.s32 $0x0;
	vm12 =	vgt.f32 v11, v35  }
0x129: {  	[tilespmem:$0x1FB70] =	vst v25;
	v9 =	vld [tilespmem:$0x510];
	vm5 =	vgt.f32 v7, v5;
	vm12 =	vmand vm10, vm12;
	vm10 =	vnez.u8 v22  }
0x12a: {  	[tilespmem:$0x1FBC0] =	vst v0;
	v25 =	vsel vm5, v7, v5;
	v32 =	vsel vm5, $0x1, v45;
	v0 =	vsel vm12, v11, v35  }
0x12b: {  	[tilespmem:$0x1FBF0] =	vst v6;
	v6 =	vld [tilespmem:$0x590];
	v8 =	vsel vm10, $0x0, v61;
	v11 =	vsel vm2, $0xFFFFFFFF, v23;
	vm10 =	vmand vm13, vm2  }
0x12c: {  	vm13 =	vnez.u8 v26;
	vm14 =	vgt.f32 v14, v0;
	[tilespmem:$0x1F710] =	vst v11;
	v11 =	vsel vm10, $0xFFFFFFFF, v24  }
0x12d: {  	v8 =	vsel vm13, $0x1, v8;
	vm0 =	vmneg vm14;
	vm14 =	vnez.u8 v30  }
0x12e: {  	[tilespmem:$0x1F700] =	vst v11;
	v11 =	vld [tilespmem:$0x610];
	vm6 =	vmor vm10, vm0;
	vm0 =	vgt.f32 v9, v25;
	v8 =	vsel vm14, $0x2, v8  }
0x12f: {  	[tilespmem:$0x1F6F0] =	vst v12;
	v0 =	vsel vm6, v0, v14;
	v12 =	vsel vm0, v9, v25;
	v8 =	vsel vm11, $0x3, v8  }
0x130: {  	v14 =	vld [tilespmem:$0x690];
	v15 =	vsel vm0, $0x2, v32;
	vm1 =	vgt.f32 v16, v0;
	vm13 =	vgt.f32 v6, v12  }
0x131: {  	v8 =	vsel vm3, $0x4, v8;
	vm5 =	vmand vm2, vm1;
	v12 =	vsel vm13, v6, v12  }
0x132: {  	[tilespmem:$0x1FAA0] =	vst v17;
	v17 =	vld [tilespmem:$0x710];
	v33 =	vsel vm13, $0x3, v15;
	v8 =	vnsel vm7, $0x5, v8;
	vm2 =	vgt.f32 v5, $-1.000000020e+30  }
0x133: {  	v0 =	vsel vm5, v16, v0;
	vm14 =	vgt.f32 v11, v12;
	v8 =	vsel vm8, $0x6, v8  }
0x134: {  	v15 =	vpop (erf);
	v0 =	vsub.f32 v0, v13;
	v12 =	vsel vm14, v11, v12;
	v13 =	vsel vm14, $0x4, v33  }
0x135: {  	v4 =	vmul.f32 v15, v36;
	vm14 =	veq.s32 v2, $0x0;
	vm1 =	vgt.f32 v14, v12  }
0x136: {  	vm10 =	veq.s32 v8, $0x0;
	v16 =	vsel vm4, $0x0, v15;
	v12 =	vsel vm1, v14, v12  }
0x137: {  	v36 =	vnsel vm14, $0x0, v15;
	v35 =	vmul.f32 $1.442695020e+00, v0;
	vm13 =	vgt.f32 v17, v12  }
0x138: {  	[tilespmem:$0x1FB10] =	vst v18;
	vm14 =	veq.s32 v2, $0x1;
	v13 =	vsel vm1, $0x5, v13;
	vm3 =	vmneg vm13  }
0x139: {  	[tilespmem:$0x1FBD0] =	vst v20;
	v18 =	vnsel vm10, $0x0, v4;
	(erf) = vpow2.f32 v35;
	v0 =	vnsel vm3, $0x6, v13  }
0x13a: {  	v20 =	vnsel vm14, $0x0, v15;
	vm10 =	veq.s32 v8, $0x1;
	[tilespmem:$0x1FC10] =	vst v18;
	v18 =	vld [tilespmem:$0x1F6E0];
	vm0 =	vne.s32 v0, $0x0  }
0x13b: {  	[tilespmem:$0x1FBE0] =	vst v21;
	vm14 =	veq.s32 v2, $0x2;
	v21 =	vnsel vm10, $0x0, v4;
	vm13 =	vmand vm2, vm0  }
0x13c: {  	v22 =	vnsel vm14, $0x0, v15;
	vm10 =	veq.s32 v2, $0x4;
	v5 =	vnsel vm13, $0xF149F2CA, v5  }
0x13d: {  	v12 =	vsel vm3, v12, v17;
	vm0 =	vne.s32 v0, $0x1;
	vm2 =	vgt.f32 v7, v5  }
0x13e: {  	vm11 =	vne.s32 v0, $0x3;
	v13 =	vsel vm13, $0xFFFFFFFF, v19;
	vm13 =	vmand vm0, vm2  }
0x13f: {  	vm4 =	vnez.u8 v18;
	v19 =	vimm.s32 $0x0;
	v5 =	vsel vm13, v7, v5  }
0x140: {  	vm0 =	veq.s32 v8, $0x2;
	vm2 =	vne.s32 v0, $0x2;
	vm14 =	vgt.f32 v9, v5  }
0x141: {  	v30 =	vld [tilespmem:$0x1F6D0];
	v23 =	vnsel vm0, $0x0, v4;
	vm0 =	veq.s32 v2, $0x3;
	vm14 =	vmand vm2, vm14  }
0x142: {  	[tilespmem:$0x1FC20] =	vst v20;
	v20 =	vld [tilespmem:$0x1F6F0];
	v2 =	vnsel vm10, $0x0, v15;
	v24 =	vnsel vm0, $0x0, v15;
	v33 =	vpop (erf);
	v5 =	vsel vm14, v9, v5  }
0x143: {  	[tilespmem:$0x1FC00] =	vst v36;
	vm2 =	veq.s32 v8, $0x3;
	v36 =	vadd.f32 $1.000000000e+00, v33;
	vm0 =	vgt.f32 v6, v5  }
0x144: {  	v25 =	vnsel vm2, $0x0, v4;
	vm10 =	vmand vm11, vm0;
	vm11 =	veq.s32 v8, $0x4  }
0x145: {  	vm0 =	vmor vm8, vm7;
	vm7 =	vne.s32 v0, $0x4;
	(erf) = vrcp.f32 v36  }
0x146: {  	v7 =	vld [tilespmem:$0x420];
	v26 =	vnsel vm11, $0x0, v4;
	vm11 =	vnez.u8 v30;
	v32 =	vsel vm10, v6, v5  }
0x147: {  	[tilespmem:$0x1FC80] =	vst v2;
	v5 =	vld [tilespmem:$0x4A0];
	v35 =	vsel vm0, $0x0, v4;
	v4 =	vnsel vm8, $0x0, v4;
	vm8 =	vnez.u8 v20  }
0x148: {  	v2 =	vnsel vm11, $0x0, v15;
	vm2 =	vgt.f32 v11, v32;
	[tilespmem:$0x1FCD0] =	vst v4;
	v4 =	vsel vm4, $0x0, v61  }
0x149: {  	vm11 =	vmand vm7, vm2;
	vm2 =	vmand vm1, vm3;
	v4 =	vsel vm8, $0x1, v4  }
0x14a: {  	v9 =	vld [tilespmem:$0x520];
	[tilespmem:$0x1FCA0] =	vst v2;
	v2 =	vsel vm11, v11, v32;
	v11 =	vsel vm2, $0xFFFFFFFF, v19;
	v4 =	vsel vm15, $0x2, v4  }
0x14b: {  	v32 =	vimm.s32 $0x0;
	vm7 =	vgt.f32 v14, v2;
	v4 =	vsel vm9, $0x3, v4  }
0x14c: {  	[tilespmem:$0x1FC30] =	vst v21;
	v8 =	vld [tilespmem:$0x5A0];
	vm0 =	vmneg vm7;
	vm1 =	vgt.f32 v5, v7;
	v4 =	vsel vm12, $0x4, v4  }
0x14d: {  	[tilespmem:$0x1FC40] =	vst v22;
	vm7 =	vmor vm2, vm0;
	v21 =	vsel vm1, v5, v7;
	v22 =	vsel vm1, $0x1, v45  }
0x14e: {  	[tilespmem:$0x1F730] =	vst v11;
	v11 =	vld [tilespmem:$0x620];
	v4 =	vnsel vm6, $0x5, v4;
	vm0 =	vgt.f32 v7, $-1.000000020e+30;
	vm6 =	vmor vm5, vm6  }
0x14f: {  	[tilespmem:$0x1F720] =	vst v13;
	v2 =	vsel vm7, v2, v14;
	vm15 =	vgt.f32 v9, v21;
	v4 =	vsel vm5, $0x6, v4  }
0x150: {  	[tilespmem:$0x1FC50] =	vst v23;
	v14 =	vld [tilespmem:$0x6A0];
	v13 =	vsel vm15, v9, v21;
	vm2 =	vgt.f32 v17, v2;
	v23 =	vsel vm15, $0x2, v22  }
0x151: {  	v15 =	vpop (erf);
	vm15 =	veq.s32 v3, $0x0;
	v21 =	vimm.s32 $0x0;
	vm8 =	vgt.f32 v8, v13  }
0x152: {  	[tilespmem:$0x1FCC0] =	vst v16;
	v16 =	vld [tilespmem:$0x720];
	vm4 =	vmand vm3, vm2;
	v6 =	vmul.f32 v15, v33;
	v13 =	vsel vm8, v8, v13  }
0x153: {  	[tilespmem:$0x1FC60] =	vst v24;
	v24 =	vnsel vm15, $0x0, v15;
	vm15 =	veq.s32 v4, $0x0;
	vm9 =	vgt.f32 v11, v13  }
0x154: {  	v2 =	vsel vm4, v17, v2;
	v17 =	vimm.s32 $0x0;
	v13 =	vsel vm9, v11, v13  }
0x155: {  	v2 =	vsub.f32 v2, v12;
	v12 =	vsel vm8, $0x3, v23;
	vm1 =	vgt.f32 v14, v13  }
0x156: {  	[tilespmem:$0x1FC90] =	vst v26;
	v26 =	vnsel vm15, $0x0, v6;
	vm8 =	veq.s32 v3, $0x1;
	v13 =	vsel vm1, v14, v13  }
0x157: {  	vm15 =	veq.s32 v4, $0x1;
	v12 =	vsel vm9, $0x4, v12;
	vm12 =	vgt.f32 v16, v13  }
0x158: {  	v23 =	vsel vm6, $0x0, v6;
	v12 =	vsel vm1, $0x5, v12;
	vm2 =	vmneg vm12  }
0x159: {  	[tilespmem:$0x1FC70] =	vst v25;
	v30 =	vnsel vm8, $0x0, v15;
	v25 =	vmul.f32 $1.442695020e+00, v2;
	v2 =	vnsel vm2, $0x6, v12  }
0x15a: {  	v33 =	vnsel vm15, $0x0, v6;
	vm8 =	veq.s32 v3, $0x2;
	vm9 =	vne.s32 v2, $0x0  }
0x15b: {  	[tilespmem:$0x1FCB0] =	vst v35;
	v35 =	vnsel vm8, $0x0, v15;
	vm8 =	veq.s32 v4, $0x3;
	vm12 =	vmand vm0, vm9  }
0x15c: {  	v18 =	vnsel vm8, $0x0, v6;
	vm8 =	veq.s32 v4, $0x4;
	v7 =	vnsel vm12, $0xF149F2CA, v7  }
0x15d: {  	(erf) = vpow2.f32 v25;
	vm9 =	vne.s32 v2, $0x1;
	vm0 =	vgt.f32 v5, v7  }
0x15e: {  	v12 =	vsel vm12, $0xFFFFFFFF, v32;
	vm12 =	veq.s32 v4, $0x2;
	vm15 =	vmand vm9, vm0  }
0x15f: {  	v36 =	vnsel vm12, $0x0, v6;
	vm0 =	veq.s32 v3, $0x3;
	v5 =	vsel vm15, v5, v7  }
0x160: {  	v22 =	vld [tilespmem:$0x1F700];
	[tilespmem:$0x1F740] =	vst v12;
	vm12 =	vne.s32 v2, $0x2;
	v12 =	vnsel vm0, $0x0, v15;
	vm0 =	vgt.f32 v9, v5  }
0x161: {  	[tilespmem:$0x1FD00] =	vst v30;
	v30 =	vimm.s32 $0x0;
	v25 =	vld [tilespmem:$0x1F710];
	v4 =	vnsel vm8, $0x0, v6;
	vm0 =	vmand vm12, vm0  }
0x162: {  	[tilespmem:$0x1FCF0] =	vst v26;
	v26 =	vld [tilespmem:$0x1F720];
	vm12 =	veq.s32 v3, $0x4;
	v7 =	vsel vm0, $0xFFFFFFFF, v17;
	v20 =	vsel vm0, v9, v5  }
0x163: {  	[tilespmem:$0x1FCE0] =	vst v24;
	v19 =	vnsel vm12, $0x0, v15;
	vm12 =	vne.s32 v2, $0x3;
	vm0 =	vgt.f32 v8, v20  }
0x164: {  	v13 =	vsel vm2, v13, v16;
	vm6 =	vne.s32 v2, $0x4;
	[tilespmem:$0x1FD70] =	vst v4;
	v5 =	vld [tilespmem:$0x430];
	vm12 =	vmand vm12, vm0  }
0x165: {  	v6 =	vnsel vm5, $0x0, v6;
	vm9 =	vnez.u8 v22;
	[tilespmem:$0x1F750] =	vst v7;
	v7 =	vld [tilespmem:$0x4B0];
	v4 =	vsel vm12, $0xFFFFFFFF, v21  }
0x166: {  	v3 =	vsel vm12, v8, v20;
	v8 =	vpop (erf);
	vm12 =	vnez.u8 v25;
	[tilespmem:$0x1F760] =	vst v4;
	v4 =	vnsel vm9, $0x0, v15  }
0x167: {  	[tilespmem:$0x1FD40] =	vst v12;
	v24 =	vadd.f32 $1.000000000e+00, v8;
	vm8 =	vgt.f32 v11, v3;
	vm9 =	vnez.u8 v26  }
0x168: {  	v12 =	vsel vm12, $0x0, v15;
	[tilespmem:$0x1FD80] =	vst v4;
	vm12 =	vmand vm6, vm8;
	v4 =	vsel vm9, $0x0, v61  }
0x169: {  	v9 =	vld [tilespmem:$0x530];
	(erf) = vrcp.f32 v24;
	v3 =	vsel vm12, v11, v3;
	v4 =	vsel vm13, $0x1, v4  }
0x16a: {  	vm9 =	vgt.f32 v7, v5;
	vm13 =	vmand vm1, vm2;
	vm6 =	vgt.f32 v14, v3  }
0x16b: {  	[tilespmem:$0x1FDB0] =	vst v6;
	v6 =	vld [tilespmem:$0x5B0];
	v11 =	vsel vm13, $0xFFFFFFFF, v30;
	v32 =	vsel vm9, v7, v5;
	v4 =	vsel vm14, $0x2, v4  }
0x16c: {  	[tilespmem:$0x1FD20] =	vst v35;
	v35 =	vsel vm9, $0x1, v45;
	vm14 =	veq.s32 v0, $0x0;
	vm6 =	vmneg vm6  }
0x16d: {  	[tilespmem:$0x1FD10] =	vst v33;
	v15 =	vld [tilespmem:$0x630];
	v30 =	vimm.s32 $0x0;
	v33 =	vsel vm10, $0x3, v4;
	vm8 =	vmor vm13, vm6  }
0x16e: {  	[tilespmem:$0x1FDA0] =	vst v12;
	vm6 =	vgt.f32 v9, v32;
	v12 =	vsel vm11, $0x4, v33;
	v3 =	vsel vm8, v3, v14  }
0x16f: {  	[tilespmem:$0x1F770] =	vst v11;
	v4 =	vld [tilespmem:$0x6B0];
	v11 =	vsel vm6, v9, v32;
	v14 =	vsel vm6, $0x2, v35;
	vm6 =	vgt.f32 v5, $-1.000000020e+30  }
0x170: {  	v22 =	vnsel vm7, $0x5, v12;
	vm0 =	vgt.f32 v16, v3;
	vm1 =	vgt.f32 v6, v11  }
0x171: {  	vm7 =	vmor vm4, vm7;
	vm9 =	vmand vm2, vm0;
	v11 =	vsel vm1, v6, v11  }
0x172: {  	[tilespmem:$0x1FD30] =	vst v36;
	v36 =	vsel vm1, $0x3, v14;
	v3 =	vsel vm9, v16, v3;
	vm10 =	vgt.f32 v15, v11  }
0x173: {  	[tilespmem:$0x1FD90] =	vst v23;
	v23 =	vld [tilespmem:$0x730];
	vm0 =	veq.s32 v0, $0x1;
	v3 =	vsub.f32 v3, v13;
	v11 =	vsel vm10, v15, v11  }
0x174: {  	vm1 =	veq.s32 v0, $0x2;
	v13 =	vsel vm10, $0x4, v36;
	vm11 =	vgt.f32 v4, v11  }
0x175: {  	[tilespmem:$0x1FD50] =	vst v18;
	v24 =	vld [tilespmem:$0x1F730];
	v16 =	vpop (erf);
	v3 =	vmul.f32 $1.442695020e+00, v3;
	v17 =	vsel vm11, v4, v11;
	v13 =	vsel vm11, $0x5, v13  }
0x176: {  	[tilespmem:$0x1FD60] =	vst v19;
	v18 =	vnsel vm14, $0x0, v16;
	v19 =	vnsel vm0, $0x0, v16;
	v20 =	vnsel vm1, $0x0, v16  }
0x177: {  	vm14 =	veq.s32 v0, $0x3;
	vm0 =	veq.s32 v0, $0x4;
	v11 =	vsel vm3, $0x0, v16  }
0x178: {  	vm10 =	vgt.f32 v23, v17;
	v21 =	vnsel vm14, $0x0, v16;
	v0 =	vnsel vm0, $0x0, v16  }
0x179: {  	vm5 =	vmneg vm10;
	(erf) = vpow2.f32 v3;
	[tilespmem:$0x1FE40] =	vst v0;
	v0 =	vsel vm4, $0x6, v22  }
0x17a: {  	v3 =	vmul.f32 v16, v8;
	vm10 =	vnez.u8 v24;
	v33 =	vnsel vm5, $0x6, v13  }
0x17b: {  	v8 =	vnsel vm10, $0x0, v16;
	vm13 =	veq.s32 v0, $0x0;
	vm3 =	veq.s32 v0, $0x4  }
0x17c: {  	[tilespmem:$0x1FE00] =	vst v20;
	v13 =	vld [tilespmem:$0x4C0];
	vm11 =	vmand vm11, vm5;
	v17 =	vsel vm5, v17, v23;
	vm1 =	vne.s32 v33, $0x0  }
0x17d: {  	[tilespmem:$0x1FE60] =	vst v8;
	v8 =	vld [tilespmem:$0x440];
	v25 =	vnsel vm13, $0x0, v3;
	vm13 =	veq.s32 v0, $0x2;
	v20 =	vnsel vm3, $0x0, v3  }
0x17e: {  	[tilespmem:$0x1FE20] =	vst v21;
	v21 =	vsel vm7, $0x0, v3;
	vm7 =	vne.s32 v33, $0x2;
	vm14 =	vmand vm6, vm1  }
0x17f: {  	v16 =	vld [tilespmem:$0x540];
	vm1 =	veq.s32 v0, $0x1;
	vm6 =	vne.s32 v33, $0x1;
	v5 =	vnsel vm14, $0xF149F2CA, v5  }
0x180: {  	[tilespmem:$0x1FDE0] =	vst v19;
	v32 =	vnsel vm13, $0x0, v3;
	v26 =	vnsel vm1, $0x0, v3;
	vm1 =	vgt.f32 v7, v5  }
0x181: {  	vm13 =	vne.s32 v33, $0x3;
	[tilespmem:$0x1FDF0] =	vst v26;
	v26 =	vld [tilespmem:$0x1F740];
	vm6 =	vmand vm6, vm1;
	vm1 =	veq.s32 v0, $0x3  }
0x182: {  	[tilespmem:$0x1FE80] =	vst v11;
	v19 =	vld [tilespmem:$0x5C0];
	v11 =	vsel vm6, $0xFFFFFFFF, v30;
	v35 =	vnsel vm1, $0x0, v3;
	vm10 =	vgt.f32 v13, v8  }
0x183: {  	[tilespmem:$0x1FDD0] =	vst v25;
	v36 =	vsel vm6, v7, v5;
	v3 =	vnsel vm4, $0x0, v3;
	v22 =	vsel vm10, v13, v8  }
0x184: {  	[tilespmem:$0x1F780] =	vst v11;
	v11 =	vld [tilespmem:$0x640];
	vm6 =	vgt.f32 v9, v36;
	v30 =	vsel vm10, $0x1, v45;
	v5 =	vpop (erf);
	vm1 =	vgt.f32 v16, v22  }
0x185: {  	[tilespmem:$0x1FE30] =	vst v35;
	v35 =	vld [tilespmem:$0x1F750];
	vm7 =	vmand vm7, vm6;
	v24 =	vadd.f32 $1.000000000e+00, v5;
	v25 =	vsel vm1, v16, v22  }
0x186: {  	v14 =	vld [tilespmem:$0x6C0];
	[tilespmem:$0x1FE10] =	vst v32;
	vm4 =	vnez.u8 v26;
	v0 =	vsel vm7, v9, v36;
	v32 =	vsel vm1, $0x2, v30  }
0x187: {  	v36 =	vld [tilespmem:$0x1F760];
	vm1 =	veq.s32 v2, $0x1;
	v7 =	vsel vm4, $0x0, v61;
	vm4 =	vgt.f32 v19, v25  }
0x188: {  	[tilespmem:$0x1FE90] =	vst v3;
	v30 =	vld [tilespmem:$0x1F770];
	v7 =	vsel vm15, $0x1, v7;
	v3 =	vsel vm4, v19, v25;
	vm15 =	vgt.f32 v6, v0  }
0x189: {  	[tilespmem:$0x1FDC0] =	vst v18;
	v18 =	vld [tilespmem:$0x740];
	(erf) = vrcp.f32 v24;
	vm6 =	vgt.f32 v11, v3;
	vm13 =	vmand vm13, vm15  }
0x18a: {  	vm10 =	vnez.u8 v35;
	v3 =	vsel vm6, v11, v3;
	v0 =	vsel vm13, v6, v0  }
0x18b: {  	v7 =	vsel vm10, $0x2, v7;
	v6 =	vsel vm4, $0x3, v32;
	vm10 =	vne.s32 v33, $0x4  }
0x18c: {  	vm15 =	vgt.f32 v14, v3;
	vm4 =	vnez.u8 v36;
	v6 =	vsel vm6, $0x4, v6  }
0x18d: {  	vm3 =	vnez.u8 v30;
	v12 =	vsel vm15, v14, v3;
	v3 =	vsel vm4, $0x3, v7  }
0x18e: {  	vm6 =	vgt.f32 v18, v12;
	v3 =	vsel vm12, $0x4, v3;
	vm12 =	vgt.f32 v15, v0  }
0x18f: {  	v6 =	vsel vm15, $0x5, v6;
	vm6 =	vmneg vm6;
	vm10 =	vmand vm10, vm12  }
0x190: {  	vm12 =	vgt.f32 v8, $-1.000000020e+30;
	v24 =	vnsel vm8, $0x5, v3;
	vm8 =	vmor vm9, vm8  }
0x191: {  	v35 =	vnsel vm6, $0x6, v6;
	v0 =	vsel vm10, v15, v0;
	v36 =	vsel vm9, $0x6, v24  }
0x192: {  	v24 =	vimm.s32 $0x0;
	v6 =	vsel vm14, $0x0, v61;
	vm4 =	vne.s32 v35, $0x0  }
0x193: {  	[tilespmem:$0x1FE50] =	vst v20;
	v12 =	vsel vm6, v12, v18;
	vm12 =	vmand vm12, vm4;
	vm4 =	veq.s32 v2, $0x0;
	v9 =	vpop (erf)  }
0x194: {  	[tilespmem:$0x1FE70] =	vst v21;
	v20 =	vnsel vm4, $0x0, v9;
	vm4 =	veq.s32 v2, $0x2;
	v21 =	vnsel vm1, $0x0, v9  }
0x195: {  	vm1 =	veq.s32 v2, $0x3;
	v7 =	vmul.f32 v9, v5;
	v5 =	vnsel vm12, $0xF149F2CA, v8  }
0x196: {  	v3 =	vnsel vm3, $0x0, v9;
	v32 =	vsel vm2, $0x0, v9;
	v22 =	vnsel vm4, $0x0, v9  }
0x197: {  	[tilespmem:$0x1FEA0] =	vst v20;
	vm4 =	veq.s32 v2, $0x4;
	v25 =	vnsel vm1, $0x0, v9;
	vm1 =	vne.s32 v35, $0x1  }
0x198: {  	vm0 =	vgt.f32 v13, v5;
	[tilespmem:$0x1FF40] =	vst v3;
	v20 =	vimm.s32 $0x0;
	v3 =	vadd.f32 v58, v56  }
0x199: {  	v26 =	vnsel vm4, $0x0, v9;
	vm3 =	vmand vm1, vm0;
	v2 =	vsel vm11, $0xFFFFFFFF, v20  }
0x19a: {  	vm1 =	veq.s32 v36, $0x0;
	vm4 =	vgt.f32 v4, v0;
	vm0 =	veq.s32 v36, $0x4  }
0x19b: {  	[tilespmem:$0x1FF60] =	vst v32;
	v30 =	vsel vm8, $0x0, v7;
	v32 =	vnsel vm9, $0x0, v7;
	vm9 =	vne.s32 v35, $0x3  }
0x19c: {  	[tilespmem:$0x1FEC0] =	vst v21;
	vm2 =	vmneg vm4;
	vm4 =	veq.s32 v36, $0x1;
	v21 =	vnsel vm1, $0x0, v7  }
0x19d: {  	v15 =	vld [tilespmem:$0x450];
	[tilespmem:$0x1FF20] =	vst v26;
	vm1 =	veq.s32 v36, $0x2;
	v13 =	vsel vm3, v13, v5;
	v26 =	vnsel vm0, $0x0, v7  }
0x19e: {  	[tilespmem:$0x1FED0] =	vst v22;
	v20 =	vld [tilespmem:$0x4D0];
	v9 =	vnsel vm4, $0x0, v7;
	vm4 =	veq.s32 v36, $0x3;
	v22 =	vnsel vm1, $0x0, v7  }
0x19f: {  	v27 =	vld [tilespmem:$0x1F7F0];
	[tilespmem:$0x1F950] =	vst v2;
	vm11 =	vmor vm11, vm2;
	vm1 =	vgt.f32 v16, v13;
	v36 =	vimm.s32 $0x0  }
0x1a0: {  	[tilespmem:$0x1FEB0] =	vst v21;
	v21 =	vld [tilespmem:$0x550];
	v2 =	vsel vm11, $0xFFFFFFFF, v24;
	v0 =	vsel vm11, v0, v4;
	vm11 =	vne.s32 v35, $0x2  }
0x1a1: {  	[tilespmem:$0x1FF00] =	vst v25;
	v25 =	vnsel vm4, $0x0, v7;
	v24 =	vld [tilespmem:$0x5D0];
	vm0 =	vgt.f32 v23, v0;
	vm2 =	vmand vm11, vm1  }
0x1a2: {  	v7 =	vld [tilespmem:$0x1F780];
	[tilespmem:$0x1F9C0] =	vst v2;
	v2 =	vsel vm5, $0xFFFFFFFF, v36;
	v36 =	vimm.s32 $0x0;
	vm11 =	vne.s32 v35, $0x4  }
0x1a3: {  	v34 =	vld [tilespmem:$0x1F820];
	[tilespmem:$0x1FF30] =	vst v26;
	vm8 =	vgt.f32 v20, v15;
	vm4 =	vmand vm5, vm0;
	v13 =	vsel vm2, v16, v13  }
0x1a4: {  	v26 =	vld [tilespmem:$0x650];
	[tilespmem:$0x1FEE0] =	vst v22;
	v22 =	vsel vm8, v20, v15;
	v0 =	vsel vm4, v23, v0;
	vm5 =	vgt.f32 v19, v13  }
0x1a5: {  	v44 =	vld [tilespmem:$0x1F830];
	v5 =	vsel vm8, $0x1, v45;
	vm1 =	vgt.f32 v21, v22;
	v0 =	vsub.f32 v0, v17  }
0x1a6: {  	v46 =	vld [tilespmem:$0x1F840];
	vm9 =	vmand vm9, vm5;
	v22 =	vsel vm1, v21, v22;
	v17 =	vsel vm1, $0x2, v5  }
0x1a7: {  	[tilespmem:$0x1FF10] =	vst v25;
	v25 =	vld [tilespmem:$0x6D0];
	v13 =	vsel vm9, v19, v13;
	vm5 =	vnez.u8 v7;
	vm0 =	vgt.f32 v24, v22  }
0x1a8: {  	v48 =	vld [tilespmem:$0x1F850];
	v5 =	vimm.s32 $0x0;
	v0 =	vmul.f32 $1.442695020e+00, v0;
	v4 =	vsel vm0, v24, v22  }
0x1a9: {  	[tilespmem:$0x1FF50] =	vst v30;
	v30 =	vld [tilespmem:$0x750];
	v7 =	vimm.s32 $0x0;
	v17 =	vsel vm0, $0x3, v17;
	vm8 =	vgt.f32 v26, v4  }
0x1aa: {  	v49 =	vld [tilespmem:$0x1F860];
	(erf) = vpow2.f32 v0;
	v0 =	vsel vm5, $0x1, v6;
	vm5 =	vgt.f32 v11, v13  }
0x1ab: {  	v50 =	vld [tilespmem:$0x1F870];
	v16 =	vsel vm8, v26, v4;
	v8 =	vsel vm8, $0x4, v17;
	v23 =	vsel vm7, $0x2, v0  }
0x1ac: {  	v56 =	vld [tilespmem:$0x1F8D0];
	v17 =	vadd.f32 v10, v1;
	v10 =	vsel vm12, $0x0, v61;
	vm14 =	vgt.f32 v25, v16  }
0x1ad: {  	v58 =	vld [tilespmem:$0x1F8F0];
	v1 =	vadd.f32 v54, v53;
	v4 =	vsel vm13, $0x3, v23;
	v22 =	vsel vm14, v25, v16  }
0x1ae: {  	[tilespmem:$0x1FF70] =	vst v32;
	v53 =	vld [tilespmem:$0x1F8A0];
	v32 =	vsel vm14, $0x5, v8;
	v16 =	vsel vm3, $0x1, v10;
	vm8 =	vgt.f32 v30, v22  }
0x1af: {  	v54 =	vld [tilespmem:$0x1F8B0];
	v10 =	vadd.f32 v52, v51;
	vm0 =	vmneg vm8;
	vm8 =	vmand vm11, vm5  }
0x1b0: {  	v23 =	vld [tilespmem:$0x1F7D0];
	vm11 =	vgt.f32 v15, $-1.000000020e+30;
	vm5 =	vmand vm15, vm6;
	v0 =	vnsel vm0, $0x6, v32  }
0x1b1: {  	[tilespmem:$0x1F9D0] =	vst v2;
	v51 =	vld [tilespmem:$0x1F880];
	v2 =	vsel vm0, $0xFFFFFFFF, v36;
	v11 =	vsel vm8, v11, v13;
	vm7 =	vne.s32 v0, $0x0  }
0x1b2: {  	v52 =	vld [tilespmem:$0x1F890];
	v36 =	vadd.f32 v29, v28;
	vm13 =	vgt.f32 v14, v11;
	vm1 =	vmand vm11, vm7  }
0x1b3: {  	v28 =	vld [tilespmem:$0x1F800];
	[tilespmem:$0x1FFB0] =	vst v2;
	vm15 =	vne.s32 v0, $0x1;
	v2 =	vsel vm1, $0xFFFFFFFF, v5;
	v6 =	vnsel vm1, $0xF149F2CA, v15  }
0x1b4: {  	v29 =	vld [tilespmem:$0x1F810];
	vm1 =	vmneg vm13;
	v15 =	vsel vm10, $0x4, v4;
	vm10 =	vne.s32 v0, $0x2  }
0x1b5: {  	v32 =	vpop (erf);
	v4 =	vadd.f32 v60, v59;
	v59 =	vld [tilespmem:$0x1F900];
	vm0 =	vgt.f32 v20, v6;
	vm13 =	vmor vm5, vm1  }
0x1b6: {  	v60 =	vld [tilespmem:$0x1F910];
	v8 =	vadd.f32 $1.000000000e+00, v32;
	vm7 =	vmand vm15, vm0;
	v11 =	vsel vm13, v11, v14  }
0x1b7: {  	[tilespmem:$0x1FAC0] =	vst v2;
	v14 =	vld [tilespmem:$0x1F790];
	v2 =	vsel vm7, $0xFFFFFFFF, v7;
	v13 =	vsel vm7, v20, v6;
	vm12 =	vgt.f32 v18, v11  }
0x1b8: {  	(erf) = vrcp.f32 v8;
	v20 =	vld [tilespmem:$0x1F7B0];
	vm11 =	vgt.f32 v21, v13;
	vm12 =	vmand vm6, vm12  }
0x1b9: {  	vm10 =	vmand vm10, vm11;
	v11 =	vsel vm12, v18, v11;
	v18 =	vsel vm2, $0x2, v16;
	v16 =	vld [tilespmem:$0x1F7A0]  }
0x1ba: {  	[tilespmem:$0x1FB50] =	vst v2;
	v2 =	vadd.f32 v57, v55;
	v55 =	vld [tilespmem:$0x1F8C0];
	v13 =	vsel vm10, v21, v13  }
0x1bb: {  	vm15 =	vne.s32 v0, $0x3;
	v21 =	vld [tilespmem:$0x1F7C0];
	vm7 =	vgt.f32 v24, v13  }
0x1bc: {  	v57 =	vld [tilespmem:$0x1F8E0];
	v11 =	vsub.f32 v11, v12;
	vm15 =	vmand vm15, vm7  }
0x1bd: {  	v39 =	vadd.f32 v41, v39;
	v41 =	vsel vm15, v24, v13;
	v24 =	vld [tilespmem:$0x1F7E0]  }
0x1be: {  	v11 =	vmul.f32 $1.442695020e+00, v11;
	v6 =	vadd.f32 v16, v14;
	v14 =	vadd.f32 v49, v48;
	v49 =	vld [tilespmem:$0x1F940]  }
0x1bf: {  	v16 =	vadd.f32 v51, v50;
	v51 =	vld [tilespmem:$0x1F950]  }
0x1c0: {  	v7 =	vadd.f32 v21, v20;
	v20 =	vadd.f32 v53, v52;
	v52 =	vld [tilespmem:$0x1F960]  }
0x1c1: {  	vm11 =	vne.s32 v0, $0x4;
	vm7 =	vgt.f32 v26, v41;
	(erf) = vpow2.f32 v11;
	v53 =	vld [tilespmem:$0x1F970]  }
0x1c2: {  	vm7 =	vmand vm11, vm7;
	vm11 =	veq.s32 v33, $0x0;
	v21 =	vadd.f32 v57, v56;
	v56 =	vld [tilespmem:$0x1F9A0];
	v11 =	vpop (erf)  }
0x1c3: {  	v57 =	vld [tilespmem:$0x1F9B0];
	v13 =	vnsel vm11, $0x0, v11  }
0x1c4: {  	[tilespmem:$0x1FF80] =	vst v13;
	v13 =	vadd.f32 v34, v29;
	v34 =	vadd.f32 v46, v44;
	v44 =	vld [tilespmem:$0x1F920]  }
0x1c5: {  	v5 =	vadd.f32 v63, v62;
	v12 =	vadd.f32 v28, v27;
	vm11 =	veq.s32 v33, $0x1;
	v46 =	vld [tilespmem:$0x1F930]  }
0x1c6: {  	v19 =	vnsel vm11, $0x0, v11;
	v8 =	vadd.f32 v24, v23;
	v24 =	vadd.f32 v59, v58;
	v58 =	vld [tilespmem:$0x1F9C0]  }
0x1c7: {  	v26 =	vsel vm7, v26, v41;
	vm11 =	veq.s32 v33, $0x2;
	[tilespmem:$0x1FF90] =	vst v19;
	v19 =	vadd.f32 v55, v54;
	v54 =	vld [tilespmem:$0x1F980]  }
0x1c8: {  	v32 =	vmul.f32 v11, v32;
	v63 =	vnsel vm11, $0x0, v11;
	vm11 =	veq.s32 v33, $0x3;
	v55 =	vld [tilespmem:$0x1F990]  }
0x1c9: {  	v41 =	vld [tilespmem:$0x1F9D0];
	v62 =	vnsel vm11, $0x0, v11;
	vm11 =	veq.s32 v33, $0x4;
	v28 =	vadd.f32 v53, v52  }
0x1ca: {  	v29 =	vadd.f32 v57, v56;
	v52 =	vimm.s32 $0x0;
	v48 =	vadd.f32 v44, v60  }
0x1cb: {  	v44 =	vpop (erf);
	v60 =	vnsel vm11, $0x0, v11;
	v23 =	vadd.f32 v49, v46;
	vm11 =	vnez.u8 v51  }
0x1cc: {  	vm0 =	vnez.u8 v58;
	v46 =	vsel vm9, $0x3, v18;
	v51 =	vld [tilespmem:$0x1FFB0];
	v50 =	vadd.f32 $1.000000000e+00, v44  }
0x1cd: {  	v53 =	vld [tilespmem:$0x1F9E0];
	v59 =	vnsel vm11, $0x0, v11;
	v27 =	vadd.f32 v55, v54;
	v15 =	vnsel vm0, $0x5, v15  }
0x1ce: {  	[tilespmem:$0x980] =	vst v37;
	vm11 =	vnez.u8 v41;
	v54 =	vld [tilespmem:$0x1F9F0];
	v37 =	vsel vm8, $0x4, v46;
	v15 =	vsel vm4, $0x6, v15  }
0x1cf: {  	vm8 =	veq.s32 v35, $0x0;
	v58 =	vsel vm11, $0x0, v11;
	vm1 =	veq.s32 v15, $0x0  }
0x1d0: {  	[tilespmem:$0x880] =	vst v31;
	(erf) = vrcp.f32 v50;
	vm11 =	veq.s32 v15, $0x1;
	v56 =	vnsel vm1, $0x0, v32  }
0x1d1: {  	[tilespmem:$0xA00] =	vst v38;
	v55 =	vnsel vm11, $0x0, v32;
	vm11 =	vgt.f32 v25, v26;
	vm9 =	vnez.u8 v51  }
0x1d2: {  	[tilespmem:$0xA80] =	vst v39;
	vm2 =	vmneg vm11;
	vm3 =	vmand vm14, vm9;
	vm14 =	veq.s32 v15, $0x2  }
0x1d3: {  	[tilespmem:$0x800] =	vst v17;
	v17 =	vadd.f32 v54, v53;
	v22 =	vsel vm9, v22, v30;
	v18 =	vsel vm3, $0xFFFFFFFF, v52  }
0x1d4: {  	[tilespmem:$0xB00] =	vst v40;
	v57 =	vnsel vm14, $0x0, v32;
	vm14 =	veq.s32 v15, $0x3;
	vm11 =	vmor vm3, vm2  }
0x1d5: {  	[tilespmem:$0x810] =	vst v42;
	vm2 =	vmor vm4, vm0;
	v52 =	vnsel vm4, $0x0, v32;
	vm3 =	veq.s32 v35, $0x2  }
0x1d6: {  	[tilespmem:$0x890] =	vst v43;
	v53 =	vnsel vm14, $0x0, v32;
	vm14 =	veq.s32 v15, $0x4;
	v33 =	vsel vm11, v26, v25  }
0x1d7: {  	[tilespmem:$0x910] =	vst v47;
	vm4 =	veq.s32 v35, $0x4;
	v51 =	vnsel vm14, $0x0, v32;
	vm14 =	vgt.f32 v30, v33  }
0x1d8: {  	v41 =	vld [tilespmem:$0x460];
	[tilespmem:$0x1FEF0] =	vst v18;
	v50 =	vsel vm2, $0x0, v32;
	v18 =	vnsel vm13, $0x5, v37;
	vm14 =	vmand vm9, vm14  }
0x1d9: {  	[tilespmem:$0xB10] =	vst v3;
	v11 =	vld [tilespmem:$0x4E0];
	vm2 =	veq.s32 v35, $0x1;
	v18 =	vsel vm12, $0x6, v18;
	v15 =	vsel vm14, v30, v33  }
0x1da: {  	[tilespmem:$0xA10] =	vst v1;
	vm9 =	veq.s32 v18, $0x1;
	vm0 =	veq.s32 v18, $0x4;
	v38 =	vpop (erf);
	v39 =	vsub.f32 v15, v22  }
0x1db: {  	v40 =	vld [tilespmem:$0x470];
	[tilespmem:$0x990] =	vst v10;
	v46 =	vnsel vm8, $0x0, v38;
	vm8 =	veq.s32 v35, $0x3;
	v49 =	vnsel vm2, $0x0, v38  }
0x1dc: {  	[tilespmem:$0x900] =	vst v36;
	v15 =	vld [tilespmem:$0x560];
	v30 =	vmul.f32 v38, v44;
	v42 =	vnsel vm3, $0x0, v38;
	v43 =	vnsel vm4, $0x0, v38  }
0x1dd: {  	v1 =	vld [tilespmem:$0x4F0];
	[tilespmem:$0x820] =	vst v4;
	v47 =	vnsel vm5, $0x0, v38;
	v54 =	vsel vm6, $0x0, v38;
	vm2 =	veq.s32 v18, $0x2  }
0x1de: {  	[tilespmem:$0x8A0] =	vst v5;
	v22 =	vld [tilespmem:$0x5E0];
	vm3 =	veq.s32 v18, $0x3;
	vm4 =	vgt.f32 v11, v41;
	v44 =	vnsel vm8, $0x0, v38  }
0x1df: {  	v10 =	vld [tilespmem:$0x570];
	[tilespmem:$0xA90] =	vst v2;
	v25 =	vmul.f32 $1.442695020e+00, v39;
	vm8 =	veq.s32 v18, $0x0;
	v26 =	vsel vm4, v11, v41  }
0x1e0: {  	[tilespmem:$0x920] =	vst v6;
	v18 =	vld [tilespmem:$0x660];
	v6 =	vsel vm4, $0x1, v45;
	v39 =	vnsel vm8, $0x0, v30;
	v38 =	vnsel vm9, $0x0, v30  }
0x1e1: {  	v5 =	vld [tilespmem:$0x5F0];
	[tilespmem:$0xAA0] =	vst v12;
	vm9 =	vmor vm12, vm13;
	v37 =	vnsel vm2, $0x0, v30;
	vm8 =	vgt.f32 v15, v26  }
0x1e2: {  	[tilespmem:$0x8B0] =	vst v14;
	v36 =	vnsel vm3, $0x0, v30;
	(erf) = vpow2.f32 v25;
	v25 =	vld [tilespmem:$0x6E0];
	v31 =	vsel vm8, v15, v26  }
0x1e3: {  	[tilespmem:$0x930] =	vst v16;
	v3 =	vnsel vm12, $0x0, v30;
	vm13 =	vgt.f32 v1, v40;
	vm12 =	vgt.f32 v22, v31  }
0x1e4: {  	[tilespmem:$0x9A0] =	vst v7;
	v35 =	vnsel vm0, $0x0, v30;
	v33 =	vsel vm13, v1, v40;
	v26 =	vld [tilespmem:$0x760];
	v4 =	vsel vm12, v22, v31  }
0x1e5: {  	[tilespmem:$0x9B0] =	vst v20;
	v6 =	vsel vm8, $0x2, v6;
	vm8 =	vgt.f32 v10, v33;
	v31 =	vld [tilespmem:$0x670];
	vm6 =	vgt.f32 v18, v4  }
0x1e6: {  	v14 =	vld [tilespmem:$0x1FA00];
	[tilespmem:$0xAB0] =	vst v21;
	v2 =	vsel vm9, $0x0, v30;
	v7 =	vsel vm8, v10, v33;
	v4 =	vsel vm6, v18, v4  }
0x1e7: {  	[tilespmem:$0xB20] =	vst v13;
	v32 =	vld [tilespmem:$0x6F0];
	v13 =	vsel vm13, $0x1, v45;
	vm9 =	vgt.f32 v5, v7;
	vm1 =	vgt.f32 v25, v4  }
0x1e8: {  	v16 =	vld [tilespmem:$0x1FA10];
	[tilespmem:$0x830] =	vst v34;
	v6 =	vsel vm12, $0x3, v6;
	v30 =	vsel vm9, v5, v7;
	v12 =	vsel vm1, v25, v4  }
0x1e9: {  	v34 =	vld [tilespmem:$0x770];
	[tilespmem:$0xB30] =	vst v24;
	v7 =	vsel vm8, $0x2, v13;
	v6 =	vsel vm6, $0x4, v6;
	vm12 =	vgt.f32 v26, v12  }
0x1ea: {  	v24 =	vld [tilespmem:$0x1FA60];
	[tilespmem:$0xA30] =	vst v19;
	v6 =	vsel vm1, $0x5, v6;
	vm13 =	vgt.f32 v31, v30;
	vm5 =	vmneg vm12  }
0x1eb: {  	v19 =	vld [tilespmem:$0x1FA20];
	[tilespmem:$0x940] =	vst v28;
	v7 =	vsel vm9, $0x3, v7;
	v4 =	vsel vm13, v31, v30;
	v33 =	vnsel vm5, $0x6, v6  }
0x1ec: {  	[tilespmem:$0xA40] =	vst v29;
	v28 =	vld [tilespmem:$0x1FA80];
	vm9 =	vgt.f32 v41, $-1.000000020e+30;
	vm0 =	vgt.f32 v32, v4;
	vm8 =	vne.s32 v33, $0x0  }
0x1ed: {  	v20 =	vimm.s32 $0x0;
	v29 =	vld [tilespmem:$0x1FA90];
	[tilespmem:$0x8C0] =	vst v23;
	v30 =	vsel vm0, v32, v4;
	vm4 =	vmand vm9, vm8  }
0x1ee: {  	[tilespmem:$0x9C0] =	vst v27;
	v27 =	vld [tilespmem:$0x1FA70];
	v21 =	vsel vm13, $0x4, v7;
	vm12 =	vgt.f32 v34, v30;
	v4 =	vsel vm4, $0xFFFFFFFF, v20  }
0x1ef: {  	v23 =	vld [tilespmem:$0x1FA50];
	vm6 =	vmneg vm12;
	[tilespmem:$0x1FFA0] =	vst v4;
	v4 =	vsel vm0, $0x5, v21  }
0x1f0: {  	[tilespmem:$0x840] =	vst v48;
	v20 =	vld [tilespmem:$0x1FA30];
	v48 =	vnsel vm6, $0x6, v4  }
0x1f1: {  	v6 =	vnsel vm4, $0xF149F2CA, v41;
	vm12 =	vgt.f32 v40, $-1.000000020e+30;
	v41 =	vld [tilespmem:$0x1FAA0];
	vm9 =	vne.s32 v48, $0x0  }
0x1f2: {  	v13 =	vimm.s32 $0x0;
	v21 =	vld [tilespmem:$0x1FA40];
	vm2 =	vmand vm12, vm9  }
0x1f3: {  	v4 =	vsel vm2, $0xFFFFFFFF, v13;
	v13 =	vadd.f32 v27, v24;
	v24 =	vld [tilespmem:$0x1FAB0]  }
0x1f4: {  	vm13 =	vne.s32 v33, $0x1;
	vm8 =	vgt.f32 v11, v6;
	v27 =	vld [tilespmem:$0x1FAC0]  }
0x1f5: {  	[tilespmem:$0x1FFC0] =	vst v4;
	v4 =	vadd.f32 v16, v14;
	v14 =	vnsel vm2, $0xF149F2CA, v40;
	v16 =	vadd.f32 v29, v28;
	v28 =	vld [tilespmem:$0x1FAD0]  }
0x1f6: {  	vm13 =	vmand vm13, vm8;
	vm8 =	vne.s32 v48, $0x1;
	v29 =	vld [tilespmem:$0x1FAE0];
	vm9 =	vgt.f32 v1, v14  }
0x1f7: {  	v40 =	vimm.s32 $0x0;
	vm3 =	vmand vm8, vm9;
	[tilespmem:$0x9D0] =	vst v16;
	v16 =	vld [tilespmem:$0x1FB80]  }
0x1f8: {  	v7 =	vadd.f32 v20, v19;
	v20 =	vsel vm3, $0xFFFFFFFF, v40;
	v40 =	vld [tilespmem:$0x1FAF0]  }
0x1f9: {  	v1 =	vsel vm3, v1, v14;
	v14 =	vld [tilespmem:$0x1FC00]  }
0x1fa: {  	[tilespmem:$0xAC0] =	vst v17;
	v17 =	vadd.f32 v24, v41;
	v41 =	vld [tilespmem:$0x1FB00]  }
0x1fb: {  	v6 =	vsel vm13, v11, v6;
	v19 =	vpop (erf);
	[tilespmem:$0xB40] =	vst v4;
	v4 =	vadd.f32 v29, v28;
	v28 =	vld [tilespmem:$0x1FB10]  }
0x1fc: {  	vm8 =	vne.s32 v33, $0x2;
	vm9 =	vgt.f32 v15, v6;
	[tilespmem:$0x1FFD0] =	vst v20;
	v20 =	vadd.f32 $1.000000000e+00, v19;
	v29 =	vld [tilespmem:$0x1FB20]  }
0x1fd: {  	vm8 =	vmand vm8, vm9;
	[tilespmem:$0xA50] =	vst v17;
	v17 =	vld [tilespmem:$0x1FB90]  }
0x1fe: {  	(erf) = vrcp.f32 v20;
	v20 =	vsel vm8, v15, v6;
	v15 =	vld [tilespmem:$0x1FC10]  }
0x1ff: {  	[tilespmem:$0xA20] =	vst v8;
	v8 =	vadd.f32 v23, v21;
	v23 =	vadd.f32 v41, v40;
	v40 =	vld [tilespmem:$0x1FB30]  }
0x200: {  	v41 =	vld [tilespmem:$0x1FB40]  }
0x201: {  	[tilespmem:$0x850] =	vst v7;
	v7 =	vadd.f32 v29, v28;
	v28 =	vld [tilespmem:$0x1FB50]  }
0x202: {  	[tilespmem:$0x950] =	vst v13;
	v13 =	vadd.f32 v17, v16;
	v16 =	vld [tilespmem:$0x1FC20]  }
0x203: {  	v17 =	vld [tilespmem:$0x1FC30]  }
0x204: {  	[tilespmem:$0xB50] =	vst v23;
	v23 =	vld [tilespmem:$0x1FC80]  }
0x205: {  	vm12 =	vnez.u8 v27;
	[tilespmem:$0x9E0] =	vst v13;
	v13 =	vld [tilespmem:$0x1FBF0]  }
0x206: {  	v21 =	vsel vm12, $0x0, v61;
	v24 =	vadd.f32 v41, v40;
	v40 =	vld [tilespmem:$0x1FB60];
	vm4 =	vnez.u8 v28  }
0x207: {  	[tilespmem:$0x8D0] =	vst v8;
	v41 =	vld [tilespmem:$0x1FB70];
	v8 =	vsel vm4, $0x1, v21  }
0x208: {  	vm12 =	vgt.f32 v10, v1;
	v28 =	vld [tilespmem:$0x1FBA0];
	v8 =	vsel vm10, $0x2, v8;
	vm10 =	vne.s32 v48, $0x2  }
0x209: {  	v29 =	vimm.s32 $0x0;
	[tilespmem:$0x8E0] =	vst v24;
	v24 =	vld [tilespmem:$0x1FC90];
	vm2 =	vmand vm10, vm12  }
0x20a: {  	v21 =	vsel vm15, $0x3, v8;
	v11 =	vsel vm2, $0xFFFFFFFF, v29;
	v29 =	vld [tilespmem:$0x1FBB0]  }
0x20b: {  	vm15 =	vne.s32 v33, $0x3;
	v6 =	vsel vm7, $0x4, v21;
	v21 =	vld [tilespmem:$0x1FC60]  }
0x20c: {  	v1 =	vsel vm2, v10, v1;
	vm7 =	vgt.f32 v22, v20;
	[tilespmem:$0x1FFE0] =	vst v11;
	v11 =	vadd.f32 v41, v40;
	v40 =	vld [tilespmem:$0x1FBC0]  }
0x20d: {  	vm9 =	vne.s32 v48, $0x3;
	vm3 =	vmand vm15, vm7;
	vm10 =	vgt.f32 v5, v1;
	v41 =	vld [tilespmem:$0x1FBD0]  }
0x20e: {  	v27 =	vimm.s32 $0x0;
	[tilespmem:$0xAD0] =	vst v4;
	vm2 =	vmand vm9, vm10;
	v4 =	vsel vm3, v22, v20;
	v20 =	vld [tilespmem:$0x1FC50]  }
0x20f: {  	[tilespmem:$0x860] =	vst v7;
	v22 =	vld [tilespmem:$0x1FC70];
	v7 =	vsel vm2, $0xFFFFFFFF, v27  }
0x210: {  	[tilespmem:$0x960] =	vst v11;
	v1 =	vsel vm2, v5, v1;
	vm2 =	vne.s32 v33, $0x4;
	vm12 =	vgt.f32 v18, v4;
	v11 =	vld [tilespmem:$0x1FBE0]  }
0x211: {  	v27 =	vld [tilespmem:$0x1FCA0];
	vm2 =	vmand vm2, vm12  }
0x212: {  	v4 =	vsel vm2, v18, v4;
	v18 =	vld [tilespmem:$0x1FC40]  }
0x213: {  	[tilespmem:$0x1FFF0] =	vst v7;
	v7 =	vadd.f32 v29, v28;
	v28 =	vld [tilespmem:$0x1FCB0]  }
0x214: {  	vm15 =	vne.s32 v48, $0x4;
	vm4 =	vgt.f32 v31, v1;
	v8 =	vadd.f32 v41, v40;
	v40 =	vld [tilespmem:$0x1FCC0]  }
0x215: {  	vm9 =	vmand vm15, vm4;
	v41 =	vld [tilespmem:$0x1FCD0]  }
0x216: {  	v1 =	vsel vm9, v31, v1;
	v31 =	vld [tilespmem:$0x1FEA0]  }
0x217: {  	[tilespmem:$0xA60] =	vst v7;
	v7 =	vadd.f32 v15, v14;
	v14 =	vld [tilespmem:$0x1FCE0]  }
0x218: {  	vm12 =	vgt.f32 v25, v4;
	v15 =	vld [tilespmem:$0x1FCF0]  }
0x219: {  	vm7 =	vmand vm1, vm5;
	vm15 =	vmneg vm12;
	[tilespmem:$0xAE0] =	vst v8;
	v8 =	vadd.f32 v24, v23;
	v23 =	vld [tilespmem:$0x1FD60]  }
0x21a: {  	v5 =	vadd.f32 v13, v11;
	vm1 =	vmor vm7, vm15;
	v24 =	vld [tilespmem:$0x1FD70]  }
0x21b: {  	v4 =	vsel vm1, v4, v25;
	v25 =	vld [tilespmem:$0x1FD80]  }
0x21c: {  	[tilespmem:$0xB60] =	vst v5;
	v5 =	vadd.f32 v17, v16;
	v16 =	vld [tilespmem:$0x1FD00]  }
0x21d: {  	v17 =	vld [tilespmem:$0x1FD10]  }
0x21e: {  	[tilespmem:$0x870] =	vst v7;
	v7 =	vadd.f32 v20, v18;
	v20 =	vld [tilespmem:$0x1FD30]  }
0x21f: {  	v18 =	vsel vm5, v12, v26;
	v12 =	vld [tilespmem:$0x1FDE0]  }
0x220: {  	v10 =	vadd.f32 v41, v40;
	v40 =	vld [tilespmem:$0x1FDC0]  }
0x221: {  	v41 =	vld [tilespmem:$0x1FDD0]  }
0x222: {  	vm4 =	vgt.f32 v26, v4;
	[tilespmem:$0x8F0] =	vst v5;
	v5 =	vadd.f32 v22, v21;
	v21 =	vld [tilespmem:$0x1FD40]  }
0x223: {  	vm4 =	vmand vm5, vm4;
	v22 =	vld [tilespmem:$0x1FD50]  }
0x224: {  	v4 =	vsel vm4, v26, v4;
	v26 =	vld [tilespmem:$0x1FD90]  }
0x225: {  	[tilespmem:$0x970] =	vst v7;
	v7 =	vadd.f32 v28, v27;
	v27 =	vld [tilespmem:$0x1FDA0]  }
0x226: {  	v28 =	vld [tilespmem:$0x1FDB0]  }
0x227: {  	v13 =	vpop (erf);
	v4 =	vsub.f32 v4, v18;
	v18 =	vld [tilespmem:$0x1FDF0]  }
0x228: {  	[tilespmem:$0xAF0] =	vst v7;
	v7 =	vmul.f32 v13, v19;
	v19 =	vld [tilespmem:$0x1FD20]  }
0x229: {  	[tilespmem:$0xA70] =	vst v8;
	v4 =	vmul.f32 $1.442695020e+00, v4;
	v8 =	vadd.f32 v22, v21;
	v21 =	vld [tilespmem:$0x1FE20]  }
0x22a: {  	v22 =	vld [tilespmem:$0x1FE30]  }
0x22b: {  	[tilespmem:$0x9F0] =	vst v5;
	v5 =	vadd.f32 v15, v14;
	(erf) = vpow2.f32 v4;
	v4 =	vadd.f32 v28, v27;
	v27 =	vld [tilespmem:$0x1FE80]  }
0x22c: {  	v28 =	vld [tilespmem:$0x1FE90]  }
0x22d: {  	[tilespmem:$0xC00] =	vst v5;
	v5 =	vadd.f32 v20, v19;
	v19 =	vld [tilespmem:$0x1FE00]  }
0x22e: {  	v11 =	vadd.f32 v17, v16;
	v20 =	vld [tilespmem:$0x1FE10]  }
0x22f: {  	v6 =	vnsel vm11, $0x5, v6;
	vm10 =	veq.s32 v0, $0x0;
	[tilespmem:$0xD80] =	vst v8;
	v8 =	vadd.f32 v26, v25;
	v25 =	vld [tilespmem:$0x1FE60]  }
0x230: {  	v6 =	vsel vm14, $0x6, v6;
	vm15 =	veq.s32 v0, $0x1;
	v29 =	vnsel vm10, $0x0, v13;
	[tilespmem:$0xC80] =	vst v11;
	v26 =	vld [tilespmem:$0x1FE70]  }
0x231: {  	v16 =	vnsel vm15, $0x0, v13;
	vm15 =	veq.s32 v0, $0x2;
	[tilespmem:$0xD00] =	vst v5;
	v5 =	vadd.f32 v24, v23;
	v23 =	vld [tilespmem:$0x1FE40]  }
0x232: {  	v17 =	vnsel vm15, $0x0, v13;
	vm15 =	veq.s32 v0, $0x3;
	[tilespmem:$0xF00] =	vst v4;
	v4 =	vadd.f32 v18, v12;
	v24 =	vld [tilespmem:$0x1FE50]  }
0x233: {  	vm10 =	veq.s32 v6, $0x0;
	v11 =	vnsel vm15, $0x0, v13;
	[tilespmem:$0xE80] =	vst v8;
	v8 =	vadd.f32 v41, v40;
	v40 =	vld [tilespmem:$0x1FEC0]  }
0x234: {  	vm15 =	vgt.f32 v32, v1;
	[tilespmem:$0xC90] =	vst v4;
	v41 =	vsel vm6, v30, v34;
	v30 =	vld [tilespmem:$0x1FF40];
	v4 =	vadd.f32 v22, v21  }
0x235: {  	v14 =	vnsel vm10, $0x0, v7;
	vm10 =	veq.s32 v6, $0x2;
	vm15 =	vmneg vm15;
	v22 =	vld [tilespmem:$0x1FED0];
	[tilespmem:$0xE00] =	vst v5  }
0x236: {  	v5 =	vnsel vm10, $0x0, v7;
	vm10 =	vmand vm0, vm6;
	[tilespmem:$0xD90] =	vst v4;
	v4 =	vadd.f32 v26, v25;
	v25 =	vld [tilespmem:$0x1FF00]  }
0x237: {  	[tilespmem:$0xC10] =	vst v8;
	v8 =	vadd.f32 v20, v19;
	vm15 =	vmor vm10, vm15;
	v26 =	vld [tilespmem:$0x1FF10]  }
0x238: {  	v1 =	vsel vm15, v1, v32;
	v32 =	vld [tilespmem:$0x1FEB0]  }
0x239: {  	vm12 =	veq.s32 v6, $0x1;
	[tilespmem:$0xD10] =	vst v8;
	v8 =	vadd.f32 v24, v23;
	v23 =	vld [tilespmem:$0x1FEE0]  }
0x23a: {  	v57 =	vadd.f32 v57, v63;
	[tilespmem:$0xB70] =	vst v10;
	v15 =	vnsel vm12, $0x0, v7;
	vm12 =	veq.s32 v6, $0x3;
	v24 =	vld [tilespmem:$0x1FEF0]  }
0x23b: {  	v10 =	vnsel vm12, $0x0, v7;
	vm12 =	veq.s32 v0, $0x4;
	[tilespmem:$0xE90] =	vst v4;
	v4 =	vadd.f32 v9, v40;
	v40 =	vld [tilespmem:$0x1FF80]  }
0x23c: {  	v0 =	vnsel vm12, $0x0, v13;
	vm12 =	vgt.f32 v34, v1;
	[tilespmem:$0xE10] =	vst v8;
	v8 =	vadd.f32 v28, v27;
	v27 =	vld [tilespmem:$0x1FF20]  }
0x23d: {  	v62 =	vadd.f32 v53, v62;
	v63 =	vadd.f32 v51, v60;
	v9 =	vpop (erf);
	vm0 =	vmand vm6, vm12;
	v28 =	vld [tilespmem:$0x1FF30]  }
0x23e: {  	v3 =	vadd.f32 v3, v54;
	v21 =	vadd.f32 $1.000000000e+00, v9;
	v1 =	vsel vm0, v34, v1;
	v34 =	vld [tilespmem:$0x1FF70]  }
0x23f: {  	v2 =	vadd.f32 v2, v47;
	v1 =	vsub.f32 v1, v41;
	v41 =	vld [tilespmem:$0x1FF90]  }
0x240: {  	[tilespmem:$0xD30] =	vst v57;
	vm12 =	veq.s32 v6, $0x4;
	(erf) = vrcp.f32 v21;
	v12 =	vadd.f32 v32, v31;
	v31 =	vld [tilespmem:$0x1FF50]  }
0x241: {  	v60 =	vadd.f32 v5, v17;
	v6 =	vnsel vm12, $0x0, v7;
	[tilespmem:$0xCA0] =	vst v4;
	v4 =	vadd.f32 v26, v25;
	v32 =	vld [tilespmem:$0x1FF60]  }
0x242: {  	vm11 =	vmor vm14, vm11;
	v0 =	vadd.f32 v6, v0;
	[tilespmem:$0xC20] =	vst v12;
	v12 =	vadd.f32 v23, v22  }
0x243: {  	[tilespmem:$0xF10] =	vst v8;
	v1 =	vmul.f32 $1.442695020e+00, v1;
	v8 =	vadd.f32 v28, v27;
	v28 =	vadd.f32 v50, v59  }
0x244: {  	vm12 =	vnez.u8 v24;
	[tilespmem:$0xDA0] =	vst v4;
	v20 =	vadd.f32 v55, v41;
	v55 =	vadd.f32 v14, v29  }
0x245: {  	(erf) = vpow2.f32 v1;
	v4 =	vadd.f32 v31, v30;
	[tilespmem:$0xE20] =	vst v8;
	v8 =	vadd.f32 v56, v40;
	v56 =	vld [tilespmem:$0x1FFA0]  }
0x246: {  	[tilespmem:$0xDB0] =	vst v62;
	v18 =	vnsel vm12, $0x0, v13;
	v19 =	vadd.f32 v34, v32;
	v30 =	vadd.f32 v52, v58  }
0x247: {  	[tilespmem:$0xD20] =	vst v12;
	v12 =	vsel vm11, $0x0, v7;
	v31 =	vadd.f32 v39, v46;
	v32 =	vadd.f32 v38, v49  }
0x248: {  	[tilespmem:$0xE30] =	vst v63;
	v7 =	vnsel vm14, $0x0, v7;
	v34 =	vadd.f32 v37, v42;
	v37 =	vadd.f32 v36, v44  }
0x249: {  	[tilespmem:$0xF40] =	vst v3;
	vm14 =	veq.s32 v33, $0x2;
	v38 =	vadd.f32 v35, v43;
	v40 =	vld [tilespmem:$0x1FFB0];
	v58 =	vadd.f32 v15, v16;
	v39 =	vpop (erf)  }
0x24a: {  	[tilespmem:$0xCC0] =	vst v32;
	v32 =	vadd.f32 v12, v18;
	v9 =	vmul.f32 v39, v9;
	vm12 =	vnez.u8 v56  }
0x24b: {  	[tilespmem:$0xEC0] =	vst v2;
	v49 =	vnsel vm14, $0x0, v39;
	v29 =	vsel vm5, $0x0, v39;
	v1 =	vsel vm12, $0x0, v61  }
0x24c: {  	[tilespmem:$0xD50] =	vst v60;
	vm5 =	veq.s32 v48, $0x1;
	v56 =	vnsel vm7, $0x0, v39;
	v1 =	vsel vm13, $0x1, v1  }
0x24d: {  	[tilespmem:$0xE50] =	vst v0;
	vm12 =	veq.s32 v33, $0x1;
	v35 =	vnsel vm4, $0x0, v9;
	v1 =	vsel vm8, $0x2, v1  }
0x24e: {  	[tilespmem:$0xEB0] =	vst v28;
	vm13 =	vnez.u8 v40;
	v43 =	vnsel vm12, $0x0, v39;
	v44 =	vpop (erf);
	v1 =	vsel vm3, $0x3, v1  }
0x24f: {  	[tilespmem:$0xCB0] =	vst v20;
	vm8 =	veq.s32 v33, $0x0;
	v46 =	vadd.f32 $1.000000000e+00, v44;
	v1 =	vsel vm2, $0x4, v1  }
0x250: {  	[tilespmem:$0xC50] =	vst v55;
	v13 =	vsel vm13, $0x0, v13;
	v41 =	vnsel vm8, $0x0, v39;
	v1 =	vnsel vm1, $0x5, v1  }
0x251: {  	v57 =	vld [tilespmem:$0x1FFC0];
	[tilespmem:$0xEA0] =	vst v4;
	(erf) = vrcp.f32 v46;
	vm1 =	vmor vm4, vm1;
	v1 =	vsel vm4, $0x6, v1  }
0x252: {  	v63 =	vld [tilespmem:$0x1FFE0];
	[tilespmem:$0xF20] =	vst v19;
	v62 =	vsel vm1, $0x0, v9;
	vm11 =	veq.s32 v1, $0x0;
	vm13 =	veq.s32 v1, $0x1  }
0x253: {  	v59 =	vld [tilespmem:$0x1FFD0];
	[tilespmem:$0xC30] =	vst v8;
	vm8 =	veq.s32 v1, $0x2;
	vm12 =	veq.s32 v1, $0x3;
	vm14 =	veq.s32 v1, $0x4  }
0x254: {  	[tilespmem:$0xF30] =	vst v30;
	v30 =	vld [tilespmem:$0x1FFF0];
	v5 =	vadd.f32 v62, v56;
	v42 =	vnsel vm11, $0x0, v9;
	v47 =	vnsel vm13, $0x0, v9  }
0x255: {  	[tilespmem:$0xC40] =	vst v31;
	vm11 =	veq.s32 v33, $0x3;
	v50 =	vnsel vm8, $0x0, v9;
	v52 =	vnsel vm12, $0x0, v9  }
0x256: {  	[tilespmem:$0xD40] =	vst v34;
	vm13 =	veq.s32 v33, $0x4;
	v54 =	vnsel vm14, $0x0, v9;
	vm8 =	vnez.u8 v57  }
0x257: {  	[tilespmem:$0xDC0] =	vst v37;
	vm12 =	vnez.u8 v63;
	v33 =	vadd.f32 v7, v13;
	vm14 =	veq.s32 v48, $0x0  }
0x258: {  	[tilespmem:$0xE40] =	vst v38;
	v51 =	vnsel vm11, $0x0, v39;
	v53 =	vnsel vm13, $0x0, v39;
	v28 =	vsel vm8, $0x0, v61  }
0x259: {  	[tilespmem:$0xCD0] =	vst v58;
	vm11 =	vnez.u8 v59;
	vm13 =	vnez.u8 v30;
	v34 =	vadd.f32 v42, v41  }
0x25a: {  	[tilespmem:$0xED0] =	vst v32;
	v38 =	vadd.f32 v47, v43;
	v40 =	vadd.f32 v50, v49;
	v15 =	vsel vm11, $0x1, v28  }
0x25b: {  	vm8 =	veq.s32 v48, $0x2;
	v49 =	vadd.f32 v35, v29;
	[tilespmem:$0xEE0] =	vst v5;
	v15 =	vsel vm12, $0x2, v15  }
0x25c: {  	v28 =	vadd.f32 v10, v11;
	[tilespmem:$0xF50] =	vst v33;
	v42 =	vadd.f32 v52, v51;
	v11 =	vsel vm13, $0x3, v15  }
0x25d: {  	vm11 =	veq.s32 v48, $0x3;
	[tilespmem:$0xC60] =	vst v34;
	vm13 =	veq.s32 v48, $0x4;
	v31 =	vsel vm9, $0x4, v11;
	v36 =	vpop (erf)  }
0x25e: {  	[tilespmem:$0xCE0] =	vst v38;
	v2 =	vnsel vm15, $0x5, v31;
	v37 =	vmul.f32 v36, v44;
	v39 =	vnsel vm14, $0x0, v36  }
0x25f: {  	[tilespmem:$0xD60] =	vst v40;
	v43 =	vnsel vm5, $0x0, v36;
	v44 =	vadd.f32 v54, v53;
	v47 =	vnsel vm8, $0x0, v36  }
0x260: {  	[tilespmem:$0xF60] =	vst v49;
	v51 =	vnsel vm11, $0x0, v36;
	vm15 =	vmor vm0, vm15;
	v58 =	vnsel vm10, $0x0, v36  }
0x261: {  	[tilespmem:$0xDD0] =	vst v28;
	v62 =	vsel vm6, $0x0, v36;
	v2 =	vsel vm0, $0x6, v2;
	v59 =	vsel vm15, $0x0, v37  }
0x262: {  	[tilespmem:$0xDE0] =	vst v42;
	vm4 =	veq.s32 v2, $0x0;
	v3 =	vnsel vm0, $0x0, v37;
	v60 =	vadd.f32 v59, v58  }
0x263: {  	vm7 =	veq.s32 v2, $0x1;
	[tilespmem:$0xE60] =	vst v44;
	v41 =	vnsel vm4, $0x0, v37;
	v63 =	vadd.f32 v3, v62  }
0x264: {  	vm9 =	veq.s32 v2, $0x2;
	v46 =	vnsel vm7, $0x0, v37;
	v4 =	vadd.f32 v41, v39;
	[tilespmem:$0xEF0] =	vst v60  }
0x265: {  	vm12 =	veq.s32 v2, $0x3;
	v50 =	vnsel vm9, $0x0, v37;
	v52 =	vadd.f32 v46, v43;
	[tilespmem:$0xF70] =	vst v63  }
0x266: {  	vm14 =	veq.s32 v2, $0x4;
	v53 =	vnsel vm12, $0x0, v37;
	v54 =	vadd.f32 v50, v47;
	[tilespmem:$0xC70] =	vst v4  }
0x267: {  	v55 =	vnsel vm13, $0x0, v36;
	v57 =	vnsel vm14, $0x0, v37;
	v56 =	vadd.f32 v53, v51;
	[tilespmem:$0xCF0] =	vst v52  }
0x268: {  	v1 =	vadd.f32 v57, v55;
	[tilespmem:$0xD70] =	vst v54  }
0x269: {  	p0 =	sne.s32 s5, $0x1;
	[tilespmem:$0xDF0] =	vst v56  }
.Ltmp0:
0x26a: {  	[tilespmem:$0xE70] =	vst v1;
	(pc) =	sbr.rel @p0 .LBB2_1-.Ltmp0, $4  }
0x26b: {  	[hbm4b:s4+s2] =	stream.linear.scatter [tilespmem:s7], [sflag:$0x1], $0x800, $0x38;
	[tilespmem:$0x1000] =	vst v63  }
0x26c: {  	_ =	swait.ge [sflag:s6], $0x800  }
0x26d: {  	[sflag:s6] =	ssyncset.done $0x0  }
0x26e: {  	s5 =	sadd.s32 $0xFFFFFFFF, s5;
	[sflag:s6] =	ssyncadd.s32 $0xFFFFF800  }
0x26f: {  	_ =	sfence.sel $0x180000  }
0x270: {  	[bflag:$0x0] =	sbarrier.arrive $0xFFFF  }
0x271: {  	p0 =	sne.s32 s1, $0x0;
	_ =	strace $0x90000047  }
0x272: {  	s0 =	sadd.s32 @!p0 $0x100000, s0;
	[bflag:$0x2] =	sbarrier.arrive $0xFFFF  }
0x273: {  	[sflag:s0] =	ssyncadd.tile.s32 @!p0 $0x1;
	_ =	shalt  }
.Lfunc_end2:
_tile_overlayer_lowered:
.L_overlay_start_2:
0x274: {  	(tag) =	ssettag $0x2  }
0x275: {  	s0 =	rddreg [dreg:$0x0];
	s2 =	stileid.u32  }
0x276: {  	s1 =	rddreg [dreg:$0x1];
	p0 =	sne.s32 s2, $0x0  }
0x277: {  	s3 =	rddreg [dreg:$0x2];
	[bflag:$0x3] =	sbarrier.arrive $0xFFFF;
	s2 =	simm.s32 @!p0 $0x1C01  }
0x278: {  	[timem:s3], [sflag:s2] =	dma.local @!p0 [hbm:s0], s1  }
0x279: {  	s0 =	simm.s32 @!p0 $0x1  }
0x27a: {  	_ =	swait.ge @!p0 [sflag:s0], s1  }
0x27b: {  	s1 =	ssub.s32 @!p0 $0x0, s1;
	[sflag:s0] =	ssyncset.done @!p0 $0x0  }
0x27c: {  	[sflag:s0] =	ssyncadd.s32 @!p0 s1  }
0x27d: {  	[bflag:$0x3] =	sbarrier.arrive $0xFFFF  }
0x27e: {  	_ =	shalt  }

</sc_bundles>
